<compile_context>
chip_gen: v7x
topology: tpu7x:2x2x1
jax: 0.10.2.dev20260603
libtpu: 0.0.44.dev20260713+nightly
codegen_flags: <defaults>
</compile_context>

<pallas_src>
import functools

import jax
import jax.numpy as jnp
from jax import lax
from jax.experimental import pallas as pl
from jax.experimental.pallas import tpu as pltpu
from jax.experimental.pallas import tpu_sc as plsc

N_NODES = 10000
N_EDGES = 320000
D_FEAT = 128
N_CLASSES = 64

NW = 32
RNG = 320
NPAD = NW * RNG
DUMP = RNG
ACC_ROWS = RNG + 8
CW = 16
CHUNK = 1600
NCHUNK = N_EDGES // CHUNK
SCAN_IT = CHUNK // 16
CAP = 272
SUB = 32
NSUB = CAP // SUB + 1
CROWS = RNG // 16 + 4


def _sc_aggregate(x_pad, src, dst):
    mesh = plsc.VectorSubcoreMesh(core_axis_name="c", subcore_axis_name="s")

    @functools.partial(
        pl.kernel,
        out_type=[
            jax.ShapeDtypeStruct((NPAD, D_FEAT), jnp.float32),
            jax.ShapeDtypeStruct((NPAD, D_FEAT), jnp.float32),
            jax.ShapeDtypeStruct((NW * CROWS, 16), jnp.float32),
        ],
        mesh=mesh,
        compiler_params=pltpu.CompilerParams(needs_layout_passes=False),
        scratch_types=[
            pltpu.VMEM((CHUNK,), jnp.int32),
            pltpu.VMEM((CHUNK,), jnp.int32),
            pltpu.VMEM((CAP,), jnp.int32),
            pltpu.VMEM((CAP,), jnp.int32),
            pltpu.VMEM((SUB,), jnp.int32),
            pltpu.VMEM((SUB, D_FEAT), jnp.float32),
            pltpu.VMEM((ACC_ROWS, D_FEAT), jnp.float32),
            pltpu.VMEM((CROWS, CW), jnp.float32),
            pltpu.VMEM_SHARED((16 * ACC_ROWS, D_FEAT), jnp.float32),
        ],
    )
    def body(x_hbm, src_hbm, dst_hbm, amax_hbm, asum_hbm, cnt_hbm,
             dstbuf, srcbuf, dl_list, src_list, idxv, rowbuf,
             accmax, acccnt, accsum):
        s_idx = lax.axis_index("s")
        w = s_idx * 2 + lax.axis_index("c")
        lo = w * RNG
        sbase = s_idx * ACC_ROWS
        neg = jnp.full((16,), -jnp.inf, dtype=jnp.float32)
        zero = jnp.zeros((16,), dtype=jnp.float32)
        lane = lax.broadcasted_iota(jnp.int32, (16,), 0)

        def init_row(i, _):
            for b in range(D_FEAT // 16):
                accmax[i, pl.ds(b * 16, 16)] = neg
            return 0

        lax.fori_loop(0, ACC_ROWS, init_row, 0)

        def init_cnt(i, _):
            acccnt[i, pl.ds(0, 16)] = zero
            return 0

        lax.fori_loop(0, CROWS, init_cnt, 0)

        def zero_rowbuf(i, _):
            for b in range(D_FEAT // 16):
                rowbuf[i, pl.ds(b * 16, 16)] = zero
            return 0

        lax.fori_loop(0, SUB, zero_rowbuf, 0)
        for r in range(ACC_ROWS // SUB):
            pltpu.sync_copy(rowbuf, accsum.at[pl.ds(sbase + r * SUB, SUB)])
        _rem = ACC_ROWS % SUB
        if _rem:
            pltpu.sync_copy(rowbuf.at[pl.ds(0, _rem)],
                            accsum.at[pl.ds(sbase + ACC_ROWS - _rem, _rem)])

        def do_chunk(k, _):
            pltpu.sync_copy(dst_hbm.at[pl.ds(k * CHUNK, CHUNK)], dstbuf)
            pltpu.sync_copy(src_hbm.at[pl.ds(k * CHUNK, CHUNK)], srcbuf)

            dumpv = jnp.full((16,), DUMP, dtype=jnp.int32)
            zi = jnp.zeros((16,), dtype=jnp.int32)

            def reset(i, _):
                dl_list[pl.ds(i * 16, 16)] = dumpv
                src_list[pl.ds(i * 16, 16)] = zi
                return 0

            lax.fori_loop(0, CAP // 16, reset, 0)

            def scan(i, off):
                d = dstbuf[pl.ds(i * 16, 16)]
                s = srcbuf[pl.ds(i * 16, 16)]
                msk = (d >= lo) & (d < lo + RNG)
                cs = plsc.cumsum(jnp.where(msk, 1, 0).astype(jnp.int32))
                pos = off + cs - 1
                plsc.store_scatter(dl_list, [pos], d - lo, mask=msk)
                plsc.store_scatter(src_list, [pos], s, mask=msk)
                cnt = plsc.all_reduce_population_count(msk)
                return jnp.minimum(off + cnt[0], CAP - 16)

            m = lax.fori_loop(0, SCAN_IT, scan, jnp.int32(0))

            def do_sub(c, _):
                @pl.when(m > c * SUB)
                def _():
                    sl = pl.ds(c * SUB, SUB)
                    pltpu.sync_copy(x_hbm.at[src_list.at[sl]], rowbuf)

                    def mk_idx(j, _):
                        dl16 = dl_list[pl.ds(c * SUB + j * 16, 16)]
                        idxv[pl.ds(j * 16, 16)] = dl16 + sbase
                        return 0

                    lax.fori_loop(0, SUB // 16, mk_idx, 0)
                    pltpu.sync_copy(rowbuf, accsum.at[idxv], add=True)

                    rem = jnp.minimum(m - c * SUB, SUB)
                    ng = (rem + 15) // 16

                    def emax(g, _):
                        dlv = dl_list[pl.ds(c * SUB + g * 16, 16)]
                        for j in range(16):
                            dl = dlv[j]
                            e = g * 16 + j
                            for b in range(D_FEAT // 16):
                                v = rowbuf[e, pl.ds(b * 16, 16)]
                                a = accmax[dl, pl.ds(b * 16, 16)]
                                accmax[dl, pl.ds(b * 16, 16)] = jnp.maximum(a, v)
                            rq = lax.shift_right_logical(dl, 4)
                            onev = jnp.where(
                                lane == jnp.bitwise_and(dl, 15), 1.0, 0.0
                            ).astype(jnp.float32)
                            acccnt[rq, pl.ds(0, 16)] = (
                                acccnt[rq, pl.ds(0, 16)] + onev)
                        return 0

                    lax.fori_loop(0, ng, emax, 0)
                return 0

            lax.fori_loop(0, NSUB, do_sub, 0)
            return 0

        lax.fori_loop(0, NCHUNK, do_chunk, 0)

        pltpu.sync_copy(accmax.at[pl.ds(0, RNG)], amax_hbm.at[pl.ds(lo, RNG)])
        pltpu.sync_copy(accsum.at[pl.ds(sbase, RNG)], asum_hbm.at[pl.ds(lo, RNG)])
        pltpu.sync_copy(acccnt.at[pl.ds(0, CROWS)],
                        cnt_hbm.at[pl.ds(w * CROWS, CROWS)])

    return body(x_pad, src, dst)


def _tc_head(amax, asum, cnt, x_pad, WlmaxT, WlmeanT, WrT, bias):
    def body(am_ref, as_ref, c_ref, x_ref, wlx_ref, wlm_ref, wr_ref, b_ref,
             o_ref):
        am = am_ref[...]
        amc = jnp.where(jnp.isfinite(am), am, 0.0)
        mean = as_ref[...] / jnp.maximum(c_ref[...], 1.0)
        z = (jnp.dot(amc, wlx_ref[...], preferred_element_type=jnp.float32)
             + jnp.dot(mean, wlm_ref[...], preferred_element_type=jnp.float32)
             + jnp.dot(x_ref[...], wr_ref[...], preferred_element_type=jnp.float32)
             + b_ref[0, :][None, :])
        zm = z - jnp.max(z, axis=1, keepdims=True)
        o_ref[...] = zm - jnp.log(jnp.sum(jnp.exp(zm), axis=1, keepdims=True))

    return pl.pallas_call(
        body,
        grid=(NPAD // 256,),
        in_specs=[
            pl.BlockSpec((256, D_FEAT), lambda i: (i, 0)),
            pl.BlockSpec((256, D_FEAT), lambda i: (i, 0)),
            pl.BlockSpec((256, 1), lambda i: (i, 0)),
            pl.BlockSpec((256, D_FEAT), lambda i: (i, 0)),
            pl.BlockSpec((D_FEAT, N_CLASSES), lambda i: (0, 0)),
            pl.BlockSpec((D_FEAT, N_CLASSES), lambda i: (0, 0)),
            pl.BlockSpec((D_FEAT, N_CLASSES), lambda i: (0, 0)),
            pl.BlockSpec((8, N_CLASSES), lambda i: (0, 0)),
        ],
        out_specs=pl.BlockSpec((256, N_CLASSES), lambda i: (i, 0)),
        out_shape=jax.ShapeDtypeStruct((NPAD, N_CLASSES), jnp.float32),
    )(amax, asum, cnt, x_pad, WlmaxT, WlmeanT, WrT, bias)


def kernel(x, edge_index, Wl_max, bl_max, Wr_max, Wl_mean, bl_mean, Wr_mean):
    src = edge_index[0].astype(jnp.int32)
    dst = edge_index[1].astype(jnp.int32)
    x_pad = jnp.pad(x, ((0, NPAD - N_NODES), (0, 0)))

    amax, asum, cnt = _sc_aggregate(x_pad, src, dst)
    cnt_col = cnt.reshape(NW, CROWS * 16)[:, :RNG].reshape(NPAD, 1)

    WrT = (Wr_max + Wr_mean).T
    bias = jnp.broadcast_to((bl_max + bl_mean)[None, :], (8, N_CLASSES))
    out = _tc_head(amax, asum, cnt_col, x_pad, Wl_max.T, Wl_mean.T, WrT, bias)
    return out[:N_NODES]

# --- scband reference (transcript-rebuilt; emitter-appended) ---
"""Pipeline reference for scband-net-77068893159889 (READ-ONLY COPY).

The authoritative reference and input builder live on the scoring server;
editing this copy changes nothing except your own understanding.
"""

import jax, jax.numpy as jnp
import numpy as np

N_NODES = 10000
N_EDGES = 320000
D_FEAT = 128
N_CLASSES = 64


def setup_inputs(seed: int = 0) -> dict:
    key = jax.random.key(seed)
    k_x, k_e, k1, k2, k3, k4, k5, k6 = jax.random.split(key, 8)
    x = jax.random.normal(k_x, (N_NODES, D_FEAT), dtype=jnp.float32)
    edge_index = jax.random.randint(k_e, (2, N_EDGES), 0, N_NODES, dtype=jnp.int64)
    s = 1.0 / np.sqrt(D_FEAT)
    Wl_max = jax.random.normal(k1, (N_CLASSES, D_FEAT), dtype=jnp.float32) * s
    bl_max = jnp.zeros((N_CLASSES,), dtype=jnp.float32)
    Wr_max = jax.random.normal(k2, (N_CLASSES, D_FEAT), dtype=jnp.float32) * s
    Wl_mean = jax.random.normal(k3, (N_CLASSES, D_FEAT), dtype=jnp.float32) * s
    bl_mean = jnp.zeros((N_CLASSES,), dtype=jnp.float32)
    Wr_mean = jax.random.normal(k4, (N_CLASSES, D_FEAT), dtype=jnp.float32) * s
    return {"x": x, "edge_index": edge_index, "Wl_max": Wl_max, "bl_max": bl_max, "Wr_max": Wr_max, "Wl_mean": Wl_mean, "bl_mean": bl_mean, "Wr_mean": Wr_mean}


def _sage_conv(x, src, dst, Wl, bl, Wr, aggr):
    msgs = x[src]  # gather: [E, d]
    if aggr == 'max':
        agg = jax.ops.segment_max(msgs, dst, num_segments=N_NODES)
        agg = jnp.where(jnp.isfinite(agg), agg, 0.0)
    else:  # mean
        ssum = jax.ops.segment_sum(msgs, dst, num_segments=N_NODES)
        cnt = jax.ops.segment_sum(jnp.ones((msgs.shape[0],), dtype=msgs.dtype), dst, num_segments=N_NODES)
        agg = ssum / jnp.clip(cnt, 1.0)[:, None]
    return agg @ Wl.T + bl + x @ Wr.T


def reference(x, edge_index, Wl_max, bl_max, Wr_max, Wl_mean, bl_mean, Wr_mean):
    src = edge_index[0]
    dst = edge_index[1]
    x_max = _sage_conv(x, src, dst, Wl_max, bl_max, Wr_max, 'max')
    x_mean = _sage_conv(x, src, dst, Wl_mean, bl_mean, Wr_mean, 'mean')
    out = x_max + x_mean
    return jax.nn.log_softmax(out, axis=1)

if __name__ == "__main__":
    import jax
    _d = setup_inputs()
    print(jax.jit(kernel)(*tuple(_d.values())))

</pallas_src>

<mosaic_0001>
#map = affine_map<(d0, d1) -> (0, 0)>
#map1 = affine_map<(d0, d1) -> (0)>
module attributes {stable_mosaic.version = 14 : i64} {
  func.func @body(%arg0: i32, %arg1: i32, %arg2: memref<10240x128xf32, #tpu.memory_space<hbm>>, %arg3: memref<320000xi32, #tpu.memory_space<hbm>>, %arg4: memref<320000xi32, #tpu.memory_space<hbm>>, %arg5: memref<10240x128xf32, #tpu.memory_space<hbm>>, %arg6: memref<10240x128xf32, #tpu.memory_space<hbm>>, %arg7: memref<768x16xf32, #tpu.memory_space<hbm>>, %arg8: memref<1600xi32, #tpu.memory_space<vmem>>, %arg9: memref<1600xi32, #tpu.memory_space<vmem>>, %arg10: memref<272xi32, #tpu.memory_space<vmem>>, %arg11: memref<272xi32, #tpu.memory_space<vmem>>, %arg12: memref<32xi32, #tpu.memory_space<vmem>>, %arg13: memref<32x128xf32, #tpu.memory_space<vmem>>, %arg14: memref<328x128xf32, #tpu.memory_space<vmem>>, %arg15: memref<24x16xf32, #tpu.memory_space<vmem>>, %arg16: memref<5248x128xf32, #tpu.memory_space<vmem_shared>>) attributes {dimension_semantics = [#tpu.dimension_semantics<core_parallel>, #tpu.dimension_semantics<subcore_parallel>], iteration_bounds = array<i64: 2, 16>, scalar_prefetch = 0 : i64, scratch_operands = 9 : i64, tpu.core_type = #tpu.core_type<sc_vector_subcore>, window_params = [{transform_indices = #map}, {transform_indices = #map1}, {transform_indices = #map1}, {transform_indices = #map}, {transform_indices = #map}, {transform_indices = #map}]} {
    %mul3A = arith.constant 2 : i32
    %mul3A_0 = arith.muli %arg1, %mul3A : i32
    %add3A = arith.addi %mul3A_0, %arg0 : i32
    %mul3A_1 = arith.constant 320 : i32
    %mul3A_2 = arith.muli %add3A, %mul3A_1 : i32
    %mul3A_3 = arith.constant 328 : i32
    %mul3A_4 = arith.muli %arg1, %mul3A_3 : i32
    %broadcast_in_dim3A = arith.constant 0xFF800000 : f32
    %broadcast_in_dim3A_5 = vector.broadcast %broadcast_in_dim3A : f32 to vector<16xf32>
    %broadcast_in_dim3A_6 = arith.constant 0.000000e+00 : f32
    %broadcast_in_dim3A_7 = vector.broadcast %broadcast_in_dim3A_6 : f32 to vector<16xf32>
    %iota3A = tpu.iota {dimensions = array<i32: 0>} : vector<16xi32>
    %scan3A = arith.constant 0 : i32
    %scan3A_8 = arith.constant 0 : i32
    %scan3A_9 = arith.constant 328 : i32
    %scan3A_10 = arith.addi %scan3A_8, %scan3A_9 : i32
    %scan3A_11 = arith.constant 1 : i32
    %scan3A_12 = scf.for %scan3A_60 = %scan3A_8 to %scan3A_10 step %scan3A_11 iter_args(%scan3A_61 = %scan3A) -> (i32)  : i32 {
      %swap3A = arith.index_cast %scan3A_60 : i32 to index
      %swap3A_62 = arith.constant 0 : index
      %swap3A_63 = tpu.vector_load %arg14[%swap3A, %swap3A_62] {strides = array<i32>} : memref<328x128xf32, #tpu.memory_space<vmem>>, vector<16xf32>,
      tpu.vector_store %arg14[%swap3A, %swap3A_62], %broadcast_in_dim3A_5 {strides = array<i32>} : memref<328x128xf32, #tpu.memory_space<vmem>>, vector<16xf32>,
      %swap3A_64 = arith.index_cast %scan3A_60 : i32 to index
      %swap3A_65 = arith.constant 16 : index
      %swap3A_66 = tpu.vector_load %arg14[%swap3A_64, %swap3A_65] {strides = array<i32>} : memref<328x128xf32, #tpu.memory_space<vmem>>, vector<16xf32>,
      tpu.vector_store %arg14[%swap3A_64, %swap3A_65], %broadcast_in_dim3A_5 {strides = array<i32>} : memref<328x128xf32, #tpu.memory_space<vmem>>, vector<16xf32>,
      %swap3A_67 = arith.index_cast %scan3A_60 : i32 to index
      %swap3A_68 = arith.constant 32 : index
      %swap3A_69 = tpu.vector_load %arg14[%swap3A_67, %swap3A_68] {strides = array<i32>} : memref<328x128xf32, #tpu.memory_space<vmem>>, vector<16xf32>,
      tpu.vector_store %arg14[%swap3A_67, %swap3A_68], %broadcast_in_dim3A_5 {strides = array<i32>} : memref<328x128xf32, #tpu.memory_space<vmem>>, vector<16xf32>,
      %swap3A_70 = arith.index_cast %scan3A_60 : i32 to index
      %swap3A_71 = arith.constant 48 : index
      %swap3A_72 = tpu.vector_load %arg14[%swap3A_70, %swap3A_71] {strides = array<i32>} : memref<328x128xf32, #tpu.memory_space<vmem>>, vector<16xf32>,
      tpu.vector_store %arg14[%swap3A_70, %swap3A_71], %broadcast_in_dim3A_5 {strides = array<i32>} : memref<328x128xf32, #tpu.memory_space<vmem>>, vector<16xf32>,
      %swap3A_73 = arith.index_cast %scan3A_60 : i32 to index
      %swap3A_74 = arith.constant 64 : index
      %swap3A_75 = tpu.vector_load %arg14[%swap3A_73, %swap3A_74] {strides = array<i32>} : memref<328x128xf32, #tpu.memory_space<vmem>>, vector<16xf32>,
      tpu.vector_store %arg14[%swap3A_73, %swap3A_74], %broadcast_in_dim3A_5 {strides = array<i32>} : memref<328x128xf32, #tpu.memory_space<vmem>>, vector<16xf32>,
      %swap3A_76 = arith.index_cast %scan3A_60 : i32 to index
      %swap3A_77 = arith.constant 80 : index
      %swap3A_78 = tpu.vector_load %arg14[%swap3A_76, %swap3A_77] {strides = array<i32>} : memref<328x128xf32, #tpu.memory_space<vmem>>, vector<16xf32>,
      tpu.vector_store %arg14[%swap3A_76, %swap3A_77], %broadcast_in_dim3A_5 {strides = array<i32>} : memref<328x128xf32, #tpu.memory_space<vmem>>, vector<16xf32>,
      %swap3A_79 = arith.index_cast %scan3A_60 : i32 to index
      %swap3A_80 = arith.constant 96 : index
      %swap3A_81 = tpu.vector_load %arg14[%swap3A_79, %swap3A_80] {strides = array<i32>} : memref<328x128xf32, #tpu.memory_space<vmem>>, vector<16xf32>,
      tpu.vector_store %arg14[%swap3A_79, %swap3A_80], %broadcast_in_dim3A_5 {strides = array<i32>} : memref<328x128xf32, #tpu.memory_space<vmem>>, vector<16xf32>,
      %swap3A_82 = arith.index_cast %scan3A_60 : i32 to index
      %swap3A_83 = arith.constant 112 : index
      %swap3A_84 = tpu.vector_load %arg14[%swap3A_82, %swap3A_83] {strides = array<i32>} : memref<328x128xf32, #tpu.memory_space<vmem>>, vector<16xf32>,
      tpu.vector_store %arg14[%swap3A_82, %swap3A_83], %broadcast_in_dim3A_5 {strides = array<i32>} : memref<328x128xf32, #tpu.memory_space<vmem>>, vector<16xf32>,
      %scan3A_85 = arith.constant 0 : i32
      scf.yield %scan3A_85 : i32
    }
    %scan3A_13 = arith.constant 328 : i32
    %scan3A_14 = arith.constant 0 : i32
    %scan3A_15 = arith.constant 0 : i32
    %scan3A_16 = arith.constant 24 : i32
    %scan3A_17 = arith.addi %scan3A_15, %scan3A_16 : i32
    %scan3A_18 = arith.constant 1 : i32
    %scan3A_19 = scf.for %scan3A_60 = %scan3A_15 to %scan3A_17 step %scan3A_18 iter_args(%scan3A_61 = %scan3A_14) -> (i32)  : i32 {
      %swap3A = arith.index_cast %scan3A_60 : i32 to index
      %swap3A_62 = arith.constant 0 : index
      %swap3A_63 = tpu.vector_load %arg15[%swap3A, %swap3A_62] {strides = array<i32>} : memref<24x16xf32, #tpu.memory_space<vmem>>, vector<16xf32>,
      tpu.vector_store %arg15[%swap3A, %swap3A_62], %broadcast_in_dim3A_7 {strides = array<i32>} : memref<24x16xf32, #tpu.memory_space<vmem>>, vector<16xf32>,
      %scan3A_64 = arith.constant 0 : i32
      scf.yield %scan3A_64 : i32
    }
    %scan3A_20 = arith.constant 24 : i32
    %scan3A_21 = arith.constant 0 : i32
    %scan3A_22 = arith.constant 0 : i32
    %scan3A_23 = arith.constant 32 : i32
    %scan3A_24 = arith.addi %scan3A_22, %scan3A_23 : i32
    %scan3A_25 = arith.constant 1 : i32
    %scan3A_26 = scf.for %scan3A_60 = %scan3A_22 to %scan3A_24 step %scan3A_25 iter_args(%scan3A_61 = %scan3A_21) -> (i32)  : i32 {
      %swap3A = arith.index_cast %scan3A_60 : i32 to index
      %swap3A_62 = arith.constant 0 : index
      %swap3A_63 = tpu.vector_load %arg13[%swap3A, %swap3A_62] {strides = array<i32>} : memref<32x128xf32, #tpu.memory_space<vmem>>, vector<16xf32>,
      tpu.vector_store %arg13[%swap3A, %swap3A_62], %broadcast_in_dim3A_7 {strides = array<i32>} : memref<32x128xf32, #tpu.memory_space<vmem>>, vector<16xf32>,
      %swap3A_64 = arith.index_cast %scan3A_60 : i32 to index
      %swap3A_65 = arith.constant 16 : index
      %swap3A_66 = tpu.vector_load %arg13[%swap3A_64, %swap3A_65] {strides = array<i32>} : memref<32x128xf32, #tpu.memory_space<vmem>>, vector<16xf32>,
      tpu.vector_store %arg13[%swap3A_64, %swap3A_65], %broadcast_in_dim3A_7 {strides = array<i32>} : memref<32x128xf32, #tpu.memory_space<vmem>>, vector<16xf32>,
      %swap3A_67 = arith.index_cast %scan3A_60 : i32 to index
      %swap3A_68 = arith.constant 32 : index
      %swap3A_69 = tpu.vector_load %arg13[%swap3A_67, %swap3A_68] {strides = array<i32>} : memref<32x128xf32, #tpu.memory_space<vmem>>, vector<16xf32>,
      tpu.vector_store %arg13[%swap3A_67, %swap3A_68], %broadcast_in_dim3A_7 {strides = array<i32>} : memref<32x128xf32, #tpu.memory_space<vmem>>, vector<16xf32>,
      %swap3A_70 = arith.index_cast %scan3A_60 : i32 to index
      %swap3A_71 = arith.constant 48 : index
      %swap3A_72 = tpu.vector_load %arg13[%swap3A_70, %swap3A_71] {strides = array<i32>} : memref<32x128xf32, #tpu.memory_space<vmem>>, vector<16xf32>,
      tpu.vector_store %arg13[%swap3A_70, %swap3A_71], %broadcast_in_dim3A_7 {strides = array<i32>} : memref<32x128xf32, #tpu.memory_space<vmem>>, vector<16xf32>,
      %swap3A_73 = arith.index_cast %scan3A_60 : i32 to index
      %swap3A_74 = arith.constant 64 : index
      %swap3A_75 = tpu.vector_load %arg13[%swap3A_73, %swap3A_74] {strides = array<i32>} : memref<32x128xf32, #tpu.memory_space<vmem>>, vector<16xf32>,
      tpu.vector_store %arg13[%swap3A_73, %swap3A_74], %broadcast_in_dim3A_7 {strides = array<i32>} : memref<32x128xf32, #tpu.memory_space<vmem>>, vector<16xf32>,
      %swap3A_76 = arith.index_cast %scan3A_60 : i32 to index
      %swap3A_77 = arith.constant 80 : index
      %swap3A_78 = tpu.vector_load %arg13[%swap3A_76, %swap3A_77] {strides = array<i32>} : memref<32x128xf32, #tpu.memory_space<vmem>>, vector<16xf32>,
      tpu.vector_store %arg13[%swap3A_76, %swap3A_77], %broadcast_in_dim3A_7 {strides = array<i32>} : memref<32x128xf32, #tpu.memory_space<vmem>>, vector<16xf32>,
      %swap3A_79 = arith.index_cast %scan3A_60 : i32 to index
      %swap3A_80 = arith.constant 96 : index
      %swap3A_81 = tpu.vector_load %arg13[%swap3A_79, %swap3A_80] {strides = array<i32>} : memref<32x128xf32, #tpu.memory_space<vmem>>, vector<16xf32>,
      tpu.vector_store %arg13[%swap3A_79, %swap3A_80], %broadcast_in_dim3A_7 {strides = array<i32>} : memref<32x128xf32, #tpu.memory_space<vmem>>, vector<16xf32>,
      %swap3A_82 = arith.index_cast %scan3A_60 : i32 to index
      %swap3A_83 = arith.constant 112 : index
      %swap3A_84 = tpu.vector_load %arg13[%swap3A_82, %swap3A_83] {strides = array<i32>} : memref<32x128xf32, #tpu.memory_space<vmem>>, vector<16xf32>,
      tpu.vector_store %arg13[%swap3A_82, %swap3A_83], %broadcast_in_dim3A_7 {strides = array<i32>} : memref<32x128xf32, #tpu.memory_space<vmem>>, vector<16xf32>,
      %scan3A_85 = arith.constant 0 : i32
      scf.yield %scan3A_85 : i32
    }
    %scan3A_27 = arith.constant 32 : i32
    %add3A_28 = arith.constant 0 : i32
    %add3A_29 = arith.addi %mul3A_4, %add3A_28 : i32
    "tpu.region"() ({
      %run_scoped3A = tpu.sem_alloc : memref<!tpu.dma_semaphore, #tpu.memory_space<semaphore_mem>>
      %dma_start3A = arith.constant 0 : i32
      %dma_start3A_60 = tpu.memref_slice %arg16[%add3A_29, %dma_start3A] : memref<5248x128xf32, #tpu.memory_space<vmem_shared>> -> memref<32x128xf32, #tpu.memory_space<vmem_shared>>
      %dma_start3A_61 = arith.constant 0 : i32
      %dma_start3A_62 = tpu.memref_slice %arg16[%add3A_29, %dma_start3A_61] : memref<5248x128xf32, #tpu.memory_space<vmem_shared>> -> memref<32x128xf32, #tpu.memory_space<vmem_shared>>
      tpu.enqueue_dma source(%arg13 : memref<32x128xf32, #tpu.memory_space<vmem>>) target(%dma_start3A_62 : memref<32x128xf32, #tpu.memory_space<vmem_shared>>) target_semaphore(%run_scoped3A : memref<!tpu.dma_semaphore, #tpu.memory_space<semaphore_mem>>)
      %dma_wait3A = arith.constant 0 : i32
      %dma_wait3A_63 = tpu.memref_slice %arg16[%add3A_29, %dma_wait3A] : memref<5248x128xf32, #tpu.memory_space<vmem_shared>> -> memref<32x128xf32, #tpu.memory_space<vmem_shared>>
      %dma_wait3A_64 = arith.constant 0 : i32
      %dma_wait3A_65 = tpu.memref_slice %arg16[%add3A_29, %dma_wait3A_64] : memref<5248x128xf32, #tpu.memory_space<vmem_shared>> -> memref<32x128xf32, #tpu.memory_space<vmem_shared>>
      tpu.wait_dma2 semaphore(%run_scoped3A : memref<!tpu.dma_semaphore, #tpu.memory_space<semaphore_mem>>) src(%arg13 : memref<32x128xf32, #tpu.memory_space<vmem>>) dst(%dma_wait3A_65 : memref<32x128xf32, #tpu.memory_space<vmem_shared>>)
      tpu.yield
    }) : () -> ()
    %add3A_30 = arith.constant 32 : i32
    %add3A_31 = arith.addi %mul3A_4, %add3A_30 : i32
    "tpu.region"() ({
      %run_scoped3A = tpu.sem_alloc : memref<!tpu.dma_semaphore, #tpu.memory_space<semaphore_mem>>
      %dma_start3A = arith.constant 0 : i32
      %dma_start3A_60 = tpu.memref_slice %arg16[%add3A_31, %dma_start3A] : memref<5248x128xf32, #tpu.memory_space<vmem_shared>> -> memref<32x128xf32, #tpu.memory_space<vmem_shared>>
      %dma_start3A_61 = arith.constant 0 : i32
      %dma_start3A_62 = tpu.memref_slice %arg16[%add3A_31, %dma_start3A_61] : memref<5248x128xf32, #tpu.memory_space<vmem_shared>> -> memref<32x128xf32, #tpu.memory_space<vmem_shared>>
      tpu.enqueue_dma source(%arg13 : memref<32x128xf32, #tpu.memory_space<vmem>>) target(%dma_start3A_62 : memref<32x128xf32, #tpu.memory_space<vmem_shared>>) target_semaphore(%run_scoped3A : memref<!tpu.dma_semaphore, #tpu.memory_space<semaphore_mem>>)
      %dma_wait3A = arith.constant 0 : i32
      %dma_wait3A_63 = tpu.memref_slice %arg16[%add3A_31, %dma_wait3A] : memref<5248x128xf32, #tpu.memory_space<vmem_shared>> -> memref<32x128xf32, #tpu.memory_space<vmem_shared>>
      %dma_wait3A_64 = arith.constant 0 : i32
      %dma_wait3A_65 = tpu.memref_slice %arg16[%add3A_31, %dma_wait3A_64] : memref<5248x128xf32, #tpu.memory_space<vmem_shared>> -> memref<32x128xf32, #tpu.memory_space<vmem_shared>>
      tpu.wait_dma2 semaphore(%run_scoped3A : memref<!tpu.dma_semaphore, #tpu.memory_space<semaphore_mem>>) src(%arg13 : memref<32x128xf32, #tpu.memory_space<vmem>>) dst(%dma_wait3A_65 : memref<32x128xf32, #tpu.memory_space<vmem_shared>>)
      tpu.yield
    }) : () -> ()
    %add3A_32 = arith.constant 64 : i32
    %add3A_33 = arith.addi %mul3A_4, %add3A_32 : i32
    "tpu.region"() ({
      %run_scoped3A = tpu.sem_alloc : memref<!tpu.dma_semaphore, #tpu.memory_space<semaphore_mem>>
      %dma_start3A = arith.constant 0 : i32
      %dma_start3A_60 = tpu.memref_slice %arg16[%add3A_33, %dma_start3A] : memref<5248x128xf32, #tpu.memory_space<vmem_shared>> -> memref<32x128xf32, #tpu.memory_space<vmem_shared>>
      %dma_start3A_61 = arith.constant 0 : i32
      %dma_start3A_62 = tpu.memref_slice %arg16[%add3A_33, %dma_start3A_61] : memref<5248x128xf32, #tpu.memory_space<vmem_shared>> -> memref<32x128xf32, #tpu.memory_space<vmem_shared>>
      tpu.enqueue_dma source(%arg13 : memref<32x128xf32, #tpu.memory_space<vmem>>) target(%dma_start3A_62 : memref<32x128xf32, #tpu.memory_space<vmem_shared>>) target_semaphore(%run_scoped3A : memref<!tpu.dma_semaphore, #tpu.memory_space<semaphore_mem>>)
      %dma_wait3A = arith.constant 0 : i32
      %dma_wait3A_63 = tpu.memref_slice %arg16[%add3A_33, %dma_wait3A] : memref<5248x128xf32, #tpu.memory_space<vmem_shared>> -> memref<32x128xf32, #tpu.memory_space<vmem_shared>>
      %dma_wait3A_64 = arith.constant 0 : i32
      %dma_wait3A_65 = tpu.memref_slice %arg16[%add3A_33, %dma_wait3A_64] : memref<5248x128xf32, #tpu.memory_space<vmem_shared>> -> memref<32x128xf32, #tpu.memory_space<vmem_shared>>
      tpu.wait_dma2 semaphore(%run_scoped3A : memref<!tpu.dma_semaphore, #tpu.memory_space<semaphore_mem>>) src(%arg13 : memref<32x128xf32, #tpu.memory_space<vmem>>) dst(%dma_wait3A_65 : memref<32x128xf32, #tpu.memory_space<vmem_shared>>)
      tpu.yield
    }) : () -> ()
    %add3A_34 = arith.constant 96 : i32
    %add3A_35 = arith.addi %mul3A_4, %add3A_34 : i32
    "tpu.region"() ({
      %run_scoped3A = tpu.sem_alloc : memref<!tpu.dma_semaphore, #tpu.memory_space<semaphore_mem>>
      %dma_start3A = arith.constant 0 : i32
      %dma_start3A_60 = tpu.memref_slice %arg16[%add3A_35, %dma_start3A] : memref<5248x128xf32, #tpu.memory_space<vmem_shared>> -> memref<32x128xf32, #tpu.memory_space<vmem_shared>>
      %dma_start3A_61 = arith.constant 0 : i32
      %dma_start3A_62 = tpu.memref_slice %arg16[%add3A_35, %dma_start3A_61] : memref<5248x128xf32, #tpu.memory_space<vmem_shared>> -> memref<32x128xf32, #tpu.memory_space<vmem_shared>>
      tpu.enqueue_dma source(%arg13 : memref<32x128xf32, #tpu.memory_space<vmem>>) target(%dma_start3A_62 : memref<32x128xf32, #tpu.memory_space<vmem_shared>>) target_semaphore(%run_scoped3A : memref<!tpu.dma_semaphore, #tpu.memory_space<semaphore_mem>>)
      %dma_wait3A = arith.constant 0 : i32
      %dma_wait3A_63 = tpu.memref_slice %arg16[%add3A_35, %dma_wait3A] : memref<5248x128xf32, #tpu.memory_space<vmem_shared>> -> memref<32x128xf32, #tpu.memory_space<vmem_shared>>
      %dma_wait3A_64 = arith.constant 0 : i32
      %dma_wait3A_65 = tpu.memref_slice %arg16[%add3A_35, %dma_wait3A_64] : memref<5248x128xf32, #tpu.memory_space<vmem_shared>> -> memref<32x128xf32, #tpu.memory_space<vmem_shared>>
      tpu.wait_dma2 semaphore(%run_scoped3A : memref<!tpu.dma_semaphore, #tpu.memory_space<semaphore_mem>>) src(%arg13 : memref<32x128xf32, #tpu.memory_space<vmem>>) dst(%dma_wait3A_65 : memref<32x128xf32, #tpu.memory_space<vmem_shared>>)
      tpu.yield
    }) : () -> ()
    %add3A_36 = arith.constant 128 : i32
    %add3A_37 = arith.addi %mul3A_4, %add3A_36 : i32
    "tpu.region"() ({
      %run_scoped3A = tpu.sem_alloc : memref<!tpu.dma_semaphore, #tpu.memory_space<semaphore_mem>>
      %dma_start3A = arith.constant 0 : i32
      %dma_start3A_60 = tpu.memref_slice %arg16[%add3A_37, %dma_start3A] : memref<5248x128xf32, #tpu.memory_space<vmem_shared>> -> memref<32x128xf32, #tpu.memory_space<vmem_shared>>
      %dma_start3A_61 = arith.constant 0 : i32
      %dma_start3A_62 = tpu.memref_slice %arg16[%add3A_37, %dma_start3A_61] : memref<5248x128xf32, #tpu.memory_space<vmem_shared>> -> memref<32x128xf32, #tpu.memory_space<vmem_shared>>
      tpu.enqueue_dma source(%arg13 : memref<32x128xf32, #tpu.memory_space<vmem>>) target(%dma_start3A_62 : memref<32x128xf32, #tpu.memory_space<vmem_shared>>) target_semaphore(%run_scoped3A : memref<!tpu.dma_semaphore, #tpu.memory_space<semaphore_mem>>)
      %dma_wait3A = arith.constant 0 : i32
      %dma_wait3A_63 = tpu.memref_slice %arg16[%add3A_37, %dma_wait3A] : memref<5248x128xf32, #tpu.memory_space<vmem_shared>> -> memref<32x128xf32, #tpu.memory_space<vmem_shared>>
      %dma_wait3A_64 = arith.constant 0 : i32
      %dma_wait3A_65 = tpu.memref_slice %arg16[%add3A_37, %dma_wait3A_64] : memref<5248x128xf32, #tpu.memory_space<vmem_shared>> -> memref<32x128xf32, #tpu.memory_space<vmem_shared>>
      tpu.wait_dma2 semaphore(%run_scoped3A : memref<!tpu.dma_semaphore, #tpu.memory_space<semaphore_mem>>) src(%arg13 : memref<32x128xf32, #tpu.memory_space<vmem>>) dst(%dma_wait3A_65 : memref<32x128xf32, #tpu.memory_space<vmem_shared>>)
      tpu.yield
    }) : () -> ()
    %add3A_38 = arith.constant 160 : i32
    %add3A_39 = arith.addi %mul3A_4, %add3A_38 : i32
    "tpu.region"() ({
      %run_scoped3A = tpu.sem_alloc : memref<!tpu.dma_semaphore, #tpu.memory_space<semaphore_mem>>
      %dma_start3A = arith.constant 0 : i32
      %dma_start3A_60 = tpu.memref_slice %arg16[%add3A_39, %dma_start3A] : memref<5248x128xf32, #tpu.memory_space<vmem_shared>> -> memref<32x128xf32, #tpu.memory_space<vmem_shared>>
      %dma_start3A_61 = arith.constant 0 : i32
      %dma_start3A_62 = tpu.memref_slice %arg16[%add3A_39, %dma_start3A_61] : memref<5248x128xf32, #tpu.memory_space<vmem_shared>> -> memref<32x128xf32, #tpu.memory_space<vmem_shared>>
      tpu.enqueue_dma source(%arg13 : memref<32x128xf32, #tpu.memory_space<vmem>>) target(%dma_start3A_62 : memref<32x128xf32, #tpu.memory_space<vmem_shared>>) target_semaphore(%run_scoped3A : memref<!tpu.dma_semaphore, #tpu.memory_space<semaphore_mem>>)
      %dma_wait3A = arith.constant 0 : i32
      %dma_wait3A_63 = tpu.memref_slice %arg16[%add3A_39, %dma_wait3A] : memref<5248x128xf32, #tpu.memory_space<vmem_shared>> -> memref<32x128xf32, #tpu.memory_space<vmem_shared>>
      %dma_wait3A_64 = arith.constant 0 : i32
      %dma_wait3A_65 = tpu.memref_slice %arg16[%add3A_39, %dma_wait3A_64] : memref<5248x128xf32, #tpu.memory_space<vmem_shared>> -> memref<32x128xf32, #tpu.memory_space<vmem_shared>>
      tpu.wait_dma2 semaphore(%run_scoped3A : memref<!tpu.dma_semaphore, #tpu.memory_space<semaphore_mem>>) src(%arg13 : memref<32x128xf32, #tpu.memory_space<vmem>>) dst(%dma_wait3A_65 : memref<32x128xf32, #tpu.memory_space<vmem_shared>>)
      tpu.yield
    }) : () -> ()
    %add3A_40 = arith.constant 192 : i32
    %add3A_41 = arith.addi %mul3A_4, %add3A_40 : i32
    "tpu.region"() ({
      %run_scoped3A = tpu.sem_alloc : memref<!tpu.dma_semaphore, #tpu.memory_space<semaphore_mem>>
      %dma_start3A = arith.constant 0 : i32
      %dma_start3A_60 = tpu.memref_slice %arg16[%add3A_41, %dma_start3A] : memref<5248x128xf32, #tpu.memory_space<vmem_shared>> -> memref<32x128xf32, #tpu.memory_space<vmem_shared>>
      %dma_start3A_61 = arith.constant 0 : i32
      %dma_start3A_62 = tpu.memref_slice %arg16[%add3A_41, %dma_start3A_61] : memref<5248x128xf32, #tpu.memory_space<vmem_shared>> -> memref<32x128xf32, #tpu.memory_space<vmem_shared>>
      tpu.enqueue_dma source(%arg13 : memref<32x128xf32, #tpu.memory_space<vmem>>) target(%dma_start3A_62 : memref<32x128xf32, #tpu.memory_space<vmem_shared>>) target_semaphore(%run_scoped3A : memref<!tpu.dma_semaphore, #tpu.memory_space<semaphore_mem>>)
      %dma_wait3A = arith.constant 0 : i32
      %dma_wait3A_63 = tpu.memref_slice %arg16[%add3A_41, %dma_wait3A] : memref<5248x128xf32, #tpu.memory_space<vmem_shared>> -> memref<32x128xf32, #tpu.memory_space<vmem_shared>>
      %dma_wait3A_64 = arith.constant 0 : i32
      %dma_wait3A_65 = tpu.memref_slice %arg16[%add3A_41, %dma_wait3A_64] : memref<5248x128xf32, #tpu.memory_space<vmem_shared>> -> memref<32x128xf32, #tpu.memory_space<vmem_shared>>
      tpu.wait_dma2 semaphore(%run_scoped3A : memref<!tpu.dma_semaphore, #tpu.memory_space<semaphore_mem>>) src(%arg13 : memref<32x128xf32, #tpu.memory_space<vmem>>) dst(%dma_wait3A_65 : memref<32x128xf32, #tpu.memory_space<vmem_shared>>)
      tpu.yield
    }) : () -> ()
    %add3A_42 = arith.constant 224 : i32
    %add3A_43 = arith.addi %mul3A_4, %add3A_42 : i32
    "tpu.region"() ({
      %run_scoped3A = tpu.sem_alloc : memref<!tpu.dma_semaphore, #tpu.memory_space<semaphore_mem>>
      %dma_start3A = arith.constant 0 : i32
      %dma_start3A_60 = tpu.memref_slice %arg16[%add3A_43, %dma_start3A] : memref<5248x128xf32, #tpu.memory_space<vmem_shared>> -> memref<32x128xf32, #tpu.memory_space<vmem_shared>>
      %dma_start3A_61 = arith.constant 0 : i32
      %dma_start3A_62 = tpu.memref_slice %arg16[%add3A_43, %dma_start3A_61] : memref<5248x128xf32, #tpu.memory_space<vmem_shared>> -> memref<32x128xf32, #tpu.memory_space<vmem_shared>>
      tpu.enqueue_dma source(%arg13 : memref<32x128xf32, #tpu.memory_space<vmem>>) target(%dma_start3A_62 : memref<32x128xf32, #tpu.memory_space<vmem_shared>>) target_semaphore(%run_scoped3A : memref<!tpu.dma_semaphore, #tpu.memory_space<semaphore_mem>>)
      %dma_wait3A = arith.constant 0 : i32
      %dma_wait3A_63 = tpu.memref_slice %arg16[%add3A_43, %dma_wait3A] : memref<5248x128xf32, #tpu.memory_space<vmem_shared>> -> memref<32x128xf32, #tpu.memory_space<vmem_shared>>
      %dma_wait3A_64 = arith.constant 0 : i32
      %dma_wait3A_65 = tpu.memref_slice %arg16[%add3A_43, %dma_wait3A_64] : memref<5248x128xf32, #tpu.memory_space<vmem_shared>> -> memref<32x128xf32, #tpu.memory_space<vmem_shared>>
      tpu.wait_dma2 semaphore(%run_scoped3A : memref<!tpu.dma_semaphore, #tpu.memory_space<semaphore_mem>>) src(%arg13 : memref<32x128xf32, #tpu.memory_space<vmem>>) dst(%dma_wait3A_65 : memref<32x128xf32, #tpu.memory_space<vmem_shared>>)
      tpu.yield
    }) : () -> ()
    %add3A_44 = arith.constant 256 : i32
    %add3A_45 = arith.addi %mul3A_4, %add3A_44 : i32
    "tpu.region"() ({
      %run_scoped3A = tpu.sem_alloc : memref<!tpu.dma_semaphore, #tpu.memory_space<semaphore_mem>>
      %dma_start3A = arith.constant 0 : i32
      %dma_start3A_60 = tpu.memref_slice %arg16[%add3A_45, %dma_start3A] : memref<5248x128xf32, #tpu.memory_space<vmem_shared>> -> memref<32x128xf32, #tpu.memory_space<vmem_shared>>
      %dma_start3A_61 = arith.constant 0 : i32
      %dma_start3A_62 = tpu.memref_slice %arg16[%add3A_45, %dma_start3A_61] : memref<5248x128xf32, #tpu.memory_space<vmem_shared>> -> memref<32x128xf32, #tpu.memory_space<vmem_shared>>
      tpu.enqueue_dma source(%arg13 : memref<32x128xf32, #tpu.memory_space<vmem>>) target(%dma_start3A_62 : memref<32x128xf32, #tpu.memory_space<vmem_shared>>) target_semaphore(%run_scoped3A : memref<!tpu.dma_semaphore, #tpu.memory_space<semaphore_mem>>)
      %dma_wait3A = arith.constant 0 : i32
      %dma_wait3A_63 = tpu.memref_slice %arg16[%add3A_45, %dma_wait3A] : memref<5248x128xf32, #tpu.memory_space<vmem_shared>> -> memref<32x128xf32, #tpu.memory_space<vmem_shared>>
      %dma_wait3A_64 = arith.constant 0 : i32
      %dma_wait3A_65 = tpu.memref_slice %arg16[%add3A_45, %dma_wait3A_64] : memref<5248x128xf32, #tpu.memory_space<vmem_shared>> -> memref<32x128xf32, #tpu.memory_space<vmem_shared>>
      tpu.wait_dma2 semaphore(%run_scoped3A : memref<!tpu.dma_semaphore, #tpu.memory_space<semaphore_mem>>) src(%arg13 : memref<32x128xf32, #tpu.memory_space<vmem>>) dst(%dma_wait3A_65 : memref<32x128xf32, #tpu.memory_space<vmem_shared>>)
      tpu.yield
    }) : () -> ()
    %add3A_46 = arith.constant 288 : i32
    %add3A_47 = arith.addi %mul3A_4, %add3A_46 : i32
    "tpu.region"() ({
      %run_scoped3A = tpu.sem_alloc : memref<!tpu.dma_semaphore, #tpu.memory_space<semaphore_mem>>
      %dma_start3A = arith.constant 0 : i32
      %dma_start3A_60 = tpu.memref_slice %arg16[%add3A_47, %dma_start3A] : memref<5248x128xf32, #tpu.memory_space<vmem_shared>> -> memref<32x128xf32, #tpu.memory_space<vmem_shared>>
      %dma_start3A_61 = arith.constant 0 : i32
      %dma_start3A_62 = tpu.memref_slice %arg16[%add3A_47, %dma_start3A_61] : memref<5248x128xf32, #tpu.memory_space<vmem_shared>> -> memref<32x128xf32, #tpu.memory_space<vmem_shared>>
      tpu.enqueue_dma source(%arg13 : memref<32x128xf32, #tpu.memory_space<vmem>>) target(%dma_start3A_62 : memref<32x128xf32, #tpu.memory_space<vmem_shared>>) target_semaphore(%run_scoped3A : memref<!tpu.dma_semaphore, #tpu.memory_space<semaphore_mem>>)
      %dma_wait3A = arith.constant 0 : i32
      %dma_wait3A_63 = tpu.memref_slice %arg16[%add3A_47, %dma_wait3A] : memref<5248x128xf32, #tpu.memory_space<vmem_shared>> -> memref<32x128xf32, #tpu.memory_space<vmem_shared>>
      %dma_wait3A_64 = arith.constant 0 : i32
      %dma_wait3A_65 = tpu.memref_slice %arg16[%add3A_47, %dma_wait3A_64] : memref<5248x128xf32, #tpu.memory_space<vmem_shared>> -> memref<32x128xf32, #tpu.memory_space<vmem_shared>>
      tpu.wait_dma2 semaphore(%run_scoped3A : memref<!tpu.dma_semaphore, #tpu.memory_space<semaphore_mem>>) src(%arg13 : memref<32x128xf32, #tpu.memory_space<vmem>>) dst(%dma_wait3A_65 : memref<32x128xf32, #tpu.memory_space<vmem_shared>>)
      tpu.yield
    }) : () -> ()
    %add3A_48 = arith.constant 328 : i32
    %add3A_49 = arith.addi %mul3A_4, %add3A_48 : i32
    %sub3A = arith.constant 8 : i32
    %sub3A_50 = arith.subi %add3A_49, %sub3A : i32
    "tpu.region"() ({
      %run_scoped3A = tpu.sem_alloc : memref<!tpu.dma_semaphore, #tpu.memory_space<semaphore_mem>>
      %dma_start3A = arith.constant 0 : i32
      %dma_start3A_60 = arith.constant 0 : i32
      %dma_start3A_61 = tpu.memref_slice %arg13[%dma_start3A, %dma_start3A_60] : memref<32x128xf32, #tpu.memory_space<vmem>> -> memref<8x128xf32, #tpu.memory_space<vmem>>
      %dma_start3A_62 = arith.constant 0 : i32
      %dma_start3A_63 = tpu.memref_slice %arg16[%sub3A_50, %dma_start3A_62] : memref<5248x128xf32, #tpu.memory_space<vmem_shared>> -> memref<8x128xf32, #tpu.memory_space<vmem_shared>>
      %dma_start3A_64 = arith.constant 0 : i32
      %dma_start3A_65 = tpu.memref_slice %arg16[%sub3A_50, %dma_start3A_64] : memref<5248x128xf32, #tpu.memory_space<vmem_shared>> -> memref<8x128xf32, #tpu.memory_space<vmem_shared>>
      %dma_start3A_66 = arith.constant 0 : i32
      %dma_start3A_67 = arith.constant 0 : i32
      %dma_start3A_68 = tpu.memref_slice %arg13[%dma_start3A_66, %dma_start3A_67] : memref<32x128xf32, #tpu.memory_space<vmem>> -> memref<8x128xf32, #tpu.memory_space<vmem>>
      tpu.enqueue_dma source(%dma_start3A_68 : memref<8x128xf32, #tpu.memory_space<vmem>>) target(%dma_start3A_65 : memref<8x128xf32, #tpu.memory_space<vmem_shared>>) target_semaphore(%run_scoped3A : memref<!tpu.dma_semaphore, #tpu.memory_space<semaphore_mem>>)
      %dma_wait3A = arith.constant 0 : i32
      %dma_wait3A_69 = arith.constant 0 : i32
      %dma_wait3A_70 = tpu.memref_slice %arg13[%dma_wait3A, %dma_wait3A_69] : memref<32x128xf32, #tpu.memory_space<vmem>> -> memref<8x128xf32, #tpu.memory_space<vmem>>
      %dma_wait3A_71 = arith.constant 0 : i32
      %dma_wait3A_72 = tpu.memref_slice %arg16[%sub3A_50, %dma_wait3A_71] : memref<5248x128xf32, #tpu.memory_space<vmem_shared>> -> memref<8x128xf32, #tpu.memory_space<vmem_shared>>
      %dma_wait3A_73 = arith.constant 0 : i32
      %dma_wait3A_74 = tpu.memref_slice %arg16[%sub3A_50, %dma_wait3A_73] : memref<5248x128xf32, #tpu.memory_space<vmem_shared>> -> memref<8x128xf32, #tpu.memory_space<vmem_shared>>
      %dma_wait3A_75 = arith.constant 0 : i32
      %dma_wait3A_76 = arith.constant 0 : i32
      %dma_wait3A_77 = tpu.memref_slice %arg13[%dma_wait3A_75, %dma_wait3A_76] : memref<32x128xf32, #tpu.memory_space<vmem>> -> memref<8x128xf32, #tpu.memory_space<vmem>>
      tpu.wait_dma2 semaphore(%run_scoped3A : memref<!tpu.dma_semaphore, #tpu.memory_space<semaphore_mem>>) src(%dma_wait3A_77 : memref<8x128xf32, #tpu.memory_space<vmem>>) dst(%dma_wait3A_74 : memref<8x128xf32, #tpu.memory_space<vmem_shared>>)
      tpu.yield
    }) : () -> ()
    %scan3A_51 = arith.constant 0 : i32
    %scan3A_52 = arith.constant 0 : i32
    %scan3A_53 = arith.constant 200 : i32
    %scan3A_54 = arith.addi %scan3A_52, %scan3A_53 : i32
    %scan3A_55 = arith.constant 1 : i32
    %scan3A_56 = scf.for %scan3A_60 = %scan3A_52 to %scan3A_54 step %scan3A_55 iter_args(%scan3A_61 = %scan3A_51) -> (i32)  : i32 {
      %mul3A_62 = arith.constant 1600 : i32
      %mul3A_63 = arith.muli %scan3A_60, %mul3A_62 : i32
      "tpu.region"() ({
        %run_scoped3A = tpu.sem_alloc : memref<!tpu.dma_semaphore, #tpu.memory_space<semaphore_mem>>
        %dma_start3A = tpu.memref_slice %arg4[%mul3A_63] : memref<320000xi32, #tpu.memory_space<hbm>> -> memref<1600xi32, #tpu.memory_space<hbm>>
        %dma_start3A_92 = tpu.memref_slice %arg4[%mul3A_63] : memref<320000xi32, #tpu.memory_space<hbm>> -> memref<1600xi32, #tpu.memory_space<hbm>>
        tpu.enqueue_dma source(%dma_start3A_92 : memref<1600xi32, #tpu.memory_space<hbm>>) target(%arg8 : memref<1600xi32, #tpu.memory_space<vmem>>) target_semaphore(%run_scoped3A : memref<!tpu.dma_semaphore, #tpu.memory_space<semaphore_mem>>)
        %dma_wait3A = tpu.memref_slice %arg4[%mul3A_63] : memref<320000xi32, #tpu.memory_space<hbm>> -> memref<1600xi32, #tpu.memory_space<hbm>>
        %dma_wait3A_93 = tpu.memref_slice %arg4[%mul3A_63] : memref<320000xi32, #tpu.memory_space<hbm>> -> memref<1600xi32, #tpu.memory_space<hbm>>
        tpu.wait_dma2 semaphore(%run_scoped3A : memref<!tpu.dma_semaphore, #tpu.memory_space<semaphore_mem>>) src(%dma_wait3A_93 : memref<1600xi32, #tpu.memory_space<hbm>>) dst(%arg8 : memref<1600xi32, #tpu.memory_space<vmem>>)
        tpu.yield
      }) : () -> ()
      %mul3A_64 = arith.constant 1600 : i32
      %mul3A_65 = arith.muli %scan3A_60, %mul3A_64 : i32
      "tpu.region"() ({
        %run_scoped3A = tpu.sem_alloc : memref<!tpu.dma_semaphore, #tpu.memory_space<semaphore_mem>>
        %dma_start3A = tpu.memref_slice %arg3[%mul3A_65] : memref<320000xi32, #tpu.memory_space<hbm>> -> memref<1600xi32, #tpu.memory_space<hbm>>
        %dma_start3A_92 = tpu.memref_slice %arg3[%mul3A_65] : memref<320000xi32, #tpu.memory_space<hbm>> -> memref<1600xi32, #tpu.memory_space<hbm>>
        tpu.enqueue_dma source(%dma_start3A_92 : memref<1600xi32, #tpu.memory_space<hbm>>) target(%arg9 : memref<1600xi32, #tpu.memory_space<vmem>>) target_semaphore(%run_scoped3A : memref<!tpu.dma_semaphore, #tpu.memory_space<semaphore_mem>>)
        %dma_wait3A = tpu.memref_slice %arg3[%mul3A_65] : memref<320000xi32, #tpu.memory_space<hbm>> -> memref<1600xi32, #tpu.memory_space<hbm>>
        %dma_wait3A_93 = tpu.memref_slice %arg3[%mul3A_65] : memref<320000xi32, #tpu.memory_space<hbm>> -> memref<1600xi32, #tpu.memory_space<hbm>>
        tpu.wait_dma2 semaphore(%run_scoped3A : memref<!tpu.dma_semaphore, #tpu.memory_space<semaphore_mem>>) src(%dma_wait3A_93 : memref<1600xi32, #tpu.memory_space<hbm>>) dst(%arg9 : memref<1600xi32, #tpu.memory_space<vmem>>)
        tpu.yield
      }) : () -> ()
      %broadcast_in_dim3A_66 = arith.constant 320 : i32
      %broadcast_in_dim3A_67 = vector.broadcast %broadcast_in_dim3A_66 : i32 to vector<16xi32>
      %broadcast_in_dim3A_68 = arith.constant 0 : i32
      %broadcast_in_dim3A_69 = vector.broadcast %broadcast_in_dim3A_68 : i32 to vector<16xi32>
      %scan3A_70 = arith.constant 0 : i32
      %scan3A_71 = arith.constant 0 : i32
      %scan3A_72 = arith.constant 17 : i32
      %scan3A_73 = arith.addi %scan3A_71, %scan3A_72 : i32
      %scan3A_74 = arith.constant 1 : i32
      %scan3A_75 = scf.for %scan3A_92 = %scan3A_71 to %scan3A_73 step %scan3A_74 iter_args(%scan3A_93 = %scan3A_70) -> (i32)  : i32 {
        %mul3A_94 = arith.constant 16 : i32
        %mul3A_95 = arith.muli %scan3A_92, %mul3A_94 : i32
        %swap3A = arith.index_cast %mul3A_95 : i32 to index
        %swap3A_96 = tpu.vector_load %arg10[%swap3A] {strides = array<i32>} : memref<272xi32, #tpu.memory_space<vmem>>, vector<16xi32>,
        tpu.vector_store %arg10[%swap3A], %broadcast_in_dim3A_67 {strides = array<i32>} : memref<272xi32, #tpu.memory_space<vmem>>, vector<16xi32>,
        %mul3A_97 = arith.constant 16 : i32
        %mul3A_98 = arith.muli %scan3A_92, %mul3A_97 : i32
        %swap3A_99 = arith.index_cast %mul3A_98 : i32 to index
        %swap3A_100 = tpu.vector_load %arg11[%swap3A_99] {strides = array<i32>} : memref<272xi32, #tpu.memory_space<vmem>>, vector<16xi32>,
        tpu.vector_store %arg11[%swap3A_99], %broadcast_in_dim3A_69 {strides = array<i32>} : memref<272xi32, #tpu.memory_space<vmem>>, vector<16xi32>,
        %scan3A_101 = arith.constant 0 : i32
        scf.yield %scan3A_101 : i32
      }
      %scan3A_76 = arith.constant 17 : i32
      %scan3A_77 = arith.constant 0 : i32
      %scan3A_78 = arith.constant 0 : i32
      %scan3A_79 = arith.constant 100 : i32
      %scan3A_80 = arith.addi %scan3A_78, %scan3A_79 : i32
      %scan3A_81 = arith.constant 1 : i32
      %scan3A_82 = scf.for %scan3A_92 = %scan3A_78 to %scan3A_80 step %scan3A_81 iter_args(%scan3A_93 = %scan3A_77) -> (i32)  : i32 {
        %mul3A_94 = arith.constant 16 : i32
        %mul3A_95 = arith.muli %scan3A_92, %mul3A_94 : i32
        %get3A = arith.index_cast %mul3A_95 : i32 to index
        %get3A_96 = tpu.vector_load %arg8[%get3A] {strides = array<i32>} : memref<1600xi32, #tpu.memory_space<vmem>>, vector<16xi32>,
        %mul3A_97 = arith.constant 16 : i32
        %mul3A_98 = arith.muli %scan3A_92, %mul3A_97 : i32
        %get3A_99 = arith.index_cast %mul3A_98 : i32 to index
        %get3A_100 = tpu.vector_load %arg9[%get3A_99] {strides = array<i32>} : memref<1600xi32, #tpu.memory_space<vmem>>, vector<16xi32>,
        %ge3A = vector.broadcast %mul3A_2 : i32 to vector<16xi32>
        %ge3A_101 = arith.cmpi sge, %get3A_96, %ge3A : vector<16xi32>
        %add3A_102 = arith.constant 320 : i32
        %add3A_103 = arith.addi %mul3A_2, %add3A_102 : i32
        %lt3A = vector.broadcast %add3A_103 : i32 to vector<16xi32>
        %lt3A_104 = arith.cmpi slt, %get3A_96, %lt3A : vector<16xi32>
        %and3A = arith.andi %ge3A_101, %lt3A_104 : vector<16xi1>
        %jit3A = arith.constant 1 : i32
        %jit3A_105 = arith.constant 0 : i32
        %broadcast_in_dim3A_106 = vector.broadcast %jit3A : i32 to vector<16xi32>
        %broadcast_in_dim3A_107 = vector.broadcast %jit3A_105 : i32 to vector<16xi32>
        %select_n3A = arith.select %and3A, %broadcast_in_dim3A_106, %broadcast_in_dim3A_107 : vector<16xi1>, vector<16xi32>
        %broadcast_in_dim3A_108 = arith.constant true
        %broadcast_in_dim3A_109 = vector.broadcast %broadcast_in_dim3A_108 : i1 to vector<16xi1>
        %masked_cumsum3A = tpu.scan <sum>, %select_n3A masked %broadcast_in_dim3A_109 : vector<16xi32>, vector<16xi1> -> vector<16xi32>
        %add3A_110 = vector.broadcast %scan3A_93 : i32 to vector<16xi32>
        %add3A_111 = arith.addi %add3A_110, %masked_cumsum3A : vector<16xi32>
        %sub3A_112 = arith.constant 1 : i32
        %sub3A_113 = vector.broadcast %sub3A_112 : i32 to vector<16xi32>
        %sub3A_114 = arith.subi %add3A_111, %sub3A_113 : vector<16xi32>
        %sub3A_115 = vector.broadcast %mul3A_2 : i32 to vector<16xi32>
        %sub3A_116 = arith.subi %get3A_96, %sub3A_115 : vector<16xi32>
        tpu.vector_store_idx %arg10[%sub3A_114], %sub3A_116 masked %and3A : memref<272xi32, #tpu.memory_space<vmem>>[vector<16xi32>], vector<16xi32>, vector<16xi1>
        tpu.vector_store_idx %arg11[%sub3A_114], %get3A_100 masked %and3A : memref<272xi32, #tpu.memory_space<vmem>>[vector<16xi32>], vector<16xi32>, vector<16xi1>
        %all_reduce_population_count3A = tpu.all_reduce %and3A {dim = 0 : i64, kind = #tpu.reduction_kind<sum>} : vector<16xi1> -> vector<16xi32>
        %slice3A = vector.extract_strided_slice %all_reduce_population_count3A {offsets = [0], sizes = [1], strides = [1]} : vector<16xi32> to vector<1xi32>
        %squeeze3A = vector.extract %slice3A[0] : i32 from vector<1xi32>
        %add3A_117 = arith.addi %scan3A_93, %squeeze3A : i32
        %min3A = arith.constant 256 : i32
        %min3A_118 = arith.minsi %add3A_117, %min3A : i32
        scf.yield %min3A_118 : i32
      }
      %scan3A_83 = arith.constant 100 : i32
      %scan3A_84 = arith.constant 0 : i32
      %scan3A_85 = arith.constant 0 : i32
      %scan3A_86 = arith.constant 9 : i32
      %scan3A_87 = arith.addi %scan3A_85, %scan3A_86 : i32
      %scan3A_88 = arith.constant 1 : i32
      %scan3A_89 = scf.for %scan3A_92 = %scan3A_85 to %scan3A_87 step %scan3A_88 iter_args(%scan3A_93 = %scan3A_84) -> (i32)  : i32 {
        %mul3A_94 = arith.constant 32 : i32
        %mul3A_95 = arith.muli %scan3A_92, %mul3A_94 : i32
        %gt3A = arith.cmpi sgt, %scan3A_82, %mul3A_95 : i32
        %convert_element_type3A = arith.extui %gt3A : i1 to i32
        %cond3A = arith.constant 0 : i32
        %cond3A_96 = arith.cmpi ne, %convert_element_type3A, %cond3A : i32
        scf.if %cond3A_96 {
          %mul3A_98 = arith.constant 32 : i32
          %mul3A_99 = arith.muli %scan3A_92, %mul3A_98 : i32
          "tpu.region"() ({
            %run_scoped3A = tpu.sem_alloc : memref<!tpu.dma_semaphore, #tpu.memory_space<semaphore_mem>>
            %dma_start3A = tpu.memref_slice %arg11[%mul3A_99] : memref<272xi32, #tpu.memory_space<vmem>> -> memref<32xi32, #tpu.memory_space<vmem>>
            %dma_start3A_141 = arith.constant 0 : i32
            %dma_start3A_142 = arith.constant 0 : i32
            %dma_start3A_143 = tpu.memref_slice %arg2[%dma_start3A_141, %dma_start3A_142] : memref<10240x128xf32, #tpu.memory_space<hbm>> -> memref<10240x128xf32, #tpu.memory_space<hbm>>
            tpu.enqueue_indirect_dma source(%dma_start3A_143 : memref<10240x128xf32, #tpu.memory_space<hbm>>) target(%arg13 : memref<32x128xf32, #tpu.memory_space<vmem>>) offsets(%dma_start3A : memref<32xi32, #tpu.memory_space<vmem>>) semaphore(%run_scoped3A : memref<!tpu.dma_semaphore, #tpu.memory_space<semaphore_mem>>)
            %dma_wait3A = tpu.memref_slice %arg11[%mul3A_99] : memref<272xi32, #tpu.memory_space<vmem>> -> memref<32xi32, #tpu.memory_space<vmem>>
            %dma_wait3A_144 = arith.constant 0 : i32
            %dma_wait3A_145 = arith.constant 0 : i32
            %dma_wait3A_146 = tpu.memref_slice %arg2[%dma_wait3A_144, %dma_wait3A_145] : memref<10240x128xf32, #tpu.memory_space<hbm>> -> memref<10240x128xf32, #tpu.memory_space<hbm>>
            tpu.wait_indirect_dma semaphore(%run_scoped3A : memref<!tpu.dma_semaphore, #tpu.memory_space<semaphore_mem>>) src(%dma_wait3A_146 : memref<10240x128xf32, #tpu.memory_space<hbm>>) dst(%arg13 : memref<32x128xf32, #tpu.memory_space<vmem>>)
            tpu.yield
          }) : () -> ()
          %scan3A_100 = arith.constant 0 : i32
          %scan3A_101 = arith.constant 0 : i32
          %scan3A_102 = arith.constant 2 : i32
          %scan3A_103 = arith.addi %scan3A_101, %scan3A_102 : i32
          %scan3A_104 = arith.constant 1 : i32
          %scan3A_105 = scf.for %scan3A_141 = %scan3A_101 to %scan3A_103 step %scan3A_104 iter_args(%scan3A_142 = %scan3A_100) -> (i32)  : i32 {
            %mul3A_143 = arith.constant 32 : i32
            %mul3A_144 = arith.muli %scan3A_92, %mul3A_143 : i32
            %mul3A_145 = arith.constant 16 : i32
            %mul3A_146 = arith.muli %scan3A_141, %mul3A_145 : i32
            %add3A_147 = arith.addi %mul3A_144, %mul3A_146 : i32
            %get3A = arith.index_cast %add3A_147 : i32 to index
            %get3A_148 = tpu.vector_load %arg10[%get3A] {strides = array<i32>} : memref<272xi32, #tpu.memory_space<vmem>>, vector<16xi32>,
            %add3A_149 = vector.broadcast %mul3A_4 : i32 to vector<16xi32>
            %add3A_150 = arith.addi %get3A_148, %add3A_149 : vector<16xi32>
            %mul3A_151 = arith.constant 16 : i32
            %mul3A_152 = arith.muli %scan3A_141, %mul3A_151 : i32
            %swap3A = arith.index_cast %mul3A_152 : i32 to index
            %swap3A_153 = tpu.vector_load %arg12[%swap3A] {strides = array<i32>} : memref<32xi32, #tpu.memory_space<vmem>>, vector<16xi32>,
            tpu.vector_store %arg12[%swap3A], %add3A_150 {strides = array<i32>} : memref<32xi32, #tpu.memory_space<vmem>>, vector<16xi32>,
            %scan3A_154 = arith.constant 0 : i32
            scf.yield %scan3A_154 : i32
          }
          %scan3A_106 = arith.constant 2 : i32
          "tpu.region"() ({
            %run_scoped3A = tpu.sem_alloc : memref<!tpu.dma_semaphore, #tpu.memory_space<semaphore_mem>>
            %dma_start3A = arith.constant 0 : i32
            %dma_start3A_141 = arith.constant 0 : i32
            %dma_start3A_142 = tpu.memref_slice %arg16[%dma_start3A, %dma_start3A_141] : memref<5248x128xf32, #tpu.memory_space<vmem_shared>> -> memref<5248x128xf32, #tpu.memory_space<vmem_shared>>
            tpu.enqueue_indirect_dma source(%arg13 : memref<32x128xf32, #tpu.memory_space<vmem>>) target(%dma_start3A_142 : memref<5248x128xf32, #tpu.memory_space<vmem_shared>>) offsets(%arg12 : memref<32xi32, #tpu.memory_space<vmem>>) semaphore(%run_scoped3A : memref<!tpu.dma_semaphore, #tpu.memory_space<semaphore_mem>>) {add = true}
            %dma_wait3A = arith.constant 0 : i32
            %dma_wait3A_143 = arith.constant 0 : i32
            %dma_wait3A_144 = tpu.memref_slice %arg16[%dma_wait3A, %dma_wait3A_143] : memref<5248x128xf32, #tpu.memory_space<vmem_shared>> -> memref<5248x128xf32, #tpu.memory_space<vmem_shared>>
            tpu.wait_indirect_dma semaphore(%run_scoped3A : memref<!tpu.dma_semaphore, #tpu.memory_space<semaphore_mem>>) src(%arg13 : memref<32x128xf32, #tpu.memory_space<vmem>>) dst(%dma_wait3A_144 : memref<5248x128xf32, #tpu.memory_space<vmem_shared>>)
            tpu.yield
          }) : () -> ()
          %mul3A_107 = arith.constant 32 : i32
          %mul3A_108 = arith.muli %scan3A_92, %mul3A_107 : i32
          %sub3A_109 = arith.subi %scan3A_82, %mul3A_108 : i32
          %min3A = arith.constant 32 : i32
          %min3A_110 = arith.minsi %sub3A_109, %min3A : i32
          %add3A_111 = arith.constant 15 : i32
          %add3A_112 = arith.addi %min3A_110, %add3A_111 : i32
          %jit3A = arith.constant 16 : i32
          %div3A = arith.divsi %add3A_112, %jit3A : i32
          %sign3A = arith.constant 0 : i32
          %sign3A_113 = arith.cmpi sgt, %add3A_112, %sign3A : i32
          %sign3A_114 = arith.extui %sign3A_113 : i1 to i32
          %sign3A_115 = arith.constant 0 : i32
          %sign3A_116 = arith.cmpi slt, %add3A_112, %sign3A_115 : i32
          %sign3A_117 = arith.extui %sign3A_116 : i1 to i32
          %sign3A_118 = arith.subi %sign3A_114, %sign3A_117 : i32
          %sign3A_119 = arith.constant 0 : i32
          %sign3A_120 = arith.cmpi sgt, %jit3A, %sign3A_119 : i32
          %sign3A_121 = arith.extui %sign3A_120 : i1 to i32
          %sign3A_122 = arith.constant 0 : i32
          %sign3A_123 = arith.cmpi slt, %jit3A, %sign3A_122 : i32
          %sign3A_124 = arith.extui %sign3A_123 : i1 to i32
          %sign3A_125 = arith.subi %sign3A_121, %sign3A_124 : i32
          %ne3A = arith.cmpi ne, %sign3A_118, %sign3A_125 : i32
          %rem3A = arith.remsi %add3A_112, %jit3A : i32
          %ne3A_126 = arith.constant 0 : i32
          %ne3A_127 = arith.cmpi ne, %rem3A, %ne3A_126 : i32
          %and3A = arith.andi %ne3A, %ne3A_127 : i1
          %sub3A_128 = arith.constant 1 : i32
          %sub3A_129 = arith.subi %div3A, %sub3A_128 : i32
          %select_n3A = arith.select %and3A, %sub3A_129, %div3A : i32
          %while3A = arith.constant 0 : i32
          %while3A_130 = arith.constant 0 : i32
          %while3A_131 = arith.subi %select_n3A, %while3A : i32
          %while3A_132 = arith.addi %while3A, %while3A_131 : i32
          %while3A_133 = arith.constant 1 : i32
          %while3A_134 = arith.divsi %while3A_131, %while3A_133 : i32
          %while3A_135 = arith.muli %while3A_134, %while3A_133 : i32
          %while3A_136 = arith.addi %while3A, %while3A_135 : i32
          %while3A_137 = arith.constant 1 : i32
          %while3A_138 = scf.for %while3A_141 = %while3A to %while3A_136 step %while3A_137 iter_args(%while3A_142 = %while3A_130) -> (i32)  : i32 {
            %mul3A_143 = arith.constant 32 : i32
            %mul3A_144 = arith.muli %scan3A_92, %mul3A_143 : i32
            %mul3A_145 = arith.constant 16 : i32
            %mul3A_146 = arith.muli %while3A_141, %mul3A_145 : i32
            %add3A_147 = arith.addi %mul3A_144, %mul3A_146 : i32
            %get3A = arith.index_cast %add3A_147 : i32 to index
            %get3A_148 = tpu.vector_load %arg10[%get3A] {strides = array<i32>} : memref<272xi32, #tpu.memory_space<vmem>>, vector<16xi32>,
            %slice3A = vector.extract_strided_slice %get3A_148 {offsets = [0], sizes = [1], strides = [1]} : vector<16xi32> to vector<1xi32>
            %squeeze3A = vector.extract %slice3A[0] : i32 from vector<1xi32>
            %mul3A_149 = arith.constant 16 : i32
            %mul3A_150 = arith.muli %while3A_141, %mul3A_149 : i32
            %add3A_151 = arith.constant 0 : i32
            %add3A_152 = arith.addi %mul3A_150, %add3A_151 : i32
            %get3A_153 = arith.index_cast %add3A_152 : i32 to index
            %get3A_154 = arith.constant 0 : index
            %get3A_155 = tpu.vector_load %arg13[%get3A_153, %get3A_154] {strides = array<i32>} : memref<32x128xf32, #tpu.memory_space<vmem>>, vector<16xf32>,
            %get3A_156 = arith.index_cast %squeeze3A : i32 to index
            %get3A_157 = arith.constant 0 : index
            %get3A_158 = tpu.vector_load %arg14[%get3A_156, %get3A_157] {strides = array<i32>} : memref<328x128xf32, #tpu.memory_space<vmem>>, vector<16xf32>,
            %max3A = arith.maximumf %get3A_158, %get3A_155 : vector<16xf32>
            %swap3A = arith.index_cast %squeeze3A : i32 to index
            %swap3A_159 = arith.constant 0 : index
            %swap3A_160 = tpu.vector_load %arg14[%swap3A, %swap3A_159] {strides = array<i32>} : memref<328x128xf32, #tpu.memory_space<vmem>>, vector<16xf32>,
            tpu.vector_store %arg14[%swap3A, %swap3A_159], %max3A {strides = array<i32>} : memref<328x128xf32, #tpu.memory_space<vmem>>, vector<16xf32>,
            %get3A_161 = arith.index_cast %add3A_152 : i32 to index
            %get3A_162 = arith.constant 16 : index
            %get3A_163 = tpu.vector_load %arg13[%get3A_161, %get3A_162] {strides = array<i32>} : memref<32x128xf32, #tpu.memory_space<vmem>>, vector<16xf32>,
            %get3A_164 = arith.index_cast %squeeze3A : i32 to index
            %get3A_165 = arith.constant 16 : index
            %get3A_166 = tpu.vector_load %arg14[%get3A_164, %get3A_165] {strides = array<i32>} : memref<328x128xf32, #tpu.memory_space<vmem>>, vector<16xf32>,
            %max3A_167 = arith.maximumf %get3A_166, %get3A_163 : vector<16xf32>
            %swap3A_168 = arith.index_cast %squeeze3A : i32 to index
            %swap3A_169 = arith.constant 16 : index
            %swap3A_170 = tpu.vector_load %arg14[%swap3A_168, %swap3A_169] {strides = array<i32>} : memref<328x128xf32, #tpu.memory_space<vmem>>, vector<16xf32>,
            tpu.vector_store %arg14[%swap3A_168, %swap3A_169], %max3A_167 {strides = array<i32>} : memref<328x128xf32, #tpu.memory_space<vmem>>, vector<16xf32>,
            %get3A_171 = arith.index_cast %add3A_152 : i32 to index
            %get3A_172 = arith.constant 32 : index
            %get3A_173 = tpu.vector_load %arg13[%get3A_171, %get3A_172] {strides = array<i32>} : memref<32x128xf32, #tpu.memory_space<vmem>>, vector<16xf32>,
            %get3A_174 = arith.index_cast %squeeze3A : i32 to index
            %get3A_175 = arith.constant 32 : index
            %get3A_176 = tpu.vector_load %arg14[%get3A_174, %get3A_175] {strides = array<i32>} : memref<328x128xf32, #tpu.memory_space<vmem>>, vector<16xf32>,
            %max3A_177 = arith.maximumf %get3A_176, %get3A_173 : vector<16xf32>
            %swap3A_178 = arith.index_cast %squeeze3A : i32 to index
            %swap3A_179 = arith.constant 32 : index
            %swap3A_180 = tpu.vector_load %arg14[%swap3A_178, %swap3A_179] {strides = array<i32>} : memref<328x128xf32, #tpu.memory_space<vmem>>, vector<16xf32>,
            tpu.vector_store %arg14[%swap3A_178, %swap3A_179], %max3A_177 {strides = array<i32>} : memref<328x128xf32, #tpu.memory_space<vmem>>, vector<16xf32>,
            %get3A_181 = arith.index_cast %add3A_152 : i32 to index
            %get3A_182 = arith.constant 48 : index
            %get3A_183 = tpu.vector_load %arg13[%get3A_181, %get3A_182] {strides = array<i32>} : memref<32x128xf32, #tpu.memory_space<vmem>>, vector<16xf32>,
            %get3A_184 = arith.index_cast %squeeze3A : i32 to index
            %get3A_185 = arith.constant 48 : index
            %get3A_186 = tpu.vector_load %arg14[%get3A_184, %get3A_185] {strides = array<i32>} : memref<328x128xf32, #tpu.memory_space<vmem>>, vector<16xf32>,
            %max3A_187 = arith.maximumf %get3A_186, %get3A_183 : vector<16xf32>
            %swap3A_188 = arith.index_cast %squeeze3A : i32 to index
            %swap3A_189 = arith.constant 48 : index
            %swap3A_190 = tpu.vector_load %arg14[%swap3A_188, %swap3A_189] {strides = array<i32>} : memref<328x128xf32, #tpu.memory_space<vmem>>, vector<16xf32>,
            tpu.vector_store %arg14[%swap3A_188, %swap3A_189], %max3A_187 {strides = array<i32>} : memref<328x128xf32, #tpu.memory_space<vmem>>, vector<16xf32>,
            %get3A_191 = arith.index_cast %add3A_152 : i32 to index
            %get3A_192 = arith.constant 64 : index
            %get3A_193 = tpu.vector_load %arg13[%get3A_191, %get3A_192] {strides = array<i32>} : memref<32x128xf32, #tpu.memory_space<vmem>>, vector<16xf32>,
            %get3A_194 = arith.index_cast %squeeze3A : i32 to index
            %get3A_195 = arith.constant 64 : index
            %get3A_196 = tpu.vector_load %arg14[%get3A_194, %get3A_195] {strides = array<i32>} : memref<328x128xf32, #tpu.memory_space<vmem>>, vector<16xf32>,
            %max3A_197 = arith.maximumf %get3A_196, %get3A_193 : vector<16xf32>
            %swap3A_198 = arith.index_cast %squeeze3A : i32 to index
            %swap3A_199 = arith.constant 64 : index
            %swap3A_200 = tpu.vector_load %arg14[%swap3A_198, %swap3A_199] {strides = array<i32>} : memref<328x128xf32, #tpu.memory_space<vmem>>, vector<16xf32>,
            tpu.vector_store %arg14[%swap3A_198, %swap3A_199], %max3A_197 {strides = array<i32>} : memref<328x128xf32, #tpu.memory_space<vmem>>, vector<16xf32>,
            %get3A_201 = arith.index_cast %add3A_152 : i32 to index
            %get3A_202 = arith.constant 80 : index
            %get3A_203 = tpu.vector_load %arg13[%get3A_201, %get3A_202] {strides = array<i32>} : memref<32x128xf32, #tpu.memory_space<vmem>>, vector<16xf32>,
            %get3A_204 = arith.index_cast %squeeze3A : i32 to index
            %get3A_205 = arith.constant 80 : index
            %get3A_206 = tpu.vector_load %arg14[%get3A_204, %get3A_205] {strides = array<i32>} : memref<328x128xf32, #tpu.memory_space<vmem>>, vector<16xf32>,
            %max3A_207 = arith.maximumf %get3A_206, %get3A_203 : vector<16xf32>
            %swap3A_208 = arith.index_cast %squeeze3A : i32 to index
            %swap3A_209 = arith.constant 80 : index
            %swap3A_210 = tpu.vector_load %arg14[%swap3A_208, %swap3A_209] {strides = array<i32>} : memref<328x128xf32, #tpu.memory_space<vmem>>, vector<16xf32>,
            tpu.vector_store %arg14[%swap3A_208, %swap3A_209], %max3A_207 {strides = array<i32>} : memref<328x128xf32, #tpu.memory_space<vmem>>, vector<16xf32>,
            %get3A_211 = arith.index_cast %add3A_152 : i32 to index
            %get3A_212 = arith.constant 96 : index
            %get3A_213 = tpu.vector_load %arg13[%get3A_211, %get3A_212] {strides = array<i32>} : memref<32x128xf32, #tpu.memory_space<vmem>>, vector<16xf32>,
            %get3A_214 = arith.index_cast %squeeze3A : i32 to index
            %get3A_215 = arith.constant 96 : index
            %get3A_216 = tpu.vector_load %arg14[%get3A_214, %get3A_215] {strides = array<i32>} : memref<328x128xf32, #tpu.memory_space<vmem>>, vector<16xf32>,
            %max3A_217 = arith.maximumf %get3A_216, %get3A_213 : vector<16xf32>
            %swap3A_218 = arith.index_cast %squeeze3A : i32 to index
            %swap3A_219 = arith.constant 96 : index
            %swap3A_220 = tpu.vector_load %arg14[%swap3A_218, %swap3A_219] {strides = array<i32>} : memref<328x128xf32, #tpu.memory_space<vmem>>, vector<16xf32>,
            tpu.vector_store %arg14[%swap3A_218, %swap3A_219], %max3A_217 {strides = array<i32>} : memref<328x128xf32, #tpu.memory_space<vmem>>, vector<16xf32>,
            %get3A_221 = arith.index_cast %add3A_152 : i32 to index
            %get3A_222 = arith.constant 112 : index
            %get3A_223 = tpu.vector_load %arg13[%get3A_221, %get3A_222] {strides = array<i32>} : memref<32x128xf32, #tpu.memory_space<vmem>>, vector<16xf32>,
            %get3A_224 = arith.index_cast %squeeze3A : i32 to index
            %get3A_225 = arith.constant 112 : index
            %get3A_226 = tpu.vector_load %arg14[%get3A_224, %get3A_225] {strides = array<i32>} : memref<328x128xf32, #tpu.memory_space<vmem>>, vector<16xf32>,
            %max3A_227 = arith.maximumf %get3A_226, %get3A_223 : vector<16xf32>
            %swap3A_228 = arith.index_cast %squeeze3A : i32 to index
            %swap3A_229 = arith.constant 112 : index
            %swap3A_230 = tpu.vector_load %arg14[%swap3A_228, %swap3A_229] {strides = array<i32>} : memref<328x128xf32, #tpu.memory_space<vmem>>, vector<16xf32>,
            tpu.vector_store %arg14[%swap3A_228, %swap3A_229], %max3A_227 {strides = array<i32>} : memref<328x128xf32, #tpu.memory_space<vmem>>, vector<16xf32>,
            %shift_right_logical3A = arith.constant 4 : i32
            %shift_right_logical3A_231 = arith.shrui %squeeze3A, %shift_right_logical3A : i32
            %and3A_232 = arith.constant 15 : i32
            %and3A_233 = arith.andi %squeeze3A, %and3A_232 : i32
            %eq3A = vector.broadcast %and3A_233 : i32 to vector<16xi32>
            %eq3A_234 = arith.cmpi eq, %iota3A, %eq3A : vector<16xi32>
            %jit3A_235 = arith.constant 1.000000e+00 : f32
            %jit3A_236 = arith.constant 0.000000e+00 : f32
            %broadcast_in_dim3A_237 = vector.broadcast %jit3A_235 : f32 to vector<16xf32>
            %broadcast_in_dim3A_238 = vector.broadcast %jit3A_236 : f32 to vector<16xf32>
            %select_n3A_239 = arith.select %eq3A_234, %broadcast_in_dim3A_237, %broadcast_in_dim3A_238 : vector<16xi1>, vector<16xf32>
            %get3A_240 = arith.index_cast %shift_right_logical3A_231 : i32 to index
            %get3A_241 = arith.constant 0 : index
            %get3A_242 = tpu.vector_load %arg15[%get3A_240, %get3A_241] {strides = array<i32>} : memref<24x16xf32, #tpu.memory_space<vmem>>, vector<16xf32>,
            %add3A_243 = arith.addf %get3A_242, %select_n3A_239 : vector<16xf32>
            %swap3A_244 = arith.index_cast %shift_right_logical3A_231 : i32 to index
            %swap3A_245 = arith.constant 0 : index
            %swap3A_246 = tpu.vector_load %arg15[%swap3A_244, %swap3A_245] {strides = array<i32>} : memref<24x16xf32, #tpu.memory_space<vmem>>, vector<16xf32>,
            tpu.vector_store %arg15[%swap3A_244, %swap3A_245], %add3A_243 {strides = array<i32>} : memref<24x16xf32, #tpu.memory_space<vmem>>, vector<16xf32>,
            %slice3A_247 = vector.extract_strided_slice %get3A_148 {offsets = [1], sizes = [1], strides = [1]} : vector<16xi32> to vector<1xi32>
            %squeeze3A_248 = vector.extract %slice3A_247[0] : i32 from vector<1xi32>
            %mul3A_249 = arith.constant 16 : i32
            %mul3A_250 = arith.muli %while3A_141, %mul3A_249 : i32
            %add3A_251 = arith.constant 1 : i32
            %add3A_252 = arith.addi %mul3A_250, %add3A_251 : i32
            %get3A_253 = arith.index_cast %add3A_252 : i32 to index
            %get3A_254 = arith.constant 0 : index
            %get3A_255 = tpu.vector_load %arg13[%get3A_253, %get3A_254] {strides = array<i32>} : memref<32x128xf32, #tpu.memory_space<vmem>>, vector<16xf32>,
            %get3A_256 = arith.index_cast %squeeze3A_248 : i32 to index
            %get3A_257 = arith.constant 0 : index
            %get3A_258 = tpu.vector_load %arg14[%get3A_256, %get3A_257] {strides = array<i32>} : memref<328x128xf32, #tpu.memory_space<vmem>>, vector<16xf32>,
            %max3A_259 = arith.maximumf %get3A_258, %get3A_255 : vector<16xf32>
            %swap3A_260 = arith.index_cast %squeeze3A_248 : i32 to index
            %swap3A_261 = arith.constant 0 : index
            %swap3A_262 = tpu.vector_load %arg14[%swap3A_260, %swap3A_261] {strides = array<i32>} : memref<328x128xf32, #tpu.memory_space<vmem>>, vector<16xf32>,
            tpu.vector_store %arg14[%swap3A_260, %swap3A_261], %max3A_259 {strides = array<i32>} : memref<328x128xf32, #tpu.memory_space<vmem>>, vector<16xf32>,
            %get3A_263 = arith.index_cast %add3A_252 : i32 to index
            %get3A_264 = arith.constant 16 : index
            %get3A_265 = tpu.vector_load %arg13[%get3A_263, %get3A_264] {strides = array<i32>} : memref<32x128xf32, #tpu.memory_space<vmem>>, vector<16xf32>,
            %get3A_266 = arith.index_cast %squeeze3A_248 : i32 to index
            %get3A_267 = arith.constant 16 : index
            %get3A_268 = tpu.vector_load %arg14[%get3A_266, %get3A_267] {strides = array<i32>} : memref<328x128xf32, #tpu.memory_space<vmem>>, vector<16xf32>,
            %max3A_269 = arith.maximumf %get3A_268, %get3A_265 : vector<16xf32>
            %swap3A_270 = arith.index_cast %squeeze3A_248 : i32 to index
            %swap3A_271 = arith.constant 16 : index
            %swap3A_272 = tpu.vector_load %arg14[%swap3A_270, %swap3A_271] {strides = array<i32>} : memref<328x128xf32, #tpu.memory_space<vmem>>, vector<16xf32>,
            tpu.vector_store %arg14[%swap3A_270, %swap3A_271], %max3A_269 {strides = array<i32>} : memref<328x128xf32, #tpu.memory_space<vmem>>, vector<16xf32>,
            %get3A_273 = arith.index_cast %add3A_252 : i32 to index
            %get3A_274 = arith.constant 32 : index
            %get3A_275 = tpu.vector_load %arg13[%get3A_273, %get3A_274] {strides = array<i32>} : memref<32x128xf32, #tpu.memory_space<vmem>>, vector<16xf32>,
            %get3A_276 = arith.index_cast %squeeze3A_248 : i32 to index
            %get3A_277 = arith.constant 32 : index
            %get3A_278 = tpu.vector_load %arg14[%get3A_276, %get3A_277] {strides = array<i32>} : memref<328x128xf32, #tpu.memory_space<vmem>>, vector<16xf32>,
            %max3A_279 = arith.maximumf %get3A_278, %get3A_275 : vector<16xf32>
            %swap3A_280 = arith.index_cast %squeeze3A_248 : i32 to index
            %swap3A_281 = arith.constant 32 : index
            %swap3A_282 = tpu.vector_load %arg14[%swap3A_280, %swap3A_281] {strides = array<i32>} : memref<328x128xf32, #tpu.memory_space<vmem>>, vector<16xf32>,
            tpu.vector_store %arg14[%swap3A_280, %swap3A_281], %max3A_279 {strides = array<i32>} : memref<328x128xf32, #tpu.memory_space<vmem>>, vector<16xf32>,
            %get3A_283 = arith.index_cast %add3A_252 : i32 to index
            %get3A_284 = arith.constant 48 : index
            %get3A_285 = tpu.vector_load %arg13[%get3A_283, %get3A_284] {strides = array<i32>} : memref<32x128xf32, #tpu.memory_space<vmem>>, vector<16xf32>,
            %get3A_286 = arith.index_cast %squeeze3A_248 : i32 to index
            %get3A_287 = arith.constant 48 : index
            %get3A_288 = tpu.vector_load %arg14[%get3A_286, %get3A_287] {strides = array<i32>} : memref<328x128xf32, #tpu.memory_space<vmem>>, vector<16xf32>,
            %max3A_289 = arith.maximumf %get3A_288, %get3A_285 : vector<16xf32>
            %swap3A_290 = arith.index_cast %squeeze3A_248 : i32 to index
            %swap3A_291 = arith.constant 48 : index
            %swap3A_292 = tpu.vector_load %arg14[%swap3A_290, %swap3A_291] {strides = array<i32>} : memref<328x128xf32, #tpu.memory_space<vmem>>, vector<16xf32>,
            tpu.vector_store %arg14[%swap3A_290, %swap3A_291], %max3A_289 {strides = array<i32>} : memref<328x128xf32, #tpu.memory_space<vmem>>, vector<16xf32>,
            %get3A_293 = arith.index_cast %add3A_252 : i32 to index
            %get3A_294 = arith.constant 64 : index
            %get3A_295 = tpu.vector_load %arg13[%get3A_293, %get3A_294] {strides = array<i32>} : memref<32x128xf32, #tpu.memory_space<vmem>>, vector<16xf32>,
            %get3A_296 = arith.index_cast %squeeze3A_248 : i32 to index
            %get3A_297 = arith.constant 64 : index
            %get3A_298 = tpu.vector_load %arg14[%get3A_296, %get3A_297] {strides = array<i32>} : memref<328x128xf32, #tpu.memory_space<vmem>>, vector<16xf32>,
            %max3A_299 = arith.maximumf %get3A_298, %get3A_295 : vector<16xf32>
            %swap3A_300 = arith.index_cast %squeeze3A_248 : i32 to index
            %swap3A_301 = arith.constant 64 : index
            %swap3A_302 = tpu.vector_load %arg14[%swap3A_300, %swap3A_301] {strides = array<i32>} : memref<328x128xf32, #tpu.memory_space<vmem>>, vector<16xf32>,
            tpu.vector_store %arg14[%swap3A_300, %swap3A_301], %max3A_299 {strides = array<i32>} : memref<328x128xf32, #tpu.memory_space<vmem>>, vector<16xf32>,
            %get3A_303 = arith.index_cast %add3A_252 : i32 to index
            %get3A_304 = arith.constant 80 : index
            %get3A_305 = tpu.vector_load %arg13[%get3A_303, %get3A_304] {strides = array<i32>} : memref<32x128xf32, #tpu.memory_space<vmem>>, vector<16xf32>,
            %get3A_306 = arith.index_cast %squeeze3A_248 : i32 to index
            %get3A_307 = arith.constant 80 : index
            %get3A_308 = tpu.vector_load %arg14[%get3A_306, %get3A_307] {strides = array<i32>} : memref<328x128xf32, #tpu.memory_space<vmem>>, vector<16xf32>,
            %max3A_309 = arith.maximumf %get3A_308, %get3A_305 : vector<16xf32>
            %swap3A_310 = arith.index_cast %squeeze3A_248 : i32 to index
            %swap3A_311 = arith.constant 80 : index
            %swap3A_312 = tpu.vector_load %arg14[%swap3A_310, %swap3A_311] {strides = array<i32>} : memref<328x128xf32, #tpu.memory_space<vmem>>, vector<16xf32>,
            tpu.vector_store %arg14[%swap3A_310, %swap3A_311], %max3A_309 {strides = array<i32>} : memref<328x128xf32, #tpu.memory_space<vmem>>, vector<16xf32>,
            %get3A_313 = arith.index_cast %add3A_252 : i32 to index
            %get3A_314 = arith.constant 96 : index
            %get3A_315 = tpu.vector_load %arg13[%get3A_313, %get3A_314] {strides = array<i32>} : memref<32x128xf32, #tpu.memory_space<vmem>>, vector<16xf32>,
            %get3A_316 = arith.index_cast %squeeze3A_248 : i32 to index
            %get3A_317 = arith.constant 96 : index
            %get3A_318 = tpu.vector_load %arg14[%get3A_316, %get3A_317] {strides = array<i32>} : memref<328x128xf32, #tpu.memory_space<vmem>>, vector<16xf32>,
            %max3A_319 = arith.maximumf %get3A_318, %get3A_315 : vector<16xf32>
            %swap3A_320 = arith.index_cast %squeeze3A_248 : i32 to index
            %swap3A_321 = arith.constant 96 : index
            %swap3A_322 = tpu.vector_load %arg14[%swap3A_320, %swap3A_321] {strides = array<i32>} : memref<328x128xf32, #tpu.memory_space<vmem>>, vector<16xf32>,
            tpu.vector_store %arg14[%swap3A_320, %swap3A_321], %max3A_319 {strides = array<i32>} : memref<328x128xf32, #tpu.memory_space<vmem>>, vector<16xf32>,
            %get3A_323 = arith.index_cast %add3A_252 : i32 to index
            %get3A_324 = arith.constant 112 : index
            %get3A_325 = tpu.vector_load %arg13[%get3A_323, %get3A_324] {strides = array<i32>} : memref<32x128xf32, #tpu.memory_space<vmem>>, vector<16xf32>,
            %get3A_326 = arith.index_cast %squeeze3A_248 : i32 to index
            %get3A_327 = arith.constant 112 : index
            %get3A_328 = tpu.vector_load %arg14[%get3A_326, %get3A_327] {strides = array<i32>} : memref<328x128xf32, #tpu.memory_space<vmem>>, vector<16xf32>,
            %max3A_329 = arith.maximumf %get3A_328, %get3A_325 : vector<16xf32>
            %swap3A_330 = arith.index_cast %squeeze3A_248 : i32 to index
            %swap3A_331 = arith.constant 112 : index
            %swap3A_332 = tpu.vector_load %arg14[%swap3A_330, %swap3A_331] {strides = array<i32>} : memref<328x128xf32, #tpu.memory_space<vmem>>, vector<16xf32>,
            tpu.vector_store %arg14[%swap3A_330, %swap3A_331], %max3A_329 {strides = array<i32>} : memref<328x128xf32, #tpu.memory_space<vmem>>, vector<16xf32>,
            %shift_right_logical3A_333 = arith.constant 4 : i32
            %shift_right_logical3A_334 = arith.shrui %squeeze3A_248, %shift_right_logical3A_333 : i32
            %and3A_335 = arith.constant 15 : i32
            %and3A_336 = arith.andi %squeeze3A_248, %and3A_335 : i32
            %eq3A_337 = vector.broadcast %and3A_336 : i32 to vector<16xi32>
            %eq3A_338 = arith.cmpi eq, %iota3A, %eq3A_337 : vector<16xi32>
            %jit3A_339 = arith.constant 1.000000e+00 : f32
            %jit3A_340 = arith.constant 0.000000e+00 : f32
            %broadcast_in_dim3A_341 = vector.broadcast %jit3A_339 : f32 to vector<16xf32>
            %broadcast_in_dim3A_342 = vector.broadcast %jit3A_340 : f32 to vector<16xf32>
            %select_n3A_343 = arith.select %eq3A_338, %broadcast_in_dim3A_341, %broadcast_in_dim3A_342 : vector<16xi1>, vector<16xf32>
            %get3A_344 = arith.index_cast %shift_right_logical3A_334 : i32 to index
            %get3A_345 = arith.constant 0 : index
            %get3A_346 = tpu.vector_load %arg15[%get3A_344, %get3A_345] {strides = array<i32>} : memref<24x16xf32, #tpu.memory_space<vmem>>, vector<16xf32>,
            %add3A_347 = arith.addf %get3A_346, %select_n3A_343 : vector<16xf32>
            %swap3A_348 = arith.index_cast %shift_right_logical3A_334 : i32 to index
            %swap3A_349 = arith.constant 0 : index
            %swap3A_350 = tpu.vector_load %arg15[%swap3A_348, %swap3A_349] {strides = array<i32>} : memref<24x16xf32, #tpu.memory_space<vmem>>, vector<16xf32>,
            tpu.vector_store %arg15[%swap3A_348, %swap3A_349], %add3A_347 {strides = array<i32>} : memref<24x16xf32, #tpu.memory_space<vmem>>, vector<16xf32>,
            %slice3A_351 = vector.extract_strided_slice %get3A_148 {offsets = [2], sizes = [1], strides = [1]} : vector<16xi32> to vector<1xi32>
            %squeeze3A_352 = vector.extract %slice3A_351[0] : i32 from vector<1xi32>
            %mul3A_353 = arith.constant 16 : i32
            %mul3A_354 = arith.muli %while3A_141, %mul3A_353 : i32
            %add3A_355 = arith.constant 2 : i32
            %add3A_356 = arith.addi %mul3A_354, %add3A_355 : i32
            %get3A_357 = arith.index_cast %add3A_356 : i32 to index
            %get3A_358 = arith.constant 0 : index
            %get3A_359 = tpu.vector_load %arg13[%get3A_357, %get3A_358] {strides = array<i32>} : memref<32x128xf32, #tpu.memory_space<vmem>>, vector<16xf32>,
            %get3A_360 = arith.index_cast %squeeze3A_352 : i32 to index
            %get3A_361 = arith.constant 0 : index
            %get3A_362 = tpu.vector_load %arg14[%get3A_360, %get3A_361] {strides = array<i32>} : memref<328x128xf32, #tpu.memory_space<vmem>>, vector<16xf32>,
            %max3A_363 = arith.maximumf %get3A_362, %get3A_359 : vector<16xf32>
            %swap3A_364 = arith.index_cast %squeeze3A_352 : i32 to index
            %swap3A_365 = arith.constant 0 : index
            %swap3A_366 = tpu.vector_load %arg14[%swap3A_364, %swap3A_365] {strides = array<i32>} : memref<328x128xf32, #tpu.memory_space<vmem>>, vector<16xf32>,
            tpu.vector_store %arg14[%swap3A_364, %swap3A_365], %max3A_363 {strides = array<i32>} : memref<328x128xf32, #tpu.memory_space<vmem>>, vector<16xf32>,
            %get3A_367 = arith.index_cast %add3A_356 : i32 to index
            %get3A_368 = arith.constant 16 : index
            %get3A_369 = tpu.vector_load %arg13[%get3A_367, %get3A_368] {strides = array<i32>} : memref<32x128xf32, #tpu.memory_space<vmem>>, vector<16xf32>,
            %get3A_370 = arith.index_cast %squeeze3A_352 : i32 to index
            %get3A_371 = arith.constant 16 : index
            %get3A_372 = tpu.vector_load %arg14[%get3A_370, %get3A_371] {strides = array<i32>} : memref<328x128xf32, #tpu.memory_space<vmem>>, vector<16xf32>,
            %max3A_373 = arith.maximumf %get3A_372, %get3A_369 : vector<16xf32>
            %swap3A_374 = arith.index_cast %squeeze3A_352 : i32 to index
            %swap3A_375 = arith.constant 16 : index
            %swap3A_376 = tpu.vector_load %arg14[%swap3A_374, %swap3A_375] {strides = array<i32>} : memref<328x128xf32, #tpu.memory_space<vmem>>, vector<16xf32>,
            tpu.vector_store %arg14[%swap3A_374, %swap3A_375], %max3A_373 {strides = array<i32>} : memref<328x128xf32, #tpu.memory_space<vmem>>, vector<16xf32>,
            %get3A_377 = arith.index_cast %add3A_356 : i32 to index
            %get3A_378 = arith.constant 32 : index
            %get3A_379 = tpu.vector_load %arg13[%get3A_377, %get3A_378] {strides = array<i32>} : memref<32x128xf32, #tpu.memory_space<vmem>>, vector<16xf32>,
            %get3A_380 = arith.index_cast %squeeze3A_352 : i32 to index
            %get3A_381 = arith.constant 32 : index
            %get3A_382 = tpu.vector_load %arg14[%get3A_380, %get3A_381] {strides = array<i32>} : memref<328x128xf32, #tpu.memory_space<vmem>>, vector<16xf32>,
            %max3A_383 = arith.maximumf %get3A_382, %get3A_379 : vector<16xf32>
            %swap3A_384 = arith.index_cast %squeeze3A_352 : i32 to index
            %swap3A_385 = arith.constant 32 : index
            %swap3A_386 = tpu.vector_load %arg14[%swap3A_384, %swap3A_385] {strides = array<i32>} : memref<328x128xf32, #tpu.memory_space<vmem>>, vector<16xf32>,
            tpu.vector_store %arg14[%swap3A_384, %swap3A_385], %max3A_383 {strides = array<i32>} : memref<328x128xf32, #tpu.memory_space<vmem>>, vector<16xf32>,
            %get3A_387 = arith.index_cast %add3A_356 : i32 to index
            %get3A_388 = arith.constant 48 : index
            %get3A_389 = tpu.vector_load %arg13[%get3A_387, %get3A_388] {strides = array<i32>} : memref<32x128xf32, #tpu.memory_space<vmem>>, vector<16xf32>,
            %get3A_390 = arith.index_cast %squeeze3A_352 : i32 to index
            %get3A_391 = arith.constant 48 : index
            %get3A_392 = tpu.vector_load %arg14[%get3A_390, %get3A_391] {strides = array<i32>} : memref<328x128xf32, #tpu.memory_space<vmem>>, vector<16xf32>,
            %max3A_393 = arith.maximumf %get3A_392, %get3A_389 : vector<16xf32>
            %swap3A_394 = arith.index_cast %squeeze3A_352 : i32 to index
            %swap3A_395 = arith.constant 48 : index
            %swap3A_396 = tpu.vector_load %arg14[%swap3A_394, %swap3A_395] {strides = array<i32>} : memref<328x128xf32, #tpu.memory_space<vmem>>, vector<16xf32>,
            tpu.vector_store %arg14[%swap3A_394, %swap3A_395], %max3A_393 {strides = array<i32>} : memref<328x128xf32, #tpu.memory_space<vmem>>, vector<16xf32>,
            %get3A_397 = arith.index_cast %add3A_356 : i32 to index
            %get3A_398 = arith.constant 64 : index
            %get3A_399 = tpu.vector_load %arg13[%get3A_397, %get3A_398] {strides = array<i32>} : memref<32x128xf32, #tpu.memory_space<vmem>>, vector<16xf32>,
            %get3A_400 = arith.index_cast %squeeze3A_352 : i32 to index
            %get3A_401 = arith.constant 64 : index
            %get3A_402 = tpu.vector_load %arg14[%get3A_400, %get3A_401] {strides = array<i32>} : memref<328x128xf32, #tpu.memory_space<vmem>>, vector<16xf32>,
            %max3A_403 = arith.maximumf %get3A_402, %get3A_399 : vector<16xf32>
            %swap3A_404 = arith.index_cast %squeeze3A_352 : i32 to index
            %swap3A_405 = arith.constant 64 : index
            %swap3A_406 = tpu.vector_load %arg14[%swap3A_404, %swap3A_405] {strides = array<i32>} : memref<328x128xf32, #tpu.memory_space<vmem>>, vector<16xf32>,
            tpu.vector_store %arg14[%swap3A_404, %swap3A_405], %max3A_403 {strides = array<i32>} : memref<328x128xf32, #tpu.memory_space<vmem>>, vector<16xf32>,
            %get3A_407 = arith.index_cast %add3A_356 : i32 to index
            %get3A_408 = arith.constant 80 : index
            %get3A_409 = tpu.vector_load %arg13[%get3A_407, %get3A_408] {strides = array<i32>} : memref<32x128xf32, #tpu.memory_space<vmem>>, vector<16xf32>,
            %get3A_410 = arith.index_cast %squeeze3A_352 : i32 to index
            %get3A_411 = arith.constant 80 : index
            %get3A_412 = tpu.vector_load %arg14[%get3A_410, %get3A_411] {strides = array<i32>} : memref<328x128xf32, #tpu.memory_space<vmem>>, vector<16xf32>,
            %max3A_413 = arith.maximumf %get3A_412, %get3A_409 : vector<16xf32>
            %swap3A_414 = arith.index_cast %squeeze3A_352 : i32 to index
            %swap3A_415 = arith.constant 80 : index
            %swap3A_416 = tpu.vector_load %arg14[%swap3A_414, %swap3A_415] {strides = array<i32>} : memref<328x128xf32, #tpu.memory_space<vmem>>, vector<16xf32>,
            tpu.vector_store %arg14[%swap3A_414, %swap3A_415], %max3A_413 {strides = array<i32>} : memref<328x128xf32, #tpu.memory_space<vmem>>, vector<16xf32>,
            %get3A_417 = arith.index_cast %add3A_356 : i32 to index
            %get3A_418 = arith.constant 96 : index
            %get3A_419 = tpu.vector_load %arg13[%get3A_417, %get3A_418] {strides = array<i32>} : memref<32x128xf32, #tpu.memory_space<vmem>>, vector<16xf32>,
            %get3A_420 = arith.index_cast %squeeze3A_352 : i32 to index
            %get3A_421 = arith.constant 96 : index
            %get3A_422 = tpu.vector_load %arg14[%get3A_420, %get3A_421] {strides = array<i32>} : memref<328x128xf32, #tpu.memory_space<vmem>>, vector<16xf32>,
            %max3A_423 = arith.maximumf %get3A_422, %get3A_419 : vector<16xf32>
            %swap3A_424 = arith.index_cast %squeeze3A_352 : i32 to index
            %swap3A_425 = arith.constant 96 : index
            %swap3A_426 = tpu.vector_load %arg14[%swap3A_424, %swap3A_425] {strides = array<i32>} : memref<328x128xf32, #tpu.memory_space<vmem>>, vector<16xf32>,
            tpu.vector_store %arg14[%swap3A_424, %swap3A_425], %max3A_423 {strides = array<i32>} : memref<328x128xf32, #tpu.memory_space<vmem>>, vector<16xf32>,
            %get3A_427 = arith.index_cast %add3A_356 : i32 to index
            %get3A_428 = arith.constant 112 : index
            %get3A_429 = tpu.vector_load %arg13[%get3A_427, %get3A_428] {strides = array<i32>} : memref<32x128xf32, #tpu.memory_space<vmem>>, vector<16xf32>,
            %get3A_430 = arith.index_cast %squeeze3A_352 : i32 to index
            %get3A_431 = arith.constant 112 : index
            %get3A_432 = tpu.vector_load %arg14[%get3A_430, %get3A_431] {strides = array<i32>} : memref<328x128xf32, #tpu.memory_space<vmem>>, vector<16xf32>,
            %max3A_433 = arith.maximumf %get3A_432, %get3A_429 : vector<16xf32>
            %swap3A_434 = arith.index_cast %squeeze3A_352 : i32 to index
            %swap3A_435 = arith.constant 112 : index
            %swap3A_436 = tpu.vector_load %arg14[%swap3A_434, %swap3A_435] {strides = array<i32>} : memref<328x128xf32, #tpu.memory_space<vmem>>, vector<16xf32>,
            tpu.vector_store %arg14[%swap3A_434, %swap3A_435], %max3A_433 {strides = array<i32>} : memref<328x128xf32, #tpu.memory_space<vmem>>, vector<16xf32>,
            %shift_right_logical3A_437 = arith.constant 4 : i32
            %shift_right_logical3A_438 = arith.shrui %squeeze3A_352, %shift_right_logical3A_437 : i32
            %and3A_439 = arith.constant 15 : i32
            %and3A_440 = arith.andi %squeeze3A_352, %and3A_439 : i32
            %eq3A_441 = vector.broadcast %and3A_440 : i32 to vector<16xi32>
            %eq3A_442 = arith.cmpi eq, %iota3A, %eq3A_441 : vector<16xi32>
            %jit3A_443 = arith.constant 1.000000e+00 : f32
            %jit3A_444 = arith.constant 0.000000e+00 : f32
            %broadcast_in_dim3A_445 = vector.broadcast %jit3A_443 : f32 to vector<16xf32>
            %broadcast_in_dim3A_446 = vector.broadcast %jit3A_444 : f32 to vector<16xf32>
            %select_n3A_447 = arith.select %eq3A_442, %broadcast_in_dim3A_445, %broadcast_in_dim3A_446 : vector<16xi1>, vector<16xf32>
            %get3A_448 = arith.index_cast %shift_right_logical3A_438 : i32 to index
            %get3A_449 = arith.constant 0 : index
            %get3A_450 = tpu.vector_load %arg15[%get3A_448, %get3A_449] {strides = array<i32>} : memref<24x16xf32, #tpu.memory_space<vmem>>, vector<16xf32>,
            %add3A_451 = arith.addf %get3A_450, %select_n3A_447 : vector<16xf32>
            %swap3A_452 = arith.index_cast %shift_right_logical3A_438 : i32 to index
            %swap3A_453 = arith.constant 0 : index
            %swap3A_454 = tpu.vector_load %arg15[%swap3A_452, %swap3A_453] {strides = array<i32>} : memref<24x16xf32, #tpu.memory_space<vmem>>, vector<16xf32>,
            tpu.vector_store %arg15[%swap3A_452, %swap3A_453], %add3A_451 {strides = array<i32>} : memref<24x16xf32, #tpu.memory_space<vmem>>, vector<16xf32>,
            %slice3A_455 = vector.extract_strided_slice %get3A_148 {offsets = [3], sizes = [1], strides = [1]} : vector<16xi32> to vector<1xi32>
            %squeeze3A_456 = vector.extract %slice3A_455[0] : i32 from vector<1xi32>
            %mul3A_457 = arith.constant 16 : i32
            %mul3A_458 = arith.muli %while3A_141, %mul3A_457 : i32
            %add3A_459 = arith.constant 3 : i32
            %add3A_460 = arith.addi %mul3A_458, %add3A_459 : i32
            %get3A_461 = arith.index_cast %add3A_460 : i32 to index
            %get3A_462 = arith.constant 0 : index
            %get3A_463 = tpu.vector_load %arg13[%get3A_461, %get3A_462] {strides = array<i32>} : memref<32x128xf32, #tpu.memory_space<vmem>>, vector<16xf32>,
            %get3A_464 = arith.index_cast %squeeze3A_456 : i32 to index
            %get3A_465 = arith.constant 0 : index
            %get3A_466 = tpu.vector_load %arg14[%get3A_464, %get3A_465] {strides = array<i32>} : memref<328x128xf32, #tpu.memory_space<vmem>>, vector<16xf32>,
            %max3A_467 = arith.maximumf %get3A_466, %get3A_463 : vector<16xf32>
            %swap3A_468 = arith.index_cast %squeeze3A_456 : i32 to index
            %swap3A_469 = arith.constant 0 : index
            %swap3A_470 = tpu.vector_load %arg14[%swap3A_468, %swap3A_469] {strides = array<i32>} : memref<328x128xf32, #tpu.memory_space<vmem>>, vector<16xf32>,
            tpu.vector_store %arg14[%swap3A_468, %swap3A_469], %max3A_467 {strides = array<i32>} : memref<328x128xf32, #tpu.memory_space<vmem>>, vector<16xf32>,
            %get3A_471 = arith.index_cast %add3A_460 : i32 to index
            %get3A_472 = arith.constant 16 : index
            %get3A_473 = tpu.vector_load %arg13[%get3A_471, %get3A_472] {strides = array<i32>} : memref<32x128xf32, #tpu.memory_space<vmem>>, vector<16xf32>,
            %get3A_474 = arith.index_cast %squeeze3A_456 : i32 to index
            %get3A_475 = arith.constant 16 : index
            %get3A_476 = tpu.vector_load %arg14[%get3A_474, %get3A_475] {strides = array<i32>} : memref<328x128xf32, #tpu.memory_space<vmem>>, vector<16xf32>,
            %max3A_477 = arith.maximumf %get3A_476, %get3A_473 : vector<16xf32>
            %swap3A_478 = arith.index_cast %squeeze3A_456 : i32 to index
            %swap3A_479 = arith.constant 16 : index
            %swap3A_480 = tpu.vector_load %arg14[%swap3A_478, %swap3A_479] {strides = array<i32>} : memref<328x128xf32, #tpu.memory_space<vmem>>, vector<16xf32>,
            tpu.vector_store %arg14[%swap3A_478, %swap3A_479], %max3A_477 {strides = array<i32>} : memref<328x128xf32, #tpu.memory_space<vmem>>, vector<16xf32>,
            %get3A_481 = arith.index_cast %add3A_460 : i32 to index
            %get3A_482 = arith.constant 32 : index
            %get3A_483 = tpu.vector_load %arg13[%get3A_481, %get3A_482] {strides = array<i32>} : memref<32x128xf32, #tpu.memory_space<vmem>>, vector<16xf32>,
            %get3A_484 = arith.index_cast %squeeze3A_456 : i32 to index
            %get3A_485 = arith.constant 32 : index
            %get3A_486 = tpu.vector_load %arg14[%get3A_484, %get3A_485] {strides = array<i32>} : memref<328x128xf32, #tpu.memory_space<vmem>>, vector<16xf32>,
            %max3A_487 = arith.maximumf %get3A_486, %get3A_483 : vector<16xf32>
            %swap3A_488 = arith.index_cast %squeeze3A_456 : i32 to index
            %swap3A_489 = arith.constant 32 : index
            %swap3A_490 = tpu.vector_load %arg14[%swap3A_488, %swap3A_489] {strides = array<i32>} : memref<328x128xf32, #tpu.memory_space<vmem>>, vector<16xf32>,
            tpu.vector_store %arg14[%swap3A_488, %swap3A_489], %max3A_487 {strides = array<i32>} : memref<328x128xf32, #tpu.memory_space<vmem>>, vector<16xf32>,
            %get3A_491 = arith.index_cast %add3A_460 : i32 to index
            %get3A_492 = arith.constant 48 : index
            %get3A_493 = tpu.vector_load %arg13[%get3A_491, %get3A_492] {strides = array<i32>} : memref<32x128xf32, #tpu.memory_space<vmem>>, vector<16xf32>,
            %get3A_494 = arith.index_cast %squeeze3A_456 : i32 to index
            %get3A_495 = arith.constant 48 : index
            %get3A_496 = tpu.vector_load %arg14[%get3A_494, %get3A_495] {strides = array<i32>} : memref<328x128xf32, #tpu.memory_space<vmem>>, vector<16xf32>,
            %max3A_497 = arith.maximumf %get3A_496, %get3A_493 : vector<16xf32>
            %swap3A_498 = arith.index_cast %squeeze3A_456 : i32 to index
            %swap3A_499 = arith.constant 48 : index
            %swap3A_500 = tpu.vector_load %arg14[%swap3A_498, %swap3A_499] {strides = array<i32>} : memref<328x128xf32, #tpu.memory_space<vmem>>, vector<16xf32>,
            tpu.vector_store %arg14[%swap3A_498, %swap3A_499], %max3A_497 {strides = array<i32>} : memref<328x128xf32, #tpu.memory_space<vmem>>, vector<16xf32>,
            %get3A_501 = arith.index_cast %add3A_460 : i32 to index
            %get3A_502 = arith.constant 64 : index
            %get3A_503 = tpu.vector_load %arg13[%get3A_501, %get3A_502] {strides = array<i32>} : memref<32x128xf32, #tpu.memory_space<vmem>>, vector<16xf32>,
            %get3A_504 = arith.index_cast %squeeze3A_456 : i32 to index
            %get3A_505 = arith.constant 64 : index
            %get3A_506 = tpu.vector_load %arg14[%get3A_504, %get3A_505] {strides = array<i32>} : memref<328x128xf32, #tpu.memory_space<vmem>>, vector<16xf32>,
            %max3A_507 = arith.maximumf %get3A_506, %get3A_503 : vector<16xf32>
            %swap3A_508 = arith.index_cast %squeeze3A_456 : i32 to index
            %swap3A_509 = arith.constant 64 : index
            %swap3A_510 = tpu.vector_load %arg14[%swap3A_508, %swap3A_509] {strides = array<i32>} : memref<328x128xf32, #tpu.memory_space<vmem>>, vector<16xf32>,
            tpu.vector_store %arg14[%swap3A_508, %swap3A_509], %max3A_507 {strides = array<i32>} : memref<328x128xf32, #tpu.memory_space<vmem>>, vector<16xf32>,
            %get3A_511 = arith.index_cast %add3A_460 : i32 to index
            %get3A_512 = arith.constant 80 : index
            %get3A_513 = tpu.vector_load %arg13[%get3A_511, %get3A_512] {strides = array<i32>} : memref<32x128xf32, #tpu.memory_space<vmem>>, vector<16xf32>,
            %get3A_514 = arith.index_cast %squeeze3A_456 : i32 to index
            %get3A_515 = arith.constant 80 : index
            %get3A_516 = tpu.vector_load %arg14[%get3A_514, %get3A_515] {strides = array<i32>} : memref<328x128xf32, #tpu.memory_space<vmem>>, vector<16xf32>,
            %max3A_517 = arith.maximumf %get3A_516, %get3A_513 : vector<16xf32>
            %swap3A_518 = arith.index_cast %squeeze3A_456 : i32 to index
            %swap3A_519 = arith.constant 80 : index
            %swap3A_520 = tpu.vector_load %arg14[%swap3A_518, %swap3A_519] {strides = array<i32>} : memref<328x128xf32, #tpu.memory_space<vmem>>, vector<16xf32>,
            tpu.vector_store %arg14[%swap3A_518, %swap3A_519], %max3A_517 {strides = array<i32>} : memref<328x128xf32, #tpu.memory_space<vmem>>, vector<16xf32>,
            %get3A_521 = arith.index_cast %add3A_460 : i32 to index
            %get3A_522 = arith.constant 96 : index
            %get3A_523 = tpu.vector_load %arg13[%get3A_521, %get3A_522] {strides = array<i32>} : memref<32x128xf32, #tpu.memory_space<vmem>>, vector<16xf32>,
            %get3A_524 = arith.index_cast %squeeze3A_456 : i32 to index
            %get3A_525 = arith.constant 96 : index
            %get3A_526 = tpu.vector_load %arg14[%get3A_524, %get3A_525] {strides = array<i32>} : memref<328x128xf32, #tpu.memory_space<vmem>>, vector<16xf32>,
            %max3A_527 = arith.maximumf %get3A_526, %get3A_523 : vector<16xf32>
            %swap3A_528 = arith.index_cast %squeeze3A_456 : i32 to index
            %swap3A_529 = arith.constant 96 : index
            %swap3A_530 = tpu.vector_load %arg14[%swap3A_528, %swap3A_529] {strides = array<i32>} : memref<328x128xf32, #tpu.memory_space<vmem>>, vector<16xf32>,
            tpu.vector_store %arg14[%swap3A_528, %swap3A_529], %max3A_527 {strides = array<i32>} : memref<328x128xf32, #tpu.memory_space<vmem>>, vector<16xf32>,
            %get3A_531 = arith.index_cast %add3A_460 : i32 to index
            %get3A_532 = arith.constant 112 : index
            %get3A_533 = tpu.vector_load %arg13[%get3A_531, %get3A_532] {strides = array<i32>} : memref<32x128xf32, #tpu.memory_space<vmem>>, vector<16xf32>,
            %get3A_534 = arith.index_cast %squeeze3A_456 : i32 to index
            %get3A_535 = arith.constant 112 : index
            %get3A_536 = tpu.vector_load %arg14[%get3A_534, %get3A_535] {strides = array<i32>} : memref<328x128xf32, #tpu.memory_space<vmem>>, vector<16xf32>,
            %max3A_537 = arith.maximumf %get3A_536, %get3A_533 : vector<16xf32>
            %swap3A_538 = arith.index_cast %squeeze3A_456 : i32 to index
            %swap3A_539 = arith.constant 112 : index
            %swap3A_540 = tpu.vector_load %arg14[%swap3A_538, %swap3A_539] {strides = array<i32>} : memref<328x128xf32, #tpu.memory_space<vmem>>, vector<16xf32>,
            tpu.vector_store %arg14[%swap3A_538, %swap3A_539], %max3A_537 {strides = array<i32>} : memref<328x128xf32, #tpu.memory_space<vmem>>, vector<16xf32>,
            %shift_right_logical3A_541 = arith.constant 4 : i32
            %shift_right_logical3A_542 = arith.shrui %squeeze3A_456, %shift_right_logical3A_541 : i32
            %and3A_543 = arith.constant 15 : i32
            %and3A_544 = arith.andi %squeeze3A_456, %and3A_543 : i32
            %eq3A_545 = vector.broadcast %and3A_544 : i32 to vector<16xi32>
            %eq3A_546 = arith.cmpi eq, %iota3A, %eq3A_545 : vector<16xi32>
            %jit3A_547 = arith.constant 1.000000e+00 : f32
            %jit3A_548 = arith.constant 0.000000e+00 : f32
            %broadcast_in_dim3A_549 = vector.broadcast %jit3A_547 : f32 to vector<16xf32>
            %broadcast_in_dim3A_550 = vector.broadcast %jit3A_548 : f32 to vector<16xf32>
            %select_n3A_551 = arith.select %eq3A_546, %broadcast_in_dim3A_549, %broadcast_in_dim3A_550 : vector<16xi1>, vector<16xf32>
            %get3A_552 = arith.index_cast %shift_right_logical3A_542 : i32 to index
            %get3A_553 = arith.constant 0 : index
            %get3A_554 = tpu.vector_load %arg15[%get3A_552, %get3A_553] {strides = array<i32>} : memref<24x16xf32, #tpu.memory_space<vmem>>, vector<16xf32>,
            %add3A_555 = arith.addf %get3A_554, %select_n3A_551 : vector<16xf32>
            %swap3A_556 = arith.index_cast %shift_right_logical3A_542 : i32 to index
            %swap3A_557 = arith.constant 0 : index
            %swap3A_558 = tpu.vector_load %arg15[%swap3A_556, %swap3A_557] {strides = array<i32>} : memref<24x16xf32, #tpu.memory_space<vmem>>, vector<16xf32>,
            tpu.vector_store %arg15[%swap3A_556, %swap3A_557], %add3A_555 {strides = array<i32>} : memref<24x16xf32, #tpu.memory_space<vmem>>, vector<16xf32>,
            %slice3A_559 = vector.extract_strided_slice %get3A_148 {offsets = [4], sizes = [1], strides = [1]} : vector<16xi32> to vector<1xi32>
            %squeeze3A_560 = vector.extract %slice3A_559[0] : i32 from vector<1xi32>
            %mul3A_561 = arith.constant 16 : i32
            %mul3A_562 = arith.muli %while3A_141, %mul3A_561 : i32
            %add3A_563 = arith.constant 4 : i32
            %add3A_564 = arith.addi %mul3A_562, %add3A_563 : i32
            %get3A_565 = arith.index_cast %add3A_564 : i32 to index
            %get3A_566 = arith.constant 0 : index
            %get3A_567 = tpu.vector_load %arg13[%get3A_565, %get3A_566] {strides = array<i32>} : memref<32x128xf32, #tpu.memory_space<vmem>>, vector<16xf32>,
            %get3A_568 = arith.index_cast %squeeze3A_560 : i32 to index
            %get3A_569 = arith.constant 0 : index
            %get3A_570 = tpu.vector_load %arg14[%get3A_568, %get3A_569] {strides = array<i32>} : memref<328x128xf32, #tpu.memory_space<vmem>>, vector<16xf32>,
            %max3A_571 = arith.maximumf %get3A_570, %get3A_567 : vector<16xf32>
            %swap3A_572 = arith.index_cast %squeeze3A_560 : i32 to index
            %swap3A_573 = arith.constant 0 : index
            %swap3A_574 = tpu.vector_load %arg14[%swap3A_572, %swap3A_573] {strides = array<i32>} : memref<328x128xf32, #tpu.memory_space<vmem>>, vector<16xf32>,
            tpu.vector_store %arg14[%swap3A_572, %swap3A_573], %max3A_571 {strides = array<i32>} : memref<328x128xf32, #tpu.memory_space<vmem>>, vector<16xf32>,
            %get3A_575 = arith.index_cast %add3A_564 : i32 to index
            %get3A_576 = arith.constant 16 : index
            %get3A_577 = tpu.vector_load %arg13[%get3A_575, %get3A_576] {strides = array<i32>} : memref<32x128xf32, #tpu.memory_space<vmem>>, vector<16xf32>,
            %get3A_578 = arith.index_cast %squeeze3A_560 : i32 to index
            %get3A_579 = arith.constant 16 : index
            %get3A_580 = tpu.vector_load %arg14[%get3A_578, %get3A_579] {strides = array<i32>} : memref<328x128xf32, #tpu.memory_space<vmem>>, vector<16xf32>,
            %max3A_581 = arith.maximumf %get3A_580, %get3A_577 : vector<16xf32>
            %swap3A_582 = arith.index_cast %squeeze3A_560 : i32 to index
            %swap3A_583 = arith.constant 16 : index
            %swap3A_584 = tpu.vector_load %arg14[%swap3A_582, %swap3A_583] {strides = array<i32>} : memref<328x128xf32, #tpu.memory_space<vmem>>, vector<16xf32>,
            tpu.vector_store %arg14[%swap3A_582, %swap3A_583], %max3A_581 {strides = array<i32>} : memref<328x128xf32, #tpu.memory_space<vmem>>, vector<16xf32>,
            %get3A_585 = arith.index_cast %add3A_564 : i32 to index
            %get3A_586 = arith.constant 32 : index
            %get3A_587 = tpu.vector_load %arg13[%get3A_585, %get3A_586] {strides = array<i32>} : memref<32x128xf32, #tpu.memory_space<vmem>>, vector<16xf32>,
            %get3A_588 = arith.index_cast %squeeze3A_560 : i32 to index
            %get3A_589 = arith.constant 32 : index
            %get3A_590 = tpu.vector_load %arg14[%get3A_588, %get3A_589] {strides = array<i32>} : memref<328x128xf32, #tpu.memory_space<vmem>>, vector<16xf32>,
            %max3A_591 = arith.maximumf %get3A_590, %get3A_587 : vector<16xf32>
            %swap3A_592 = arith.index_cast %squeeze3A_560 : i32 to index
            %swap3A_593 = arith.constant 32 : index
            %swap3A_594 = tpu.vector_load %arg14[%swap3A_592, %swap3A_593] {strides = array<i32>} : memref<328x128xf32, #tpu.memory_space<vmem>>, vector<16xf32>,
            tpu.vector_store %arg14[%swap3A_592, %swap3A_593], %max3A_591 {strides = array<i32>} : memref<328x128xf32, #tpu.memory_space<vmem>>, vector<16xf32>,
            %get3A_595 = arith.index_cast %add3A_564 : i32 to index
            %get3A_596 = arith.constant 48 : index
            %get3A_597 = tpu.vector_load %arg13[%get3A_595, %get3A_596] {strides = array<i32>} : memref<32x128xf32, #tpu.memory_space<vmem>>, vector<16xf32>,
            %get3A_598 = arith.index_cast %squeeze3A_560 : i32 to index
            %get3A_599 = arith.constant 48 : index
            %get3A_600 = tpu.vector_load %arg14[%get3A_598, %get3A_599] {strides = array<i32>} : memref<328x128xf32, #tpu.memory_space<vmem>>, vector<16xf32>,
            %max3A_601 = arith.maximumf %get3A_600, %get3A_597 : vector<16xf32>
            %swap3A_602 = arith.index_cast %squeeze3A_560 : i32 to index
            %swap3A_603 = arith.constant 48 : index
            %swap3A_604 = tpu.vector_load %arg14[%swap3A_602, %swap3A_603] {strides = array<i32>} : memref<328x128xf32, #tpu.memory_space<vmem>>, vector<16xf32>,
            tpu.vector_store %arg14[%swap3A_602, %swap3A_603], %max3A_601 {strides = array<i32>} : memref<328x128xf32, #tpu.memory_space<vmem>>, vector<16xf32>,
            %get3A_605 = arith.index_cast %add3A_564 : i32 to index
            %get3A_606 = arith.constant 64 : index
            %get3A_607 = tpu.vector_load %arg13[%get3A_605, %get3A_606] {strides = array<i32>} : memref<32x128xf32, #tpu.memory_space<vmem>>, vector<16xf32>,
            %get3A_608 = arith.index_cast %squeeze3A_560 : i32 to index
            %get3A_609 = arith.constant 64 : index
            %get3A_610 = tpu.vector_load %arg14[%get3A_608, %get3A_609] {strides = array<i32>} : memref<328x128xf32, #tpu.memory_space<vmem>>, vector<16xf32>,
            %max3A_611 = arith.maximumf %get3A_610, %get3A_607 : vector<16xf32>
            %swap3A_612 = arith.index_cast %squeeze3A_560 : i32 to index
            %swap3A_613 = arith.constant 64 : index
            %swap3A_614 = tpu.vector_load %arg14[%swap3A_612, %swap3A_613] {strides = array<i32>} : memref<328x128xf32, #tpu.memory_space<vmem>>, vector<16xf32>,
            tpu.vector_store %arg14[%swap3A_612, %swap3A_613], %max3A_611 {strides = array<i32>} : memref<328x128xf32, #tpu.memory_space<vmem>>, vector<16xf32>,
            %get3A_615 = arith.index_cast %add3A_564 : i32 to index
            %get3A_616 = arith.constant 80 : index
            %get3A_617 = tpu.vector_load %arg13[%get3A_615, %get3A_616] {strides = array<i32>} : memref<32x128xf32, #tpu.memory_space<vmem>>, vector<16xf32>,
            %get3A_618 = arith.index_cast %squeeze3A_560 : i32 to index
            %get3A_619 = arith.constant 80 : index
            %get3A_620 = tpu.vector_load %arg14[%get3A_618, %get3A_619] {strides = array<i32>} : memref<328x128xf32, #tpu.memory_space<vmem>>, vector<16xf32>,
            %max3A_621 = arith.maximumf %get3A_620, %get3A_617 : vector<16xf32>
            %swap3A_622 = arith.index_cast %squeeze3A_560 : i32 to index
            %swap3A_623 = arith.constant 80 : index
            %swap3A_624 = tpu.vector_load %arg14[%swap3A_622, %swap3A_623] {strides = array<i32>} : memref<328x128xf32, #tpu.memory_space<vmem>>, vector<16xf32>,
            tpu.vector_store %arg14[%swap3A_622, %swap3A_623], %max3A_621 {strides = array<i32>} : memref<328x128xf32, #tpu.memory_space<vmem>>, vector<16xf32>,
            %get3A_625 = arith.index_cast %add3A_564 : i32 to index
            %get3A_626 = arith.constant 96 : index
            %get3A_627 = tpu.vector_load %arg13[%get3A_625, %get3A_626] {strides = array<i32>} : memref<32x128xf32, #tpu.memory_space<vmem>>, vector<16xf32>,
            %get3A_628 = arith.index_cast %squeeze3A_560 : i32 to index
            %get3A_629 = arith.constant 96 : index
            %get3A_630 = tpu.vector_load %arg14[%get3A_628, %get3A_629] {strides = array<i32>} : memref<328x128xf32, #tpu.memory_space<vmem>>, vector<16xf32>,
            %max3A_631 = arith.maximumf %get3A_630, %get3A_627 : vector<16xf32>
            %swap3A_632 = arith.index_cast %squeeze3A_560 : i32 to index
            %swap3A_633 = arith.constant 96 : index
            %swap3A_634 = tpu.vector_load %arg14[%swap3A_632, %swap3A_633] {strides = array<i32>} : memref<328x128xf32, #tpu.memory_space<vmem>>, vector<16xf32>,
            tpu.vector_store %arg14[%swap3A_632, %swap3A_633], %max3A_631 {strides = array<i32>} : memref<328x128xf32, #tpu.memory_space<vmem>>, vector<16xf32>,
            %get3A_635 = arith.index_cast %add3A_564 : i32 to index
            %get3A_636 = arith.constant 112 : index
            %get3A_637 = tpu.vector_load %arg13[%get3A_635, %get3A_636] {strides = array<i32>} : memref<32x128xf32, #tpu.memory_space<vmem>>, vector<16xf32>,
            %get3A_638 = arith.index_cast %squeeze3A_560 : i32 to index
            %get3A_639 = arith.constant 112 : index
            %get3A_640 = tpu.vector_load %arg14[%get3A_638, %get3A_639] {strides = array<i32>} : memref<328x128xf32, #tpu.memory_space<vmem>>, vector<16xf32>,
            %max3A_641 = arith.maximumf %get3A_640, %get3A_637 : vector<16xf32>
            %swap3A_642 = arith.index_cast %squeeze3A_560 : i32 to index
            %swap3A_643 = arith.constant 112 : index
            %swap3A_644 = tpu.vector_load %arg14[%swap3A_642, %swap3A_643] {strides = array<i32>} : memref<328x128xf32, #tpu.memory_space<vmem>>, vector<16xf32>,
            tpu.vector_store %arg14[%swap3A_642, %swap3A_643], %max3A_641 {strides = array<i32>} : memref<328x128xf32, #tpu.memory_space<vmem>>, vector<16xf32>,
            %shift_right_logical3A_645 = arith.constant 4 : i32
            %shift_right_logical3A_646 = arith.shrui %squeeze3A_560, %shift_right_logical3A_645 : i32
            %and3A_647 = arith.constant 15 : i32
            %and3A_648 = arith.andi %squeeze3A_560, %and3A_647 : i32
            %eq3A_649 = vector.broadcast %and3A_648 : i32 to vector<16xi32>
            %eq3A_650 = arith.cmpi eq, %iota3A, %eq3A_649 : vector<16xi32>
            %jit3A_651 = arith.constant 1.000000e+00 : f32
            %jit3A_652 = arith.constant 0.000000e+00 : f32
            %broadcast_in_dim3A_653 = vector.broadcast %jit3A_651 : f32 to vector<16xf32>
            %broadcast_in_dim3A_654 = vector.broadcast %jit3A_652 : f32 to vector<16xf32>
            %select_n3A_655 = arith.select %eq3A_650, %broadcast_in_dim3A_653, %broadcast_in_dim3A_654 : vector<16xi1>, vector<16xf32>
            %get3A_656 = arith.index_cast %shift_right_logical3A_646 : i32 to index
            %get3A_657 = arith.constant 0 : index
            %get3A_658 = tpu.vector_load %arg15[%get3A_656, %get3A_657] {strides = array<i32>} : memref<24x16xf32, #tpu.memory_space<vmem>>, vector<16xf32>,
            %add3A_659 = arith.addf %get3A_658, %select_n3A_655 : vector<16xf32>
            %swap3A_660 = arith.index_cast %shift_right_logical3A_646 : i32 to index
            %swap3A_661 = arith.constant 0 : index
            %swap3A_662 = tpu.vector_load %arg15[%swap3A_660, %swap3A_661] {strides = array<i32>} : memref<24x16xf32, #tpu.memory_space<vmem>>, vector<16xf32>,
            tpu.vector_store %arg15[%swap3A_660, %swap3A_661], %add3A_659 {strides = array<i32>} : memref<24x16xf32, #tpu.memory_space<vmem>>, vector<16xf32>,
            %slice3A_663 = vector.extract_strided_slice %get3A_148 {offsets = [5], sizes = [1], strides = [1]} : vector<16xi32> to vector<1xi32>
            %squeeze3A_664 = vector.extract %slice3A_663[0] : i32 from vector<1xi32>
            %mul3A_665 = arith.constant 16 : i32
            %mul3A_666 = arith.muli %while3A_141, %mul3A_665 : i32
            %add3A_667 = arith.constant 5 : i32
            %add3A_668 = arith.addi %mul3A_666, %add3A_667 : i32
            %get3A_669 = arith.index_cast %add3A_668 : i32 to index
            %get3A_670 = arith.constant 0 : index
            %get3A_671 = tpu.vector_load %arg13[%get3A_669, %get3A_670] {strides = array<i32>} : memref<32x128xf32, #tpu.memory_space<vmem>>, vector<16xf32>,
            %get3A_672 = arith.index_cast %squeeze3A_664 : i32 to index
            %get3A_673 = arith.constant 0 : index
            %get3A_674 = tpu.vector_load %arg14[%get3A_672, %get3A_673] {strides = array<i32>} : memref<328x128xf32, #tpu.memory_space<vmem>>, vector<16xf32>,
            %max3A_675 = arith.maximumf %get3A_674, %get3A_671 : vector<16xf32>
            %swap3A_676 = arith.index_cast %squeeze3A_664 : i32 to index
            %swap3A_677 = arith.constant 0 : index
            %swap3A_678 = tpu.vector_load %arg14[%swap3A_676, %swap3A_677] {strides = array<i32>} : memref<328x128xf32, #tpu.memory_space<vmem>>, vector<16xf32>,
            tpu.vector_store %arg14[%swap3A_676, %swap3A_677], %max3A_675 {strides = array<i32>} : memref<328x128xf32, #tpu.memory_space<vmem>>, vector<16xf32>,
            %get3A_679 = arith.index_cast %add3A_668 : i32 to index
            %get3A_680 = arith.constant 16 : index
            %get3A_681 = tpu.vector_load %arg13[%get3A_679, %get3A_680] {strides = array<i32>} : memref<32x128xf32, #tpu.memory_space<vmem>>, vector<16xf32>,
            %get3A_682 = arith.index_cast %squeeze3A_664 : i32 to index
            %get3A_683 = arith.constant 16 : index
            %get3A_684 = tpu.vector_load %arg14[%get3A_682, %get3A_683] {strides = array<i32>} : memref<328x128xf32, #tpu.memory_space<vmem>>, vector<16xf32>,
            %max3A_685 = arith.maximumf %get3A_684, %get3A_681 : vector<16xf32>
            %swap3A_686 = arith.index_cast %squeeze3A_664 : i32 to index
            %swap3A_687 = arith.constant 16 : index
            %swap3A_688 = tpu.vector_load %arg14[%swap3A_686, %swap3A_687] {strides = array<i32>} : memref<328x128xf32, #tpu.memory_space<vmem>>, vector<16xf32>,
            tpu.vector_store %arg14[%swap3A_686, %swap3A_687], %max3A_685 {strides = array<i32>} : memref<328x128xf32, #tpu.memory_space<vmem>>, vector<16xf32>,
            %get3A_689 = arith.index_cast %add3A_668 : i32 to index
            %get3A_690 = arith.constant 32 : index
            %get3A_691 = tpu.vector_load %arg13[%get3A_689, %get3A_690] {strides = array<i32>} : memref<32x128xf32, #tpu.memory_space<vmem>>, vector<16xf32>,
            %get3A_692 = arith.index_cast %squeeze3A_664 : i32 to index
            %get3A_693 = arith.constant 32 : index
            %get3A_694 = tpu.vector_load %arg14[%get3A_692, %get3A_693] {strides = array<i32>} : memref<328x128xf32, #tpu.memory_space<vmem>>, vector<16xf32>,
            %max3A_695 = arith.maximumf %get3A_694, %get3A_691 : vector<16xf32>
            %swap3A_696 = arith.index_cast %squeeze3A_664 : i32 to index
            %swap3A_697 = arith.constant 32 : index
            %swap3A_698 = tpu.vector_load %arg14[%swap3A_696, %swap3A_697] {strides = array<i32>} : memref<328x128xf32, #tpu.memory_space<vmem>>, vector<16xf32>,
            tpu.vector_store %arg14[%swap3A_696, %swap3A_697], %max3A_695 {strides = array<i32>} : memref<328x128xf32, #tpu.memory_space<vmem>>, vector<16xf32>,
            %get3A_699 = arith.index_cast %add3A_668 : i32 to index
            %get3A_700 = arith.constant 48 : index
            %get3A_701 = tpu.vector_load %arg13[%get3A_699, %get3A_700] {strides = array<i32>} : memref<32x128xf32, #tpu.memory_space<vmem>>, vector<16xf32>,
            %get3A_702 = arith.index_cast %squeeze3A_664 : i32 to index
            %get3A_703 = arith.constant 48 : index
            %get3A_704 = tpu.vector_load %arg14[%get3A_702, %get3A_703] {strides = array<i32>} : memref<328x128xf32, #tpu.memory_space<vmem>>, vector<16xf32>,
            %max3A_705 = arith.maximumf %get3A_704, %get3A_701 : vector<16xf32>
            %swap3A_706 = arith.index_cast %squeeze3A_664 : i32 to index
            %swap3A_707 = arith.constant 48 : index
            %swap3A_708 = tpu.vector_load %arg14[%swap3A_706, %swap3A_707] {strides = array<i32>} : memref<328x128xf32, #tpu.memory_space<vmem>>, vector<16xf32>,
            tpu.vector_store %arg14[%swap3A_706, %swap3A_707], %max3A_705 {strides = array<i32>} : memref<328x128xf32, #tpu.memory_space<vmem>>, vector<16xf32>,
            %get3A_709 = arith.index_cast %add3A_668 : i32 to index
            %get3A_710 = arith.constant 64 : index
            %get3A_711 = tpu.vector_load %arg13[%get3A_709, %get3A_710] {strides = array<i32>} : memref<32x128xf32, #tpu.memory_space<vmem>>, vector<16xf32>,
            %get3A_712 = arith.index_cast %squeeze3A_664 : i32 to index
            %get3A_713 = arith.constant 64 : index
            %get3A_714 = tpu.vector_load %arg14[%get3A_712, %get3A_713] {strides = array<i32>} : memref<328x128xf32, #tpu.memory_space<vmem>>, vector<16xf32>,
            %max3A_715 = arith.maximumf %get3A_714, %get3A_711 : vector<16xf32>
            %swap3A_716 = arith.index_cast %squeeze3A_664 : i32 to index
            %swap3A_717 = arith.constant 64 : index
            %swap3A_718 = tpu.vector_load %arg14[%swap3A_716, %swap3A_717] {strides = array<i32>} : memref<328x128xf32, #tpu.memory_space<vmem>>, vector<16xf32>,
            tpu.vector_store %arg14[%swap3A_716, %swap3A_717], %max3A_715 {strides = array<i32>} : memref<328x128xf32, #tpu.memory_space<vmem>>, vector<16xf32>,
            %get3A_719 = arith.index_cast %add3A_668 : i32 to index
            %get3A_720 = arith.constant 80 : index
            %get3A_721 = tpu.vector_load %arg13[%get3A_719, %get3A_720] {strides = array<i32>} : memref<32x128xf32, #tpu.memory_space<vmem>>, vector<16xf32>,
            %get3A_722 = arith.index_cast %squeeze3A_664 : i32 to index
            %get3A_723 = arith.constant 80 : index
            %get3A_724 = tpu.vector_load %arg14[%get3A_722, %get3A_723] {strides = array<i32>} : memref<328x128xf32, #tpu.memory_space<vmem>>, vector<16xf32>,
            %max3A_725 = arith.maximumf %get3A_724, %get3A_721 : vector<16xf32>
            %swap3A_726 = arith.index_cast %squeeze3A_664 : i32 to index
            %swap3A_727 = arith.constant 80 : index
            %swap3A_728 = tpu.vector_load %arg14[%swap3A_726, %swap3A_727] {strides = array<i32>} : memref<328x128xf32, #tpu.memory_space<vmem>>, vector<16xf32>,
            tpu.vector_store %arg14[%swap3A_726, %swap3A_727], %max3A_725 {strides = array<i32>} : memref<328x128xf32, #tpu.memory_space<vmem>>, vector<16xf32>,
            %get3A_729 = arith.index_cast %add3A_668 : i32 to index
            %get3A_730 = arith.constant 96 : index
            %get3A_731 = tpu.vector_load %arg13[%get3A_729, %get3A_730] {strides = array<i32>} : memref<32x128xf32, #tpu.memory_space<vmem>>, vector<16xf32>,
            %get3A_732 = arith.index_cast %squeeze3A_664 : i32 to index
            %get3A_733 = arith.constant 96 : index
            %get3A_734 = tpu.vector_load %arg14[%get3A_732, %get3A_733] {strides = array<i32>} : memref<328x128xf32, #tpu.memory_space<vmem>>, vector<16xf32>,
            %max3A_735 = arith.maximumf %get3A_734, %get3A_731 : vector<16xf32>
            %swap3A_736 = arith.index_cast %squeeze3A_664 : i32 to index
            %swap3A_737 = arith.constant 96 : index
            %swap3A_738 = tpu.vector_load %arg14[%swap3A_736, %swap3A_737] {strides = array<i32>} : memref<328x128xf32, #tpu.memory_space<vmem>>, vector<16xf32>,
            tpu.vector_store %arg14[%swap3A_736, %swap3A_737], %max3A_735 {strides = array<i32>} : memref<328x128xf32, #tpu.memory_space<vmem>>, vector<16xf32>,
            %get3A_739 = arith.index_cast %add3A_668 : i32 to index
            %get3A_740 = arith.constant 112 : index
            %get3A_741 = tpu.vector_load %arg13[%get3A_739, %get3A_740] {strides = array<i32>} : memref<32x128xf32, #tpu.memory_space<vmem>>, vector<16xf32>,
            %get3A_742 = arith.index_cast %squeeze3A_664 : i32 to index
            %get3A_743 = arith.constant 112 : index
            %get3A_744 = tpu.vector_load %arg14[%get3A_742, %get3A_743] {strides = array<i32>} : memref<328x128xf32, #tpu.memory_space<vmem>>, vector<16xf32>,
            %max3A_745 = arith.maximumf %get3A_744, %get3A_741 : vector<16xf32>
            %swap3A_746 = arith.index_cast %squeeze3A_664 : i32 to index
            %swap3A_747 = arith.constant 112 : index
            %swap3A_748 = tpu.vector_load %arg14[%swap3A_746, %swap3A_747] {strides = array<i32>} : memref<328x128xf32, #tpu.memory_space<vmem>>, vector<16xf32>,
            tpu.vector_store %arg14[%swap3A_746, %swap3A_747], %max3A_745 {strides = array<i32>} : memref<328x128xf32, #tpu.memory_space<vmem>>, vector<16xf32>,
            %shift_right_logical3A_749 = arith.constant 4 : i32
            %shift_right_logical3A_750 = arith.shrui %squeeze3A_664, %shift_right_logical3A_749 : i32
            %and3A_751 = arith.constant 15 : i32
            %and3A_752 = arith.andi %squeeze3A_664, %and3A_751 : i32
            %eq3A_753 = vector.broadcast %and3A_752 : i32 to vector<16xi32>
            %eq3A_754 = arith.cmpi eq, %iota3A, %eq3A_753 : vector<16xi32>
            %jit3A_755 = arith.constant 1.000000e+00 : f32
            %jit3A_756 = arith.constant 0.000000e+00 : f32
            %broadcast_in_dim3A_757 = vector.broadcast %jit3A_755 : f32 to vector<16xf32>
            %broadcast_in_dim3A_758 = vector.broadcast %jit3A_756 : f32 to vector<16xf32>
            %select_n3A_759 = arith.select %eq3A_754, %broadcast_in_dim3A_757, %broadcast_in_dim3A_758 : vector<16xi1>, vector<16xf32>
            %get3A_760 = arith.index_cast %shift_right_logical3A_750 : i32 to index
            %get3A_761 = arith.constant 0 : index
            %get3A_762 = tpu.vector_load %arg15[%get3A_760, %get3A_761] {strides = array<i32>} : memref<24x16xf32, #tpu.memory_space<vmem>>, vector<16xf32>,
            %add3A_763 = arith.addf %get3A_762, %select_n3A_759 : vector<16xf32>
            %swap3A_764 = arith.index_cast %shift_right_logical3A_750 : i32 to index
            %swap3A_765 = arith.constant 0 : index
            %swap3A_766 = tpu.vector_load %arg15[%swap3A_764, %swap3A_765] {strides = array<i32>} : memref<24x16xf32, #tpu.memory_space<vmem>>, vector<16xf32>,
            tpu.vector_store %arg15[%swap3A_764, %swap3A_765], %add3A_763 {strides = array<i32>} : memref<24x16xf32, #tpu.memory_space<vmem>>, vector<16xf32>,
            %slice3A_767 = vector.extract_strided_slice %get3A_148 {offsets = [6], sizes = [1], strides = [1]} : vector<16xi32> to vector<1xi32>
            %squeeze3A_768 = vector.extract %slice3A_767[0] : i32 from vector<1xi32>
            %mul3A_769 = arith.constant 16 : i32
            %mul3A_770 = arith.muli %while3A_141, %mul3A_769 : i32
            %add3A_771 = arith.constant 6 : i32
            %add3A_772 = arith.addi %mul3A_770, %add3A_771 : i32
            %get3A_773 = arith.index_cast %add3A_772 : i32 to index
            %get3A_774 = arith.constant 0 : index
            %get3A_775 = tpu.vector_load %arg13[%get3A_773, %get3A_774] {strides = array<i32>} : memref<32x128xf32, #tpu.memory_space<vmem>>, vector<16xf32>,
            %get3A_776 = arith.index_cast %squeeze3A_768 : i32 to index
            %get3A_777 = arith.constant 0 : index
            %get3A_778 = tpu.vector_load %arg14[%get3A_776, %get3A_777] {strides = array<i32>} : memref<328x128xf32, #tpu.memory_space<vmem>>, vector<16xf32>,
            %max3A_779 = arith.maximumf %get3A_778, %get3A_775 : vector<16xf32>
            %swap3A_780 = arith.index_cast %squeeze3A_768 : i32 to index
            %swap3A_781 = arith.constant 0 : index
            %swap3A_782 = tpu.vector_load %arg14[%swap3A_780, %swap3A_781] {strides = array<i32>} : memref<328x128xf32, #tpu.memory_space<vmem>>, vector<16xf32>,
            tpu.vector_store %arg14[%swap3A_780, %swap3A_781], %max3A_779 {strides = array<i32>} : memref<328x128xf32, #tpu.memory_space<vmem>>, vector<16xf32>,
            %get3A_783 = arith.index_cast %add3A_772 : i32 to index
            %get3A_784 = arith.constant 16 : index
            %get3A_785 = tpu.vector_load %arg13[%get3A_783, %get3A_784] {strides = array<i32>} : memref<32x128xf32, #tpu.memory_space<vmem>>, vector<16xf32>,
            %get3A_786 = arith.index_cast %squeeze3A_768 : i32 to index
            %get3A_787 = arith.constant 16 : index
            %get3A_788 = tpu.vector_load %arg14[%get3A_786, %get3A_787] {strides = array<i32>} : memref<328x128xf32, #tpu.memory_space<vmem>>, vector<16xf32>,
            %max3A_789 = arith.maximumf %get3A_788, %get3A_785 : vector<16xf32>
            %swap3A_790 = arith.index_cast %squeeze3A_768 : i32 to index
            %swap3A_791 = arith.constant 16 : index
            %swap3A_792 = tpu.vector_load %arg14[%swap3A_790, %swap3A_791] {strides = array<i32>} : memref<328x128xf32, #tpu.memory_space<vmem>>, vector<16xf32>,
            tpu.vector_store %arg14[%swap3A_790, %swap3A_791], %max3A_789 {strides = array<i32>} : memref<328x128xf32, #tpu.memory_space<vmem>>, vector<16xf32>,
            %get3A_793 = arith.index_cast %add3A_772 : i32 to index
            %get3A_794 = arith.constant 32 : index
            %get3A_795 = tpu.vector_load %arg13[%get3A_793, %get3A_794] {strides = array<i32>} : memref<32x128xf32, #tpu.memory_space<vmem>>, vector<16xf32>,
            %get3A_796 = arith.index_cast %squeeze3A_768 : i32 to index
            %get3A_797 = arith.constant 32 : index
            %get3A_798 = tpu.vector_load %arg14[%get3A_796, %get3A_797] {strides = array<i32>} : memref<328x128xf32, #tpu.memory_space<vmem>>, vector<16xf32>,
            %max3A_799 = arith.maximumf %get3A_798, %get3A_795 : vector<16xf32>
            %swap3A_800 = arith.index_cast %squeeze3A_768 : i32 to index
            %swap3A_801 = arith.constant 32 : index
            %swap3A_802 = tpu.vector_load %arg14[%swap3A_800, %swap3A_801] {strides = array<i32>} : memref<328x128xf32, #tpu.memory_space<vmem>>, vector<16xf32>,
            tpu.vector_store %arg14[%swap3A_800, %swap3A_801], %max3A_799 {strides = array<i32>} : memref<328x128xf32, #tpu.memory_space<vmem>>, vector<16xf32>,
            %get3A_803 = arith.index_cast %add3A_772 : i32 to index
            %get3A_804 = arith.constant 48 : index
            %get3A_805 = tpu.vector_load %arg13[%get3A_803, %get3A_804] {strides = array<i32>} : memref<32x128xf32, #tpu.memory_space<vmem>>, vector<16xf32>,
            %get3A_806 = arith.index_cast %squeeze3A_768 : i32 to index
            %get3A_807 = arith.constant 48 : index
            %get3A_808 = tpu.vector_load %arg14[%get3A_806, %get3A_807] {strides = array<i32>} : memref<328x128xf32, #tpu.memory_space<vmem>>, vector<16xf32>,
            %max3A_809 = arith.maximumf %get3A_808, %get3A_805 : vector<16xf32>
            %swap3A_810 = arith.index_cast %squeeze3A_768 : i32 to index
            %swap3A_811 = arith.constant 48 : index
            %swap3A_812 = tpu.vector_load %arg14[%swap3A_810, %swap3A_811] {strides = array<i32>} : memref<328x128xf32, #tpu.memory_space<vmem>>, vector<16xf32>,
            tpu.vector_store %arg14[%swap3A_810, %swap3A_811], %max3A_809 {strides = array<i32>} : memref<328x128xf32, #tpu.memory_space<vmem>>, vector<16xf32>,
            %get3A_813 = arith.index_cast %add3A_772 : i32 to index
            %get3A_814 = arith.constant 64 : index
            %get3A_815 = tpu.vector_load %arg13[%get3A_813, %get3A_814] {strides = array<i32>} : memref<32x128xf32, #tpu.memory_space<vmem>>, vector<16xf32>,
            %get3A_816 = arith.index_cast %squeeze3A_768 : i32 to index
            %get3A_817 = arith.constant 64 : index
            %get3A_818 = tpu.vector_load %arg14[%get3A_816, %get3A_817] {strides = array<i32>} : memref<328x128xf32, #tpu.memory_space<vmem>>, vector<16xf32>,
            %max3A_819 = arith.maximumf %get3A_818, %get3A_815 : vector<16xf32>
            %swap3A_820 = arith.index_cast %squeeze3A_768 : i32 to index
            %swap3A_821 = arith.constant 64 : index
            %swap3A_822 = tpu.vector_load %arg14[%swap3A_820, %swap3A_821] {strides = array<i32>} : memref<328x128xf32, #tpu.memory_space<vmem>>, vector<16xf32>,
            tpu.vector_store %arg14[%swap3A_820, %swap3A_821], %max3A_819 {strides = array<i32>} : memref<328x128xf32, #tpu.memory_space<vmem>>, vector<16xf32>,
            %get3A_823 = arith.index_cast %add3A_772 : i32 to index
            %get3A_824 = arith.constant 80 : index
            %get3A_825 = tpu.vector_load %arg13[%get3A_823, %get3A_824] {strides = array<i32>} : memref<32x128xf32, #tpu.memory_space<vmem>>, vector<16xf32>,
            %get3A_826 = arith.index_cast %squeeze3A_768 : i32 to index
            %get3A_827 = arith.constant 80 : index
            %get3A_828 = tpu.vector_load %arg14[%get3A_826, %get3A_827] {strides = array<i32>} : memref<328x128xf32, #tpu.memory_space<vmem>>, vector<16xf32>,
            %max3A_829 = arith.maximumf %get3A_828, %get3A_825 : vector<16xf32>
            %swap3A_830 = arith.index_cast %squeeze3A_768 : i32 to index
            %swap3A_831 = arith.constant 80 : index
            %swap3A_832 = tpu.vector_load %arg14[%swap3A_830, %swap3A_831] {strides = array<i32>} : memref<328x128xf32, #tpu.memory_space<vmem>>, vector<16xf32>,
            tpu.vector_store %arg14[%swap3A_830, %swap3A_831], %max3A_829 {strides = array<i32>} : memref<328x128xf32, #tpu.memory_space<vmem>>, vector<16xf32>,
            %get3A_833 = arith.index_cast %add3A_772 : i32 to index
            %get3A_834 = arith.constant 96 : index
            %get3A_835 = tpu.vector_load %arg13[%get3A_833, %get3A_834] {strides = array<i32>} : memref<32x128xf32, #tpu.memory_space<vmem>>, vector<16xf32>,
            %get3A_836 = arith.index_cast %squeeze3A_768 : i32 to index
            %get3A_837 = arith.constant 96 : index
            %get3A_838 = tpu.vector_load %arg14[%get3A_836, %get3A_837] {strides = array<i32>} : memref<328x128xf32, #tpu.memory_space<vmem>>, vector<16xf32>,
            %max3A_839 = arith.maximumf %get3A_838, %get3A_835 : vector<16xf32>
            %swap3A_840 = arith.index_cast %squeeze3A_768 : i32 to index
            %swap3A_841 = arith.constant 96 : index
            %swap3A_842 = tpu.vector_load %arg14[%swap3A_840, %swap3A_841] {strides = array<i32>} : memref<328x128xf32, #tpu.memory_space<vmem>>, vector<16xf32>,
            tpu.vector_store %arg14[%swap3A_840, %swap3A_841], %max3A_839 {strides = array<i32>} : memref<328x128xf32, #tpu.memory_space<vmem>>, vector<16xf32>,
            %get3A_843 = arith.index_cast %add3A_772 : i32 to index
            %get3A_844 = arith.constant 112 : index
            %get3A_845 = tpu.vector_load %arg13[%get3A_843, %get3A_844] {strides = array<i32>} : memref<32x128xf32, #tpu.memory_space<vmem>>, vector<16xf32>,
            %get3A_846 = arith.index_cast %squeeze3A_768 : i32 to index
            %get3A_847 = arith.constant 112 : index
            %get3A_848 = tpu.vector_load %arg14[%get3A_846, %get3A_847] {strides = array<i32>} : memref<328x128xf32, #tpu.memory_space<vmem>>, vector<16xf32>,
            %max3A_849 = arith.maximumf %get3A_848, %get3A_845 : vector<16xf32>
            %swap3A_850 = arith.index_cast %squeeze3A_768 : i32 to index
            %swap3A_851 = arith.constant 112 : index
            %swap3A_852 = tpu.vector_load %arg14[%swap3A_850, %swap3A_851] {strides = array<i32>} : memref<328x128xf32, #tpu.memory_space<vmem>>, vector<16xf32>,
            tpu.vector_store %arg14[%swap3A_850, %swap3A_851], %max3A_849 {strides = array<i32>} : memref<328x128xf32, #tpu.memory_space<vmem>>, vector<16xf32>,
            %shift_right_logical3A_853 = arith.constant 4 : i32
            %shift_right_logical3A_854 = arith.shrui %squeeze3A_768, %shift_right_logical3A_853 : i32
            %and3A_855 = arith.constant 15 : i32
            %and3A_856 = arith.andi %squeeze3A_768, %and3A_855 : i32
            %eq3A_857 = vector.broadcast %and3A_856 : i32 to vector<16xi32>
            %eq3A_858 = arith.cmpi eq, %iota3A, %eq3A_857 : vector<16xi32>
            %jit3A_859 = arith.constant 1.000000e+00 : f32
            %jit3A_860 = arith.constant 0.000000e+00 : f32
            %broadcast_in_dim3A_861 = vector.broadcast %jit3A_859 : f32 to vector<16xf32>
            %broadcast_in_dim3A_862 = vector.broadcast %jit3A_860 : f32 to vector<16xf32>
            %select_n3A_863 = arith.select %eq3A_858, %broadcast_in_dim3A_861, %broadcast_in_dim3A_862 : vector<16xi1>, vector<16xf32>
            %get3A_864 = arith.index_cast %shift_right_logical3A_854 : i32 to index
            %get3A_865 = arith.constant 0 : index
            %get3A_866 = tpu.vector_load %arg15[%get3A_864, %get3A_865] {strides = array<i32>} : memref<24x16xf32, #tpu.memory_space<vmem>>, vector<16xf32>,
            %add3A_867 = arith.addf %get3A_866, %select_n3A_863 : vector<16xf32>
            %swap3A_868 = arith.index_cast %shift_right_logical3A_854 : i32 to index
            %swap3A_869 = arith.constant 0 : index
            %swap3A_870 = tpu.vector_load %arg15[%swap3A_868, %swap3A_869] {strides = array<i32>} : memref<24x16xf32, #tpu.memory_space<vmem>>, vector<16xf32>,
            tpu.vector_store %arg15[%swap3A_868, %swap3A_869], %add3A_867 {strides = array<i32>} : memref<24x16xf32, #tpu.memory_space<vmem>>, vector<16xf32>,
            %slice3A_871 = vector.extract_strided_slice %get3A_148 {offsets = [7], sizes = [1], strides = [1]} : vector<16xi32> to vector<1xi32>
            %squeeze3A_872 = vector.extract %slice3A_871[0] : i32 from vector<1xi32>
            %mul3A_873 = arith.constant 16 : i32
            %mul3A_874 = arith.muli %while3A_141, %mul3A_873 : i32
            %add3A_875 = arith.constant 7 : i32
            %add3A_876 = arith.addi %mul3A_874, %add3A_875 : i32
            %get3A_877 = arith.index_cast %add3A_876 : i32 to index
            %get3A_878 = arith.constant 0 : index
            %get3A_879 = tpu.vector_load %arg13[%get3A_877, %get3A_878] {strides = array<i32>} : memref<32x128xf32, #tpu.memory_space<vmem>>, vector<16xf32>,
            %get3A_880 = arith.index_cast %squeeze3A_872 : i32 to index
            %get3A_881 = arith.constant 0 : index
            %get3A_882 = tpu.vector_load %arg14[%get3A_880, %get3A_881] {strides = array<i32>} : memref<328x128xf32, #tpu.memory_space<vmem>>, vector<16xf32>,
            %max3A_883 = arith.maximumf %get3A_882, %get3A_879 : vector<16xf32>
            %swap3A_884 = arith.index_cast %squeeze3A_872 : i32 to index
            %swap3A_885 = arith.constant 0 : index
            %swap3A_886 = tpu.vector_load %arg14[%swap3A_884, %swap3A_885] {strides = array<i32>} : memref<328x128xf32, #tpu.memory_space<vmem>>, vector<16xf32>,
            tpu.vector_store %arg14[%swap3A_884, %swap3A_885], %max3A_883 {strides = array<i32>} : memref<328x128xf32, #tpu.memory_space<vmem>>, vector<16xf32>,
            %get3A_887 = arith.index_cast %add3A_876 : i32 to index
            %get3A_888 = arith.constant 16 : index
            %get3A_889 = tpu.vector_load %arg13[%get3A_887, %get3A_888] {strides = array<i32>} : memref<32x128xf32, #tpu.memory_space<vmem>>, vector<16xf32>,
            %get3A_890 = arith.index_cast %squeeze3A_872 : i32 to index
            %get3A_891 = arith.constant 16 : index
            %get3A_892 = tpu.vector_load %arg14[%get3A_890, %get3A_891] {strides = array<i32>} : memref<328x128xf32, #tpu.memory_space<vmem>>, vector<16xf32>,
            %max3A_893 = arith.maximumf %get3A_892, %get3A_889 : vector<16xf32>
            %swap3A_894 = arith.index_cast %squeeze3A_872 : i32 to index
            %swap3A_895 = arith.constant 16 : index
            %swap3A_896 = tpu.vector_load %arg14[%swap3A_894, %swap3A_895] {strides = array<i32>} : memref<328x128xf32, #tpu.memory_space<vmem>>, vector<16xf32>,
            tpu.vector_store %arg14[%swap3A_894, %swap3A_895], %max3A_893 {strides = array<i32>} : memref<328x128xf32, #tpu.memory_space<vmem>>, vector<16xf32>,
            %get3A_897 = arith.index_cast %add3A_876 : i32 to index
            %get3A_898 = arith.constant 32 : index
            %get3A_899 = tpu.vector_load %arg13[%get3A_897, %get3A_898] {strides = array<i32>} : memref<32x128xf32, #tpu.memory_space<vmem>>, vector<16xf32>,
            %get3A_900 = arith.index_cast %squeeze3A_872 : i32 to index
            %get3A_901 = arith.constant 32 : index
            %get3A_902 = tpu.vector_load %arg14[%get3A_900, %get3A_901] {strides = array<i32>} : memref<328x128xf32, #tpu.memory_space<vmem>>, vector<16xf32>,
            %max3A_903 = arith.maximumf %get3A_902, %get3A_899 : vector<16xf32>
            %swap3A_904 = arith.index_cast %squeeze3A_872 : i32 to index
            %swap3A_905 = arith.constant 32 : index
            %swap3A_906 = tpu.vector_load %arg14[%swap3A_904, %swap3A_905] {strides = array<i32>} : memref<328x128xf32, #tpu.memory_space<vmem>>, vector<16xf32>,
            tpu.vector_store %arg14[%swap3A_904, %swap3A_905], %max3A_903 {strides = array<i32>} : memref<328x128xf32, #tpu.memory_space<vmem>>, vector<16xf32>,
            %get3A_907 = arith.index_cast %add3A_876 : i32 to index
            %get3A_908 = arith.constant 48 : index
            %get3A_909 = tpu.vector_load %arg13[%get3A_907, %get3A_908] {strides = array<i32>} : memref<32x128xf32, #tpu.memory_space<vmem>>, vector<16xf32>,
            %get3A_910 = arith.index_cast %squeeze3A_872 : i32 to index
            %get3A_911 = arith.constant 48 : index
            %get3A_912 = tpu.vector_load %arg14[%get3A_910, %get3A_911] {strides = array<i32>} : memref<328x128xf32, #tpu.memory_space<vmem>>, vector<16xf32>,
            %max3A_913 = arith.maximumf %get3A_912, %get3A_909 : vector<16xf32>
            %swap3A_914 = arith.index_cast %squeeze3A_872 : i32 to index
            %swap3A_915 = arith.constant 48 : index
            %swap3A_916 = tpu.vector_load %arg14[%swap3A_914, %swap3A_915] {strides = array<i32>} : memref<328x128xf32, #tpu.memory_space<vmem>>, vector<16xf32>,
            tpu.vector_store %arg14[%swap3A_914, %swap3A_915], %max3A_913 {strides = array<i32>} : memref<328x128xf32, #tpu.memory_space<vmem>>, vector<16xf32>,
            %get3A_917 = arith.index_cast %add3A_876 : i32 to index
            %get3A_918 = arith.constant 64 : index
            %get3A_919 = tpu.vector_load %arg13[%get3A_917, %get3A_918] {strides = array<i32>} : memref<32x128xf32, #tpu.memory_space<vmem>>, vector<16xf32>,
            %get3A_920 = arith.index_cast %squeeze3A_872 : i32 to index
            %get3A_921 = arith.constant 64 : index
            %get3A_922 = tpu.vector_load %arg14[%get3A_920, %get3A_921] {strides = array<i32>} : memref<328x128xf32, #tpu.memory_space<vmem>>, vector<16xf32>,
            %max3A_923 = arith.maximumf %get3A_922, %get3A_919 : vector<16xf32>
            %swap3A_924 = arith.index_cast %squeeze3A_872 : i32 to index
            %swap3A_925 = arith.constant 64 : index
            %swap3A_926 = tpu.vector_load %arg14[%swap3A_924, %swap3A_925] {strides = array<i32>} : memref<328x128xf32, #tpu.memory_space<vmem>>, vector<16xf32>,
            tpu.vector_store %arg14[%swap3A_924, %swap3A_925], %max3A_923 {strides = array<i32>} : memref<328x128xf32, #tpu.memory_space<vmem>>, vector<16xf32>,
            %get3A_927 = arith.index_cast %add3A_876 : i32 to index
            %get3A_928 = arith.constant 80 : index
            %get3A_929 = tpu.vector_load %arg13[%get3A_927, %get3A_928] {strides = array<i32>} : memref<32x128xf32, #tpu.memory_space<vmem>>, vector<16xf32>,
            %get3A_930 = arith.index_cast %squeeze3A_872 : i32 to index
            %get3A_931 = arith.constant 80 : index
            %get3A_932 = tpu.vector_load %arg14[%get3A_930, %get3A_931] {strides = array<i32>} : memref<328x128xf32, #tpu.memory_space<vmem>>, vector<16xf32>,
            %max3A_933 = arith.maximumf %get3A_932, %get3A_929 : vector<16xf32>
            %swap3A_934 = arith.index_cast %squeeze3A_872 : i32 to index
            %swap3A_935 = arith.constant 80 : index
            %swap3A_936 = tpu.vector_load %arg14[%swap3A_934, %swap3A_935] {strides = array<i32>} : memref<328x128xf32, #tpu.memory_space<vmem>>, vector<16xf32>,
            tpu.vector_store %arg14[%swap3A_934, %swap3A_935], %max3A_933 {strides = array<i32>} : memref<328x128xf32, #tpu.memory_space<vmem>>, vector<16xf32>,
            %get3A_937 = arith.index_cast %add3A_876 : i32 to index
            %get3A_938 = arith.constant 96 : index
            %get3A_939 = tpu.vector_load %arg13[%get3A_937, %get3A_938] {strides = array<i32>} : memref<32x128xf32, #tpu.memory_space<vmem>>, vector<16xf32>,
            %get3A_940 = arith.index_cast %squeeze3A_872 : i32 to index
            %get3A_941 = arith.constant 96 : index
            %get3A_942 = tpu.vector_load %arg14[%get3A_940, %get3A_941] {strides = array<i32>} : memref<328x128xf32, #tpu.memory_space<vmem>>, vector<16xf32>,
            %max3A_943 = arith.maximumf %get3A_942, %get3A_939 : vector<16xf32>
            %swap3A_944 = arith.index_cast %squeeze3A_872 : i32 to index
            %swap3A_945 = arith.constant 96 : index
            %swap3A_946 = tpu.vector_load %arg14[%swap3A_944, %swap3A_945] {strides = array<i32>} : memref<328x128xf32, #tpu.memory_space<vmem>>, vector<16xf32>,
            tpu.vector_store %arg14[%swap3A_944, %swap3A_945], %max3A_943 {strides = array<i32>} : memref<328x128xf32, #tpu.memory_space<vmem>>, vector<16xf32>,
            %get3A_947 = arith.index_cast %add3A_876 : i32 to index
            %get3A_948 = arith.constant 112 : index
            %get3A_949 = tpu.vector_load %arg13[%get3A_947, %get3A_948] {strides = array<i32>} : memref<32x128xf32, #tpu.memory_space<vmem>>, vector<16xf32>,
            %get3A_950 = arith.index_cast %squeeze3A_872 : i32 to index
            %get3A_951 = arith.constant 112 : index
            %get3A_952 = tpu.vector_load %arg14[%get3A_950, %get3A_951] {strides = array<i32>} : memref<328x128xf32, #tpu.memory_space<vmem>>, vector<16xf32>,
            %max3A_953 = arith.maximumf %get3A_952, %get3A_949 : vector<16xf32>
            %swap3A_954 = arith.index_cast %squeeze3A_872 : i32 to index
            %swap3A_955 = arith.constant 112 : index
            %swap3A_956 = tpu.vector_load %arg14[%swap3A_954, %swap3A_955] {strides = array<i32>} : memref<328x128xf32, #tpu.memory_space<vmem>>, vector<16xf32>,
            tpu.vector_store %arg14[%swap3A_954, %swap3A_955], %max3A_953 {strides = array<i32>} : memref<328x128xf32, #tpu.memory_space<vmem>>, vector<16xf32>,
            %shift_right_logical3A_957 = arith.constant 4 : i32
            %shift_right_logical3A_958 = arith.shrui %squeeze3A_872, %shift_right_logical3A_957 : i32
            %and3A_959 = arith.constant 15 : i32
            %and3A_960 = arith.andi %squeeze3A_872, %and3A_959 : i32
            %eq3A_961 = vector.broadcast %and3A_960 : i32 to vector<16xi32>
            %eq3A_962 = arith.cmpi eq, %iota3A, %eq3A_961 : vector<16xi32>
            %jit3A_963 = arith.constant 1.000000e+00 : f32
            %jit3A_964 = arith.constant 0.000000e+00 : f32
            %broadcast_in_dim3A_965 = vector.broadcast %jit3A_963 : f32 to vector<16xf32>
            %broadcast_in_dim3A_966 = vector.broadcast %jit3A_964 : f32 to vector<16xf32>
            %select_n3A_967 = arith.select %eq3A_962, %broadcast_in_dim3A_965, %broadcast_in_dim3A_966 : vector<16xi1>, vector<16xf32>
            %get3A_968 = arith.index_cast %shift_right_logical3A_958 : i32 to index
            %get3A_969 = arith.constant 0 : index
            %get3A_970 = tpu.vector_load %arg15[%get3A_968, %get3A_969] {strides = array<i32>} : memref<24x16xf32, #tpu.memory_space<vmem>>, vector<16xf32>,
            %add3A_971 = arith.addf %get3A_970, %select_n3A_967 : vector<16xf32>
            %swap3A_972 = arith.index_cast %shift_right_logical3A_958 : i32 to index
            %swap3A_973 = arith.constant 0 : index
            %swap3A_974 = tpu.vector_load %arg15[%swap3A_972, %swap3A_973] {strides = array<i32>} : memref<24x16xf32, #tpu.memory_space<vmem>>, vector<16xf32>,
            tpu.vector_store %arg15[%swap3A_972, %swap3A_973], %add3A_971 {strides = array<i32>} : memref<24x16xf32, #tpu.memory_space<vmem>>, vector<16xf32>,
            %slice3A_975 = vector.extract_strided_slice %get3A_148 {offsets = [8], sizes = [1], strides = [1]} : vector<16xi32> to vector<1xi32>
            %squeeze3A_976 = vector.extract %slice3A_975[0] : i32 from vector<1xi32>
            %mul3A_977 = arith.constant 16 : i32
            %mul3A_978 = arith.muli %while3A_141, %mul3A_977 : i32
            %add3A_979 = arith.constant 8 : i32
            %add3A_980 = arith.addi %mul3A_978, %add3A_979 : i32
            %get3A_981 = arith.index_cast %add3A_980 : i32 to index
            %get3A_982 = arith.constant 0 : index
            %get3A_983 = tpu.vector_load %arg13[%get3A_981, %get3A_982] {strides = array<i32>} : memref<32x128xf32, #tpu.memory_space<vmem>>, vector<16xf32>,
            %get3A_984 = arith.index_cast %squeeze3A_976 : i32 to index
            %get3A_985 = arith.constant 0 : index
            %get3A_986 = tpu.vector_load %arg14[%get3A_984, %get3A_985] {strides = array<i32>} : memref<328x128xf32, #tpu.memory_space<vmem>>, vector<16xf32>,
            %max3A_987 = arith.maximumf %get3A_986, %get3A_983 : vector<16xf32>
            %swap3A_988 = arith.index_cast %squeeze3A_976 : i32 to index
            %swap3A_989 = arith.constant 0 : index
            %swap3A_990 = tpu.vector_load %arg14[%swap3A_988, %swap3A_989] {strides = array<i32>} : memref<328x128xf32, #tpu.memory_space<vmem>>, vector<16xf32>,
            tpu.vector_store %arg14[%swap3A_988, %swap3A_989], %max3A_987 {strides = array<i32>} : memref<328x128xf32, #tpu.memory_space<vmem>>, vector<16xf32>,
            %get3A_991 = arith.index_cast %add3A_980 : i32 to index
            %get3A_992 = arith.constant 16 : index
            %get3A_993 = tpu.vector_load %arg13[%get3A_991, %get3A_992] {strides = array<i32>} : memref<32x128xf32, #tpu.memory_space<vmem>>, vector<16xf32>,
            %get3A_994 = arith.index_cast %squeeze3A_976 : i32 to index
            %get3A_995 = arith.constant 16 : index
            %get3A_996 = tpu.vector_load %arg14[%get3A_994, %get3A_995] {strides = array<i32>} : memref<328x128xf32, #tpu.memory_space<vmem>>, vector<16xf32>,
            %max3A_997 = arith.maximumf %get3A_996, %get3A_993 : vector<16xf32>
            %swap3A_998 = arith.index_cast %squeeze3A_976 : i32 to index
            %swap3A_999 = arith.constant 16 : index
            %swap3A_1000 = tpu.vector_load %arg14[%swap3A_998, %swap3A_999] {strides = array<i32>} : memref<328x128xf32, #tpu.memory_space<vmem>>, vector<16xf32>,
            tpu.vector_store %arg14[%swap3A_998, %swap3A_999], %max3A_997 {strides = array<i32>} : memref<328x128xf32, #tpu.memory_space<vmem>>, vector<16xf32>,
            %get3A_1001 = arith.index_cast %add3A_980 : i32 to index
            %get3A_1002 = arith.constant 32 : index
            %get3A_1003 = tpu.vector_load %arg13[%get3A_1001, %get3A_1002] {strides = array<i32>} : memref<32x128xf32, #tpu.memory_space<vmem>>, vector<16xf32>,
            %get3A_1004 = arith.index_cast %squeeze3A_976 : i32 to index
            %get3A_1005 = arith.constant 32 : index
            %get3A_1006 = tpu.vector_load %arg14[%get3A_1004, %get3A_1005] {strides = array<i32>} : memref<328x128xf32, #tpu.memory_space<vmem>>, vector<16xf32>,
            %max3A_1007 = arith.maximumf %get3A_1006, %get3A_1003 : vector<16xf32>
            %swap3A_1008 = arith.index_cast %squeeze3A_976 : i32 to index
            %swap3A_1009 = arith.constant 32 : index
            %swap3A_1010 = tpu.vector_load %arg14[%swap3A_1008, %swap3A_1009] {strides = array<i32>} : memref<328x128xf32, #tpu.memory_space<vmem>>, vector<16xf32>,
            tpu.vector_store %arg14[%swap3A_1008, %swap3A_1009], %max3A_1007 {strides = array<i32>} : memref<328x128xf32, #tpu.memory_space<vmem>>, vector<16xf32>,
            %get3A_1011 = arith.index_cast %add3A_980 : i32 to index
            %get3A_1012 = arith.constant 48 : index
            %get3A_1013 = tpu.vector_load %arg13[%get3A_1011, %get3A_1012] {strides = array<i32>} : memref<32x128xf32, #tpu.memory_space<vmem>>, vector<16xf32>,
            %get3A_1014 = arith.index_cast %squeeze3A_976 : i32 to index
            %get3A_1015 = arith.constant 48 : index
            %get3A_1016 = tpu.vector_load %arg14[%get3A_1014, %get3A_1015] {strides = array<i32>} : memref<328x128xf32, #tpu.memory_space<vmem>>, vector<16xf32>,
            %max3A_1017 = arith.maximumf %get3A_1016, %get3A_1013 : vector<16xf32>
            %swap3A_1018 = arith.index_cast %squeeze3A_976 : i32 to index
            %swap3A_1019 = arith.constant 48 : index
            %swap3A_1020 = tpu.vector_load %arg14[%swap3A_1018, %swap3A_1019] {strides = array<i32>} : memref<328x128xf32, #tpu.memory_space<vmem>>, vector<16xf32>,
            tpu.vector_store %arg14[%swap3A_1018, %swap3A_1019], %max3A_1017 {strides = array<i32>} : memref<328x128xf32, #tpu.memory_space<vmem>>, vector<16xf32>,
            %get3A_1021 = arith.index_cast %add3A_980 : i32 to index
            %get3A_1022 = arith.constant 64 : index
            %get3A_1023 = tpu.vector_load %arg13[%get3A_1021, %get3A_1022] {strides = array<i32>} : memref<32x128xf32, #tpu.memory_space<vmem>>, vector<16xf32>,
            %get3A_1024 = arith.index_cast %squeeze3A_976 : i32 to index
            %get3A_1025 = arith.constant 64 : index
            %get3A_1026 = tpu.vector_load %arg14[%get3A_1024, %get3A_1025] {strides = array<i32>} : memref<328x128xf32, #tpu.memory_space<vmem>>, vector<16xf32>,
            %max3A_1027 = arith.maximumf %get3A_1026, %get3A_1023 : vector<16xf32>
            %swap3A_1028 = arith.index_cast %squeeze3A_976 : i32 to index
            %swap3A_1029 = arith.constant 64 : index
            %swap3A_1030 = tpu.vector_load %arg14[%swap3A_1028, %swap3A_1029] {strides = array<i32>} : memref<328x128xf32, #tpu.memory_space<vmem>>, vector<16xf32>,
            tpu.vector_store %arg14[%swap3A_1028, %swap3A_1029], %max3A_1027 {strides = array<i32>} : memref<328x128xf32, #tpu.memory_space<vmem>>, vector<16xf32>,
            %get3A_1031 = arith.index_cast %add3A_980 : i32 to index
            %get3A_1032 = arith.constant 80 : index
            %get3A_1033 = tpu.vector_load %arg13[%get3A_1031, %get3A_1032] {strides = array<i32>} : memref<32x128xf32, #tpu.memory_space<vmem>>, vector<16xf32>,
            %get3A_1034 = arith.index_cast %squeeze3A_976 : i32 to index
            %get3A_1035 = arith.constant 80 : index
            %get3A_1036 = tpu.vector_load %arg14[%get3A_1034, %get3A_1035] {strides = array<i32>} : memref<328x128xf32, #tpu.memory_space<vmem>>, vector<16xf32>,
            %max3A_1037 = arith.maximumf %get3A_1036, %get3A_1033 : vector<16xf32>
            %swap3A_1038 = arith.index_cast %squeeze3A_976 : i32 to index
            %swap3A_1039 = arith.constant 80 : index
            %swap3A_1040 = tpu.vector_load %arg14[%swap3A_1038, %swap3A_1039] {strides = array<i32>} : memref<328x128xf32, #tpu.memory_space<vmem>>, vector<16xf32>,
            tpu.vector_store %arg14[%swap3A_1038, %swap3A_1039], %max3A_1037 {strides = array<i32>} : memref<328x128xf32, #tpu.memory_space<vmem>>, vector<16xf32>,
            %get3A_1041 = arith.index_cast %add3A_980 : i32 to index
            %get3A_1042 = arith.constant 96 : index
            %get3A_1043 = tpu.vector_load %arg13[%get3A_1041, %get3A_1042] {strides = array<i32>} : memref<32x128xf32, #tpu.memory_space<vmem>>, vector<16xf32>,
            %get3A_1044 = arith.index_cast %squeeze3A_976 : i32 to index
            %get3A_1045 = arith.constant 96 : index
            %get3A_1046 = tpu.vector_load %arg14[%get3A_1044, %get3A_1045] {strides = array<i32>} : memref<328x128xf32, #tpu.memory_space<vmem>>, vector<16xf32>,
            %max3A_1047 = arith.maximumf %get3A_1046, %get3A_1043 : vector<16xf32>
            %swap3A_1048 = arith.index_cast %squeeze3A_976 : i32 to index
            %swap3A_1049 = arith.constant 96 : index
            %swap3A_1050 = tpu.vector_load %arg14[%swap3A_1048, %swap3A_1049] {strides = array<i32>} : memref<328x128xf32, #tpu.memory_space<vmem>>, vector<16xf32>,
            tpu.vector_store %arg14[%swap3A_1048, %swap3A_1049], %max3A_1047 {strides = array<i32>} : memref<328x128xf32, #tpu.memory_space<vmem>>, vector<16xf32>,
            %get3A_1051 = arith.index_cast %add3A_980 : i32 to index
            %get3A_1052 = arith.constant 112 : index
            %get3A_1053 = tpu.vector_load %arg13[%get3A_1051, %get3A_1052] {strides = array<i32>} : memref<32x128xf32, #tpu.memory_space<vmem>>, vector<16xf32>,
            %get3A_1054 = arith.index_cast %squeeze3A_976 : i32 to index
            %get3A_1055 = arith.constant 112 : index
            %get3A_1056 = tpu.vector_load %arg14[%get3A_1054, %get3A_1055] {strides = array<i32>} : memref<328x128xf32, #tpu.memory_space<vmem>>, vector<16xf32>,
            %max3A_1057 = arith.maximumf %get3A_1056, %get3A_1053 : vector<16xf32>
            %swap3A_1058 = arith.index_cast %squeeze3A_976 : i32 to index
            %swap3A_1059 = arith.constant 112 : index
            %swap3A_1060 = tpu.vector_load %arg14[%swap3A_1058, %swap3A_1059] {strides = array<i32>} : memref<328x128xf32, #tpu.memory_space<vmem>>, vector<16xf32>,
            tpu.vector_store %arg14[%swap3A_1058, %swap3A_1059], %max3A_1057 {strides = array<i32>} : memref<328x128xf32, #tpu.memory_space<vmem>>, vector<16xf32>,
            %shift_right_logical3A_1061 = arith.constant 4 : i32
            %shift_right_logical3A_1062 = arith.shrui %squeeze3A_976, %shift_right_logical3A_1061 : i32
            %and3A_1063 = arith.constant 15 : i32
            %and3A_1064 = arith.andi %squeeze3A_976, %and3A_1063 : i32
            %eq3A_1065 = vector.broadcast %and3A_1064 : i32 to vector<16xi32>
            %eq3A_1066 = arith.cmpi eq, %iota3A, %eq3A_1065 : vector<16xi32>
            %jit3A_1067 = arith.constant 1.000000e+00 : f32
            %jit3A_1068 = arith.constant 0.000000e+00 : f32
            %broadcast_in_dim3A_1069 = vector.broadcast %jit3A_1067 : f32 to vector<16xf32>
            %broadcast_in_dim3A_1070 = vector.broadcast %jit3A_1068 : f32 to vector<16xf32>
            %select_n3A_1071 = arith.select %eq3A_1066, %broadcast_in_dim3A_1069, %broadcast_in_dim3A_1070 : vector<16xi1>, vector<16xf32>
            %get3A_1072 = arith.index_cast %shift_right_logical3A_1062 : i32 to index
            %get3A_1073 = arith.constant 0 : index
            %get3A_1074 = tpu.vector_load %arg15[%get3A_1072, %get3A_1073] {strides = array<i32>} : memref<24x16xf32, #tpu.memory_space<vmem>>, vector<16xf32>,
            %add3A_1075 = arith.addf %get3A_1074, %select_n3A_1071 : vector<16xf32>
            %swap3A_1076 = arith.index_cast %shift_right_logical3A_1062 : i32 to index
            %swap3A_1077 = arith.constant 0 : index
            %swap3A_1078 = tpu.vector_load %arg15[%swap3A_1076, %swap3A_1077] {strides = array<i32>} : memref<24x16xf32, #tpu.memory_space<vmem>>, vector<16xf32>,
            tpu.vector_store %arg15[%swap3A_1076, %swap3A_1077], %add3A_1075 {strides = array<i32>} : memref<24x16xf32, #tpu.memory_space<vmem>>, vector<16xf32>,
            %slice3A_1079 = vector.extract_strided_slice %get3A_148 {offsets = [9], sizes = [1], strides = [1]} : vector<16xi32> to vector<1xi32>
            %squeeze3A_1080 = vector.extract %slice3A_1079[0] : i32 from vector<1xi32>
            %mul3A_1081 = arith.constant 16 : i32
            %mul3A_1082 = arith.muli %while3A_141, %mul3A_1081 : i32
            %add3A_1083 = arith.constant 9 : i32
            %add3A_1084 = arith.addi %mul3A_1082, %add3A_1083 : i32
            %get3A_1085 = arith.index_cast %add3A_1084 : i32 to index
            %get3A_1086 = arith.constant 0 : index
            %get3A_1087 = tpu.vector_load %arg13[%get3A_1085, %get3A_1086] {strides = array<i32>} : memref<32x128xf32, #tpu.memory_space<vmem>>, vector<16xf32>,
            %get3A_1088 = arith.index_cast %squeeze3A_1080 : i32 to index
            %get3A_1089 = arith.constant 0 : index
            %get3A_1090 = tpu.vector_load %arg14[%get3A_1088, %get3A_1089] {strides = array<i32>} : memref<328x128xf32, #tpu.memory_space<vmem>>, vector<16xf32>,
            %max3A_1091 = arith.maximumf %get3A_1090, %get3A_1087 : vector<16xf32>
            %swap3A_1092 = arith.index_cast %squeeze3A_1080 : i32 to index
            %swap3A_1093 = arith.constant 0 : index
            %swap3A_1094 = tpu.vector_load %arg14[%swap3A_1092, %swap3A_1093] {strides = array<i32>} : memref<328x128xf32, #tpu.memory_space<vmem>>, vector<16xf32>,
            tpu.vector_store %arg14[%swap3A_1092, %swap3A_1093], %max3A_1091 {strides = array<i32>} : memref<328x128xf32, #tpu.memory_space<vmem>>, vector<16xf32>,
            %get3A_1095 = arith.index_cast %add3A_1084 : i32 to index
            %get3A_1096 = arith.constant 16 : index
            %get3A_1097 = tpu.vector_load %arg13[%get3A_1095, %get3A_1096] {strides = array<i32>} : memref<32x128xf32, #tpu.memory_space<vmem>>, vector<16xf32>,
            %get3A_1098 = arith.index_cast %squeeze3A_1080 : i32 to index
            %get3A_1099 = arith.constant 16 : index
            %get3A_1100 = tpu.vector_load %arg14[%get3A_1098, %get3A_1099] {strides = array<i32>} : memref<328x128xf32, #tpu.memory_space<vmem>>, vector<16xf32>,
            %max3A_1101 = arith.maximumf %get3A_1100, %get3A_1097 : vector<16xf32>
            %swap3A_1102 = arith.index_cast %squeeze3A_1080 : i32 to index
            %swap3A_1103 = arith.constant 16 : index
            %swap3A_1104 = tpu.vector_load %arg14[%swap3A_1102, %swap3A_1103] {strides = array<i32>} : memref<328x128xf32, #tpu.memory_space<vmem>>, vector<16xf32>,
            tpu.vector_store %arg14[%swap3A_1102, %swap3A_1103], %max3A_1101 {strides = array<i32>} : memref<328x128xf32, #tpu.memory_space<vmem>>, vector<16xf32>,
            %get3A_1105 = arith.index_cast %add3A_1084 : i32 to index
            %get3A_1106 = arith.constant 32 : index
            %get3A_1107 = tpu.vector_load %arg13[%get3A_1105, %get3A_1106] {strides = array<i32>} : memref<32x128xf32, #tpu.memory_space<vmem>>, vector<16xf32>,
            %get3A_1108 = arith.index_cast %squeeze3A_1080 : i32 to index
            %get3A_1109 = arith.constant 32 : index
            %get3A_1110 = tpu.vector_load %arg14[%get3A_1108, %get3A_1109] {strides = array<i32>} : memref<328x128xf32, #tpu.memory_space<vmem>>, vector<16xf32>,
            %max3A_1111 = arith.maximumf %get3A_1110, %get3A_1107 : vector<16xf32>
            %swap3A_1112 = arith.index_cast %squeeze3A_1080 : i32 to index
            %swap3A_1113 = arith.constant 32 : index
            %swap3A_1114 = tpu.vector_load %arg14[%swap3A_1112, %swap3A_1113] {strides = array<i32>} : memref<328x128xf32, #tpu.memory_space<vmem>>, vector<16xf32>,
            tpu.vector_store %arg14[%swap3A_1112, %swap3A_1113], %max3A_1111 {strides = array<i32>} : memref<328x128xf32, #tpu.memory_space<vmem>>, vector<16xf32>,
            %get3A_1115 = arith.index_cast %add3A_1084 : i32 to index
            %get3A_1116 = arith.constant 48 : index
            %get3A_1117 = tpu.vector_load %arg13[%get3A_1115, %get3A_1116] {strides = array<i32>} : memref<32x128xf32, #tpu.memory_space<vmem>>, vector<16xf32>,
            %get3A_1118 = arith.index_cast %squeeze3A_1080 : i32 to index
            %get3A_1119 = arith.constant 48 : index
            %get3A_1120 = tpu.vector_load %arg14[%get3A_1118, %get3A_1119] {strides = array<i32>} : memref<328x128xf32, #tpu.memory_space<vmem>>, vector<16xf32>,
            %max3A_1121 = arith.maximumf %get3A_1120, %get3A_1117 : vector<16xf32>
            %swap3A_1122 = arith.index_cast %squeeze3A_1080 : i32 to index
            %swap3A_1123 = arith.constant 48 : index
            %swap3A_1124 = tpu.vector_load %arg14[%swap3A_1122, %swap3A_1123] {strides = array<i32>} : memref<328x128xf32, #tpu.memory_space<vmem>>, vector<16xf32>,
            tpu.vector_store %arg14[%swap3A_1122, %swap3A_1123], %max3A_1121 {strides = array<i32>} : memref<328x128xf32, #tpu.memory_space<vmem>>, vector<16xf32>,
            %get3A_1125 = arith.index_cast %add3A_1084 : i32 to index
            %get3A_1126 = arith.constant 64 : index
            %get3A_1127 = tpu.vector_load %arg13[%get3A_1125, %get3A_1126] {strides = array<i32>} : memref<32x128xf32, #tpu.memory_space<vmem>>, vector<16xf32>,
            %get3A_1128 = arith.index_cast %squeeze3A_1080 : i32 to index
            %get3A_1129 = arith.constant 64 : index
            %get3A_1130 = tpu.vector_load %arg14[%get3A_1128, %get3A_1129] {strides = array<i32>} : memref<328x128xf32, #tpu.memory_space<vmem>>, vector<16xf32>,
            %max3A_1131 = arith.maximumf %get3A_1130, %get3A_1127 : vector<16xf32>
            %swap3A_1132 = arith.index_cast %squeeze3A_1080 : i32 to index
            %swap3A_1133 = arith.constant 64 : index
            %swap3A_1134 = tpu.vector_load %arg14[%swap3A_1132, %swap3A_1133] {strides = array<i32>} : memref<328x128xf32, #tpu.memory_space<vmem>>, vector<16xf32>,
            tpu.vector_store %arg14[%swap3A_1132, %swap3A_1133], %max3A_1131 {strides = array<i32>} : memref<328x128xf32, #tpu.memory_space<vmem>>, vector<16xf32>,
            %get3A_1135 = arith.index_cast %add3A_1084 : i32 to index
            %get3A_1136 = arith.constant 80 : index
            %get3A_1137 = tpu.vector_load %arg13[%get3A_1135, %get3A_1136] {strides = array<i32>} : memref<32x128xf32, #tpu.memory_space<vmem>>, vector<16xf32>,
            %get3A_1138 = arith.index_cast %squeeze3A_1080 : i32 to index
            %get3A_1139 = arith.constant 80 : index
            %get3A_1140 = tpu.vector_load %arg14[%get3A_1138, %get3A_1139] {strides = array<i32>} : memref<328x128xf32, #tpu.memory_space<vmem>>, vector<16xf32>,
            %max3A_1141 = arith.maximumf %get3A_1140, %get3A_1137 : vector<16xf32>
            %swap3A_1142 = arith.index_cast %squeeze3A_1080 : i32 to index
            %swap3A_1143 = arith.constant 80 : index
            %swap3A_1144 = tpu.vector_load %arg14[%swap3A_1142, %swap3A_1143] {strides = array<i32>} : memref<328x128xf32, #tpu.memory_space<vmem>>, vector<16xf32>,
            tpu.vector_store %arg14[%swap3A_1142, %swap3A_1143], %max3A_1141 {strides = array<i32>} : memref<328x128xf32, #tpu.memory_space<vmem>>, vector<16xf32>,
            %get3A_1145 = arith.index_cast %add3A_1084 : i32 to index
            %get3A_1146 = arith.constant 96 : index
            %get3A_1147 = tpu.vector_load %arg13[%get3A_1145, %get3A_1146] {strides = array<i32>} : memref<32x128xf32, #tpu.memory_space<vmem>>, vector<16xf32>,
            %get3A_1148 = arith.index_cast %squeeze3A_1080 : i32 to index
            %get3A_1149 = arith.constant 96 : index
            %get3A_1150 = tpu.vector_load %arg14[%get3A_1148, %get3A_1149] {strides = array<i32>} : memref<328x128xf32, #tpu.memory_space<vmem>>, vector<16xf32>,
            %max3A_1151 = arith.maximumf %get3A_1150, %get3A_1147 : vector<16xf32>
            %swap3A_1152 = arith.index_cast %squeeze3A_1080 : i32 to index
            %swap3A_1153 = arith.constant 96 : index
            %swap3A_1154 = tpu.vector_load %arg14[%swap3A_1152, %swap3A_1153] {strides = array<i32>} : memref<328x128xf32, #tpu.memory_space<vmem>>, vector<16xf32>,
            tpu.vector_store %arg14[%swap3A_1152, %swap3A_1153], %max3A_1151 {strides = array<i32>} : memref<328x128xf32, #tpu.memory_space<vmem>>, vector<16xf32>,
            %get3A_1155 = arith.index_cast %add3A_1084 : i32 to index
            %get3A_1156 = arith.constant 112 : index
            %get3A_1157 = tpu.vector_load %arg13[%get3A_1155, %get3A_1156] {strides = array<i32>} : memref<32x128xf32, #tpu.memory_space<vmem>>, vector<16xf32>,
            %get3A_1158 = arith.index_cast %squeeze3A_1080 : i32 to index
            %get3A_1159 = arith.constant 112 : index
            %get3A_1160 = tpu.vector_load %arg14[%get3A_1158, %get3A_1159] {strides = array<i32>} : memref<328x128xf32, #tpu.memory_space<vmem>>, vector<16xf32>,
            %max3A_1161 = arith.maximumf %get3A_1160, %get3A_1157 : vector<16xf32>
            %swap3A_1162 = arith.index_cast %squeeze3A_1080 : i32 to index
            %swap3A_1163 = arith.constant 112 : index
            %swap3A_1164 = tpu.vector_load %arg14[%swap3A_1162, %swap3A_1163] {strides = array<i32>} : memref<328x128xf32, #tpu.memory_space<vmem>>, vector<16xf32>,
            tpu.vector_store %arg14[%swap3A_1162, %swap3A_1163], %max3A_1161 {strides = array<i32>} : memref<328x128xf32, #tpu.memory_space<vmem>>, vector<16xf32>,
            %shift_right_logical3A_1165 = arith.constant 4 : i32
            %shift_right_logical3A_1166 = arith.shrui %squeeze3A_1080, %shift_right_logical3A_1165 : i32
            %and3A_1167 = arith.constant 15 : i32
            %and3A_1168 = arith.andi %squeeze3A_1080, %and3A_1167 : i32
            %eq3A_1169 = vector.broadcast %and3A_1168 : i32 to vector<16xi32>
            %eq3A_1170 = arith.cmpi eq, %iota3A, %eq3A_1169 : vector<16xi32>
            %jit3A_1171 = arith.constant 1.000000e+00 : f32
            %jit3A_1172 = arith.constant 0.000000e+00 : f32
            %broadcast_in_dim3A_1173 = vector.broadcast %jit3A_1171 : f32 to vector<16xf32>
            %broadcast_in_dim3A_1174 = vector.broadcast %jit3A_1172 : f32 to vector<16xf32>
            %select_n3A_1175 = arith.select %eq3A_1170, %broadcast_in_dim3A_1173, %broadcast_in_dim3A_1174 : vector<16xi1>, vector<16xf32>
            %get3A_1176 = arith.index_cast %shift_right_logical3A_1166 : i32 to index
            %get3A_1177 = arith.constant 0 : index
            %get3A_1178 = tpu.vector_load %arg15[%get3A_1176, %get3A_1177] {strides = array<i32>} : memref<24x16xf32, #tpu.memory_space<vmem>>, vector<16xf32>,
            %add3A_1179 = arith.addf %get3A_1178, %select_n3A_1175 : vector<16xf32>
            %swap3A_1180 = arith.index_cast %shift_right_logical3A_1166 : i32 to index
            %swap3A_1181 = arith.constant 0 : index
            %swap3A_1182 = tpu.vector_load %arg15[%swap3A_1180, %swap3A_1181] {strides = array<i32>} : memref<24x16xf32, #tpu.memory_space<vmem>>, vector<16xf32>,
            tpu.vector_store %arg15[%swap3A_1180, %swap3A_1181], %add3A_1179 {strides = array<i32>} : memref<24x16xf32, #tpu.memory_space<vmem>>, vector<16xf32>,
            %slice3A_1183 = vector.extract_strided_slice %get3A_148 {offsets = [10], sizes = [1], strides = [1]} : vector<16xi32> to vector<1xi32>
            %squeeze3A_1184 = vector.extract %slice3A_1183[0] : i32 from vector<1xi32>
            %mul3A_1185 = arith.constant 16 : i32
            %mul3A_1186 = arith.muli %while3A_141, %mul3A_1185 : i32
            %add3A_1187 = arith.constant 10 : i32
            %add3A_1188 = arith.addi %mul3A_1186, %add3A_1187 : i32
            %get3A_1189 = arith.index_cast %add3A_1188 : i32 to index
            %get3A_1190 = arith.constant 0 : index
            %get3A_1191 = tpu.vector_load %arg13[%get3A_1189, %get3A_1190] {strides = array<i32>} : memref<32x128xf32, #tpu.memory_space<vmem>>, vector<16xf32>,
            %get3A_1192 = arith.index_cast %squeeze3A_1184 : i32 to index
            %get3A_1193 = arith.constant 0 : index
            %get3A_1194 = tpu.vector_load %arg14[%get3A_1192, %get3A_1193] {strides = array<i32>} : memref<328x128xf32, #tpu.memory_space<vmem>>, vector<16xf32>,
            %max3A_1195 = arith.maximumf %get3A_1194, %get3A_1191 : vector<16xf32>
            %swap3A_1196 = arith.index_cast %squeeze3A_1184 : i32 to index
            %swap3A_1197 = arith.constant 0 : index
            %swap3A_1198 = tpu.vector_load %arg14[%swap3A_1196, %swap3A_1197] {strides = array<i32>} : memref<328x128xf32, #tpu.memory_space<vmem>>, vector<16xf32>,
            tpu.vector_store %arg14[%swap3A_1196, %swap3A_1197], %max3A_1195 {strides = array<i32>} : memref<328x128xf32, #tpu.memory_space<vmem>>, vector<16xf32>,
            %get3A_1199 = arith.index_cast %add3A_1188 : i32 to index
            %get3A_1200 = arith.constant 16 : index
            %get3A_1201 = tpu.vector_load %arg13[%get3A_1199, %get3A_1200] {strides = array<i32>} : memref<32x128xf32, #tpu.memory_space<vmem>>, vector<16xf32>,
            %get3A_1202 = arith.index_cast %squeeze3A_1184 : i32 to index
            %get3A_1203 = arith.constant 16 : index
            %get3A_1204 = tpu.vector_load %arg14[%get3A_1202, %get3A_1203] {strides = array<i32>} : memref<328x128xf32, #tpu.memory_space<vmem>>, vector<16xf32>,
            %max3A_1205 = arith.maximumf %get3A_1204, %get3A_1201 : vector<16xf32>
            %swap3A_1206 = arith.index_cast %squeeze3A_1184 : i32 to index
            %swap3A_1207 = arith.constant 16 : index
            %swap3A_1208 = tpu.vector_load %arg14[%swap3A_1206, %swap3A_1207] {strides = array<i32>} : memref<328x128xf32, #tpu.memory_space<vmem>>, vector<16xf32>,
            tpu.vector_store %arg14[%swap3A_1206, %swap3A_1207], %max3A_1205 {strides = array<i32>} : memref<328x128xf32, #tpu.memory_space<vmem>>, vector<16xf32>,
            %get3A_1209 = arith.index_cast %add3A_1188 : i32 to index
            %get3A_1210 = arith.constant 32 : index
            %get3A_1211 = tpu.vector_load %arg13[%get3A_1209, %get3A_1210] {strides = array<i32>} : memref<32x128xf32, #tpu.memory_space<vmem>>, vector<16xf32>,
            %get3A_1212 = arith.index_cast %squeeze3A_1184 : i32 to index
            %get3A_1213 = arith.constant 32 : index
            %get3A_1214 = tpu.vector_load %arg14[%get3A_1212, %get3A_1213] {strides = array<i32>} : memref<328x128xf32, #tpu.memory_space<vmem>>, vector<16xf32>,
            %max3A_1215 = arith.maximumf %get3A_1214, %get3A_1211 : vector<16xf32>
            %swap3A_1216 = arith.index_cast %squeeze3A_1184 : i32 to index
            %swap3A_1217 = arith.constant 32 : index
            %swap3A_1218 = tpu.vector_load %arg14[%swap3A_1216, %swap3A_1217] {strides = array<i32>} : memref<328x128xf32, #tpu.memory_space<vmem>>, vector<16xf32>,
            tpu.vector_store %arg14[%swap3A_1216, %swap3A_1217], %max3A_1215 {strides = array<i32>} : memref<328x128xf32, #tpu.memory_space<vmem>>, vector<16xf32>,
            %get3A_1219 = arith.index_cast %add3A_1188 : i32 to index
            %get3A_1220 = arith.constant 48 : index
            %get3A_1221 = tpu.vector_load %arg13[%get3A_1219, %get3A_1220] {strides = array<i32>} : memref<32x128xf32, #tpu.memory_space<vmem>>, vector<16xf32>,
            %get3A_1222 = arith.index_cast %squeeze3A_1184 : i32 to index
            %get3A_1223 = arith.constant 48 : index
            %get3A_1224 = tpu.vector_load %arg14[%get3A_1222, %get3A_1223] {strides = array<i32>} : memref<328x128xf32, #tpu.memory_space<vmem>>, vector<16xf32>,
            %max3A_1225 = arith.maximumf %get3A_1224, %get3A_1221 : vector<16xf32>
            %swap3A_1226 = arith.index_cast %squeeze3A_1184 : i32 to index
            %swap3A_1227 = arith.constant 48 : index
            %swap3A_1228 = tpu.vector_load %arg14[%swap3A_1226, %swap3A_1227] {strides = array<i32>} : memref<328x128xf32, #tpu.memory_space<vmem>>, vector<16xf32>,
            tpu.vector_store %arg14[%swap3A_1226, %swap3A_1227], %max3A_1225 {strides = array<i32>} : memref<328x128xf32, #tpu.memory_space<vmem>>, vector<16xf32>,
            %get3A_1229 = arith.index_cast %add3A_1188 : i32 to index
            %get3A_1230 = arith.constant 64 : index
            %get3A_1231 = tpu.vector_load %arg13[%get3A_1229, %get3A_1230] {strides = array<i32>} : memref<32x128xf32, #tpu.memory_space<vmem>>, vector<16xf32>,
            %get3A_1232 = arith.index_cast %squeeze3A_1184 : i32 to index
            %get3A_1233 = arith.constant 64 : index
            %get3A_1234 = tpu.vector_load %arg14[%get3A_1232, %get3A_1233] {strides = array<i32>} : memref<328x128xf32, #tpu.memory_space<vmem>>, vector<16xf32>,
            %max3A_1235 = arith.maximumf %get3A_1234, %get3A_1231 : vector<16xf32>
            %swap3A_1236 = arith.index_cast %squeeze3A_1184 : i32 to index
            %swap3A_1237 = arith.constant 64 : index
            %swap3A_1238 = tpu.vector_load %arg14[%swap3A_1236, %swap3A_1237] {strides = array<i32>} : memref<328x128xf32, #tpu.memory_space<vmem>>, vector<16xf32>,
            tpu.vector_store %arg14[%swap3A_1236, %swap3A_1237], %max3A_1235 {strides = array<i32>} : memref<328x128xf32, #tpu.memory_space<vmem>>, vector<16xf32>,
            %get3A_1239 = arith.index_cast %add3A_1188 : i32 to index
            %get3A_1240 = arith.constant 80 : index
            %get3A_1241 = tpu.vector_load %arg13[%get3A_1239, %get3A_1240] {strides = array<i32>} : memref<32x128xf32, #tpu.memory_space<vmem>>, vector<16xf32>,
            %get3A_1242 = arith.index_cast %squeeze3A_1184 : i32 to index
            %get3A_1243 = arith.constant 80 : index
            %get3A_1244 = tpu.vector_load %arg14[%get3A_1242, %get3A_1243] {strides = array<i32>} : memref<328x128xf32, #tpu.memory_space<vmem>>, vector<16xf32>,
            %max3A_1245 = arith.maximumf %get3A_1244, %get3A_1241 : vector<16xf32>
            %swap3A_1246 = arith.index_cast %squeeze3A_1184 : i32 to index
            %swap3A_1247 = arith.constant 80 : index
            %swap3A_1248 = tpu.vector_load %arg14[%swap3A_1246, %swap3A_1247] {strides = array<i32>} : memref<328x128xf32, #tpu.memory_space<vmem>>, vector<16xf32>,
            tpu.vector_store %arg14[%swap3A_1246, %swap3A_1247], %max3A_1245 {strides = array<i32>} : memref<328x128xf32, #tpu.memory_space<vmem>>, vector<16xf32>,
            %get3A_1249 = arith.index_cast %add3A_1188 : i32 to index
            %get3A_1250 = arith.constant 96 : index
            %get3A_1251 = tpu.vector_load %arg13[%get3A_1249, %get3A_1250] {strides = array<i32>} : memref<32x128xf32, #tpu.memory_space<vmem>>, vector<16xf32>,
            %get3A_1252 = arith.index_cast %squeeze3A_1184 : i32 to index
            %get3A_1253 = arith.constant 96 : index
            %get3A_1254 = tpu.vector_load %arg14[%get3A_1252, %get3A_1253] {strides = array<i32>} : memref<328x128xf32, #tpu.memory_space<vmem>>, vector<16xf32>,
            %max3A_1255 = arith.maximumf %get3A_1254, %get3A_1251 : vector<16xf32>
            %swap3A_1256 = arith.index_cast %squeeze3A_1184 : i32 to index
            %swap3A_1257 = arith.constant 96 : index
            %swap3A_1258 = tpu.vector_load %arg14[%swap3A_1256, %swap3A_1257] {strides = array<i32>} : memref<328x128xf32, #tpu.memory_space<vmem>>, vector<16xf32>,
            tpu.vector_store %arg14[%swap3A_1256, %swap3A_1257], %max3A_1255 {strides = array<i32>} : memref<328x128xf32, #tpu.memory_space<vmem>>, vector<16xf32>,
            %get3A_1259 = arith.index_cast %add3A_1188 : i32 to index
            %get3A_1260 = arith.constant 112 : index
            %get3A_1261 = tpu.vector_load %arg13[%get3A_1259, %get3A_1260] {strides = array<i32>} : memref<32x128xf32, #tpu.memory_space<vmem>>, vector<16xf32>,
            %get3A_1262 = arith.index_cast %squeeze3A_1184 : i32 to index
            %get3A_1263 = arith.constant 112 : index
            %get3A_1264 = tpu.vector_load %arg14[%get3A_1262, %get3A_1263] {strides = array<i32>} : memref<328x128xf32, #tpu.memory_space<vmem>>, vector<16xf32>,
            %max3A_1265 = arith.maximumf %get3A_1264, %get3A_1261 : vector<16xf32>
            %swap3A_1266 = arith.index_cast %squeeze3A_1184 : i32 to index
            %swap3A_1267 = arith.constant 112 : index
            %swap3A_1268 = tpu.vector_load %arg14[%swap3A_1266, %swap3A_1267] {strides = array<i32>} : memref<328x128xf32, #tpu.memory_space<vmem>>, vector<16xf32>,
            tpu.vector_store %arg14[%swap3A_1266, %swap3A_1267], %max3A_1265 {strides = array<i32>} : memref<328x128xf32, #tpu.memory_space<vmem>>, vector<16xf32>,
            %shift_right_logical3A_1269 = arith.constant 4 : i32
            %shift_right_logical3A_1270 = arith.shrui %squeeze3A_1184, %shift_right_logical3A_1269 : i32
            %and3A_1271 = arith.constant 15 : i32
            %and3A_1272 = arith.andi %squeeze3A_1184, %and3A_1271 : i32
            %eq3A_1273 = vector.broadcast %and3A_1272 : i32 to vector<16xi32>
            %eq3A_1274 = arith.cmpi eq, %iota3A, %eq3A_1273 : vector<16xi32>
            %jit3A_1275 = arith.constant 1.000000e+00 : f32
            %jit3A_1276 = arith.constant 0.000000e+00 : f32
            %broadcast_in_dim3A_1277 = vector.broadcast %jit3A_1275 : f32 to vector<16xf32>
            %broadcast_in_dim3A_1278 = vector.broadcast %jit3A_1276 : f32 to vector<16xf32>
            %select_n3A_1279 = arith.select %eq3A_1274, %broadcast_in_dim3A_1277, %broadcast_in_dim3A_1278 : vector<16xi1>, vector<16xf32>
            %get3A_1280 = arith.index_cast %shift_right_logical3A_1270 : i32 to index
            %get3A_1281 = arith.constant 0 : index
            %get3A_1282 = tpu.vector_load %arg15[%get3A_1280, %get3A_1281] {strides = array<i32>} : memref<24x16xf32, #tpu.memory_space<vmem>>, vector<16xf32>,
            %add3A_1283 = arith.addf %get3A_1282, %select_n3A_1279 : vector<16xf32>
            %swap3A_1284 = arith.index_cast %shift_right_logical3A_1270 : i32 to index
            %swap3A_1285 = arith.constant 0 : index
            %swap3A_1286 = tpu.vector_load %arg15[%swap3A_1284, %swap3A_1285] {strides = array<i32>} : memref<24x16xf32, #tpu.memory_space<vmem>>, vector<16xf32>,
            tpu.vector_store %arg15[%swap3A_1284, %swap3A_1285], %add3A_1283 {strides = array<i32>} : memref<24x16xf32, #tpu.memory_space<vmem>>, vector<16xf32>,
            %slice3A_1287 = vector.extract_strided_slice %get3A_148 {offsets = [11], sizes = [1], strides = [1]} : vector<16xi32> to vector<1xi32>
            %squeeze3A_1288 = vector.extract %slice3A_1287[0] : i32 from vector<1xi32>
            %mul3A_1289 = arith.constant 16 : i32
            %mul3A_1290 = arith.muli %while3A_141, %mul3A_1289 : i32
            %add3A_1291 = arith.constant 11 : i32
            %add3A_1292 = arith.addi %mul3A_1290, %add3A_1291 : i32
            %get3A_1293 = arith.index_cast %add3A_1292 : i32 to index
            %get3A_1294 = arith.constant 0 : index
            %get3A_1295 = tpu.vector_load %arg13[%get3A_1293, %get3A_1294] {strides = array<i32>} : memref<32x128xf32, #tpu.memory_space<vmem>>, vector<16xf32>,
            %get3A_1296 = arith.index_cast %squeeze3A_1288 : i32 to index
            %get3A_1297 = arith.constant 0 : index
            %get3A_1298 = tpu.vector_load %arg14[%get3A_1296, %get3A_1297] {strides = array<i32>} : memref<328x128xf32, #tpu.memory_space<vmem>>, vector<16xf32>,
            %max3A_1299 = arith.maximumf %get3A_1298, %get3A_1295 : vector<16xf32>
            %swap3A_1300 = arith.index_cast %squeeze3A_1288 : i32 to index
            %swap3A_1301 = arith.constant 0 : index
            %swap3A_1302 = tpu.vector_load %arg14[%swap3A_1300, %swap3A_1301] {strides = array<i32>} : memref<328x128xf32, #tpu.memory_space<vmem>>, vector<16xf32>,
            tpu.vector_store %arg14[%swap3A_1300, %swap3A_1301], %max3A_1299 {strides = array<i32>} : memref<328x128xf32, #tpu.memory_space<vmem>>, vector<16xf32>,
            %get3A_1303 = arith.index_cast %add3A_1292 : i32 to index
            %get3A_1304 = arith.constant 16 : index
            %get3A_1305 = tpu.vector_load %arg13[%get3A_1303, %get3A_1304] {strides = array<i32>} : memref<32x128xf32, #tpu.memory_space<vmem>>, vector<16xf32>,
            %get3A_1306 = arith.index_cast %squeeze3A_1288 : i32 to index
            %get3A_1307 = arith.constant 16 : index
            %get3A_1308 = tpu.vector_load %arg14[%get3A_1306, %get3A_1307] {strides = array<i32>} : memref<328x128xf32, #tpu.memory_space<vmem>>, vector<16xf32>,
            %max3A_1309 = arith.maximumf %get3A_1308, %get3A_1305 : vector<16xf32>
            %swap3A_1310 = arith.index_cast %squeeze3A_1288 : i32 to index
            %swap3A_1311 = arith.constant 16 : index
            %swap3A_1312 = tpu.vector_load %arg14[%swap3A_1310, %swap3A_1311] {strides = array<i32>} : memref<328x128xf32, #tpu.memory_space<vmem>>, vector<16xf32>,
            tpu.vector_store %arg14[%swap3A_1310, %swap3A_1311], %max3A_1309 {strides = array<i32>} : memref<328x128xf32, #tpu.memory_space<vmem>>, vector<16xf32>,
            %get3A_1313 = arith.index_cast %add3A_1292 : i32 to index
            %get3A_1314 = arith.constant 32 : index
            %get3A_1315 = tpu.vector_load %arg13[%get3A_1313, %get3A_1314] {strides = array<i32>} : memref<32x128xf32, #tpu.memory_space<vmem>>, vector<16xf32>,
            %get3A_1316 = arith.index_cast %squeeze3A_1288 : i32 to index
            %get3A_1317 = arith.constant 32 : index
            %get3A_1318 = tpu.vector_load %arg14[%get3A_1316, %get3A_1317] {strides = array<i32>} : memref<328x128xf32, #tpu.memory_space<vmem>>, vector<16xf32>,
            %max3A_1319 = arith.maximumf %get3A_1318, %get3A_1315 : vector<16xf32>
            %swap3A_1320 = arith.index_cast %squeeze3A_1288 : i32 to index
            %swap3A_1321 = arith.constant 32 : index
            %swap3A_1322 = tpu.vector_load %arg14[%swap3A_1320, %swap3A_1321] {strides = array<i32>} : memref<328x128xf32, #tpu.memory_space<vmem>>, vector<16xf32>,
            tpu.vector_store %arg14[%swap3A_1320, %swap3A_1321], %max3A_1319 {strides = array<i32>} : memref<328x128xf32, #tpu.memory_space<vmem>>, vector<16xf32>,
            %get3A_1323 = arith.index_cast %add3A_1292 : i32 to index
            %get3A_1324 = arith.constant 48 : index
            %get3A_1325 = tpu.vector_load %arg13[%get3A_1323, %get3A_1324] {strides = array<i32>} : memref<32x128xf32, #tpu.memory_space<vmem>>, vector<16xf32>,
            %get3A_1326 = arith.index_cast %squeeze3A_1288 : i32 to index
            %get3A_1327 = arith.constant 48 : index
            %get3A_1328 = tpu.vector_load %arg14[%get3A_1326, %get3A_1327] {strides = array<i32>} : memref<328x128xf32, #tpu.memory_space<vmem>>, vector<16xf32>,
            %max3A_1329 = arith.maximumf %get3A_1328, %get3A_1325 : vector<16xf32>
            %swap3A_1330 = arith.index_cast %squeeze3A_1288 : i32 to index
            %swap3A_1331 = arith.constant 48 : index
            %swap3A_1332 = tpu.vector_load %arg14[%swap3A_1330, %swap3A_1331] {strides = array<i32>} : memref<328x128xf32, #tpu.memory_space<vmem>>, vector<16xf32>,
            tpu.vector_store %arg14[%swap3A_1330, %swap3A_1331], %max3A_1329 {strides = array<i32>} : memref<328x128xf32, #tpu.memory_space<vmem>>, vector<16xf32>,
            %get3A_1333 = arith.index_cast %add3A_1292 : i32 to index
            %get3A_1334 = arith.constant 64 : index
            %get3A_1335 = tpu.vector_load %arg13[%get3A_1333, %get3A_1334] {strides = array<i32>} : memref<32x128xf32, #tpu.memory_space<vmem>>, vector<16xf32>,
            %get3A_1336 = arith.index_cast %squeeze3A_1288 : i32 to index
            %get3A_1337 = arith.constant 64 : index
            %get3A_1338 = tpu.vector_load %arg14[%get3A_1336, %get3A_1337] {strides = array<i32>} : memref<328x128xf32, #tpu.memory_space<vmem>>, vector<16xf32>,
            %max3A_1339 = arith.maximumf %get3A_1338, %get3A_1335 : vector<16xf32>
            %swap3A_1340 = arith.index_cast %squeeze3A_1288 : i32 to index
            %swap3A_1341 = arith.constant 64 : index
            %swap3A_1342 = tpu.vector_load %arg14[%swap3A_1340, %swap3A_1341] {strides = array<i32>} : memref<328x128xf32, #tpu.memory_space<vmem>>, vector<16xf32>,
            tpu.vector_store %arg14[%swap3A_1340, %swap3A_1341], %max3A_1339 {strides = array<i32>} : memref<328x128xf32, #tpu.memory_space<vmem>>, vector<16xf32>,
            %get3A_1343 = arith.index_cast %add3A_1292 : i32 to index
            %get3A_1344 = arith.constant 80 : index
            %get3A_1345 = tpu.vector_load %arg13[%get3A_1343, %get3A_1344] {strides = array<i32>} : memref<32x128xf32, #tpu.memory_space<vmem>>, vector<16xf32>,
            %get3A_1346 = arith.index_cast %squeeze3A_1288 : i32 to index
            %get3A_1347 = arith.constant 80 : index
            %get3A_1348 = tpu.vector_load %arg14[%get3A_1346, %get3A_1347] {strides = array<i32>} : memref<328x128xf32, #tpu.memory_space<vmem>>, vector<16xf32>,
            %max3A_1349 = arith.maximumf %get3A_1348, %get3A_1345 : vector<16xf32>
            %swap3A_1350 = arith.index_cast %squeeze3A_1288 : i32 to index
            %swap3A_1351 = arith.constant 80 : index
            %swap3A_1352 = tpu.vector_load %arg14[%swap3A_1350, %swap3A_1351] {strides = array<i32>} : memref<328x128xf32, #tpu.memory_space<vmem>>, vector<16xf32>,
            tpu.vector_store %arg14[%swap3A_1350, %swap3A_1351], %max3A_1349 {strides = array<i32>} : memref<328x128xf32, #tpu.memory_space<vmem>>, vector<16xf32>,
            %get3A_1353 = arith.index_cast %add3A_1292 : i32 to index
            %get3A_1354 = arith.constant 96 : index
            %get3A_1355 = tpu.vector_load %arg13[%get3A_1353, %get3A_1354] {strides = array<i32>} : memref<32x128xf32, #tpu.memory_space<vmem>>, vector<16xf32>,
            %get3A_1356 = arith.index_cast %squeeze3A_1288 : i32 to index
            %get3A_1357 = arith.constant 96 : index
            %get3A_1358 = tpu.vector_load %arg14[%get3A_1356, %get3A_1357] {strides = array<i32>} : memref<328x128xf32, #tpu.memory_space<vmem>>, vector<16xf32>,
            %max3A_1359 = arith.maximumf %get3A_1358, %get3A_1355 : vector<16xf32>
            %swap3A_1360 = arith.index_cast %squeeze3A_1288 : i32 to index
            %swap3A_1361 = arith.constant 96 : index
            %swap3A_1362 = tpu.vector_load %arg14[%swap3A_1360, %swap3A_1361] {strides = array<i32>} : memref<328x128xf32, #tpu.memory_space<vmem>>, vector<16xf32>,
            tpu.vector_store %arg14[%swap3A_1360, %swap3A_1361], %max3A_1359 {strides = array<i32>} : memref<328x128xf32, #tpu.memory_space<vmem>>, vector<16xf32>,
            %get3A_1363 = arith.index_cast %add3A_1292 : i32 to index
            %get3A_1364 = arith.constant 112 : index
            %get3A_1365 = tpu.vector_load %arg13[%get3A_1363, %get3A_1364] {strides = array<i32>} : memref<32x128xf32, #tpu.memory_space<vmem>>, vector<16xf32>,
            %get3A_1366 = arith.index_cast %squeeze3A_1288 : i32 to index
            %get3A_1367 = arith.constant 112 : index
            %get3A_1368 = tpu.vector_load %arg14[%get3A_1366, %get3A_1367] {strides = array<i32>} : memref<328x128xf32, #tpu.memory_space<vmem>>, vector<16xf32>,
            %max3A_1369 = arith.maximumf %get3A_1368, %get3A_1365 : vector<16xf32>
            %swap3A_1370 = arith.index_cast %squeeze3A_1288 : i32 to index
            %swap3A_1371 = arith.constant 112 : index
            %swap3A_1372 = tpu.vector_load %arg14[%swap3A_1370, %swap3A_1371] {strides = array<i32>} : memref<328x128xf32, #tpu.memory_space<vmem>>, vector<16xf32>,
            tpu.vector_store %arg14[%swap3A_1370, %swap3A_1371], %max3A_1369 {strides = array<i32>} : memref<328x128xf32, #tpu.memory_space<vmem>>, vector<16xf32>,
            %shift_right_logical3A_1373 = arith.constant 4 : i32
            %shift_right_logical3A_1374 = arith.shrui %squeeze3A_1288, %shift_right_logical3A_1373 : i32
            %and3A_1375 = arith.constant 15 : i32
            %and3A_1376 = arith.andi %squeeze3A_1288, %and3A_1375 : i32
            %eq3A_1377 = vector.broadcast %and3A_1376 : i32 to vector<16xi32>
            %eq3A_1378 = arith.cmpi eq, %iota3A, %eq3A_1377 : vector<16xi32>
            %jit3A_1379 = arith.constant 1.000000e+00 : f32
            %jit3A_1380 = arith.constant 0.000000e+00 : f32
            %broadcast_in_dim3A_1381 = vector.broadcast %jit3A_1379 : f32 to vector<16xf32>
            %broadcast_in_dim3A_1382 = vector.broadcast %jit3A_1380 : f32 to vector<16xf32>
            %select_n3A_1383 = arith.select %eq3A_1378, %broadcast_in_dim3A_1381, %broadcast_in_dim3A_1382 : vector<16xi1>, vector<16xf32>
            %get3A_1384 = arith.index_cast %shift_right_logical3A_1374 : i32 to index
            %get3A_1385 = arith.constant 0 : index
            %get3A_1386 = tpu.vector_load %arg15[%get3A_1384, %get3A_1385] {strides = array<i32>} : memref<24x16xf32, #tpu.memory_space<vmem>>, vector<16xf32>,
            %add3A_1387 = arith.addf %get3A_1386, %select_n3A_1383 : vector<16xf32>
            %swap3A_1388 = arith.index_cast %shift_right_logical3A_1374 : i32 to index
            %swap3A_1389 = arith.constant 0 : index
            %swap3A_1390 = tpu.vector_load %arg15[%swap3A_1388, %swap3A_1389] {strides = array<i32>} : memref<24x16xf32, #tpu.memory_space<vmem>>, vector<16xf32>,
            tpu.vector_store %arg15[%swap3A_1388, %swap3A_1389], %add3A_1387 {strides = array<i32>} : memref<24x16xf32, #tpu.memory_space<vmem>>, vector<16xf32>,
            %slice3A_1391 = vector.extract_strided_slice %get3A_148 {offsets = [12], sizes = [1], strides = [1]} : vector<16xi32> to vector<1xi32>
            %squeeze3A_1392 = vector.extract %slice3A_1391[0] : i32 from vector<1xi32>
            %mul3A_1393 = arith.constant 16 : i32
            %mul3A_1394 = arith.muli %while3A_141, %mul3A_1393 : i32
            %add3A_1395 = arith.constant 12 : i32
            %add3A_1396 = arith.addi %mul3A_1394, %add3A_1395 : i32
            %get3A_1397 = arith.index_cast %add3A_1396 : i32 to index
            %get3A_1398 = arith.constant 0 : index
            %get3A_1399 = tpu.vector_load %arg13[%get3A_1397, %get3A_1398] {strides = array<i32>} : memref<32x128xf32, #tpu.memory_space<vmem>>, vector<16xf32>,
            %get3A_1400 = arith.index_cast %squeeze3A_1392 : i32 to index
            %get3A_1401 = arith.constant 0 : index
            %get3A_1402 = tpu.vector_load %arg14[%get3A_1400, %get3A_1401] {strides = array<i32>} : memref<328x128xf32, #tpu.memory_space<vmem>>, vector<16xf32>,
            %max3A_1403 = arith.maximumf %get3A_1402, %get3A_1399 : vector<16xf32>
            %swap3A_1404 = arith.index_cast %squeeze3A_1392 : i32 to index
            %swap3A_1405 = arith.constant 0 : index
            %swap3A_1406 = tpu.vector_load %arg14[%swap3A_1404, %swap3A_1405] {strides = array<i32>} : memref<328x128xf32, #tpu.memory_space<vmem>>, vector<16xf32>,
            tpu.vector_store %arg14[%swap3A_1404, %swap3A_1405], %max3A_1403 {strides = array<i32>} : memref<328x128xf32, #tpu.memory_space<vmem>>, vector<16xf32>,
            %get3A_1407 = arith.index_cast %add3A_1396 : i32 to index
            %get3A_1408 = arith.constant 16 : index
            %get3A_1409 = tpu.vector_load %arg13[%get3A_1407, %get3A_1408] {strides = array<i32>} : memref<32x128xf32, #tpu.memory_space<vmem>>, vector<16xf32>,
            %get3A_1410 = arith.index_cast %squeeze3A_1392 : i32 to index
            %get3A_1411 = arith.constant 16 : index
            %get3A_1412 = tpu.vector_load %arg14[%get3A_1410, %get3A_1411] {strides = array<i32>} : memref<328x128xf32, #tpu.memory_space<vmem>>, vector<16xf32>,
            %max3A_1413 = arith.maximumf %get3A_1412, %get3A_1409 : vector<16xf32>
            %swap3A_1414 = arith.index_cast %squeeze3A_1392 : i32 to index
            %swap3A_1415 = arith.constant 16 : index
            %swap3A_1416 = tpu.vector_load %arg14[%swap3A_1414, %swap3A_1415] {strides = array<i32>} : memref<328x128xf32, #tpu.memory_space<vmem>>, vector<16xf32>,
            tpu.vector_store %arg14[%swap3A_1414, %swap3A_1415], %max3A_1413 {strides = array<i32>} : memref<328x128xf32, #tpu.memory_space<vmem>>, vector<16xf32>,
            %get3A_1417 = arith.index_cast %add3A_1396 : i32 to index
            %get3A_1418 = arith.constant 32 : index
            %get3A_1419 = tpu.vector_load %arg13[%get3A_1417, %get3A_1418] {strides = array<i32>} : memref<32x128xf32, #tpu.memory_space<vmem>>, vector<16xf32>,
            %get3A_1420 = arith.index_cast %squeeze3A_1392 : i32 to index
            %get3A_1421 = arith.constant 32 : index
            %get3A_1422 = tpu.vector_load %arg14[%get3A_1420, %get3A_1421] {strides = array<i32>} : memref<328x128xf32, #tpu.memory_space<vmem>>, vector<16xf32>,
            %max3A_1423 = arith.maximumf %get3A_1422, %get3A_1419 : vector<16xf32>
            %swap3A_1424 = arith.index_cast %squeeze3A_1392 : i32 to index
            %swap3A_1425 = arith.constant 32 : index
            %swap3A_1426 = tpu.vector_load %arg14[%swap3A_1424, %swap3A_1425] {strides = array<i32>} : memref<328x128xf32, #tpu.memory_space<vmem>>, vector<16xf32>,
            tpu.vector_store %arg14[%swap3A_1424, %swap3A_1425], %max3A_1423 {strides = array<i32>} : memref<328x128xf32, #tpu.memory_space<vmem>>, vector<16xf32>,
            %get3A_1427 = arith.index_cast %add3A_1396 : i32 to index
            %get3A_1428 = arith.constant 48 : index
            %get3A_1429 = tpu.vector_load %arg13[%get3A_1427, %get3A_1428] {strides = array<i32>} : memref<32x128xf32, #tpu.memory_space<vmem>>, vector<16xf32>,
            %get3A_1430 = arith.index_cast %squeeze3A_1392 : i32 to index
            %get3A_1431 = arith.constant 48 : index
            %get3A_1432 = tpu.vector_load %arg14[%get3A_1430, %get3A_1431] {strides = array<i32>} : memref<328x128xf32, #tpu.memory_space<vmem>>, vector<16xf32>,
            %max3A_1433 = arith.maximumf %get3A_1432, %get3A_1429 : vector<16xf32>
            %swap3A_1434 = arith.index_cast %squeeze3A_1392 : i32 to index
            %swap3A_1435 = arith.constant 48 : index
            %swap3A_1436 = tpu.vector_load %arg14[%swap3A_1434, %swap3A_1435] {strides = array<i32>} : memref<328x128xf32, #tpu.memory_space<vmem>>, vector<16xf32>,
            tpu.vector_store %arg14[%swap3A_1434, %swap3A_1435], %max3A_1433 {strides = array<i32>} : memref<328x128xf32, #tpu.memory_space<vmem>>, vector<16xf32>,
            %get3A_1437 = arith.index_cast %add3A_1396 : i32 to index
            %get3A_1438 = arith.constant 64 : index
            %get3A_1439 = tpu.vector_load %arg13[%get3A_1437, %get3A_1438] {strides = array<i32>} : memref<32x128xf32, #tpu.memory_space<vmem>>, vector<16xf32>,
            %get3A_1440 = arith.index_cast %squeeze3A_1392 : i32 to index
            %get3A_1441 = arith.constant 64 : index
            %get3A_1442 = tpu.vector_load %arg14[%get3A_1440, %get3A_1441] {strides = array<i32>} : memref<328x128xf32, #tpu.memory_space<vmem>>, vector<16xf32>,
            %max3A_1443 = arith.maximumf %get3A_1442, %get3A_1439 : vector<16xf32>
            %swap3A_1444 = arith.index_cast %squeeze3A_1392 : i32 to index
            %swap3A_1445 = arith.constant 64 : index
            %swap3A_1446 = tpu.vector_load %arg14[%swap3A_1444, %swap3A_1445] {strides = array<i32>} : memref<328x128xf32, #tpu.memory_space<vmem>>, vector<16xf32>,
            tpu.vector_store %arg14[%swap3A_1444, %swap3A_1445], %max3A_1443 {strides = array<i32>} : memref<328x128xf32, #tpu.memory_space<vmem>>, vector<16xf32>,
            %get3A_1447 = arith.index_cast %add3A_1396 : i32 to index
            %get3A_1448 = arith.constant 80 : index
            %get3A_1449 = tpu.vector_load %arg13[%get3A_1447, %get3A_1448] {strides = array<i32>} : memref<32x128xf32, #tpu.memory_space<vmem>>, vector<16xf32>,
            %get3A_1450 = arith.index_cast %squeeze3A_1392 : i32 to index
            %get3A_1451 = arith.constant 80 : index
            %get3A_1452 = tpu.vector_load %arg14[%get3A_1450, %get3A_1451] {strides = array<i32>} : memref<328x128xf32, #tpu.memory_space<vmem>>, vector<16xf32>,
            %max3A_1453 = arith.maximumf %get3A_1452, %get3A_1449 : vector<16xf32>
            %swap3A_1454 = arith.index_cast %squeeze3A_1392 : i32 to index
            %swap3A_1455 = arith.constant 80 : index
            %swap3A_1456 = tpu.vector_load %arg14[%swap3A_1454, %swap3A_1455] {strides = array<i32>} : memref<328x128xf32, #tpu.memory_space<vmem>>, vector<16xf32>,
            tpu.vector_store %arg14[%swap3A_1454, %swap3A_1455], %max3A_1453 {strides = array<i32>} : memref<328x128xf32, #tpu.memory_space<vmem>>, vector<16xf32>,
            %get3A_1457 = arith.index_cast %add3A_1396 : i32 to index
            %get3A_1458 = arith.constant 96 : index
            %get3A_1459 = tpu.vector_load %arg13[%get3A_1457, %get3A_1458] {strides = array<i32>} : memref<32x128xf32, #tpu.memory_space<vmem>>, vector<16xf32>,
            %get3A_1460 = arith.index_cast %squeeze3A_1392 : i32 to index
            %get3A_1461 = arith.constant 96 : index
            %get3A_1462 = tpu.vector_load %arg14[%get3A_1460, %get3A_1461] {strides = array<i32>} : memref<328x128xf32, #tpu.memory_space<vmem>>, vector<16xf32>,
            %max3A_1463 = arith.maximumf %get3A_1462, %get3A_1459 : vector<16xf32>
            %swap3A_1464 = arith.index_cast %squeeze3A_1392 : i32 to index
            %swap3A_1465 = arith.constant 96 : index
            %swap3A_1466 = tpu.vector_load %arg14[%swap3A_1464, %swap3A_1465] {strides = array<i32>} : memref<328x128xf32, #tpu.memory_space<vmem>>, vector<16xf32>,
            tpu.vector_store %arg14[%swap3A_1464, %swap3A_1465], %max3A_1463 {strides = array<i32>} : memref<328x128xf32, #tpu.memory_space<vmem>>, vector<16xf32>,
            %get3A_1467 = arith.index_cast %add3A_1396 : i32 to index
            %get3A_1468 = arith.constant 112 : index
            %get3A_1469 = tpu.vector_load %arg13[%get3A_1467, %get3A_1468] {strides = array<i32>} : memref<32x128xf32, #tpu.memory_space<vmem>>, vector<16xf32>,
            %get3A_1470 = arith.index_cast %squeeze3A_1392 : i32 to index
            %get3A_1471 = arith.constant 112 : index
            %get3A_1472 = tpu.vector_load %arg14[%get3A_1470, %get3A_1471] {strides = array<i32>} : memref<328x128xf32, #tpu.memory_space<vmem>>, vector<16xf32>,
            %max3A_1473 = arith.maximumf %get3A_1472, %get3A_1469 : vector<16xf32>
            %swap3A_1474 = arith.index_cast %squeeze3A_1392 : i32 to index
            %swap3A_1475 = arith.constant 112 : index
            %swap3A_1476 = tpu.vector_load %arg14[%swap3A_1474, %swap3A_1475] {strides = array<i32>} : memref<328x128xf32, #tpu.memory_space<vmem>>, vector<16xf32>,
            tpu.vector_store %arg14[%swap3A_1474, %swap3A_1475], %max3A_1473 {strides = array<i32>} : memref<328x128xf32, #tpu.memory_space<vmem>>, vector<16xf32>,
            %shift_right_logical3A_1477 = arith.constant 4 : i32
            %shift_right_logical3A_1478 = arith.shrui %squeeze3A_1392, %shift_right_logical3A_1477 : i32
            %and3A_1479 = arith.constant 15 : i32
            %and3A_1480 = arith.andi %squeeze3A_1392, %and3A_1479 : i32
            %eq3A_1481 = vector.broadcast %and3A_1480 : i32 to vector<16xi32>
            %eq3A_1482 = arith.cmpi eq, %iota3A, %eq3A_1481 : vector<16xi32>
            %jit3A_1483 = arith.constant 1.000000e+00 : f32
            %jit3A_1484 = arith.constant 0.000000e+00 : f32
            %broadcast_in_dim3A_1485 = vector.broadcast %jit3A_1483 : f32 to vector<16xf32>
            %broadcast_in_dim3A_1486 = vector.broadcast %jit3A_1484 : f32 to vector<16xf32>
            %select_n3A_1487 = arith.select %eq3A_1482, %broadcast_in_dim3A_1485, %broadcast_in_dim3A_1486 : vector<16xi1>, vector<16xf32>
            %get3A_1488 = arith.index_cast %shift_right_logical3A_1478 : i32 to index
            %get3A_1489 = arith.constant 0 : index
            %get3A_1490 = tpu.vector_load %arg15[%get3A_1488, %get3A_1489] {strides = array<i32>} : memref<24x16xf32, #tpu.memory_space<vmem>>, vector<16xf32>,
            %add3A_1491 = arith.addf %get3A_1490, %select_n3A_1487 : vector<16xf32>
            %swap3A_1492 = arith.index_cast %shift_right_logical3A_1478 : i32 to index
            %swap3A_1493 = arith.constant 0 : index
            %swap3A_1494 = tpu.vector_load %arg15[%swap3A_1492, %swap3A_1493] {strides = array<i32>} : memref<24x16xf32, #tpu.memory_space<vmem>>, vector<16xf32>,
            tpu.vector_store %arg15[%swap3A_1492, %swap3A_1493], %add3A_1491 {strides = array<i32>} : memref<24x16xf32, #tpu.memory_space<vmem>>, vector<16xf32>,
            %slice3A_1495 = vector.extract_strided_slice %get3A_148 {offsets = [13], sizes = [1], strides = [1]} : vector<16xi32> to vector<1xi32>
            %squeeze3A_1496 = vector.extract %slice3A_1495[0] : i32 from vector<1xi32>
            %mul3A_1497 = arith.constant 16 : i32
            %mul3A_1498 = arith.muli %while3A_141, %mul3A_1497 : i32
            %add3A_1499 = arith.constant 13 : i32
            %add3A_1500 = arith.addi %mul3A_1498, %add3A_1499 : i32
            %get3A_1501 = arith.index_cast %add3A_1500 : i32 to index
            %get3A_1502 = arith.constant 0 : index
            %get3A_1503 = tpu.vector_load %arg13[%get3A_1501, %get3A_1502] {strides = array<i32>} : memref<32x128xf32, #tpu.memory_space<vmem>>, vector<16xf32>,
            %get3A_1504 = arith.index_cast %squeeze3A_1496 : i32 to index
            %get3A_1505 = arith.constant 0 : index
            %get3A_1506 = tpu.vector_load %arg14[%get3A_1504, %get3A_1505] {strides = array<i32>} : memref<328x128xf32, #tpu.memory_space<vmem>>, vector<16xf32>,
            %max3A_1507 = arith.maximumf %get3A_1506, %get3A_1503 : vector<16xf32>
            %swap3A_1508 = arith.index_cast %squeeze3A_1496 : i32 to index
            %swap3A_1509 = arith.constant 0 : index
            %swap3A_1510 = tpu.vector_load %arg14[%swap3A_1508, %swap3A_1509] {strides = array<i32>} : memref<328x128xf32, #tpu.memory_space<vmem>>, vector<16xf32>,
            tpu.vector_store %arg14[%swap3A_1508, %swap3A_1509], %max3A_1507 {strides = array<i32>} : memref<328x128xf32, #tpu.memory_space<vmem>>, vector<16xf32>,
            %get3A_1511 = arith.index_cast %add3A_1500 : i32 to index
            %get3A_1512 = arith.constant 16 : index
            %get3A_1513 = tpu.vector_load %arg13[%get3A_1511, %get3A_1512] {strides = array<i32>} : memref<32x128xf32, #tpu.memory_space<vmem>>, vector<16xf32>,
            %get3A_1514 = arith.index_cast %squeeze3A_1496 : i32 to index
            %get3A_1515 = arith.constant 16 : index
            %get3A_1516 = tpu.vector_load %arg14[%get3A_1514, %get3A_1515] {strides = array<i32>} : memref<328x128xf32, #tpu.memory_space<vmem>>, vector<16xf32>,
            %max3A_1517 = arith.maximumf %get3A_1516, %get3A_1513 : vector<16xf32>
            %swap3A_1518 = arith.index_cast %squeeze3A_1496 : i32 to index
            %swap3A_1519 = arith.constant 16 : index
            %swap3A_1520 = tpu.vector_load %arg14[%swap3A_1518, %swap3A_1519] {strides = array<i32>} : memref<328x128xf32, #tpu.memory_space<vmem>>, vector<16xf32>,
            tpu.vector_store %arg14[%swap3A_1518, %swap3A_1519], %max3A_1517 {strides = array<i32>} : memref<328x128xf32, #tpu.memory_space<vmem>>, vector<16xf32>,
            %get3A_1521 = arith.index_cast %add3A_1500 : i32 to index
            %get3A_1522 = arith.constant 32 : index
            %get3A_1523 = tpu.vector_load %arg13[%get3A_1521, %get3A_1522] {strides = array<i32>} : memref<32x128xf32, #tpu.memory_space<vmem>>, vector<16xf32>,
            %get3A_1524 = arith.index_cast %squeeze3A_1496 : i32 to index
            %get3A_1525 = arith.constant 32 : index
            %get3A_1526 = tpu.vector_load %arg14[%get3A_1524, %get3A_1525] {strides = array<i32>} : memref<328x128xf32, #tpu.memory_space<vmem>>, vector<16xf32>,
            %max3A_1527 = arith.maximumf %get3A_1526, %get3A_1523 : vector<16xf32>
            %swap3A_1528 = arith.index_cast %squeeze3A_1496 : i32 to index
            %swap3A_1529 = arith.constant 32 : index
            %swap3A_1530 = tpu.vector_load %arg14[%swap3A_1528, %swap3A_1529] {strides = array<i32>} : memref<328x128xf32, #tpu.memory_space<vmem>>, vector<16xf32>,
            tpu.vector_store %arg14[%swap3A_1528, %swap3A_1529], %max3A_1527 {strides = array<i32>} : memref<328x128xf32, #tpu.memory_space<vmem>>, vector<16xf32>,
            %get3A_1531 = arith.index_cast %add3A_1500 : i32 to index
            %get3A_1532 = arith.constant 48 : index
            %get3A_1533 = tpu.vector_load %arg13[%get3A_1531, %get3A_1532] {strides = array<i32>} : memref<32x128xf32, #tpu.memory_space<vmem>>, vector<16xf32>,
            %get3A_1534 = arith.index_cast %squeeze3A_1496 : i32 to index
            %get3A_1535 = arith.constant 48 : index
            %get3A_1536 = tpu.vector_load %arg14[%get3A_1534, %get3A_1535] {strides = array<i32>} : memref<328x128xf32, #tpu.memory_space<vmem>>, vector<16xf32>,
            %max3A_1537 = arith.maximumf %get3A_1536, %get3A_1533 : vector<16xf32>
            %swap3A_1538 = arith.index_cast %squeeze3A_1496 : i32 to index
            %swap3A_1539 = arith.constant 48 : index
            %swap3A_1540 = tpu.vector_load %arg14[%swap3A_1538, %swap3A_1539] {strides = array<i32>} : memref<328x128xf32, #tpu.memory_space<vmem>>, vector<16xf32>,
            tpu.vector_store %arg14[%swap3A_1538, %swap3A_1539], %max3A_1537 {strides = array<i32>} : memref<328x128xf32, #tpu.memory_space<vmem>>, vector<16xf32>,
            %get3A_1541 = arith.index_cast %add3A_1500 : i32 to index
            %get3A_1542 = arith.constant 64 : index
            %get3A_1543 = tpu.vector_load %arg13[%get3A_1541, %get3A_1542] {strides = array<i32>} : memref<32x128xf32, #tpu.memory_space<vmem>>, vector<16xf32>,
            %get3A_1544 = arith.index_cast %squeeze3A_1496 : i32 to index
            %get3A_1545 = arith.constant 64 : index
            %get3A_1546 = tpu.vector_load %arg14[%get3A_1544, %get3A_1545] {strides = array<i32>} : memref<328x128xf32, #tpu.memory_space<vmem>>, vector<16xf32>,
            %max3A_1547 = arith.maximumf %get3A_1546, %get3A_1543 : vector<16xf32>
            %swap3A_1548 = arith.index_cast %squeeze3A_1496 : i32 to index
            %swap3A_1549 = arith.constant 64 : index
            %swap3A_1550 = tpu.vector_load %arg14[%swap3A_1548, %swap3A_1549] {strides = array<i32>} : memref<328x128xf32, #tpu.memory_space<vmem>>, vector<16xf32>,
            tpu.vector_store %arg14[%swap3A_1548, %swap3A_1549], %max3A_1547 {strides = array<i32>} : memref<328x128xf32, #tpu.memory_space<vmem>>, vector<16xf32>,
            %get3A_1551 = arith.index_cast %add3A_1500 : i32 to index
            %get3A_1552 = arith.constant 80 : index
            %get3A_1553 = tpu.vector_load %arg13[%get3A_1551, %get3A_1552] {strides = array<i32>} : memref<32x128xf32, #tpu.memory_space<vmem>>, vector<16xf32>,
            %get3A_1554 = arith.index_cast %squeeze3A_1496 : i32 to index
            %get3A_1555 = arith.constant 80 : index
            %get3A_1556 = tpu.vector_load %arg14[%get3A_1554, %get3A_1555] {strides = array<i32>} : memref<328x128xf32, #tpu.memory_space<vmem>>, vector<16xf32>,
            %max3A_1557 = arith.maximumf %get3A_1556, %get3A_1553 : vector<16xf32>
            %swap3A_1558 = arith.index_cast %squeeze3A_1496 : i32 to index
            %swap3A_1559 = arith.constant 80 : index
            %swap3A_1560 = tpu.vector_load %arg14[%swap3A_1558, %swap3A_1559] {strides = array<i32>} : memref<328x128xf32, #tpu.memory_space<vmem>>, vector<16xf32>,
            tpu.vector_store %arg14[%swap3A_1558, %swap3A_1559], %max3A_1557 {strides = array<i32>} : memref<328x128xf32, #tpu.memory_space<vmem>>, vector<16xf32>,
            %get3A_1561 = arith.index_cast %add3A_1500 : i32 to index
            %get3A_1562 = arith.constant 96 : index
            %get3A_1563 = tpu.vector_load %arg13[%get3A_1561, %get3A_1562] {strides = array<i32>} : memref<32x128xf32, #tpu.memory_space<vmem>>, vector<16xf32>,
            %get3A_1564 = arith.index_cast %squeeze3A_1496 : i32 to index
            %get3A_1565 = arith.constant 96 : index
            %get3A_1566 = tpu.vector_load %arg14[%get3A_1564, %get3A_1565] {strides = array<i32>} : memref<328x128xf32, #tpu.memory_space<vmem>>, vector<16xf32>,
            %max3A_1567 = arith.maximumf %get3A_1566, %get3A_1563 : vector<16xf32>
            %swap3A_1568 = arith.index_cast %squeeze3A_1496 : i32 to index
            %swap3A_1569 = arith.constant 96 : index
            %swap3A_1570 = tpu.vector_load %arg14[%swap3A_1568, %swap3A_1569] {strides = array<i32>} : memref<328x128xf32, #tpu.memory_space<vmem>>, vector<16xf32>,
            tpu.vector_store %arg14[%swap3A_1568, %swap3A_1569], %max3A_1567 {strides = array<i32>} : memref<328x128xf32, #tpu.memory_space<vmem>>, vector<16xf32>,
            %get3A_1571 = arith.index_cast %add3A_1500 : i32 to index
            %get3A_1572 = arith.constant 112 : index
            %get3A_1573 = tpu.vector_load %arg13[%get3A_1571, %get3A_1572] {strides = array<i32>} : memref<32x128xf32, #tpu.memory_space<vmem>>, vector<16xf32>,
            %get3A_1574 = arith.index_cast %squeeze3A_1496 : i32 to index
            %get3A_1575 = arith.constant 112 : index
            %get3A_1576 = tpu.vector_load %arg14[%get3A_1574, %get3A_1575] {strides = array<i32>} : memref<328x128xf32, #tpu.memory_space<vmem>>, vector<16xf32>,
            %max3A_1577 = arith.maximumf %get3A_1576, %get3A_1573 : vector<16xf32>
            %swap3A_1578 = arith.index_cast %squeeze3A_1496 : i32 to index
            %swap3A_1579 = arith.constant 112 : index
            %swap3A_1580 = tpu.vector_load %arg14[%swap3A_1578, %swap3A_1579] {strides = array<i32>} : memref<328x128xf32, #tpu.memory_space<vmem>>, vector<16xf32>,
            tpu.vector_store %arg14[%swap3A_1578, %swap3A_1579], %max3A_1577 {strides = array<i32>} : memref<328x128xf32, #tpu.memory_space<vmem>>, vector<16xf32>,
            %shift_right_logical3A_1581 = arith.constant 4 : i32
            %shift_right_logical3A_1582 = arith.shrui %squeeze3A_1496, %shift_right_logical3A_1581 : i32
            %and3A_1583 = arith.constant 15 : i32
            %and3A_1584 = arith.andi %squeeze3A_1496, %and3A_1583 : i32
            %eq3A_1585 = vector.broadcast %and3A_1584 : i32 to vector<16xi32>
            %eq3A_1586 = arith.cmpi eq, %iota3A, %eq3A_1585 : vector<16xi32>
            %jit3A_1587 = arith.constant 1.000000e+00 : f32
            %jit3A_1588 = arith.constant 0.000000e+00 : f32
            %broadcast_in_dim3A_1589 = vector.broadcast %jit3A_1587 : f32 to vector<16xf32>
            %broadcast_in_dim3A_1590 = vector.broadcast %jit3A_1588 : f32 to vector<16xf32>
            %select_n3A_1591 = arith.select %eq3A_1586, %broadcast_in_dim3A_1589, %broadcast_in_dim3A_1590 : vector<16xi1>, vector<16xf32>
            %get3A_1592 = arith.index_cast %shift_right_logical3A_1582 : i32 to index
            %get3A_1593 = arith.constant 0 : index
            %get3A_1594 = tpu.vector_load %arg15[%get3A_1592, %get3A_1593] {strides = array<i32>} : memref<24x16xf32, #tpu.memory_space<vmem>>, vector<16xf32>,
            %add3A_1595 = arith.addf %get3A_1594, %select_n3A_1591 : vector<16xf32>
            %swap3A_1596 = arith.index_cast %shift_right_logical3A_1582 : i32 to index
            %swap3A_1597 = arith.constant 0 : index
            %swap3A_1598 = tpu.vector_load %arg15[%swap3A_1596, %swap3A_1597] {strides = array<i32>} : memref<24x16xf32, #tpu.memory_space<vmem>>, vector<16xf32>,
            tpu.vector_store %arg15[%swap3A_1596, %swap3A_1597], %add3A_1595 {strides = array<i32>} : memref<24x16xf32, #tpu.memory_space<vmem>>, vector<16xf32>,
            %slice3A_1599 = vector.extract_strided_slice %get3A_148 {offsets = [14], sizes = [1], strides = [1]} : vector<16xi32> to vector<1xi32>
            %squeeze3A_1600 = vector.extract %slice3A_1599[0] : i32 from vector<1xi32>
            %mul3A_1601 = arith.constant 16 : i32
            %mul3A_1602 = arith.muli %while3A_141, %mul3A_1601 : i32
            %add3A_1603 = arith.constant 14 : i32
            %add3A_1604 = arith.addi %mul3A_1602, %add3A_1603 : i32
            %get3A_1605 = arith.index_cast %add3A_1604 : i32 to index
            %get3A_1606 = arith.constant 0 : index
            %get3A_1607 = tpu.vector_load %arg13[%get3A_1605, %get3A_1606] {strides = array<i32>} : memref<32x128xf32, #tpu.memory_space<vmem>>, vector<16xf32>,
            %get3A_1608 = arith.index_cast %squeeze3A_1600 : i32 to index
            %get3A_1609 = arith.constant 0 : index
            %get3A_1610 = tpu.vector_load %arg14[%get3A_1608, %get3A_1609] {strides = array<i32>} : memref<328x128xf32, #tpu.memory_space<vmem>>, vector<16xf32>,
            %max3A_1611 = arith.maximumf %get3A_1610, %get3A_1607 : vector<16xf32>
            %swap3A_1612 = arith.index_cast %squeeze3A_1600 : i32 to index
            %swap3A_1613 = arith.constant 0 : index
            %swap3A_1614 = tpu.vector_load %arg14[%swap3A_1612, %swap3A_1613] {strides = array<i32>} : memref<328x128xf32, #tpu.memory_space<vmem>>, vector<16xf32>,
            tpu.vector_store %arg14[%swap3A_1612, %swap3A_1613], %max3A_1611 {strides = array<i32>} : memref<328x128xf32, #tpu.memory_space<vmem>>, vector<16xf32>,
            %get3A_1615 = arith.index_cast %add3A_1604 : i32 to index
            %get3A_1616 = arith.constant 16 : index
            %get3A_1617 = tpu.vector_load %arg13[%get3A_1615, %get3A_1616] {strides = array<i32>} : memref<32x128xf32, #tpu.memory_space<vmem>>, vector<16xf32>,
            %get3A_1618 = arith.index_cast %squeeze3A_1600 : i32 to index
            %get3A_1619 = arith.constant 16 : index
            %get3A_1620 = tpu.vector_load %arg14[%get3A_1618, %get3A_1619] {strides = array<i32>} : memref<328x128xf32, #tpu.memory_space<vmem>>, vector<16xf32>,
            %max3A_1621 = arith.maximumf %get3A_1620, %get3A_1617 : vector<16xf32>
            %swap3A_1622 = arith.index_cast %squeeze3A_1600 : i32 to index
            %swap3A_1623 = arith.constant 16 : index
            %swap3A_1624 = tpu.vector_load %arg14[%swap3A_1622, %swap3A_1623] {strides = array<i32>} : memref<328x128xf32, #tpu.memory_space<vmem>>, vector<16xf32>,
            tpu.vector_store %arg14[%swap3A_1622, %swap3A_1623], %max3A_1621 {strides = array<i32>} : memref<328x128xf32, #tpu.memory_space<vmem>>, vector<16xf32>,
            %get3A_1625 = arith.index_cast %add3A_1604 : i32 to index
            %get3A_1626 = arith.constant 32 : index
            %get3A_1627 = tpu.vector_load %arg13[%get3A_1625, %get3A_1626] {strides = array<i32>} : memref<32x128xf32, #tpu.memory_space<vmem>>, vector<16xf32>,
            %get3A_1628 = arith.index_cast %squeeze3A_1600 : i32 to index
            %get3A_1629 = arith.constant 32 : index
            %get3A_1630 = tpu.vector_load %arg14[%get3A_1628, %get3A_1629] {strides = array<i32>} : memref<328x128xf32, #tpu.memory_space<vmem>>, vector<16xf32>,
            %max3A_1631 = arith.maximumf %get3A_1630, %get3A_1627 : vector<16xf32>
            %swap3A_1632 = arith.index_cast %squeeze3A_1600 : i32 to index
            %swap3A_1633 = arith.constant 32 : index
            %swap3A_1634 = tpu.vector_load %arg14[%swap3A_1632, %swap3A_1633] {strides = array<i32>} : memref<328x128xf32, #tpu.memory_space<vmem>>, vector<16xf32>,
            tpu.vector_store %arg14[%swap3A_1632, %swap3A_1633], %max3A_1631 {strides = array<i32>} : memref<328x128xf32, #tpu.memory_space<vmem>>, vector<16xf32>,
            %get3A_1635 = arith.index_cast %add3A_1604 : i32 to index
            %get3A_1636 = arith.constant 48 : index
            %get3A_1637 = tpu.vector_load %arg13[%get3A_1635, %get3A_1636] {strides = array<i32>} : memref<32x128xf32, #tpu.memory_space<vmem>>, vector<16xf32>,
            %get3A_1638 = arith.index_cast %squeeze3A_1600 : i32 to index
            %get3A_1639 = arith.constant 48 : index
            %get3A_1640 = tpu.vector_load %arg14[%get3A_1638, %get3A_1639] {strides = array<i32>} : memref<328x128xf32, #tpu.memory_space<vmem>>, vector<16xf32>,
            %max3A_1641 = arith.maximumf %get3A_1640, %get3A_1637 : vector<16xf32>
            %swap3A_1642 = arith.index_cast %squeeze3A_1600 : i32 to index
            %swap3A_1643 = arith.constant 48 : index
            %swap3A_1644 = tpu.vector_load %arg14[%swap3A_1642, %swap3A_1643] {strides = array<i32>} : memref<328x128xf32, #tpu.memory_space<vmem>>, vector<16xf32>,
            tpu.vector_store %arg14[%swap3A_1642, %swap3A_1643], %max3A_1641 {strides = array<i32>} : memref<328x128xf32, #tpu.memory_space<vmem>>, vector<16xf32>,
            %get3A_1645 = arith.index_cast %add3A_1604 : i32 to index
            %get3A_1646 = arith.constant 64 : index
            %get3A_1647 = tpu.vector_load %arg13[%get3A_1645, %get3A_1646] {strides = array<i32>} : memref<32x128xf32, #tpu.memory_space<vmem>>, vector<16xf32>,
            %get3A_1648 = arith.index_cast %squeeze3A_1600 : i32 to index
            %get3A_1649 = arith.constant 64 : index
            %get3A_1650 = tpu.vector_load %arg14[%get3A_1648, %get3A_1649] {strides = array<i32>} : memref<328x128xf32, #tpu.memory_space<vmem>>, vector<16xf32>,
            %max3A_1651 = arith.maximumf %get3A_1650, %get3A_1647 : vector<16xf32>
            %swap3A_1652 = arith.index_cast %squeeze3A_1600 : i32 to index
            %swap3A_1653 = arith.constant 64 : index
            %swap3A_1654 = tpu.vector_load %arg14[%swap3A_1652, %swap3A_1653] {strides = array<i32>} : memref<328x128xf32, #tpu.memory_space<vmem>>, vector<16xf32>,
            tpu.vector_store %arg14[%swap3A_1652, %swap3A_1653], %max3A_1651 {strides = array<i32>} : memref<328x128xf32, #tpu.memory_space<vmem>>, vector<16xf32>,
            %get3A_1655 = arith.index_cast %add3A_1604 : i32 to index
            %get3A_1656 = arith.constant 80 : index
            %get3A_1657 = tpu.vector_load %arg13[%get3A_1655, %get3A_1656] {strides = array<i32>} : memref<32x128xf32, #tpu.memory_space<vmem>>, vector<16xf32>,
            %get3A_1658 = arith.index_cast %squeeze3A_1600 : i32 to index
            %get3A_1659 = arith.constant 80 : index
            %get3A_1660 = tpu.vector_load %arg14[%get3A_1658, %get3A_1659] {strides = array<i32>} : memref<328x128xf32, #tpu.memory_space<vmem>>, vector<16xf32>,
            %max3A_1661 = arith.maximumf %get3A_1660, %get3A_1657 : vector<16xf32>
            %swap3A_1662 = arith.index_cast %squeeze3A_1600 : i32 to index
            %swap3A_1663 = arith.constant 80 : index
            %swap3A_1664 = tpu.vector_load %arg14[%swap3A_1662, %swap3A_1663] {strides = array<i32>} : memref<328x128xf32, #tpu.memory_space<vmem>>, vector<16xf32>,
            tpu.vector_store %arg14[%swap3A_1662, %swap3A_1663], %max3A_1661 {strides = array<i32>} : memref<328x128xf32, #tpu.memory_space<vmem>>, vector<16xf32>,
            %get3A_1665 = arith.index_cast %add3A_1604 : i32 to index
            %get3A_1666 = arith.constant 96 : index
            %get3A_1667 = tpu.vector_load %arg13[%get3A_1665, %get3A_1666] {strides = array<i32>} : memref<32x128xf32, #tpu.memory_space<vmem>>, vector<16xf32>,
            %get3A_1668 = arith.index_cast %squeeze3A_1600 : i32 to index
            %get3A_1669 = arith.constant 96 : index
            %get3A_1670 = tpu.vector_load %arg14[%get3A_1668, %get3A_1669] {strides = array<i32>} : memref<328x128xf32, #tpu.memory_space<vmem>>, vector<16xf32>,
            %max3A_1671 = arith.maximumf %get3A_1670, %get3A_1667 : vector<16xf32>
            %swap3A_1672 = arith.index_cast %squeeze3A_1600 : i32 to index
            %swap3A_1673 = arith.constant 96 : index
            %swap3A_1674 = tpu.vector_load %arg14[%swap3A_1672, %swap3A_1673] {strides = array<i32>} : memref<328x128xf32, #tpu.memory_space<vmem>>, vector<16xf32>,
            tpu.vector_store %arg14[%swap3A_1672, %swap3A_1673], %max3A_1671 {strides = array<i32>} : memref<328x128xf32, #tpu.memory_space<vmem>>, vector<16xf32>,
            %get3A_1675 = arith.index_cast %add3A_1604 : i32 to index
            %get3A_1676 = arith.constant 112 : index
            %get3A_1677 = tpu.vector_load %arg13[%get3A_1675, %get3A_1676] {strides = array<i32>} : memref<32x128xf32, #tpu.memory_space<vmem>>, vector<16xf32>,
            %get3A_1678 = arith.index_cast %squeeze3A_1600 : i32 to index
            %get3A_1679 = arith.constant 112 : index
            %get3A_1680 = tpu.vector_load %arg14[%get3A_1678, %get3A_1679] {strides = array<i32>} : memref<328x128xf32, #tpu.memory_space<vmem>>, vector<16xf32>,
            %max3A_1681 = arith.maximumf %get3A_1680, %get3A_1677 : vector<16xf32>
            %swap3A_1682 = arith.index_cast %squeeze3A_1600 : i32 to index
            %swap3A_1683 = arith.constant 112 : index
            %swap3A_1684 = tpu.vector_load %arg14[%swap3A_1682, %swap3A_1683] {strides = array<i32>} : memref<328x128xf32, #tpu.memory_space<vmem>>, vector<16xf32>,
            tpu.vector_store %arg14[%swap3A_1682, %swap3A_1683], %max3A_1681 {strides = array<i32>} : memref<328x128xf32, #tpu.memory_space<vmem>>, vector<16xf32>,
            %shift_right_logical3A_1685 = arith.constant 4 : i32
            %shift_right_logical3A_1686 = arith.shrui %squeeze3A_1600, %shift_right_logical3A_1685 : i32
            %and3A_1687 = arith.constant 15 : i32
            %and3A_1688 = arith.andi %squeeze3A_1600, %and3A_1687 : i32
            %eq3A_1689 = vector.broadcast %and3A_1688 : i32 to vector<16xi32>
            %eq3A_1690 = arith.cmpi eq, %iota3A, %eq3A_1689 : vector<16xi32>
            %jit3A_1691 = arith.constant 1.000000e+00 : f32
            %jit3A_1692 = arith.constant 0.000000e+00 : f32
            %broadcast_in_dim3A_1693 = vector.broadcast %jit3A_1691 : f32 to vector<16xf32>
            %broadcast_in_dim3A_1694 = vector.broadcast %jit3A_1692 : f32 to vector<16xf32>
            %select_n3A_1695 = arith.select %eq3A_1690, %broadcast_in_dim3A_1693, %broadcast_in_dim3A_1694 : vector<16xi1>, vector<16xf32>
            %get3A_1696 = arith.index_cast %shift_right_logical3A_1686 : i32 to index
            %get3A_1697 = arith.constant 0 : index
            %get3A_1698 = tpu.vector_load %arg15[%get3A_1696, %get3A_1697] {strides = array<i32>} : memref<24x16xf32, #tpu.memory_space<vmem>>, vector<16xf32>,
            %add3A_1699 = arith.addf %get3A_1698, %select_n3A_1695 : vector<16xf32>
            %swap3A_1700 = arith.index_cast %shift_right_logical3A_1686 : i32 to index
            %swap3A_1701 = arith.constant 0 : index
            %swap3A_1702 = tpu.vector_load %arg15[%swap3A_1700, %swap3A_1701] {strides = array<i32>} : memref<24x16xf32, #tpu.memory_space<vmem>>, vector<16xf32>,
            tpu.vector_store %arg15[%swap3A_1700, %swap3A_1701], %add3A_1699 {strides = array<i32>} : memref<24x16xf32, #tpu.memory_space<vmem>>, vector<16xf32>,
            %slice3A_1703 = vector.extract_strided_slice %get3A_148 {offsets = [15], sizes = [1], strides = [1]} : vector<16xi32> to vector<1xi32>
            %squeeze3A_1704 = vector.extract %slice3A_1703[0] : i32 from vector<1xi32>
            %mul3A_1705 = arith.constant 16 : i32
            %mul3A_1706 = arith.muli %while3A_141, %mul3A_1705 : i32
            %add3A_1707 = arith.constant 15 : i32
            %add3A_1708 = arith.addi %mul3A_1706, %add3A_1707 : i32
            %get3A_1709 = arith.index_cast %add3A_1708 : i32 to index
            %get3A_1710 = arith.constant 0 : index
            %get3A_1711 = tpu.vector_load %arg13[%get3A_1709, %get3A_1710] {strides = array<i32>} : memref<32x128xf32, #tpu.memory_space<vmem>>, vector<16xf32>,
            %get3A_1712 = arith.index_cast %squeeze3A_1704 : i32 to index
            %get3A_1713 = arith.constant 0 : index
            %get3A_1714 = tpu.vector_load %arg14[%get3A_1712, %get3A_1713] {strides = array<i32>} : memref<328x128xf32, #tpu.memory_space<vmem>>, vector<16xf32>,
            %max3A_1715 = arith.maximumf %get3A_1714, %get3A_1711 : vector<16xf32>
            %swap3A_1716 = arith.index_cast %squeeze3A_1704 : i32 to index
            %swap3A_1717 = arith.constant 0 : index
            %swap3A_1718 = tpu.vector_load %arg14[%swap3A_1716, %swap3A_1717] {strides = array<i32>} : memref<328x128xf32, #tpu.memory_space<vmem>>, vector<16xf32>,
            tpu.vector_store %arg14[%swap3A_1716, %swap3A_1717], %max3A_1715 {strides = array<i32>} : memref<328x128xf32, #tpu.memory_space<vmem>>, vector<16xf32>,
            %get3A_1719 = arith.index_cast %add3A_1708 : i32 to index
            %get3A_1720 = arith.constant 16 : index
            %get3A_1721 = tpu.vector_load %arg13[%get3A_1719, %get3A_1720] {strides = array<i32>} : memref<32x128xf32, #tpu.memory_space<vmem>>, vector<16xf32>,
            %get3A_1722 = arith.index_cast %squeeze3A_1704 : i32 to index
            %get3A_1723 = arith.constant 16 : index
            %get3A_1724 = tpu.vector_load %arg14[%get3A_1722, %get3A_1723] {strides = array<i32>} : memref<328x128xf32, #tpu.memory_space<vmem>>, vector<16xf32>,
            %max3A_1725 = arith.maximumf %get3A_1724, %get3A_1721 : vector<16xf32>
            %swap3A_1726 = arith.index_cast %squeeze3A_1704 : i32 to index
            %swap3A_1727 = arith.constant 16 : index
            %swap3A_1728 = tpu.vector_load %arg14[%swap3A_1726, %swap3A_1727] {strides = array<i32>} : memref<328x128xf32, #tpu.memory_space<vmem>>, vector<16xf32>,
            tpu.vector_store %arg14[%swap3A_1726, %swap3A_1727], %max3A_1725 {strides = array<i32>} : memref<328x128xf32, #tpu.memory_space<vmem>>, vector<16xf32>,
            %get3A_1729 = arith.index_cast %add3A_1708 : i32 to index
            %get3A_1730 = arith.constant 32 : index
            %get3A_1731 = tpu.vector_load %arg13[%get3A_1729, %get3A_1730] {strides = array<i32>} : memref<32x128xf32, #tpu.memory_space<vmem>>, vector<16xf32>,
            %get3A_1732 = arith.index_cast %squeeze3A_1704 : i32 to index
            %get3A_1733 = arith.constant 32 : index
            %get3A_1734 = tpu.vector_load %arg14[%get3A_1732, %get3A_1733] {strides = array<i32>} : memref<328x128xf32, #tpu.memory_space<vmem>>, vector<16xf32>,
            %max3A_1735 = arith.maximumf %get3A_1734, %get3A_1731 : vector<16xf32>
            %swap3A_1736 = arith.index_cast %squeeze3A_1704 : i32 to index
            %swap3A_1737 = arith.constant 32 : index
            %swap3A_1738 = tpu.vector_load %arg14[%swap3A_1736, %swap3A_1737] {strides = array<i32>} : memref<328x128xf32, #tpu.memory_space<vmem>>, vector<16xf32>,
            tpu.vector_store %arg14[%swap3A_1736, %swap3A_1737], %max3A_1735 {strides = array<i32>} : memref<328x128xf32, #tpu.memory_space<vmem>>, vector<16xf32>,
            %get3A_1739 = arith.index_cast %add3A_1708 : i32 to index
            %get3A_1740 = arith.constant 48 : index
            %get3A_1741 = tpu.vector_load %arg13[%get3A_1739, %get3A_1740] {strides = array<i32>} : memref<32x128xf32, #tpu.memory_space<vmem>>, vector<16xf32>,
            %get3A_1742 = arith.index_cast %squeeze3A_1704 : i32 to index
            %get3A_1743 = arith.constant 48 : index
            %get3A_1744 = tpu.vector_load %arg14[%get3A_1742, %get3A_1743] {strides = array<i32>} : memref<328x128xf32, #tpu.memory_space<vmem>>, vector<16xf32>,
            %max3A_1745 = arith.maximumf %get3A_1744, %get3A_1741 : vector<16xf32>
            %swap3A_1746 = arith.index_cast %squeeze3A_1704 : i32 to index
            %swap3A_1747 = arith.constant 48 : index
            %swap3A_1748 = tpu.vector_load %arg14[%swap3A_1746, %swap3A_1747] {strides = array<i32>} : memref<328x128xf32, #tpu.memory_space<vmem>>, vector<16xf32>,
            tpu.vector_store %arg14[%swap3A_1746, %swap3A_1747], %max3A_1745 {strides = array<i32>} : memref<328x128xf32, #tpu.memory_space<vmem>>, vector<16xf32>,
            %get3A_1749 = arith.index_cast %add3A_1708 : i32 to index
            %get3A_1750 = arith.constant 64 : index
            %get3A_1751 = tpu.vector_load %arg13[%get3A_1749, %get3A_1750] {strides = array<i32>} : memref<32x128xf32, #tpu.memory_space<vmem>>, vector<16xf32>,
            %get3A_1752 = arith.index_cast %squeeze3A_1704 : i32 to index
            %get3A_1753 = arith.constant 64 : index
            %get3A_1754 = tpu.vector_load %arg14[%get3A_1752, %get3A_1753] {strides = array<i32>} : memref<328x128xf32, #tpu.memory_space<vmem>>, vector<16xf32>,
            %max3A_1755 = arith.maximumf %get3A_1754, %get3A_1751 : vector<16xf32>
            %swap3A_1756 = arith.index_cast %squeeze3A_1704 : i32 to index
            %swap3A_1757 = arith.constant 64 : index
            %swap3A_1758 = tpu.vector_load %arg14[%swap3A_1756, %swap3A_1757] {strides = array<i32>} : memref<328x128xf32, #tpu.memory_space<vmem>>, vector<16xf32>,
            tpu.vector_store %arg14[%swap3A_1756, %swap3A_1757], %max3A_1755 {strides = array<i32>} : memref<328x128xf32, #tpu.memory_space<vmem>>, vector<16xf32>,
            %get3A_1759 = arith.index_cast %add3A_1708 : i32 to index
            %get3A_1760 = arith.constant 80 : index
            %get3A_1761 = tpu.vector_load %arg13[%get3A_1759, %get3A_1760] {strides = array<i32>} : memref<32x128xf32, #tpu.memory_space<vmem>>, vector<16xf32>,
            %get3A_1762 = arith.index_cast %squeeze3A_1704 : i32 to index
            %get3A_1763 = arith.constant 80 : index
            %get3A_1764 = tpu.vector_load %arg14[%get3A_1762, %get3A_1763] {strides = array<i32>} : memref<328x128xf32, #tpu.memory_space<vmem>>, vector<16xf32>,
            %max3A_1765 = arith.maximumf %get3A_1764, %get3A_1761 : vector<16xf32>
            %swap3A_1766 = arith.index_cast %squeeze3A_1704 : i32 to index
            %swap3A_1767 = arith.constant 80 : index
            %swap3A_1768 = tpu.vector_load %arg14[%swap3A_1766, %swap3A_1767] {strides = array<i32>} : memref<328x128xf32, #tpu.memory_space<vmem>>, vector<16xf32>,
            tpu.vector_store %arg14[%swap3A_1766, %swap3A_1767], %max3A_1765 {strides = array<i32>} : memref<328x128xf32, #tpu.memory_space<vmem>>, vector<16xf32>,
            %get3A_1769 = arith.index_cast %add3A_1708 : i32 to index
            %get3A_1770 = arith.constant 96 : index
            %get3A_1771 = tpu.vector_load %arg13[%get3A_1769, %get3A_1770] {strides = array<i32>} : memref<32x128xf32, #tpu.memory_space<vmem>>, vector<16xf32>,
            %get3A_1772 = arith.index_cast %squeeze3A_1704 : i32 to index
            %get3A_1773 = arith.constant 96 : index
            %get3A_1774 = tpu.vector_load %arg14[%get3A_1772, %get3A_1773] {strides = array<i32>} : memref<328x128xf32, #tpu.memory_space<vmem>>, vector<16xf32>,
            %max3A_1775 = arith.maximumf %get3A_1774, %get3A_1771 : vector<16xf32>
            %swap3A_1776 = arith.index_cast %squeeze3A_1704 : i32 to index
            %swap3A_1777 = arith.constant 96 : index
            %swap3A_1778 = tpu.vector_load %arg14[%swap3A_1776, %swap3A_1777] {strides = array<i32>} : memref<328x128xf32, #tpu.memory_space<vmem>>, vector<16xf32>,
            tpu.vector_store %arg14[%swap3A_1776, %swap3A_1777], %max3A_1775 {strides = array<i32>} : memref<328x128xf32, #tpu.memory_space<vmem>>, vector<16xf32>,
            %get3A_1779 = arith.index_cast %add3A_1708 : i32 to index
            %get3A_1780 = arith.constant 112 : index
            %get3A_1781 = tpu.vector_load %arg13[%get3A_1779, %get3A_1780] {strides = array<i32>} : memref<32x128xf32, #tpu.memory_space<vmem>>, vector<16xf32>,
            %get3A_1782 = arith.index_cast %squeeze3A_1704 : i32 to index
            %get3A_1783 = arith.constant 112 : index
            %get3A_1784 = tpu.vector_load %arg14[%get3A_1782, %get3A_1783] {strides = array<i32>} : memref<328x128xf32, #tpu.memory_space<vmem>>, vector<16xf32>,
            %max3A_1785 = arith.maximumf %get3A_1784, %get3A_1781 : vector<16xf32>
            %swap3A_1786 = arith.index_cast %squeeze3A_1704 : i32 to index
            %swap3A_1787 = arith.constant 112 : index
            %swap3A_1788 = tpu.vector_load %arg14[%swap3A_1786, %swap3A_1787] {strides = array<i32>} : memref<328x128xf32, #tpu.memory_space<vmem>>, vector<16xf32>,
            tpu.vector_store %arg14[%swap3A_1786, %swap3A_1787], %max3A_1785 {strides = array<i32>} : memref<328x128xf32, #tpu.memory_space<vmem>>, vector<16xf32>,
            %shift_right_logical3A_1789 = arith.constant 4 : i32
            %shift_right_logical3A_1790 = arith.shrui %squeeze3A_1704, %shift_right_logical3A_1789 : i32
            %and3A_1791 = arith.constant 15 : i32
            %and3A_1792 = arith.andi %squeeze3A_1704, %and3A_1791 : i32
            %eq3A_1793 = vector.broadcast %and3A_1792 : i32 to vector<16xi32>
            %eq3A_1794 = arith.cmpi eq, %iota3A, %eq3A_1793 : vector<16xi32>
            %jit3A_1795 = arith.constant 1.000000e+00 : f32
            %jit3A_1796 = arith.constant 0.000000e+00 : f32
            %broadcast_in_dim3A_1797 = vector.broadcast %jit3A_1795 : f32 to vector<16xf32>
            %broadcast_in_dim3A_1798 = vector.broadcast %jit3A_1796 : f32 to vector<16xf32>
            %select_n3A_1799 = arith.select %eq3A_1794, %broadcast_in_dim3A_1797, %broadcast_in_dim3A_1798 : vector<16xi1>, vector<16xf32>
            %get3A_1800 = arith.index_cast %shift_right_logical3A_1790 : i32 to index
            %get3A_1801 = arith.constant 0 : index
            %get3A_1802 = tpu.vector_load %arg15[%get3A_1800, %get3A_1801] {strides = array<i32>} : memref<24x16xf32, #tpu.memory_space<vmem>>, vector<16xf32>,
            %add3A_1803 = arith.addf %get3A_1802, %select_n3A_1799 : vector<16xf32>
            %swap3A_1804 = arith.index_cast %shift_right_logical3A_1790 : i32 to index
            %swap3A_1805 = arith.constant 0 : index
            %swap3A_1806 = tpu.vector_load %arg15[%swap3A_1804, %swap3A_1805] {strides = array<i32>} : memref<24x16xf32, #tpu.memory_space<vmem>>, vector<16xf32>,
            tpu.vector_store %arg15[%swap3A_1804, %swap3A_1805], %add3A_1803 {strides = array<i32>} : memref<24x16xf32, #tpu.memory_space<vmem>>, vector<16xf32>,
            %while3A_1807 = arith.constant 0 : i32
            scf.yield %while3A_1807 : i32
          }
          %while3A_139 = arith.constant 1 : i32
          %while3A_140 = scf.for %while3A_141 = %while3A_136 to %while3A_132 step %while3A_139 iter_args(%while3A_142 = %while3A_138) -> (i32)  : i32 {
            %mul3A_143 = arith.constant 32 : i32
            %mul3A_144 = arith.muli %scan3A_92, %mul3A_143 : i32
            %mul3A_145 = arith.constant 16 : i32
            %mul3A_146 = arith.muli %while3A_141, %mul3A_145 : i32
            %add3A_147 = arith.addi %mul3A_144, %mul3A_146 : i32
            %get3A = arith.index_cast %add3A_147 : i32 to index
            %get3A_148 = tpu.vector_load %arg10[%get3A] {strides = array<i32>} : memref<272xi32, #tpu.memory_space<vmem>>, vector<16xi32>,
            %slice3A = vector.extract_strided_slice %get3A_148 {offsets = [0], sizes = [1], strides = [1]} : vector<16xi32> to vector<1xi32>
            %squeeze3A = vector.extract %slice3A[0] : i32 from vector<1xi32>
            %mul3A_149 = arith.constant 16 : i32
            %mul3A_150 = arith.muli %while3A_141, %mul3A_149 : i32
            %add3A_151 = arith.constant 0 : i32
            %add3A_152 = arith.addi %mul3A_150, %add3A_151 : i32
            %get3A_153 = arith.index_cast %add3A_152 : i32 to index
            %get3A_154 = arith.constant 0 : index
            %get3A_155 = tpu.vector_load %arg13[%get3A_153, %get3A_154] {strides = array<i32>} : memref<32x128xf32, #tpu.memory_space<vmem>>, vector<16xf32>,
            %get3A_156 = arith.index_cast %squeeze3A : i32 to index
            %get3A_157 = arith.constant 0 : index
            %get3A_158 = tpu.vector_load %arg14[%get3A_156, %get3A_157] {strides = array<i32>} : memref<328x128xf32, #tpu.memory_space<vmem>>, vector<16xf32>,
            %max3A = arith.maximumf %get3A_158, %get3A_155 : vector<16xf32>
            %swap3A = arith.index_cast %squeeze3A : i32 to index
            %swap3A_159 = arith.constant 0 : index
            %swap3A_160 = tpu.vector_load %arg14[%swap3A, %swap3A_159] {strides = array<i32>} : memref<328x128xf32, #tpu.memory_space<vmem>>, vector<16xf32>,
            tpu.vector_store %arg14[%swap3A, %swap3A_159], %max3A {strides = array<i32>} : memref<328x128xf32, #tpu.memory_space<vmem>>, vector<16xf32>,
            %get3A_161 = arith.index_cast %add3A_152 : i32 to index
            %get3A_162 = arith.constant 16 : index
            %get3A_163 = tpu.vector_load %arg13[%get3A_161, %get3A_162] {strides = array<i32>} : memref<32x128xf32, #tpu.memory_space<vmem>>, vector<16xf32>,
            %get3A_164 = arith.index_cast %squeeze3A : i32 to index
            %get3A_165 = arith.constant 16 : index
            %get3A_166 = tpu.vector_load %arg14[%get3A_164, %get3A_165] {strides = array<i32>} : memref<328x128xf32, #tpu.memory_space<vmem>>, vector<16xf32>,
            %max3A_167 = arith.maximumf %get3A_166, %get3A_163 : vector<16xf32>
            %swap3A_168 = arith.index_cast %squeeze3A : i32 to index
            %swap3A_169 = arith.constant 16 : index
            %swap3A_170 = tpu.vector_load %arg14[%swap3A_168, %swap3A_169] {strides = array<i32>} : memref<328x128xf32, #tpu.memory_space<vmem>>, vector<16xf32>,
            tpu.vector_store %arg14[%swap3A_168, %swap3A_169], %max3A_167 {strides = array<i32>} : memref<328x128xf32, #tpu.memory_space<vmem>>, vector<16xf32>,
            %get3A_171 = arith.index_cast %add3A_152 : i32 to index
            %get3A_172 = arith.constant 32 : index
            %get3A_173 = tpu.vector_load %arg13[%get3A_171, %get3A_172] {strides = array<i32>} : memref<32x128xf32, #tpu.memory_space<vmem>>, vector<16xf32>,
            %get3A_174 = arith.index_cast %squeeze3A : i32 to index
            %get3A_175 = arith.constant 32 : index
            %get3A_176 = tpu.vector_load %arg14[%get3A_174, %get3A_175] {strides = array<i32>} : memref<328x128xf32, #tpu.memory_space<vmem>>, vector<16xf32>,
            %max3A_177 = arith.maximumf %get3A_176, %get3A_173 : vector<16xf32>
            %swap3A_178 = arith.index_cast %squeeze3A : i32 to index
            %swap3A_179 = arith.constant 32 : index
            %swap3A_180 = tpu.vector_load %arg14[%swap3A_178, %swap3A_179] {strides = array<i32>} : memref<328x128xf32, #tpu.memory_space<vmem>>, vector<16xf32>,
            tpu.vector_store %arg14[%swap3A_178, %swap3A_179], %max3A_177 {strides = array<i32>} : memref<328x128xf32, #tpu.memory_space<vmem>>, vector<16xf32>,
            %get3A_181 = arith.index_cast %add3A_152 : i32 to index
            %get3A_182 = arith.constant 48 : index
            %get3A_183 = tpu.vector_load %arg13[%get3A_181, %get3A_182] {strides = array<i32>} : memref<32x128xf32, #tpu.memory_space<vmem>>, vector<16xf32>,
            %get3A_184 = arith.index_cast %squeeze3A : i32 to index
            %get3A_185 = arith.constant 48 : index
            %get3A_186 = tpu.vector_load %arg14[%get3A_184, %get3A_185] {strides = array<i32>} : memref<328x128xf32, #tpu.memory_space<vmem>>, vector<16xf32>,
            %max3A_187 = arith.maximumf %get3A_186, %get3A_183 : vector<16xf32>
            %swap3A_188 = arith.index_cast %squeeze3A : i32 to index
            %swap3A_189 = arith.constant 48 : index
            %swap3A_190 = tpu.vector_load %arg14[%swap3A_188, %swap3A_189] {strides = array<i32>} : memref<328x128xf32, #tpu.memory_space<vmem>>, vector<16xf32>,
            tpu.vector_store %arg14[%swap3A_188, %swap3A_189], %max3A_187 {strides = array<i32>} : memref<328x128xf32, #tpu.memory_space<vmem>>, vector<16xf32>,
            %get3A_191 = arith.index_cast %add3A_152 : i32 to index
            %get3A_192 = arith.constant 64 : index
            %get3A_193 = tpu.vector_load %arg13[%get3A_191, %get3A_192] {strides = array<i32>} : memref<32x128xf32, #tpu.memory_space<vmem>>, vector<16xf32>,
            %get3A_194 = arith.index_cast %squeeze3A : i32 to index
            %get3A_195 = arith.constant 64 : index
            %get3A_196 = tpu.vector_load %arg14[%get3A_194, %get3A_195] {strides = array<i32>} : memref<328x128xf32, #tpu.memory_space<vmem>>, vector<16xf32>,
            %max3A_197 = arith.maximumf %get3A_196, %get3A_193 : vector<16xf32>
            %swap3A_198 = arith.index_cast %squeeze3A : i32 to index
            %swap3A_199 = arith.constant 64 : index
            %swap3A_200 = tpu.vector_load %arg14[%swap3A_198, %swap3A_199] {strides = array<i32>} : memref<328x128xf32, #tpu.memory_space<vmem>>, vector<16xf32>,
            tpu.vector_store %arg14[%swap3A_198, %swap3A_199], %max3A_197 {strides = array<i32>} : memref<328x128xf32, #tpu.memory_space<vmem>>, vector<16xf32>,
            %get3A_201 = arith.index_cast %add3A_152 : i32 to index
            %get3A_202 = arith.constant 80 : index
            %get3A_203 = tpu.vector_load %arg13[%get3A_201, %get3A_202] {strides = array<i32>} : memref<32x128xf32, #tpu.memory_space<vmem>>, vector<16xf32>,
            %get3A_204 = arith.index_cast %squeeze3A : i32 to index
            %get3A_205 = arith.constant 80 : index
            %get3A_206 = tpu.vector_load %arg14[%get3A_204, %get3A_205] {strides = array<i32>} : memref<328x128xf32, #tpu.memory_space<vmem>>, vector<16xf32>,
            %max3A_207 = arith.maximumf %get3A_206, %get3A_203 : vector<16xf32>
            %swap3A_208 = arith.index_cast %squeeze3A : i32 to index
            %swap3A_209 = arith.constant 80 : index
            %swap3A_210 = tpu.vector_load %arg14[%swap3A_208, %swap3A_209] {strides = array<i32>} : memref<328x128xf32, #tpu.memory_space<vmem>>, vector<16xf32>,
            tpu.vector_store %arg14[%swap3A_208, %swap3A_209], %max3A_207 {strides = array<i32>} : memref<328x128xf32, #tpu.memory_space<vmem>>, vector<16xf32>,
            %get3A_211 = arith.index_cast %add3A_152 : i32 to index
            %get3A_212 = arith.constant 96 : index
            %get3A_213 = tpu.vector_load %arg13[%get3A_211, %get3A_212] {strides = array<i32>} : memref<32x128xf32, #tpu.memory_space<vmem>>, vector<16xf32>,
            %get3A_214 = arith.index_cast %squeeze3A : i32 to index
            %get3A_215 = arith.constant 96 : index
            %get3A_216 = tpu.vector_load %arg14[%get3A_214, %get3A_215] {strides = array<i32>} : memref<328x128xf32, #tpu.memory_space<vmem>>, vector<16xf32>,
            %max3A_217 = arith.maximumf %get3A_216, %get3A_213 : vector<16xf32>
            %swap3A_218 = arith.index_cast %squeeze3A : i32 to index
            %swap3A_219 = arith.constant 96 : index
            %swap3A_220 = tpu.vector_load %arg14[%swap3A_218, %swap3A_219] {strides = array<i32>} : memref<328x128xf32, #tpu.memory_space<vmem>>, vector<16xf32>,
            tpu.vector_store %arg14[%swap3A_218, %swap3A_219], %max3A_217 {strides = array<i32>} : memref<328x128xf32, #tpu.memory_space<vmem>>, vector<16xf32>,
            %get3A_221 = arith.index_cast %add3A_152 : i32 to index
            %get3A_222 = arith.constant 112 : index
            %get3A_223 = tpu.vector_load %arg13[%get3A_221, %get3A_222] {strides = array<i32>} : memref<32x128xf32, #tpu.memory_space<vmem>>, vector<16xf32>,
            %get3A_224 = arith.index_cast %squeeze3A : i32 to index
            %get3A_225 = arith.constant 112 : index
            %get3A_226 = tpu.vector_load %arg14[%get3A_224, %get3A_225] {strides = array<i32>} : memref<328x128xf32, #tpu.memory_space<vmem>>, vector<16xf32>,
            %max3A_227 = arith.maximumf %get3A_226, %get3A_223 : vector<16xf32>
            %swap3A_228 = arith.index_cast %squeeze3A : i32 to index
            %swap3A_229 = arith.constant 112 : index
            %swap3A_230 = tpu.vector_load %arg14[%swap3A_228, %swap3A_229] {strides = array<i32>} : memref<328x128xf32, #tpu.memory_space<vmem>>, vector<16xf32>,
            tpu.vector_store %arg14[%swap3A_228, %swap3A_229], %max3A_227 {strides = array<i32>} : memref<328x128xf32, #tpu.memory_space<vmem>>, vector<16xf32>,
            %shift_right_logical3A = arith.constant 4 : i32
            %shift_right_logical3A_231 = arith.shrui %squeeze3A, %shift_right_logical3A : i32
            %and3A_232 = arith.constant 15 : i32
            %and3A_233 = arith.andi %squeeze3A, %and3A_232 : i32
            %eq3A = vector.broadcast %and3A_233 : i32 to vector<16xi32>
            %eq3A_234 = arith.cmpi eq, %iota3A, %eq3A : vector<16xi32>
            %jit3A_235 = arith.constant 1.000000e+00 : f32
            %jit3A_236 = arith.constant 0.000000e+00 : f32
            %broadcast_in_dim3A_237 = vector.broadcast %jit3A_235 : f32 to vector<16xf32>
            %broadcast_in_dim3A_238 = vector.broadcast %jit3A_236 : f32 to vector<16xf32>
            %select_n3A_239 = arith.select %eq3A_234, %broadcast_in_dim3A_237, %broadcast_in_dim3A_238 : vector<16xi1>, vector<16xf32>
            %get3A_240 = arith.index_cast %shift_right_logical3A_231 : i32 to index
            %get3A_241 = arith.constant 0 : index
            %get3A_242 = tpu.vector_load %arg15[%get3A_240, %get3A_241] {strides = array<i32>} : memref<24x16xf32, #tpu.memory_space<vmem>>, vector<16xf32>,
            %add3A_243 = arith.addf %get3A_242, %select_n3A_239 : vector<16xf32>
            %swap3A_244 = arith.index_cast %shift_right_logical3A_231 : i32 to index
            %swap3A_245 = arith.constant 0 : index
            %swap3A_246 = tpu.vector_load %arg15[%swap3A_244, %swap3A_245] {strides = array<i32>} : memref<24x16xf32, #tpu.memory_space<vmem>>, vector<16xf32>,
            tpu.vector_store %arg15[%swap3A_244, %swap3A_245], %add3A_243 {strides = array<i32>} : memref<24x16xf32, #tpu.memory_space<vmem>>, vector<16xf32>,
            %slice3A_247 = vector.extract_strided_slice %get3A_148 {offsets = [1], sizes = [1], strides = [1]} : vector<16xi32> to vector<1xi32>
            %squeeze3A_248 = vector.extract %slice3A_247[0] : i32 from vector<1xi32>
            %mul3A_249 = arith.constant 16 : i32
            %mul3A_250 = arith.muli %while3A_141, %mul3A_249 : i32
            %add3A_251 = arith.constant 1 : i32
            %add3A_252 = arith.addi %mul3A_250, %add3A_251 : i32
            %get3A_253 = arith.index_cast %add3A_252 : i32 to index
            %get3A_254 = arith.constant 0 : index
            %get3A_255 = tpu.vector_load %arg13[%get3A_253, %get3A_254] {strides = array<i32>} : memref<32x128xf32, #tpu.memory_space<vmem>>, vector<16xf32>,
            %get3A_256 = arith.index_cast %squeeze3A_248 : i32 to index
            %get3A_257 = arith.constant 0 : index
            %get3A_258 = tpu.vector_load %arg14[%get3A_256, %get3A_257] {strides = array<i32>} : memref<328x128xf32, #tpu.memory_space<vmem>>, vector<16xf32>,
            %max3A_259 = arith.maximumf %get3A_258, %get3A_255 : vector<16xf32>
            %swap3A_260 = arith.index_cast %squeeze3A_248 : i32 to index
            %swap3A_261 = arith.constant 0 : index
            %swap3A_262 = tpu.vector_load %arg14[%swap3A_260, %swap3A_261] {strides = array<i32>} : memref<328x128xf32, #tpu.memory_space<vmem>>, vector<16xf32>,
            tpu.vector_store %arg14[%swap3A_260, %swap3A_261], %max3A_259 {strides = array<i32>} : memref<328x128xf32, #tpu.memory_space<vmem>>, vector<16xf32>,
            %get3A_263 = arith.index_cast %add3A_252 : i32 to index
            %get3A_264 = arith.constant 16 : index
            %get3A_265 = tpu.vector_load %arg13[%get3A_263, %get3A_264] {strides = array<i32>} : memref<32x128xf32, #tpu.memory_space<vmem>>, vector<16xf32>,
            %get3A_266 = arith.index_cast %squeeze3A_248 : i32 to index
            %get3A_267 = arith.constant 16 : index
            %get3A_268 = tpu.vector_load %arg14[%get3A_266, %get3A_267] {strides = array<i32>} : memref<328x128xf32, #tpu.memory_space<vmem>>, vector<16xf32>,
            %max3A_269 = arith.maximumf %get3A_268, %get3A_265 : vector<16xf32>
            %swap3A_270 = arith.index_cast %squeeze3A_248 : i32 to index
            %swap3A_271 = arith.constant 16 : index
            %swap3A_272 = tpu.vector_load %arg14[%swap3A_270, %swap3A_271] {strides = array<i32>} : memref<328x128xf32, #tpu.memory_space<vmem>>, vector<16xf32>,
            tpu.vector_store %arg14[%swap3A_270, %swap3A_271], %max3A_269 {strides = array<i32>} : memref<328x128xf32, #tpu.memory_space<vmem>>, vector<16xf32>,
            %get3A_273 = arith.index_cast %add3A_252 : i32 to index
            %get3A_274 = arith.constant 32 : index
            %get3A_275 = tpu.vector_load %arg13[%get3A_273, %get3A_274] {strides = array<i32>} : memref<32x128xf32, #tpu.memory_space<vmem>>, vector<16xf32>,
            %get3A_276 = arith.index_cast %squeeze3A_248 : i32 to index
            %get3A_277 = arith.constant 32 : index
            %get3A_278 = tpu.vector_load %arg14[%get3A_276, %get3A_277] {strides = array<i32>} : memref<328x128xf32, #tpu.memory_space<vmem>>, vector<16xf32>,
            %max3A_279 = arith.maximumf %get3A_278, %get3A_275 : vector<16xf32>
            %swap3A_280 = arith.index_cast %squeeze3A_248 : i32 to index
            %swap3A_281 = arith.constant 32 : index
            %swap3A_282 = tpu.vector_load %arg14[%swap3A_280, %swap3A_281] {strides = array<i32>} : memref<328x128xf32, #tpu.memory_space<vmem>>, vector<16xf32>,
            tpu.vector_store %arg14[%swap3A_280, %swap3A_281], %max3A_279 {strides = array<i32>} : memref<328x128xf32, #tpu.memory_space<vmem>>, vector<16xf32>,
            %get3A_283 = arith.index_cast %add3A_252 : i32 to index
            %get3A_284 = arith.constant 48 : index
            %get3A_285 = tpu.vector_load %arg13[%get3A_283, %get3A_284] {strides = array<i32>} : memref<32x128xf32, #tpu.memory_space<vmem>>, vector<16xf32>,
            %get3A_286 = arith.index_cast %squeeze3A_248 : i32 to index
            %get3A_287 = arith.constant 48 : index
            %get3A_288 = tpu.vector_load %arg14[%get3A_286, %get3A_287] {strides = array<i32>} : memref<328x128xf32, #tpu.memory_space<vmem>>, vector<16xf32>,
            %max3A_289 = arith.maximumf %get3A_288, %get3A_285 : vector<16xf32>
            %swap3A_290 = arith.index_cast %squeeze3A_248 : i32 to index
            %swap3A_291 = arith.constant 48 : index
            %swap3A_292 = tpu.vector_load %arg14[%swap3A_290, %swap3A_291] {strides = array<i32>} : memref<328x128xf32, #tpu.memory_space<vmem>>, vector<16xf32>,
            tpu.vector_store %arg14[%swap3A_290, %swap3A_291], %max3A_289 {strides = array<i32>} : memref<328x128xf32, #tpu.memory_space<vmem>>, vector<16xf32>,
            %get3A_293 = arith.index_cast %add3A_252 : i32 to index
            %get3A_294 = arith.constant 64 : index
            %get3A_295 = tpu.vector_load %arg13[%get3A_293, %get3A_294] {strides = array<i32>} : memref<32x128xf32, #tpu.memory_space<vmem>>, vector<16xf32>,
            %get3A_296 = arith.index_cast %squeeze3A_248 : i32 to index
            %get3A_297 = arith.constant 64 : index
            %get3A_298 = tpu.vector_load %arg14[%get3A_296, %get3A_297] {strides = array<i32>} : memref<328x128xf32, #tpu.memory_space<vmem>>, vector<16xf32>,
            %max3A_299 = arith.maximumf %get3A_298, %get3A_295 : vector<16xf32>
            %swap3A_300 = arith.index_cast %squeeze3A_248 : i32 to index
            %swap3A_301 = arith.constant 64 : index
            %swap3A_302 = tpu.vector_load %arg14[%swap3A_300, %swap3A_301] {strides = array<i32>} : memref<328x128xf32, #tpu.memory_space<vmem>>, vector<16xf32>,
            tpu.vector_store %arg14[%swap3A_300, %swap3A_301], %max3A_299 {strides = array<i32>} : memref<328x128xf32, #tpu.memory_space<vmem>>, vector<16xf32>,
            %get3A_303 = arith.index_cast %add3A_252 : i32 to index
            %get3A_304 = arith.constant 80 : index
            %get3A_305 = tpu.vector_load %arg13[%get3A_303, %get3A_304] {strides = array<i32>} : memref<32x128xf32, #tpu.memory_space<vmem>>, vector<16xf32>,
            %get3A_306 = arith.index_cast %squeeze3A_248 : i32 to index
            %get3A_307 = arith.constant 80 : index
            %get3A_308 = tpu.vector_load %arg14[%get3A_306, %get3A_307] {strides = array<i32>} : memref<328x128xf32, #tpu.memory_space<vmem>>, vector<16xf32>,
            %max3A_309 = arith.maximumf %get3A_308, %get3A_305 : vector<16xf32>
            %swap3A_310 = arith.index_cast %squeeze3A_248 : i32 to index
            %swap3A_311 = arith.constant 80 : index
            %swap3A_312 = tpu.vector_load %arg14[%swap3A_310, %swap3A_311] {strides = array<i32>} : memref<328x128xf32, #tpu.memory_space<vmem>>, vector<16xf32>,
            tpu.vector_store %arg14[%swap3A_310, %swap3A_311], %max3A_309 {strides = array<i32>} : memref<328x128xf32, #tpu.memory_space<vmem>>, vector<16xf32>,
            %get3A_313 = arith.index_cast %add3A_252 : i32 to index
            %get3A_314 = arith.constant 96 : index
            %get3A_315 = tpu.vector_load %arg13[%get3A_313, %get3A_314] {strides = array<i32>} : memref<32x128xf32, #tpu.memory_space<vmem>>, vector<16xf32>,
            %get3A_316 = arith.index_cast %squeeze3A_248 : i32 to index
            %get3A_317 = arith.constant 96 : index
            %get3A_318 = tpu.vector_load %arg14[%get3A_316, %get3A_317] {strides = array<i32>} : memref<328x128xf32, #tpu.memory_space<vmem>>, vector<16xf32>,
            %max3A_319 = arith.maximumf %get3A_318, %get3A_315 : vector<16xf32>
            %swap3A_320 = arith.index_cast %squeeze3A_248 : i32 to index
            %swap3A_321 = arith.constant 96 : index
            %swap3A_322 = tpu.vector_load %arg14[%swap3A_320, %swap3A_321] {strides = array<i32>} : memref<328x128xf32, #tpu.memory_space<vmem>>, vector<16xf32>,
            tpu.vector_store %arg14[%swap3A_320, %swap3A_321], %max3A_319 {strides = array<i32>} : memref<328x128xf32, #tpu.memory_space<vmem>>, vector<16xf32>,
            %get3A_323 = arith.index_cast %add3A_252 : i32 to index
            %get3A_324 = arith.constant 112 : index
            %get3A_325 = tpu.vector_load %arg13[%get3A_323, %get3A_324] {strides = array<i32>} : memref<32x128xf32, #tpu.memory_space<vmem>>, vector<16xf32>,
            %get3A_326 = arith.index_cast %squeeze3A_248 : i32 to index
            %get3A_327 = arith.constant 112 : index
            %get3A_328 = tpu.vector_load %arg14[%get3A_326, %get3A_327] {strides = array<i32>} : memref<328x128xf32, #tpu.memory_space<vmem>>, vector<16xf32>,
            %max3A_329 = arith.maximumf %get3A_328, %get3A_325 : vector<16xf32>
            %swap3A_330 = arith.index_cast %squeeze3A_248 : i32 to index
            %swap3A_331 = arith.constant 112 : index
            %swap3A_332 = tpu.vector_load %arg14[%swap3A_330, %swap3A_331] {strides = array<i32>} : memref<328x128xf32, #tpu.memory_space<vmem>>, vector<16xf32>,
            tpu.vector_store %arg14[%swap3A_330, %swap3A_331], %max3A_329 {strides = array<i32>} : memref<328x128xf32, #tpu.memory_space<vmem>>, vector<16xf32>,
            %shift_right_logical3A_333 = arith.constant 4 : i32
            %shift_right_logical3A_334 = arith.shrui %squeeze3A_248, %shift_right_logical3A_333 : i32
            %and3A_335 = arith.constant 15 : i32
            %and3A_336 = arith.andi %squeeze3A_248, %and3A_335 : i32
            %eq3A_337 = vector.broadcast %and3A_336 : i32 to vector<16xi32>
            %eq3A_338 = arith.cmpi eq, %iota3A, %eq3A_337 : vector<16xi32>
            %jit3A_339 = arith.constant 1.000000e+00 : f32
            %jit3A_340 = arith.constant 0.000000e+00 : f32
            %broadcast_in_dim3A_341 = vector.broadcast %jit3A_339 : f32 to vector<16xf32>
            %broadcast_in_dim3A_342 = vector.broadcast %jit3A_340 : f32 to vector<16xf32>
            %select_n3A_343 = arith.select %eq3A_338, %broadcast_in_dim3A_341, %broadcast_in_dim3A_342 : vector<16xi1>, vector<16xf32>
            %get3A_344 = arith.index_cast %shift_right_logical3A_334 : i32 to index
            %get3A_345 = arith.constant 0 : index
            %get3A_346 = tpu.vector_load %arg15[%get3A_344, %get3A_345] {strides = array<i32>} : memref<24x16xf32, #tpu.memory_space<vmem>>, vector<16xf32>,
            %add3A_347 = arith.addf %get3A_346, %select_n3A_343 : vector<16xf32>
            %swap3A_348 = arith.index_cast %shift_right_logical3A_334 : i32 to index
            %swap3A_349 = arith.constant 0 : index
            %swap3A_350 = tpu.vector_load %arg15[%swap3A_348, %swap3A_349] {strides = array<i32>} : memref<24x16xf32, #tpu.memory_space<vmem>>, vector<16xf32>,
            tpu.vector_store %arg15[%swap3A_348, %swap3A_349], %add3A_347 {strides = array<i32>} : memref<24x16xf32, #tpu.memory_space<vmem>>, vector<16xf32>,
            %slice3A_351 = vector.extract_strided_slice %get3A_148 {offsets = [2], sizes = [1], strides = [1]} : vector<16xi32> to vector<1xi32>
            %squeeze3A_352 = vector.extract %slice3A_351[0] : i32 from vector<1xi32>
            %mul3A_353 = arith.constant 16 : i32
            %mul3A_354 = arith.muli %while3A_141, %mul3A_353 : i32
            %add3A_355 = arith.constant 2 : i32
            %add3A_356 = arith.addi %mul3A_354, %add3A_355 : i32
            %get3A_357 = arith.index_cast %add3A_356 : i32 to index
            %get3A_358 = arith.constant 0 : index
            %get3A_359 = tpu.vector_load %arg13[%get3A_357, %get3A_358] {strides = array<i32>} : memref<32x128xf32, #tpu.memory_space<vmem>>, vector<16xf32>,
            %get3A_360 = arith.index_cast %squeeze3A_352 : i32 to index
            %get3A_361 = arith.constant 0 : index
            %get3A_362 = tpu.vector_load %arg14[%get3A_360, %get3A_361] {strides = array<i32>} : memref<328x128xf32, #tpu.memory_space<vmem>>, vector<16xf32>,
            %max3A_363 = arith.maximumf %get3A_362, %get3A_359 : vector<16xf32>
            %swap3A_364 = arith.index_cast %squeeze3A_352 : i32 to index
            %swap3A_365 = arith.constant 0 : index
            %swap3A_366 = tpu.vector_load %arg14[%swap3A_364, %swap3A_365] {strides = array<i32>} : memref<328x128xf32, #tpu.memory_space<vmem>>, vector<16xf32>,
            tpu.vector_store %arg14[%swap3A_364, %swap3A_365], %max3A_363 {strides = array<i32>} : memref<328x128xf32, #tpu.memory_space<vmem>>, vector<16xf32>,
            %get3A_367 = arith.index_cast %add3A_356 : i32 to index
            %get3A_368 = arith.constant 16 : index
            %get3A_369 = tpu.vector_load %arg13[%get3A_367, %get3A_368] {strides = array<i32>} : memref<32x128xf32, #tpu.memory_space<vmem>>, vector<16xf32>,
            %get3A_370 = arith.index_cast %squeeze3A_352 : i32 to index
            %get3A_371 = arith.constant 16 : index
            %get3A_372 = tpu.vector_load %arg14[%get3A_370, %get3A_371] {strides = array<i32>} : memref<328x128xf32, #tpu.memory_space<vmem>>, vector<16xf32>,
            %max3A_373 = arith.maximumf %get3A_372, %get3A_369 : vector<16xf32>
            %swap3A_374 = arith.index_cast %squeeze3A_352 : i32 to index
            %swap3A_375 = arith.constant 16 : index
            %swap3A_376 = tpu.vector_load %arg14[%swap3A_374, %swap3A_375] {strides = array<i32>} : memref<328x128xf32, #tpu.memory_space<vmem>>, vector<16xf32>,
            tpu.vector_store %arg14[%swap3A_374, %swap3A_375], %max3A_373 {strides = array<i32>} : memref<328x128xf32, #tpu.memory_space<vmem>>, vector<16xf32>,
            %get3A_377 = arith.index_cast %add3A_356 : i32 to index
            %get3A_378 = arith.constant 32 : index
            %get3A_379 = tpu.vector_load %arg13[%get3A_377, %get3A_378] {strides = array<i32>} : memref<32x128xf32, #tpu.memory_space<vmem>>, vector<16xf32>,
            %get3A_380 = arith.index_cast %squeeze3A_352 : i32 to index
            %get3A_381 = arith.constant 32 : index
            %get3A_382 = tpu.vector_load %arg14[%get3A_380, %get3A_381] {strides = array<i32>} : memref<328x128xf32, #tpu.memory_space<vmem>>, vector<16xf32>,
            %max3A_383 = arith.maximumf %get3A_382, %get3A_379 : vector<16xf32>
            %swap3A_384 = arith.index_cast %squeeze3A_352 : i32 to index
            %swap3A_385 = arith.constant 32 : index
            %swap3A_386 = tpu.vector_load %arg14[%swap3A_384, %swap3A_385] {strides = array<i32>} : memref<328x128xf32, #tpu.memory_space<vmem>>, vector<16xf32>,
            tpu.vector_store %arg14[%swap3A_384, %swap3A_385], %max3A_383 {strides = array<i32>} : memref<328x128xf32, #tpu.memory_space<vmem>>, vector<16xf32>,
            %get3A_387 = arith.index_cast %add3A_356 : i32 to index
            %get3A_388 = arith.constant 48 : index
            %get3A_389 = tpu.vector_load %arg13[%get3A_387, %get3A_388] {strides = array<i32>} : memref<32x128xf32, #tpu.memory_space<vmem>>, vector<16xf32>,
            %get3A_390 = arith.index_cast %squeeze3A_352 : i32 to index
            %get3A_391 = arith.constant 48 : index
            %get3A_392 = tpu.vector_load %arg14[%get3A_390, %get3A_391] {strides = array<i32>} : memref<328x128xf32, #tpu.memory_space<vmem>>, vector<16xf32>,
            %max3A_393 = arith.maximumf %get3A_392, %get3A_389 : vector<16xf32>
            %swap3A_394 = arith.index_cast %squeeze3A_352 : i32 to index
            %swap3A_395 = arith.constant 48 : index
            %swap3A_396 = tpu.vector_load %arg14[%swap3A_394, %swap3A_395] {strides = array<i32>} : memref<328x128xf32, #tpu.memory_space<vmem>>, vector<16xf32>,
            tpu.vector_store %arg14[%swap3A_394, %swap3A_395], %max3A_393 {strides = array<i32>} : memref<328x128xf32, #tpu.memory_space<vmem>>, vector<16xf32>,
            %get3A_397 = arith.index_cast %add3A_356 : i32 to index
            %get3A_398 = arith.constant 64 : index
            %get3A_399 = tpu.vector_load %arg13[%get3A_397, %get3A_398] {strides = array<i32>} : memref<32x128xf32, #tpu.memory_space<vmem>>, vector<16xf32>,
            %get3A_400 = arith.index_cast %squeeze3A_352 : i32 to index
            %get3A_401 = arith.constant 64 : index
            %get3A_402 = tpu.vector_load %arg14[%get3A_400, %get3A_401] {strides = array<i32>} : memref<328x128xf32, #tpu.memory_space<vmem>>, vector<16xf32>,
            %max3A_403 = arith.maximumf %get3A_402, %get3A_399 : vector<16xf32>
            %swap3A_404 = arith.index_cast %squeeze3A_352 : i32 to index
            %swap3A_405 = arith.constant 64 : index
            %swap3A_406 = tpu.vector_load %arg14[%swap3A_404, %swap3A_405] {strides = array<i32>} : memref<328x128xf32, #tpu.memory_space<vmem>>, vector<16xf32>,
            tpu.vector_store %arg14[%swap3A_404, %swap3A_405], %max3A_403 {strides = array<i32>} : memref<328x128xf32, #tpu.memory_space<vmem>>, vector<16xf32>,
            %get3A_407 = arith.index_cast %add3A_356 : i32 to index
            %get3A_408 = arith.constant 80 : index
            %get3A_409 = tpu.vector_load %arg13[%get3A_407, %get3A_408] {strides = array<i32>} : memref<32x128xf32, #tpu.memory_space<vmem>>, vector<16xf32>,
            %get3A_410 = arith.index_cast %squeeze3A_352 : i32 to index
            %get3A_411 = arith.constant 80 : index
            %get3A_412 = tpu.vector_load %arg14[%get3A_410, %get3A_411] {strides = array<i32>} : memref<328x128xf32, #tpu.memory_space<vmem>>, vector<16xf32>,
            %max3A_413 = arith.maximumf %get3A_412, %get3A_409 : vector<16xf32>
            %swap3A_414 = arith.index_cast %squeeze3A_352 : i32 to index
            %swap3A_415 = arith.constant 80 : index
            %swap3A_416 = tpu.vector_load %arg14[%swap3A_414, %swap3A_415] {strides = array<i32>} : memref<328x128xf32, #tpu.memory_space<vmem>>, vector<16xf32>,
            tpu.vector_store %arg14[%swap3A_414, %swap3A_415], %max3A_413 {strides = array<i32>} : memref<328x128xf32, #tpu.memory_space<vmem>>, vector<16xf32>,
            %get3A_417 = arith.index_cast %add3A_356 : i32 to index
            %get3A_418 = arith.constant 96 : index
            %get3A_419 = tpu.vector_load %arg13[%get3A_417, %get3A_418] {strides = array<i32>} : memref<32x128xf32, #tpu.memory_space<vmem>>, vector<16xf32>,
            %get3A_420 = arith.index_cast %squeeze3A_352 : i32 to index
            %get3A_421 = arith.constant 96 : index
            %get3A_422 = tpu.vector_load %arg14[%get3A_420, %get3A_421] {strides = array<i32>} : memref<328x128xf32, #tpu.memory_space<vmem>>, vector<16xf32>,
            %max3A_423 = arith.maximumf %get3A_422, %get3A_419 : vector<16xf32>
            %swap3A_424 = arith.index_cast %squeeze3A_352 : i32 to index
            %swap3A_425 = arith.constant 96 : index
            %swap3A_426 = tpu.vector_load %arg14[%swap3A_424, %swap3A_425] {strides = array<i32>} : memref<328x128xf32, #tpu.memory_space<vmem>>, vector<16xf32>,
            tpu.vector_store %arg14[%swap3A_424, %swap3A_425], %max3A_423 {strides = array<i32>} : memref<328x128xf32, #tpu.memory_space<vmem>>, vector<16xf32>,
            %get3A_427 = arith.index_cast %add3A_356 : i32 to index
            %get3A_428 = arith.constant 112 : index
            %get3A_429 = tpu.vector_load %arg13[%get3A_427, %get3A_428] {strides = array<i32>} : memref<32x128xf32, #tpu.memory_space<vmem>>, vector<16xf32>,
            %get3A_430 = arith.index_cast %squeeze3A_352 : i32 to index
            %get3A_431 = arith.constant 112 : index
            %get3A_432 = tpu.vector_load %arg14[%get3A_430, %get3A_431] {strides = array<i32>} : memref<328x128xf32, #tpu.memory_space<vmem>>, vector<16xf32>,
            %max3A_433 = arith.maximumf %get3A_432, %get3A_429 : vector<16xf32>
            %swap3A_434 = arith.index_cast %squeeze3A_352 : i32 to index
            %swap3A_435 = arith.constant 112 : index
            %swap3A_436 = tpu.vector_load %arg14[%swap3A_434, %swap3A_435] {strides = array<i32>} : memref<328x128xf32, #tpu.memory_space<vmem>>, vector<16xf32>,
            tpu.vector_store %arg14[%swap3A_434, %swap3A_435], %max3A_433 {strides = array<i32>} : memref<328x128xf32, #tpu.memory_space<vmem>>, vector<16xf32>,
            %shift_right_logical3A_437 = arith.constant 4 : i32
            %shift_right_logical3A_438 = arith.shrui %squeeze3A_352, %shift_right_logical3A_437 : i32
            %and3A_439 = arith.constant 15 : i32
            %and3A_440 = arith.andi %squeeze3A_352, %and3A_439 : i32
            %eq3A_441 = vector.broadcast %and3A_440 : i32 to vector<16xi32>
            %eq3A_442 = arith.cmpi eq, %iota3A, %eq3A_441 : vector<16xi32>
            %jit3A_443 = arith.constant 1.000000e+00 : f32
            %jit3A_444 = arith.constant 0.000000e+00 : f32
            %broadcast_in_dim3A_445 = vector.broadcast %jit3A_443 : f32 to vector<16xf32>
            %broadcast_in_dim3A_446 = vector.broadcast %jit3A_444 : f32 to vector<16xf32>
            %select_n3A_447 = arith.select %eq3A_442, %broadcast_in_dim3A_445, %broadcast_in_dim3A_446 : vector<16xi1>, vector<16xf32>
            %get3A_448 = arith.index_cast %shift_right_logical3A_438 : i32 to index
            %get3A_449 = arith.constant 0 : index
            %get3A_450 = tpu.vector_load %arg15[%get3A_448, %get3A_449] {strides = array<i32>} : memref<24x16xf32, #tpu.memory_space<vmem>>, vector<16xf32>,
            %add3A_451 = arith.addf %get3A_450, %select_n3A_447 : vector<16xf32>
            %swap3A_452 = arith.index_cast %shift_right_logical3A_438 : i32 to index
            %swap3A_453 = arith.constant 0 : index
            %swap3A_454 = tpu.vector_load %arg15[%swap3A_452, %swap3A_453] {strides = array<i32>} : memref<24x16xf32, #tpu.memory_space<vmem>>, vector<16xf32>,
            tpu.vector_store %arg15[%swap3A_452, %swap3A_453], %add3A_451 {strides = array<i32>} : memref<24x16xf32, #tpu.memory_space<vmem>>, vector<16xf32>,
            %slice3A_455 = vector.extract_strided_slice %get3A_148 {offsets = [3], sizes = [1], strides = [1]} : vector<16xi32> to vector<1xi32>
            %squeeze3A_456 = vector.extract %slice3A_455[0] : i32 from vector<1xi32>
            %mul3A_457 = arith.constant 16 : i32
            %mul3A_458 = arith.muli %while3A_141, %mul3A_457 : i32
            %add3A_459 = arith.constant 3 : i32
            %add3A_460 = arith.addi %mul3A_458, %add3A_459 : i32
            %get3A_461 = arith.index_cast %add3A_460 : i32 to index
            %get3A_462 = arith.constant 0 : index
            %get3A_463 = tpu.vector_load %arg13[%get3A_461, %get3A_462] {strides = array<i32>} : memref<32x128xf32, #tpu.memory_space<vmem>>, vector<16xf32>,
            %get3A_464 = arith.index_cast %squeeze3A_456 : i32 to index
            %get3A_465 = arith.constant 0 : index
            %get3A_466 = tpu.vector_load %arg14[%get3A_464, %get3A_465] {strides = array<i32>} : memref<328x128xf32, #tpu.memory_space<vmem>>, vector<16xf32>,
            %max3A_467 = arith.maximumf %get3A_466, %get3A_463 : vector<16xf32>
            %swap3A_468 = arith.index_cast %squeeze3A_456 : i32 to index
            %swap3A_469 = arith.constant 0 : index
            %swap3A_470 = tpu.vector_load %arg14[%swap3A_468, %swap3A_469] {strides = array<i32>} : memref<328x128xf32, #tpu.memory_space<vmem>>, vector<16xf32>,
            tpu.vector_store %arg14[%swap3A_468, %swap3A_469], %max3A_467 {strides = array<i32>} : memref<328x128xf32, #tpu.memory_space<vmem>>, vector<16xf32>,
            %get3A_471 = arith.index_cast %add3A_460 : i32 to index
            %get3A_472 = arith.constant 16 : index
            %get3A_473 = tpu.vector_load %arg13[%get3A_471, %get3A_472] {strides = array<i32>} : memref<32x128xf32, #tpu.memory_space<vmem>>, vector<16xf32>,
            %get3A_474 = arith.index_cast %squeeze3A_456 : i32 to index
            %get3A_475 = arith.constant 16 : index
            %get3A_476 = tpu.vector_load %arg14[%get3A_474, %get3A_475] {strides = array<i32>} : memref<328x128xf32, #tpu.memory_space<vmem>>, vector<16xf32>,
            %max3A_477 = arith.maximumf %get3A_476, %get3A_473 : vector<16xf32>
            %swap3A_478 = arith.index_cast %squeeze3A_456 : i32 to index
            %swap3A_479 = arith.constant 16 : index
            %swap3A_480 = tpu.vector_load %arg14[%swap3A_478, %swap3A_479] {strides = array<i32>} : memref<328x128xf32, #tpu.memory_space<vmem>>, vector<16xf32>,
            tpu.vector_store %arg14[%swap3A_478, %swap3A_479], %max3A_477 {strides = array<i32>} : memref<328x128xf32, #tpu.memory_space<vmem>>, vector<16xf32>,
            %get3A_481 = arith.index_cast %add3A_460 : i32 to index
            %get3A_482 = arith.constant 32 : index
            %get3A_483 = tpu.vector_load %arg13[%get3A_481, %get3A_482] {strides = array<i32>} : memref<32x128xf32, #tpu.memory_space<vmem>>, vector<16xf32>,
            %get3A_484 = arith.index_cast %squeeze3A_456 : i32 to index
            %get3A_485 = arith.constant 32 : index
            %get3A_486 = tpu.vector_load %arg14[%get3A_484, %get3A_485] {strides = array<i32>} : memref<328x128xf32, #tpu.memory_space<vmem>>, vector<16xf32>,
            %max3A_487 = arith.maximumf %get3A_486, %get3A_483 : vector<16xf32>
            %swap3A_488 = arith.index_cast %squeeze3A_456 : i32 to index
            %swap3A_489 = arith.constant 32 : index
            %swap3A_490 = tpu.vector_load %arg14[%swap3A_488, %swap3A_489] {strides = array<i32>} : memref<328x128xf32, #tpu.memory_space<vmem>>, vector<16xf32>,
            tpu.vector_store %arg14[%swap3A_488, %swap3A_489], %max3A_487 {strides = array<i32>} : memref<328x128xf32, #tpu.memory_space<vmem>>, vector<16xf32>,
            %get3A_491 = arith.index_cast %add3A_460 : i32 to index
            %get3A_492 = arith.constant 48 : index
            %get3A_493 = tpu.vector_load %arg13[%get3A_491, %get3A_492] {strides = array<i32>} : memref<32x128xf32, #tpu.memory_space<vmem>>, vector<16xf32>,
            %get3A_494 = arith.index_cast %squeeze3A_456 : i32 to index
            %get3A_495 = arith.constant 48 : index
            %get3A_496 = tpu.vector_load %arg14[%get3A_494, %get3A_495] {strides = array<i32>} : memref<328x128xf32, #tpu.memory_space<vmem>>, vector<16xf32>,
            %max3A_497 = arith.maximumf %get3A_496, %get3A_493 : vector<16xf32>
            %swap3A_498 = arith.index_cast %squeeze3A_456 : i32 to index
            %swap3A_499 = arith.constant 48 : index
            %swap3A_500 = tpu.vector_load %arg14[%swap3A_498, %swap3A_499] {strides = array<i32>} : memref<328x128xf32, #tpu.memory_space<vmem>>, vector<16xf32>,
            tpu.vector_store %arg14[%swap3A_498, %swap3A_499], %max3A_497 {strides = array<i32>} : memref<328x128xf32, #tpu.memory_space<vmem>>, vector<16xf32>,
            %get3A_501 = arith.index_cast %add3A_460 : i32 to index
            %get3A_502 = arith.constant 64 : index
            %get3A_503 = tpu.vector_load %arg13[%get3A_501, %get3A_502] {strides = array<i32>} : memref<32x128xf32, #tpu.memory_space<vmem>>, vector<16xf32>,
            %get3A_504 = arith.index_cast %squeeze3A_456 : i32 to index
            %get3A_505 = arith.constant 64 : index
            %get3A_506 = tpu.vector_load %arg14[%get3A_504, %get3A_505] {strides = array<i32>} : memref<328x128xf32, #tpu.memory_space<vmem>>, vector<16xf32>,
            %max3A_507 = arith.maximumf %get3A_506, %get3A_503 : vector<16xf32>
            %swap3A_508 = arith.index_cast %squeeze3A_456 : i32 to index
            %swap3A_509 = arith.constant 64 : index
            %swap3A_510 = tpu.vector_load %arg14[%swap3A_508, %swap3A_509] {strides = array<i32>} : memref<328x128xf32, #tpu.memory_space<vmem>>, vector<16xf32>,
            tpu.vector_store %arg14[%swap3A_508, %swap3A_509], %max3A_507 {strides = array<i32>} : memref<328x128xf32, #tpu.memory_space<vmem>>, vector<16xf32>,
            %get3A_511 = arith.index_cast %add3A_460 : i32 to index
            %get3A_512 = arith.constant 80 : index
            %get3A_513 = tpu.vector_load %arg13[%get3A_511, %get3A_512] {strides = array<i32>} : memref<32x128xf32, #tpu.memory_space<vmem>>, vector<16xf32>,
            %get3A_514 = arith.index_cast %squeeze3A_456 : i32 to index
            %get3A_515 = arith.constant 80 : index
            %get3A_516 = tpu.vector_load %arg14[%get3A_514, %get3A_515] {strides = array<i32>} : memref<328x128xf32, #tpu.memory_space<vmem>>, vector<16xf32>,
            %max3A_517 = arith.maximumf %get3A_516, %get3A_513 : vector<16xf32>
            %swap3A_518 = arith.index_cast %squeeze3A_456 : i32 to index
            %swap3A_519 = arith.constant 80 : index
            %swap3A_520 = tpu.vector_load %arg14[%swap3A_518, %swap3A_519] {strides = array<i32>} : memref<328x128xf32, #tpu.memory_space<vmem>>, vector<16xf32>,
            tpu.vector_store %arg14[%swap3A_518, %swap3A_519], %max3A_517 {strides = array<i32>} : memref<328x128xf32, #tpu.memory_space<vmem>>, vector<16xf32>,
            %get3A_521 = arith.index_cast %add3A_460 : i32 to index
            %get3A_522 = arith.constant 96 : index
            %get3A_523 = tpu.vector_load %arg13[%get3A_521, %get3A_522] {strides = array<i32>} : memref<32x128xf32, #tpu.memory_space<vmem>>, vector<16xf32>,
            %get3A_524 = arith.index_cast %squeeze3A_456 : i32 to index
            %get3A_525 = arith.constant 96 : index
            %get3A_526 = tpu.vector_load %arg14[%get3A_524, %get3A_525] {strides = array<i32>} : memref<328x128xf32, #tpu.memory_space<vmem>>, vector<16xf32>,
            %max3A_527 = arith.maximumf %get3A_526, %get3A_523 : vector<16xf32>
            %swap3A_528 = arith.index_cast %squeeze3A_456 : i32 to index
            %swap3A_529 = arith.constant 96 : index
            %swap3A_530 = tpu.vector_load %arg14[%swap3A_528, %swap3A_529] {strides = array<i32>} : memref<328x128xf32, #tpu.memory_space<vmem>>, vector<16xf32>,
            tpu.vector_store %arg14[%swap3A_528, %swap3A_529], %max3A_527 {strides = array<i32>} : memref<328x128xf32, #tpu.memory_space<vmem>>, vector<16xf32>,
            %get3A_531 = arith.index_cast %add3A_460 : i32 to index
            %get3A_532 = arith.constant 112 : index
            %get3A_533 = tpu.vector_load %arg13[%get3A_531, %get3A_532] {strides = array<i32>} : memref<32x128xf32, #tpu.memory_space<vmem>>, vector<16xf32>,
            %get3A_534 = arith.index_cast %squeeze3A_456 : i32 to index
            %get3A_535 = arith.constant 112 : index
            %get3A_536 = tpu.vector_load %arg14[%get3A_534, %get3A_535] {strides = array<i32>} : memref<328x128xf32, #tpu.memory_space<vmem>>, vector<16xf32>,
            %max3A_537 = arith.maximumf %get3A_536, %get3A_533 : vector<16xf32>
            %swap3A_538 = arith.index_cast %squeeze3A_456 : i32 to index
            %swap3A_539 = arith.constant 112 : index
            %swap3A_540 = tpu.vector_load %arg14[%swap3A_538, %swap3A_539] {strides = array<i32>} : memref<328x128xf32, #tpu.memory_space<vmem>>, vector<16xf32>,
            tpu.vector_store %arg14[%swap3A_538, %swap3A_539], %max3A_537 {strides = array<i32>} : memref<328x128xf32, #tpu.memory_space<vmem>>, vector<16xf32>,
            %shift_right_logical3A_541 = arith.constant 4 : i32
            %shift_right_logical3A_542 = arith.shrui %squeeze3A_456, %shift_right_logical3A_541 : i32
            %and3A_543 = arith.constant 15 : i32
            %and3A_544 = arith.andi %squeeze3A_456, %and3A_543 : i32
            %eq3A_545 = vector.broadcast %and3A_544 : i32 to vector<16xi32>
            %eq3A_546 = arith.cmpi eq, %iota3A, %eq3A_545 : vector<16xi32>
            %jit3A_547 = arith.constant 1.000000e+00 : f32
            %jit3A_548 = arith.constant 0.000000e+00 : f32
            %broadcast_in_dim3A_549 = vector.broadcast %jit3A_547 : f32 to vector<16xf32>
            %broadcast_in_dim3A_550 = vector.broadcast %jit3A_548 : f32 to vector<16xf32>
            %select_n3A_551 = arith.select %eq3A_546, %broadcast_in_dim3A_549, %broadcast_in_dim3A_550 : vector<16xi1>, vector<16xf32>
            %get3A_552 = arith.index_cast %shift_right_logical3A_542 : i32 to index
            %get3A_553 = arith.constant 0 : index
            %get3A_554 = tpu.vector_load %arg15[%get3A_552, %get3A_553] {strides = array<i32>} : memref<24x16xf32, #tpu.memory_space<vmem>>, vector<16xf32>,
            %add3A_555 = arith.addf %get3A_554, %select_n3A_551 : vector<16xf32>
            %swap3A_556 = arith.index_cast %shift_right_logical3A_542 : i32 to index
            %swap3A_557 = arith.constant 0 : index
            %swap3A_558 = tpu.vector_load %arg15[%swap3A_556, %swap3A_557] {strides = array<i32>} : memref<24x16xf32, #tpu.memory_space<vmem>>, vector<16xf32>,
            tpu.vector_store %arg15[%swap3A_556, %swap3A_557], %add3A_555 {strides = array<i32>} : memref<24x16xf32, #tpu.memory_space<vmem>>, vector<16xf32>,
            %slice3A_559 = vector.extract_strided_slice %get3A_148 {offsets = [4], sizes = [1], strides = [1]} : vector<16xi32> to vector<1xi32>
            %squeeze3A_560 = vector.extract %slice3A_559[0] : i32 from vector<1xi32>
            %mul3A_561 = arith.constant 16 : i32
            %mul3A_562 = arith.muli %while3A_141, %mul3A_561 : i32
            %add3A_563 = arith.constant 4 : i32
            %add3A_564 = arith.addi %mul3A_562, %add3A_563 : i32
            %get3A_565 = arith.index_cast %add3A_564 : i32 to index
            %get3A_566 = arith.constant 0 : index
            %get3A_567 = tpu.vector_load %arg13[%get3A_565, %get3A_566] {strides = array<i32>} : memref<32x128xf32, #tpu.memory_space<vmem>>, vector<16xf32>,
            %get3A_568 = arith.index_cast %squeeze3A_560 : i32 to index
            %get3A_569 = arith.constant 0 : index
            %get3A_570 = tpu.vector_load %arg14[%get3A_568, %get3A_569] {strides = array<i32>} : memref<328x128xf32, #tpu.memory_space<vmem>>, vector<16xf32>,
            %max3A_571 = arith.maximumf %get3A_570, %get3A_567 : vector<16xf32>
            %swap3A_572 = arith.index_cast %squeeze3A_560 : i32 to index
            %swap3A_573 = arith.constant 0 : index
            %swap3A_574 = tpu.vector_load %arg14[%swap3A_572, %swap3A_573] {strides = array<i32>} : memref<328x128xf32, #tpu.memory_space<vmem>>, vector<16xf32>,
            tpu.vector_store %arg14[%swap3A_572, %swap3A_573], %max3A_571 {strides = array<i32>} : memref<328x128xf32, #tpu.memory_space<vmem>>, vector<16xf32>,
            %get3A_575 = arith.index_cast %add3A_564 : i32 to index
            %get3A_576 = arith.constant 16 : index
            %get3A_577 = tpu.vector_load %arg13[%get3A_575, %get3A_576] {strides = array<i32>} : memref<32x128xf32, #tpu.memory_space<vmem>>, vector<16xf32>,
            %get3A_578 = arith.index_cast %squeeze3A_560 : i32 to index
            %get3A_579 = arith.constant 16 : index
            %get3A_580 = tpu.vector_load %arg14[%get3A_578, %get3A_579] {strides = array<i32>} : memref<328x128xf32, #tpu.memory_space<vmem>>, vector<16xf32>,
            %max3A_581 = arith.maximumf %get3A_580, %get3A_577 : vector<16xf32>
            %swap3A_582 = arith.index_cast %squeeze3A_560 : i32 to index
            %swap3A_583 = arith.constant 16 : index
            %swap3A_584 = tpu.vector_load %arg14[%swap3A_582, %swap3A_583] {strides = array<i32>} : memref<328x128xf32, #tpu.memory_space<vmem>>, vector<16xf32>,
            tpu.vector_store %arg14[%swap3A_582, %swap3A_583], %max3A_581 {strides = array<i32>} : memref<328x128xf32, #tpu.memory_space<vmem>>, vector<16xf32>,
            %get3A_585 = arith.index_cast %add3A_564 : i32 to index
            %get3A_586 = arith.constant 32 : index
            %get3A_587 = tpu.vector_load %arg13[%get3A_585, %get3A_586] {strides = array<i32>} : memref<32x128xf32, #tpu.memory_space<vmem>>, vector<16xf32>,
            %get3A_588 = arith.index_cast %squeeze3A_560 : i32 to index
            %get3A_589 = arith.constant 32 : index
            %get3A_590 = tpu.vector_load %arg14[%get3A_588, %get3A_589] {strides = array<i32>} : memref<328x128xf32, #tpu.memory_space<vmem>>, vector<16xf32>,
            %max3A_591 = arith.maximumf %get3A_590, %get3A_587 : vector<16xf32>
            %swap3A_592 = arith.index_cast %squeeze3A_560 : i32 to index
            %swap3A_593 = arith.constant 32 : index
            %swap3A_594 = tpu.vector_load %arg14[%swap3A_592, %swap3A_593] {strides = array<i32>} : memref<328x128xf32, #tpu.memory_space<vmem>>, vector<16xf32>,
            tpu.vector_store %arg14[%swap3A_592, %swap3A_593], %max3A_591 {strides = array<i32>} : memref<328x128xf32, #tpu.memory_space<vmem>>, vector<16xf32>,
            %get3A_595 = arith.index_cast %add3A_564 : i32 to index
            %get3A_596 = arith.constant 48 : index
            %get3A_597 = tpu.vector_load %arg13[%get3A_595, %get3A_596] {strides = array<i32>} : memref<32x128xf32, #tpu.memory_space<vmem>>, vector<16xf32>,
            %get3A_598 = arith.index_cast %squeeze3A_560 : i32 to index
            %get3A_599 = arith.constant 48 : index
            %get3A_600 = tpu.vector_load %arg14[%get3A_598, %get3A_599] {strides = array<i32>} : memref<328x128xf32, #tpu.memory_space<vmem>>, vector<16xf32>,
            %max3A_601 = arith.maximumf %get3A_600, %get3A_597 : vector<16xf32>
            %swap3A_602 = arith.index_cast %squeeze3A_560 : i32 to index
            %swap3A_603 = arith.constant 48 : index
            %swap3A_604 = tpu.vector_load %arg14[%swap3A_602, %swap3A_603] {strides = array<i32>} : memref<328x128xf32, #tpu.memory_space<vmem>>, vector<16xf32>,
            tpu.vector_store %arg14[%swap3A_602, %swap3A_603], %max3A_601 {strides = array<i32>} : memref<328x128xf32, #tpu.memory_space<vmem>>, vector<16xf32>,
            %get3A_605 = arith.index_cast %add3A_564 : i32 to index
            %get3A_606 = arith.constant 64 : index
            %get3A_607 = tpu.vector_load %arg13[%get3A_605, %get3A_606] {strides = array<i32>} : memref<32x128xf32, #tpu.memory_space<vmem>>, vector<16xf32>,
            %get3A_608 = arith.index_cast %squeeze3A_560 : i32 to index
            %get3A_609 = arith.constant 64 : index
            %get3A_610 = tpu.vector_load %arg14[%get3A_608, %get3A_609] {strides = array<i32>} : memref<328x128xf32, #tpu.memory_space<vmem>>, vector<16xf32>,
            %max3A_611 = arith.maximumf %get3A_610, %get3A_607 : vector<16xf32>
            %swap3A_612 = arith.index_cast %squeeze3A_560 : i32 to index
            %swap3A_613 = arith.constant 64 : index
            %swap3A_614 = tpu.vector_load %arg14[%swap3A_612, %swap3A_613] {strides = array<i32>} : memref<328x128xf32, #tpu.memory_space<vmem>>, vector<16xf32>,
            tpu.vector_store %arg14[%swap3A_612, %swap3A_613], %max3A_611 {strides = array<i32>} : memref<328x128xf32, #tpu.memory_space<vmem>>, vector<16xf32>,
            %get3A_615 = arith.index_cast %add3A_564 : i32 to index
            %get3A_616 = arith.constant 80 : index
            %get3A_617 = tpu.vector_load %arg13[%get3A_615, %get3A_616] {strides = array<i32>} : memref<32x128xf32, #tpu.memory_space<vmem>>, vector<16xf32>,
            %get3A_618 = arith.index_cast %squeeze3A_560 : i32 to index
            %get3A_619 = arith.constant 80 : index
            %get3A_620 = tpu.vector_load %arg14[%get3A_618, %get3A_619] {strides = array<i32>} : memref<328x128xf32, #tpu.memory_space<vmem>>, vector<16xf32>,
            %max3A_621 = arith.maximumf %get3A_620, %get3A_617 : vector<16xf32>
            %swap3A_622 = arith.index_cast %squeeze3A_560 : i32 to index
            %swap3A_623 = arith.constant 80 : index
            %swap3A_624 = tpu.vector_load %arg14[%swap3A_622, %swap3A_623] {strides = array<i32>} : memref<328x128xf32, #tpu.memory_space<vmem>>, vector<16xf32>,
            tpu.vector_store %arg14[%swap3A_622, %swap3A_623], %max3A_621 {strides = array<i32>} : memref<328x128xf32, #tpu.memory_space<vmem>>, vector<16xf32>,
            %get3A_625 = arith.index_cast %add3A_564 : i32 to index
            %get3A_626 = arith.constant 96 : index
            %get3A_627 = tpu.vector_load %arg13[%get3A_625, %get3A_626] {strides = array<i32>} : memref<32x128xf32, #tpu.memory_space<vmem>>, vector<16xf32>,
            %get3A_628 = arith.index_cast %squeeze3A_560 : i32 to index
            %get3A_629 = arith.constant 96 : index
            %get3A_630 = tpu.vector_load %arg14[%get3A_628, %get3A_629] {strides = array<i32>} : memref<328x128xf32, #tpu.memory_space<vmem>>, vector<16xf32>,
            %max3A_631 = arith.maximumf %get3A_630, %get3A_627 : vector<16xf32>
            %swap3A_632 = arith.index_cast %squeeze3A_560 : i32 to index
            %swap3A_633 = arith.constant 96 : index
            %swap3A_634 = tpu.vector_load %arg14[%swap3A_632, %swap3A_633] {strides = array<i32>} : memref<328x128xf32, #tpu.memory_space<vmem>>, vector<16xf32>,
            tpu.vector_store %arg14[%swap3A_632, %swap3A_633], %max3A_631 {strides = array<i32>} : memref<328x128xf32, #tpu.memory_space<vmem>>, vector<16xf32>,
            %get3A_635 = arith.index_cast %add3A_564 : i32 to index
            %get3A_636 = arith.constant 112 : index
            %get3A_637 = tpu.vector_load %arg13[%get3A_635, %get3A_636] {strides = array<i32>} : memref<32x128xf32, #tpu.memory_space<vmem>>, vector<16xf32>,
            %get3A_638 = arith.index_cast %squeeze3A_560 : i32 to index
            %get3A_639 = arith.constant 112 : index
            %get3A_640 = tpu.vector_load %arg14[%get3A_638, %get3A_639] {strides = array<i32>} : memref<328x128xf32, #tpu.memory_space<vmem>>, vector<16xf32>,
            %max3A_641 = arith.maximumf %get3A_640, %get3A_637 : vector<16xf32>
            %swap3A_642 = arith.index_cast %squeeze3A_560 : i32 to index
            %swap3A_643 = arith.constant 112 : index
            %swap3A_644 = tpu.vector_load %arg14[%swap3A_642, %swap3A_643] {strides = array<i32>} : memref<328x128xf32, #tpu.memory_space<vmem>>, vector<16xf32>,
            tpu.vector_store %arg14[%swap3A_642, %swap3A_643], %max3A_641 {strides = array<i32>} : memref<328x128xf32, #tpu.memory_space<vmem>>, vector<16xf32>,
            %shift_right_logical3A_645 = arith.constant 4 : i32
            %shift_right_logical3A_646 = arith.shrui %squeeze3A_560, %shift_right_logical3A_645 : i32
            %and3A_647 = arith.constant 15 : i32
            %and3A_648 = arith.andi %squeeze3A_560, %and3A_647 : i32
            %eq3A_649 = vector.broadcast %and3A_648 : i32 to vector<16xi32>
            %eq3A_650 = arith.cmpi eq, %iota3A, %eq3A_649 : vector<16xi32>
            %jit3A_651 = arith.constant 1.000000e+00 : f32
            %jit3A_652 = arith.constant 0.000000e+00 : f32
            %broadcast_in_dim3A_653 = vector.broadcast %jit3A_651 : f32 to vector<16xf32>
            %broadcast_in_dim3A_654 = vector.broadcast %jit3A_652 : f32 to vector<16xf32>
            %select_n3A_655 = arith.select %eq3A_650, %broadcast_in_dim3A_653, %broadcast_in_dim3A_654 : vector<16xi1>, vector<16xf32>
            %get3A_656 = arith.index_cast %shift_right_logical3A_646 : i32 to index
            %get3A_657 = arith.constant 0 : index
            %get3A_658 = tpu.vector_load %arg15[%get3A_656, %get3A_657] {strides = array<i32>} : memref<24x16xf32, #tpu.memory_space<vmem>>, vector<16xf32>,
            %add3A_659 = arith.addf %get3A_658, %select_n3A_655 : vector<16xf32>
            %swap3A_660 = arith.index_cast %shift_right_logical3A_646 : i32 to index
            %swap3A_661 = arith.constant 0 : index
            %swap3A_662 = tpu.vector_load %arg15[%swap3A_660, %swap3A_661] {strides = array<i32>} : memref<24x16xf32, #tpu.memory_space<vmem>>, vector<16xf32>,
            tpu.vector_store %arg15[%swap3A_660, %swap3A_661], %add3A_659 {strides = array<i32>} : memref<24x16xf32, #tpu.memory_space<vmem>>, vector<16xf32>,
            %slice3A_663 = vector.extract_strided_slice %get3A_148 {offsets = [5], sizes = [1], strides = [1]} : vector<16xi32> to vector<1xi32>
            %squeeze3A_664 = vector.extract %slice3A_663[0] : i32 from vector<1xi32>
            %mul3A_665 = arith.constant 16 : i32
            %mul3A_666 = arith.muli %while3A_141, %mul3A_665 : i32
            %add3A_667 = arith.constant 5 : i32
            %add3A_668 = arith.addi %mul3A_666, %add3A_667 : i32
            %get3A_669 = arith.index_cast %add3A_668 : i32 to index
            %get3A_670 = arith.constant 0 : index
            %get3A_671 = tpu.vector_load %arg13[%get3A_669, %get3A_670] {strides = array<i32>} : memref<32x128xf32, #tpu.memory_space<vmem>>, vector<16xf32>,
            %get3A_672 = arith.index_cast %squeeze3A_664 : i32 to index
            %get3A_673 = arith.constant 0 : index
            %get3A_674 = tpu.vector_load %arg14[%get3A_672, %get3A_673] {strides = array<i32>} : memref<328x128xf32, #tpu.memory_space<vmem>>, vector<16xf32>,
            %max3A_675 = arith.maximumf %get3A_674, %get3A_671 : vector<16xf32>
            %swap3A_676 = arith.index_cast %squeeze3A_664 : i32 to index
            %swap3A_677 = arith.constant 0 : index
            %swap3A_678 = tpu.vector_load %arg14[%swap3A_676, %swap3A_677] {strides = array<i32>} : memref<328x128xf32, #tpu.memory_space<vmem>>, vector<16xf32>,
            tpu.vector_store %arg14[%swap3A_676, %swap3A_677], %max3A_675 {strides = array<i32>} : memref<328x128xf32, #tpu.memory_space<vmem>>, vector<16xf32>,
            %get3A_679 = arith.index_cast %add3A_668 : i32 to index
            %get3A_680 = arith.constant 16 : index
            %get3A_681 = tpu.vector_load %arg13[%get3A_679, %get3A_680] {strides = array<i32>} : memref<32x128xf32, #tpu.memory_space<vmem>>, vector<16xf32>,
            %get3A_682 = arith.index_cast %squeeze3A_664 : i32 to index
            %get3A_683 = arith.constant 16 : index
            %get3A_684 = tpu.vector_load %arg14[%get3A_682, %get3A_683] {strides = array<i32>} : memref<328x128xf32, #tpu.memory_space<vmem>>, vector<16xf32>,
            %max3A_685 = arith.maximumf %get3A_684, %get3A_681 : vector<16xf32>
            %swap3A_686 = arith.index_cast %squeeze3A_664 : i32 to index
            %swap3A_687 = arith.constant 16 : index
            %swap3A_688 = tpu.vector_load %arg14[%swap3A_686, %swap3A_687] {strides = array<i32>} : memref<328x128xf32, #tpu.memory_space<vmem>>, vector<16xf32>,
            tpu.vector_store %arg14[%swap3A_686, %swap3A_687], %max3A_685 {strides = array<i32>} : memref<328x128xf32, #tpu.memory_space<vmem>>, vector<16xf32>,
            %get3A_689 = arith.index_cast %add3A_668 : i32 to index
            %get3A_690 = arith.constant 32 : index
            %get3A_691 = tpu.vector_load %arg13[%get3A_689, %get3A_690] {strides = array<i32>} : memref<32x128xf32, #tpu.memory_space<vmem>>, vector<16xf32>,
            %get3A_692 = arith.index_cast %squeeze3A_664 : i32 to index
            %get3A_693 = arith.constant 32 : index
            %get3A_694 = tpu.vector_load %arg14[%get3A_692, %get3A_693] {strides = array<i32>} : memref<328x128xf32, #tpu.memory_space<vmem>>, vector<16xf32>,
            %max3A_695 = arith.maximumf %get3A_694, %get3A_691 : vector<16xf32>
            %swap3A_696 = arith.index_cast %squeeze3A_664 : i32 to index
            %swap3A_697 = arith.constant 32 : index
            %swap3A_698 = tpu.vector_load %arg14[%swap3A_696, %swap3A_697] {strides = array<i32>} : memref<328x128xf32, #tpu.memory_space<vmem>>, vector<16xf32>,
            tpu.vector_store %arg14[%swap3A_696, %swap3A_697], %max3A_695 {strides = array<i32>} : memref<328x128xf32, #tpu.memory_space<vmem>>, vector<16xf32>,
            %get3A_699 = arith.index_cast %add3A_668 : i32 to index
            %get3A_700 = arith.constant 48 : index
            %get3A_701 = tpu.vector_load %arg13[%get3A_699, %get3A_700] {strides = array<i32>} : memref<32x128xf32, #tpu.memory_space<vmem>>, vector<16xf32>,
            %get3A_702 = arith.index_cast %squeeze3A_664 : i32 to index
            %get3A_703 = arith.constant 48 : index
            %get3A_704 = tpu.vector_load %arg14[%get3A_702, %get3A_703] {strides = array<i32>} : memref<328x128xf32, #tpu.memory_space<vmem>>, vector<16xf32>,
            %max3A_705 = arith.maximumf %get3A_704, %get3A_701 : vector<16xf32>
            %swap3A_706 = arith.index_cast %squeeze3A_664 : i32 to index
            %swap3A_707 = arith.constant 48 : index
            %swap3A_708 = tpu.vector_load %arg14[%swap3A_706, %swap3A_707] {strides = array<i32>} : memref<328x128xf32, #tpu.memory_space<vmem>>, vector<16xf32>,
            tpu.vector_store %arg14[%swap3A_706, %swap3A_707], %max3A_705 {strides = array<i32>} : memref<328x128xf32, #tpu.memory_space<vmem>>, vector<16xf32>,
            %get3A_709 = arith.index_cast %add3A_668 : i32 to index
            %get3A_710 = arith.constant 64 : index
            %get3A_711 = tpu.vector_load %arg13[%get3A_709, %get3A_710] {strides = array<i32>} : memref<32x128xf32, #tpu.memory_space<vmem>>, vector<16xf32>,
            %get3A_712 = arith.index_cast %squeeze3A_664 : i32 to index
            %get3A_713 = arith.constant 64 : index
            %get3A_714 = tpu.vector_load %arg14[%get3A_712, %get3A_713] {strides = array<i32>} : memref<328x128xf32, #tpu.memory_space<vmem>>, vector<16xf32>,
            %max3A_715 = arith.maximumf %get3A_714, %get3A_711 : vector<16xf32>
            %swap3A_716 = arith.index_cast %squeeze3A_664 : i32 to index
            %swap3A_717 = arith.constant 64 : index
            %swap3A_718 = tpu.vector_load %arg14[%swap3A_716, %swap3A_717] {strides = array<i32>} : memref<328x128xf32, #tpu.memory_space<vmem>>, vector<16xf32>,
            tpu.vector_store %arg14[%swap3A_716, %swap3A_717], %max3A_715 {strides = array<i32>} : memref<328x128xf32, #tpu.memory_space<vmem>>, vector<16xf32>,
            %get3A_719 = arith.index_cast %add3A_668 : i32 to index
            %get3A_720 = arith.constant 80 : index
            %get3A_721 = tpu.vector_load %arg13[%get3A_719, %get3A_720] {strides = array<i32>} : memref<32x128xf32, #tpu.memory_space<vmem>>, vector<16xf32>,
            %get3A_722 = arith.index_cast %squeeze3A_664 : i32 to index
            %get3A_723 = arith.constant 80 : index
            %get3A_724 = tpu.vector_load %arg14[%get3A_722, %get3A_723] {strides = array<i32>} : memref<328x128xf32, #tpu.memory_space<vmem>>, vector<16xf32>,
            %max3A_725 = arith.maximumf %get3A_724, %get3A_721 : vector<16xf32>
            %swap3A_726 = arith.index_cast %squeeze3A_664 : i32 to index
            %swap3A_727 = arith.constant 80 : index
            %swap3A_728 = tpu.vector_load %arg14[%swap3A_726, %swap3A_727] {strides = array<i32>} : memref<328x128xf32, #tpu.memory_space<vmem>>, vector<16xf32>,
            tpu.vector_store %arg14[%swap3A_726, %swap3A_727], %max3A_725 {strides = array<i32>} : memref<328x128xf32, #tpu.memory_space<vmem>>, vector<16xf32>,
            %get3A_729 = arith.index_cast %add3A_668 : i32 to index
            %get3A_730 = arith.constant 96 : index
            %get3A_731 = tpu.vector_load %arg13[%get3A_729, %get3A_730] {strides = array<i32>} : memref<32x128xf32, #tpu.memory_space<vmem>>, vector<16xf32>,
            %get3A_732 = arith.index_cast %squeeze3A_664 : i32 to index
            %get3A_733 = arith.constant 96 : index
            %get3A_734 = tpu.vector_load %arg14[%get3A_732, %get3A_733] {strides = array<i32>} : memref<328x128xf32, #tpu.memory_space<vmem>>, vector<16xf32>,
            %max3A_735 = arith.maximumf %get3A_734, %get3A_731 : vector<16xf32>
            %swap3A_736 = arith.index_cast %squeeze3A_664 : i32 to index
            %swap3A_737 = arith.constant 96 : index
            %swap3A_738 = tpu.vector_load %arg14[%swap3A_736, %swap3A_737] {strides = array<i32>} : memref<328x128xf32, #tpu.memory_space<vmem>>, vector<16xf32>,
            tpu.vector_store %arg14[%swap3A_736, %swap3A_737], %max3A_735 {strides = array<i32>} : memref<328x128xf32, #tpu.memory_space<vmem>>, vector<16xf32>,
            %get3A_739 = arith.index_cast %add3A_668 : i32 to index
            %get3A_740 = arith.constant 112 : index
            %get3A_741 = tpu.vector_load %arg13[%get3A_739, %get3A_740] {strides = array<i32>} : memref<32x128xf32, #tpu.memory_space<vmem>>, vector<16xf32>,
            %get3A_742 = arith.index_cast %squeeze3A_664 : i32 to index
            %get3A_743 = arith.constant 112 : index
            %get3A_744 = tpu.vector_load %arg14[%get3A_742, %get3A_743] {strides = array<i32>} : memref<328x128xf32, #tpu.memory_space<vmem>>, vector<16xf32>,
            %max3A_745 = arith.maximumf %get3A_744, %get3A_741 : vector<16xf32>
            %swap3A_746 = arith.index_cast %squeeze3A_664 : i32 to index
            %swap3A_747 = arith.constant 112 : index
            %swap3A_748 = tpu.vector_load %arg14[%swap3A_746, %swap3A_747] {strides = array<i32>} : memref<328x128xf32, #tpu.memory_space<vmem>>, vector<16xf32>,
            tpu.vector_store %arg14[%swap3A_746, %swap3A_747], %max3A_745 {strides = array<i32>} : memref<328x128xf32, #tpu.memory_space<vmem>>, vector<16xf32>,
            %shift_right_logical3A_749 = arith.constant 4 : i32
            %shift_right_logical3A_750 = arith.shrui %squeeze3A_664, %shift_right_logical3A_749 : i32
            %and3A_751 = arith.constant 15 : i32
            %and3A_752 = arith.andi %squeeze3A_664, %and3A_751 : i32
            %eq3A_753 = vector.broadcast %and3A_752 : i32 to vector<16xi32>
            %eq3A_754 = arith.cmpi eq, %iota3A, %eq3A_753 : vector<16xi32>
            %jit3A_755 = arith.constant 1.000000e+00 : f32
            %jit3A_756 = arith.constant 0.000000e+00 : f32
            %broadcast_in_dim3A_757 = vector.broadcast %jit3A_755 : f32 to vector<16xf32>
            %broadcast_in_dim3A_758 = vector.broadcast %jit3A_756 : f32 to vector<16xf32>
            %select_n3A_759 = arith.select %eq3A_754, %broadcast_in_dim3A_757, %broadcast_in_dim3A_758 : vector<16xi1>, vector<16xf32>
            %get3A_760 = arith.index_cast %shift_right_logical3A_750 : i32 to index
            %get3A_761 = arith.constant 0 : index
            %get3A_762 = tpu.vector_load %arg15[%get3A_760, %get3A_761] {strides = array<i32>} : memref<24x16xf32, #tpu.memory_space<vmem>>, vector<16xf32>,
            %add3A_763 = arith.addf %get3A_762, %select_n3A_759 : vector<16xf32>
            %swap3A_764 = arith.index_cast %shift_right_logical3A_750 : i32 to index
            %swap3A_765 = arith.constant 0 : index
            %swap3A_766 = tpu.vector_load %arg15[%swap3A_764, %swap3A_765] {strides = array<i32>} : memref<24x16xf32, #tpu.memory_space<vmem>>, vector<16xf32>,
            tpu.vector_store %arg15[%swap3A_764, %swap3A_765], %add3A_763 {strides = array<i32>} : memref<24x16xf32, #tpu.memory_space<vmem>>, vector<16xf32>,
            %slice3A_767 = vector.extract_strided_slice %get3A_148 {offsets = [6], sizes = [1], strides = [1]} : vector<16xi32> to vector<1xi32>
            %squeeze3A_768 = vector.extract %slice3A_767[0] : i32 from vector<1xi32>
            %mul3A_769 = arith.constant 16 : i32
            %mul3A_770 = arith.muli %while3A_141, %mul3A_769 : i32
            %add3A_771 = arith.constant 6 : i32
            %add3A_772 = arith.addi %mul3A_770, %add3A_771 : i32
            %get3A_773 = arith.index_cast %add3A_772 : i32 to index
            %get3A_774 = arith.constant 0 : index
            %get3A_775 = tpu.vector_load %arg13[%get3A_773, %get3A_774] {strides = array<i32>} : memref<32x128xf32, #tpu.memory_space<vmem>>, vector<16xf32>,
            %get3A_776 = arith.index_cast %squeeze3A_768 : i32 to index
            %get3A_777 = arith.constant 0 : index
            %get3A_778 = tpu.vector_load %arg14[%get3A_776, %get3A_777] {strides = array<i32>} : memref<328x128xf32, #tpu.memory_space<vmem>>, vector<16xf32>,
            %max3A_779 = arith.maximumf %get3A_778, %get3A_775 : vector<16xf32>
            %swap3A_780 = arith.index_cast %squeeze3A_768 : i32 to index
            %swap3A_781 = arith.constant 0 : index
            %swap3A_782 = tpu.vector_load %arg14[%swap3A_780, %swap3A_781] {strides = array<i32>} : memref<328x128xf32, #tpu.memory_space<vmem>>, vector<16xf32>,
            tpu.vector_store %arg14[%swap3A_780, %swap3A_781], %max3A_779 {strides = array<i32>} : memref<328x128xf32, #tpu.memory_space<vmem>>, vector<16xf32>,
            %get3A_783 = arith.index_cast %add3A_772 : i32 to index
            %get3A_784 = arith.constant 16 : index
            %get3A_785 = tpu.vector_load %arg13[%get3A_783, %get3A_784] {strides = array<i32>} : memref<32x128xf32, #tpu.memory_space<vmem>>, vector<16xf32>,
            %get3A_786 = arith.index_cast %squeeze3A_768 : i32 to index
            %get3A_787 = arith.constant 16 : index
            %get3A_788 = tpu.vector_load %arg14[%get3A_786, %get3A_787] {strides = array<i32>} : memref<328x128xf32, #tpu.memory_space<vmem>>, vector<16xf32>,
            %max3A_789 = arith.maximumf %get3A_788, %get3A_785 : vector<16xf32>
            %swap3A_790 = arith.index_cast %squeeze3A_768 : i32 to index
            %swap3A_791 = arith.constant 16 : index
            %swap3A_792 = tpu.vector_load %arg14[%swap3A_790, %swap3A_791] {strides = array<i32>} : memref<328x128xf32, #tpu.memory_space<vmem>>, vector<16xf32>,
            tpu.vector_store %arg14[%swap3A_790, %swap3A_791], %max3A_789 {strides = array<i32>} : memref<328x128xf32, #tpu.memory_space<vmem>>, vector<16xf32>,
            %get3A_793 = arith.index_cast %add3A_772 : i32 to index
            %get3A_794 = arith.constant 32 : index
            %get3A_795 = tpu.vector_load %arg13[%get3A_793, %get3A_794] {strides = array<i32>} : memref<32x128xf32, #tpu.memory_space<vmem>>, vector<16xf32>,
            %get3A_796 = arith.index_cast %squeeze3A_768 : i32 to index
            %get3A_797 = arith.constant 32 : index
            %get3A_798 = tpu.vector_load %arg14[%get3A_796, %get3A_797] {strides = array<i32>} : memref<328x128xf32, #tpu.memory_space<vmem>>, vector<16xf32>,
            %max3A_799 = arith.maximumf %get3A_798, %get3A_795 : vector<16xf32>
            %swap3A_800 = arith.index_cast %squeeze3A_768 : i32 to index
            %swap3A_801 = arith.constant 32 : index
            %swap3A_802 = tpu.vector_load %arg14[%swap3A_800, %swap3A_801] {strides = array<i32>} : memref<328x128xf32, #tpu.memory_space<vmem>>, vector<16xf32>,
            tpu.vector_store %arg14[%swap3A_800, %swap3A_801], %max3A_799 {strides = array<i32>} : memref<328x128xf32, #tpu.memory_space<vmem>>, vector<16xf32>,
            %get3A_803 = arith.index_cast %add3A_772 : i32 to index
            %get3A_804 = arith.constant 48 : index
            %get3A_805 = tpu.vector_load %arg13[%get3A_803, %get3A_804] {strides = array<i32>} : memref<32x128xf32, #tpu.memory_space<vmem>>, vector<16xf32>,
            %get3A_806 = arith.index_cast %squeeze3A_768 : i32 to index
            %get3A_807 = arith.constant 48 : index
            %get3A_808 = tpu.vector_load %arg14[%get3A_806, %get3A_807] {strides = array<i32>} : memref<328x128xf32, #tpu.memory_space<vmem>>, vector<16xf32>,
            %max3A_809 = arith.maximumf %get3A_808, %get3A_805 : vector<16xf32>
            %swap3A_810 = arith.index_cast %squeeze3A_768 : i32 to index
            %swap3A_811 = arith.constant 48 : index
            %swap3A_812 = tpu.vector_load %arg14[%swap3A_810, %swap3A_811] {strides = array<i32>} : memref<328x128xf32, #tpu.memory_space<vmem>>, vector<16xf32>,
            tpu.vector_store %arg14[%swap3A_810, %swap3A_811], %max3A_809 {strides = array<i32>} : memref<328x128xf32, #tpu.memory_space<vmem>>, vector<16xf32>,
            %get3A_813 = arith.index_cast %add3A_772 : i32 to index
            %get3A_814 = arith.constant 64 : index
            %get3A_815 = tpu.vector_load %arg13[%get3A_813, %get3A_814] {strides = array<i32>} : memref<32x128xf32, #tpu.memory_space<vmem>>, vector<16xf32>,
            %get3A_816 = arith.index_cast %squeeze3A_768 : i32 to index
            %get3A_817 = arith.constant 64 : index
            %get3A_818 = tpu.vector_load %arg14[%get3A_816, %get3A_817] {strides = array<i32>} : memref<328x128xf32, #tpu.memory_space<vmem>>, vector<16xf32>,
            %max3A_819 = arith.maximumf %get3A_818, %get3A_815 : vector<16xf32>
            %swap3A_820 = arith.index_cast %squeeze3A_768 : i32 to index
            %swap3A_821 = arith.constant 64 : index
            %swap3A_822 = tpu.vector_load %arg14[%swap3A_820, %swap3A_821] {strides = array<i32>} : memref<328x128xf32, #tpu.memory_space<vmem>>, vector<16xf32>,
            tpu.vector_store %arg14[%swap3A_820, %swap3A_821], %max3A_819 {strides = array<i32>} : memref<328x128xf32, #tpu.memory_space<vmem>>, vector<16xf32>,
            %get3A_823 = arith.index_cast %add3A_772 : i32 to index
            %get3A_824 = arith.constant 80 : index
            %get3A_825 = tpu.vector_load %arg13[%get3A_823, %get3A_824] {strides = array<i32>} : memref<32x128xf32, #tpu.memory_space<vmem>>, vector<16xf32>,
            %get3A_826 = arith.index_cast %squeeze3A_768 : i32 to index
            %get3A_827 = arith.constant 80 : index
            %get3A_828 = tpu.vector_load %arg14[%get3A_826, %get3A_827] {strides = array<i32>} : memref<328x128xf32, #tpu.memory_space<vmem>>, vector<16xf32>,
            %max3A_829 = arith.maximumf %get3A_828, %get3A_825 : vector<16xf32>
            %swap3A_830 = arith.index_cast %squeeze3A_768 : i32 to index
            %swap3A_831 = arith.constant 80 : index
            %swap3A_832 = tpu.vector_load %arg14[%swap3A_830, %swap3A_831] {strides = array<i32>} : memref<328x128xf32, #tpu.memory_space<vmem>>, vector<16xf32>,
            tpu.vector_store %arg14[%swap3A_830, %swap3A_831], %max3A_829 {strides = array<i32>} : memref<328x128xf32, #tpu.memory_space<vmem>>, vector<16xf32>,
            %get3A_833 = arith.index_cast %add3A_772 : i32 to index
            %get3A_834 = arith.constant 96 : index
            %get3A_835 = tpu.vector_load %arg13[%get3A_833, %get3A_834] {strides = array<i32>} : memref<32x128xf32, #tpu.memory_space<vmem>>, vector<16xf32>,
            %get3A_836 = arith.index_cast %squeeze3A_768 : i32 to index
            %get3A_837 = arith.constant 96 : index
            %get3A_838 = tpu.vector_load %arg14[%get3A_836, %get3A_837] {strides = array<i32>} : memref<328x128xf32, #tpu.memory_space<vmem>>, vector<16xf32>,
            %max3A_839 = arith.maximumf %get3A_838, %get3A_835 : vector<16xf32>
            %swap3A_840 = arith.index_cast %squeeze3A_768 : i32 to index
            %swap3A_841 = arith.constant 96 : index
            %swap3A_842 = tpu.vector_load %arg14[%swap3A_840, %swap3A_841] {strides = array<i32>} : memref<328x128xf32, #tpu.memory_space<vmem>>, vector<16xf32>,
            tpu.vector_store %arg14[%swap3A_840, %swap3A_841], %max3A_839 {strides = array<i32>} : memref<328x128xf32, #tpu.memory_space<vmem>>, vector<16xf32>,
            %get3A_843 = arith.index_cast %add3A_772 : i32 to index
            %get3A_844 = arith.constant 112 : index
            %get3A_845 = tpu.vector_load %arg13[%get3A_843, %get3A_844] {strides = array<i32>} : memref<32x128xf32, #tpu.memory_space<vmem>>, vector<16xf32>,
            %get3A_846 = arith.index_cast %squeeze3A_768 : i32 to index
            %get3A_847 = arith.constant 112 : index
            %get3A_848 = tpu.vector_load %arg14[%get3A_846, %get3A_847] {strides = array<i32>} : memref<328x128xf32, #tpu.memory_space<vmem>>, vector<16xf32>,
            %max3A_849 = arith.maximumf %get3A_848, %get3A_845 : vector<16xf32>
            %swap3A_850 = arith.index_cast %squeeze3A_768 : i32 to index
            %swap3A_851 = arith.constant 112 : index
            %swap3A_852 = tpu.vector_load %arg14[%swap3A_850, %swap3A_851] {strides = array<i32>} : memref<328x128xf32, #tpu.memory_space<vmem>>, vector<16xf32>,
            tpu.vector_store %arg14[%swap3A_850, %swap3A_851], %max3A_849 {strides = array<i32>} : memref<328x128xf32, #tpu.memory_space<vmem>>, vector<16xf32>,
            %shift_right_logical3A_853 = arith.constant 4 : i32
            %shift_right_logical3A_854 = arith.shrui %squeeze3A_768, %shift_right_logical3A_853 : i32
            %and3A_855 = arith.constant 15 : i32
            %and3A_856 = arith.andi %squeeze3A_768, %and3A_855 : i32
            %eq3A_857 = vector.broadcast %and3A_856 : i32 to vector<16xi32>
            %eq3A_858 = arith.cmpi eq, %iota3A, %eq3A_857 : vector<16xi32>
            %jit3A_859 = arith.constant 1.000000e+00 : f32
            %jit3A_860 = arith.constant 0.000000e+00 : f32
            %broadcast_in_dim3A_861 = vector.broadcast %jit3A_859 : f32 to vector<16xf32>
            %broadcast_in_dim3A_862 = vector.broadcast %jit3A_860 : f32 to vector<16xf32>
            %select_n3A_863 = arith.select %eq3A_858, %broadcast_in_dim3A_861, %broadcast_in_dim3A_862 : vector<16xi1>, vector<16xf32>
            %get3A_864 = arith.index_cast %shift_right_logical3A_854 : i32 to index
            %get3A_865 = arith.constant 0 : index
            %get3A_866 = tpu.vector_load %arg15[%get3A_864, %get3A_865] {strides = array<i32>} : memref<24x16xf32, #tpu.memory_space<vmem>>, vector<16xf32>,
            %add3A_867 = arith.addf %get3A_866, %select_n3A_863 : vector<16xf32>
            %swap3A_868 = arith.index_cast %shift_right_logical3A_854 : i32 to index
            %swap3A_869 = arith.constant 0 : index
            %swap3A_870 = tpu.vector_load %arg15[%swap3A_868, %swap3A_869] {strides = array<i32>} : memref<24x16xf32, #tpu.memory_space<vmem>>, vector<16xf32>,
            tpu.vector_store %arg15[%swap3A_868, %swap3A_869], %add3A_867 {strides = array<i32>} : memref<24x16xf32, #tpu.memory_space<vmem>>, vector<16xf32>,
            %slice3A_871 = vector.extract_strided_slice %get3A_148 {offsets = [7], sizes = [1], strides = [1]} : vector<16xi32> to vector<1xi32>
            %squeeze3A_872 = vector.extract %slice3A_871[0] : i32 from vector<1xi32>
            %mul3A_873 = arith.constant 16 : i32
            %mul3A_874 = arith.muli %while3A_141, %mul3A_873 : i32
            %add3A_875 = arith.constant 7 : i32
            %add3A_876 = arith.addi %mul3A_874, %add3A_875 : i32
            %get3A_877 = arith.index_cast %add3A_876 : i32 to index
            %get3A_878 = arith.constant 0 : index
            %get3A_879 = tpu.vector_load %arg13[%get3A_877, %get3A_878] {strides = array<i32>} : memref<32x128xf32, #tpu.memory_space<vmem>>, vector<16xf32>,
            %get3A_880 = arith.index_cast %squeeze3A_872 : i32 to index
            %get3A_881 = arith.constant 0 : index
            %get3A_882 = tpu.vector_load %arg14[%get3A_880, %get3A_881] {strides = array<i32>} : memref<328x128xf32, #tpu.memory_space<vmem>>, vector<16xf32>,
            %max3A_883 = arith.maximumf %get3A_882, %get3A_879 : vector<16xf32>
            %swap3A_884 = arith.index_cast %squeeze3A_872 : i32 to index
            %swap3A_885 = arith.constant 0 : index
            %swap3A_886 = tpu.vector_load %arg14[%swap3A_884, %swap3A_885] {strides = array<i32>} : memref<328x128xf32, #tpu.memory_space<vmem>>, vector<16xf32>,
            tpu.vector_store %arg14[%swap3A_884, %swap3A_885], %max3A_883 {strides = array<i32>} : memref<328x128xf32, #tpu.memory_space<vmem>>, vector<16xf32>,
            %get3A_887 = arith.index_cast %add3A_876 : i32 to index
            %get3A_888 = arith.constant 16 : index
            %get3A_889 = tpu.vector_load %arg13[%get3A_887, %get3A_888] {strides = array<i32>} : memref<32x128xf32, #tpu.memory_space<vmem>>, vector<16xf32>,
            %get3A_890 = arith.index_cast %squeeze3A_872 : i32 to index
            %get3A_891 = arith.constant 16 : index
            %get3A_892 = tpu.vector_load %arg14[%get3A_890, %get3A_891] {strides = array<i32>} : memref<328x128xf32, #tpu.memory_space<vmem>>, vector<16xf32>,
            %max3A_893 = arith.maximumf %get3A_892, %get3A_889 : vector<16xf32>
            %swap3A_894 = arith.index_cast %squeeze3A_872 : i32 to index
            %swap3A_895 = arith.constant 16 : index
            %swap3A_896 = tpu.vector_load %arg14[%swap3A_894, %swap3A_895] {strides = array<i32>} : memref<328x128xf32, #tpu.memory_space<vmem>>, vector<16xf32>,
            tpu.vector_store %arg14[%swap3A_894, %swap3A_895], %max3A_893 {strides = array<i32>} : memref<328x128xf32, #tpu.memory_space<vmem>>, vector<16xf32>,
            %get3A_897 = arith.index_cast %add3A_876 : i32 to index
            %get3A_898 = arith.constant 32 : index
            %get3A_899 = tpu.vector_load %arg13[%get3A_897, %get3A_898] {strides = array<i32>} : memref<32x128xf32, #tpu.memory_space<vmem>>, vector<16xf32>,
            %get3A_900 = arith.index_cast %squeeze3A_872 : i32 to index
            %get3A_901 = arith.constant 32 : index
            %get3A_902 = tpu.vector_load %arg14[%get3A_900, %get3A_901] {strides = array<i32>} : memref<328x128xf32, #tpu.memory_space<vmem>>, vector<16xf32>,
            %max3A_903 = arith.maximumf %get3A_902, %get3A_899 : vector<16xf32>
            %swap3A_904 = arith.index_cast %squeeze3A_872 : i32 to index
            %swap3A_905 = arith.constant 32 : index
            %swap3A_906 = tpu.vector_load %arg14[%swap3A_904, %swap3A_905] {strides = array<i32>} : memref<328x128xf32, #tpu.memory_space<vmem>>, vector<16xf32>,
            tpu.vector_store %arg14[%swap3A_904, %swap3A_905], %max3A_903 {strides = array<i32>} : memref<328x128xf32, #tpu.memory_space<vmem>>, vector<16xf32>,
            %get3A_907 = arith.index_cast %add3A_876 : i32 to index
            %get3A_908 = arith.constant 48 : index
            %get3A_909 = tpu.vector_load %arg13[%get3A_907, %get3A_908] {strides = array<i32>} : memref<32x128xf32, #tpu.memory_space<vmem>>, vector<16xf32>,
            %get3A_910 = arith.index_cast %squeeze3A_872 : i32 to index
            %get3A_911 = arith.constant 48 : index
            %get3A_912 = tpu.vector_load %arg14[%get3A_910, %get3A_911] {strides = array<i32>} : memref<328x128xf32, #tpu.memory_space<vmem>>, vector<16xf32>,
            %max3A_913 = arith.maximumf %get3A_912, %get3A_909 : vector<16xf32>
            %swap3A_914 = arith.index_cast %squeeze3A_872 : i32 to index
            %swap3A_915 = arith.constant 48 : index
            %swap3A_916 = tpu.vector_load %arg14[%swap3A_914, %swap3A_915] {strides = array<i32>} : memref<328x128xf32, #tpu.memory_space<vmem>>, vector<16xf32>,
            tpu.vector_store %arg14[%swap3A_914, %swap3A_915], %max3A_913 {strides = array<i32>} : memref<328x128xf32, #tpu.memory_space<vmem>>, vector<16xf32>,
            %get3A_917 = arith.index_cast %add3A_876 : i32 to index
            %get3A_918 = arith.constant 64 : index
            %get3A_919 = tpu.vector_load %arg13[%get3A_917, %get3A_918] {strides = array<i32>} : memref<32x128xf32, #tpu.memory_space<vmem>>, vector<16xf32>,
            %get3A_920 = arith.index_cast %squeeze3A_872 : i32 to index
            %get3A_921 = arith.constant 64 : index
            %get3A_922 = tpu.vector_load %arg14[%get3A_920, %get3A_921] {strides = array<i32>} : memref<328x128xf32, #tpu.memory_space<vmem>>, vector<16xf32>,
            %max3A_923 = arith.maximumf %get3A_922, %get3A_919 : vector<16xf32>
            %swap3A_924 = arith.index_cast %squeeze3A_872 : i32 to index
            %swap3A_925 = arith.constant 64 : index
            %swap3A_926 = tpu.vector_load %arg14[%swap3A_924, %swap3A_925] {strides = array<i32>} : memref<328x128xf32, #tpu.memory_space<vmem>>, vector<16xf32>,
            tpu.vector_store %arg14[%swap3A_924, %swap3A_925], %max3A_923 {strides = array<i32>} : memref<328x128xf32, #tpu.memory_space<vmem>>, vector<16xf32>,
            %get3A_927 = arith.index_cast %add3A_876 : i32 to index
            %get3A_928 = arith.constant 80 : index
            %get3A_929 = tpu.vector_load %arg13[%get3A_927, %get3A_928] {strides = array<i32>} : memref<32x128xf32, #tpu.memory_space<vmem>>, vector<16xf32>,
            %get3A_930 = arith.index_cast %squeeze3A_872 : i32 to index
            %get3A_931 = arith.constant 80 : index
            %get3A_932 = tpu.vector_load %arg14[%get3A_930, %get3A_931] {strides = array<i32>} : memref<328x128xf32, #tpu.memory_space<vmem>>, vector<16xf32>,
            %max3A_933 = arith.maximumf %get3A_932, %get3A_929 : vector<16xf32>
            %swap3A_934 = arith.index_cast %squeeze3A_872 : i32 to index
            %swap3A_935 = arith.constant 80 : index
            %swap3A_936 = tpu.vector_load %arg14[%swap3A_934, %swap3A_935] {strides = array<i32>} : memref<328x128xf32, #tpu.memory_space<vmem>>, vector<16xf32>,
            tpu.vector_store %arg14[%swap3A_934, %swap3A_935], %max3A_933 {strides = array<i32>} : memref<328x128xf32, #tpu.memory_space<vmem>>, vector<16xf32>,
            %get3A_937 = arith.index_cast %add3A_876 : i32 to index
            %get3A_938 = arith.constant 96 : index
            %get3A_939 = tpu.vector_load %arg13[%get3A_937, %get3A_938] {strides = array<i32>} : memref<32x128xf32, #tpu.memory_space<vmem>>, vector<16xf32>,
            %get3A_940 = arith.index_cast %squeeze3A_872 : i32 to index
            %get3A_941 = arith.constant 96 : index
            %get3A_942 = tpu.vector_load %arg14[%get3A_940, %get3A_941] {strides = array<i32>} : memref<328x128xf32, #tpu.memory_space<vmem>>, vector<16xf32>,
            %max3A_943 = arith.maximumf %get3A_942, %get3A_939 : vector<16xf32>
            %swap3A_944 = arith.index_cast %squeeze3A_872 : i32 to index
            %swap3A_945 = arith.constant 96 : index
            %swap3A_946 = tpu.vector_load %arg14[%swap3A_944, %swap3A_945] {strides = array<i32>} : memref<328x128xf32, #tpu.memory_space<vmem>>, vector<16xf32>,
            tpu.vector_store %arg14[%swap3A_944, %swap3A_945], %max3A_943 {strides = array<i32>} : memref<328x128xf32, #tpu.memory_space<vmem>>, vector<16xf32>,
            %get3A_947 = arith.index_cast %add3A_876 : i32 to index
            %get3A_948 = arith.constant 112 : index
            %get3A_949 = tpu.vector_load %arg13[%get3A_947, %get3A_948] {strides = array<i32>} : memref<32x128xf32, #tpu.memory_space<vmem>>, vector<16xf32>,
            %get3A_950 = arith.index_cast %squeeze3A_872 : i32 to index
            %get3A_951 = arith.constant 112 : index
            %get3A_952 = tpu.vector_load %arg14[%get3A_950, %get3A_951] {strides = array<i32>} : memref<328x128xf32, #tpu.memory_space<vmem>>, vector<16xf32>,
            %max3A_953 = arith.maximumf %get3A_952, %get3A_949 : vector<16xf32>
            %swap3A_954 = arith.index_cast %squeeze3A_872 : i32 to index
            %swap3A_955 = arith.constant 112 : index
            %swap3A_956 = tpu.vector_load %arg14[%swap3A_954, %swap3A_955] {strides = array<i32>} : memref<328x128xf32, #tpu.memory_space<vmem>>, vector<16xf32>,
            tpu.vector_store %arg14[%swap3A_954, %swap3A_955], %max3A_953 {strides = array<i32>} : memref<328x128xf32, #tpu.memory_space<vmem>>, vector<16xf32>,
            %shift_right_logical3A_957 = arith.constant 4 : i32
            %shift_right_logical3A_958 = arith.shrui %squeeze3A_872, %shift_right_logical3A_957 : i32
            %and3A_959 = arith.constant 15 : i32
            %and3A_960 = arith.andi %squeeze3A_872, %and3A_959 : i32
            %eq3A_961 = vector.broadcast %and3A_960 : i32 to vector<16xi32>
            %eq3A_962 = arith.cmpi eq, %iota3A, %eq3A_961 : vector<16xi32>
            %jit3A_963 = arith.constant 1.000000e+00 : f32
            %jit3A_964 = arith.constant 0.000000e+00 : f32
            %broadcast_in_dim3A_965 = vector.broadcast %jit3A_963 : f32 to vector<16xf32>
            %broadcast_in_dim3A_966 = vector.broadcast %jit3A_964 : f32 to vector<16xf32>
            %select_n3A_967 = arith.select %eq3A_962, %broadcast_in_dim3A_965, %broadcast_in_dim3A_966 : vector<16xi1>, vector<16xf32>
            %get3A_968 = arith.index_cast %shift_right_logical3A_958 : i32 to index
            %get3A_969 = arith.constant 0 : index
            %get3A_970 = tpu.vector_load %arg15[%get3A_968, %get3A_969] {strides = array<i32>} : memref<24x16xf32, #tpu.memory_space<vmem>>, vector<16xf32>,
            %add3A_971 = arith.addf %get3A_970, %select_n3A_967 : vector<16xf32>
            %swap3A_972 = arith.index_cast %shift_right_logical3A_958 : i32 to index
            %swap3A_973 = arith.constant 0 : index
            %swap3A_974 = tpu.vector_load %arg15[%swap3A_972, %swap3A_973] {strides = array<i32>} : memref<24x16xf32, #tpu.memory_space<vmem>>, vector<16xf32>,
            tpu.vector_store %arg15[%swap3A_972, %swap3A_973], %add3A_971 {strides = array<i32>} : memref<24x16xf32, #tpu.memory_space<vmem>>, vector<16xf32>,
            %slice3A_975 = vector.extract_strided_slice %get3A_148 {offsets = [8], sizes = [1], strides = [1]} : vector<16xi32> to vector<1xi32>
            %squeeze3A_976 = vector.extract %slice3A_975[0] : i32 from vector<1xi32>
            %mul3A_977 = arith.constant 16 : i32
            %mul3A_978 = arith.muli %while3A_141, %mul3A_977 : i32
            %add3A_979 = arith.constant 8 : i32
            %add3A_980 = arith.addi %mul3A_978, %add3A_979 : i32
            %get3A_981 = arith.index_cast %add3A_980 : i32 to index
            %get3A_982 = arith.constant 0 : index
            %get3A_983 = tpu.vector_load %arg13[%get3A_981, %get3A_982] {strides = array<i32>} : memref<32x128xf32, #tpu.memory_space<vmem>>, vector<16xf32>,
            %get3A_984 = arith.index_cast %squeeze3A_976 : i32 to index
            %get3A_985 = arith.constant 0 : index
            %get3A_986 = tpu.vector_load %arg14[%get3A_984, %get3A_985] {strides = array<i32>} : memref<328x128xf32, #tpu.memory_space<vmem>>, vector<16xf32>,
            %max3A_987 = arith.maximumf %get3A_986, %get3A_983 : vector<16xf32>
            %swap3A_988 = arith.index_cast %squeeze3A_976 : i32 to index
            %swap3A_989 = arith.constant 0 : index
            %swap3A_990 = tpu.vector_load %arg14[%swap3A_988, %swap3A_989] {strides = array<i32>} : memref<328x128xf32, #tpu.memory_space<vmem>>, vector<16xf32>,
            tpu.vector_store %arg14[%swap3A_988, %swap3A_989], %max3A_987 {strides = array<i32>} : memref<328x128xf32, #tpu.memory_space<vmem>>, vector<16xf32>,
            %get3A_991 = arith.index_cast %add3A_980 : i32 to index
            %get3A_992 = arith.constant 16 : index
            %get3A_993 = tpu.vector_load %arg13[%get3A_991, %get3A_992] {strides = array<i32>} : memref<32x128xf32, #tpu.memory_space<vmem>>, vector<16xf32>,
            %get3A_994 = arith.index_cast %squeeze3A_976 : i32 to index
            %get3A_995 = arith.constant 16 : index
            %get3A_996 = tpu.vector_load %arg14[%get3A_994, %get3A_995] {strides = array<i32>} : memref<328x128xf32, #tpu.memory_space<vmem>>, vector<16xf32>,
            %max3A_997 = arith.maximumf %get3A_996, %get3A_993 : vector<16xf32>
            %swap3A_998 = arith.index_cast %squeeze3A_976 : i32 to index
            %swap3A_999 = arith.constant 16 : index
            %swap3A_1000 = tpu.vector_load %arg14[%swap3A_998, %swap3A_999] {strides = array<i32>} : memref<328x128xf32, #tpu.memory_space<vmem>>, vector<16xf32>,
            tpu.vector_store %arg14[%swap3A_998, %swap3A_999], %max3A_997 {strides = array<i32>} : memref<328x128xf32, #tpu.memory_space<vmem>>, vector<16xf32>,
            %get3A_1001 = arith.index_cast %add3A_980 : i32 to index
            %get3A_1002 = arith.constant 32 : index
            %get3A_1003 = tpu.vector_load %arg13[%get3A_1001, %get3A_1002] {strides = array<i32>} : memref<32x128xf32, #tpu.memory_space<vmem>>, vector<16xf32>,
            %get3A_1004 = arith.index_cast %squeeze3A_976 : i32 to index
            %get3A_1005 = arith.constant 32 : index
            %get3A_1006 = tpu.vector_load %arg14[%get3A_1004, %get3A_1005] {strides = array<i32>} : memref<328x128xf32, #tpu.memory_space<vmem>>, vector<16xf32>,
            %max3A_1007 = arith.maximumf %get3A_1006, %get3A_1003 : vector<16xf32>
            %swap3A_1008 = arith.index_cast %squeeze3A_976 : i32 to index
            %swap3A_1009 = arith.constant 32 : index
            %swap3A_1010 = tpu.vector_load %arg14[%swap3A_1008, %swap3A_1009] {strides = array<i32>} : memref<328x128xf32, #tpu.memory_space<vmem>>, vector<16xf32>,
            tpu.vector_store %arg14[%swap3A_1008, %swap3A_1009], %max3A_1007 {strides = array<i32>} : memref<328x128xf32, #tpu.memory_space<vmem>>, vector<16xf32>,
            %get3A_1011 = arith.index_cast %add3A_980 : i32 to index
            %get3A_1012 = arith.constant 48 : index
            %get3A_1013 = tpu.vector_load %arg13[%get3A_1011, %get3A_1012] {strides = array<i32>} : memref<32x128xf32, #tpu.memory_space<vmem>>, vector<16xf32>,
            %get3A_1014 = arith.index_cast %squeeze3A_976 : i32 to index
            %get3A_1015 = arith.constant 48 : index
            %get3A_1016 = tpu.vector_load %arg14[%get3A_1014, %get3A_1015] {strides = array<i32>} : memref<328x128xf32, #tpu.memory_space<vmem>>, vector<16xf32>,
            %max3A_1017 = arith.maximumf %get3A_1016, %get3A_1013 : vector<16xf32>
            %swap3A_1018 = arith.index_cast %squeeze3A_976 : i32 to index
            %swap3A_1019 = arith.constant 48 : index
            %swap3A_1020 = tpu.vector_load %arg14[%swap3A_1018, %swap3A_1019] {strides = array<i32>} : memref<328x128xf32, #tpu.memory_space<vmem>>, vector<16xf32>,
            tpu.vector_store %arg14[%swap3A_1018, %swap3A_1019], %max3A_1017 {strides = array<i32>} : memref<328x128xf32, #tpu.memory_space<vmem>>, vector<16xf32>,
            %get3A_1021 = arith.index_cast %add3A_980 : i32 to index
            %get3A_1022 = arith.constant 64 : index
            %get3A_1023 = tpu.vector_load %arg13[%get3A_1021, %get3A_1022] {strides = array<i32>} : memref<32x128xf32, #tpu.memory_space<vmem>>, vector<16xf32>,
            %get3A_1024 = arith.index_cast %squeeze3A_976 : i32 to index
            %get3A_1025 = arith.constant 64 : index
            %get3A_1026 = tpu.vector_load %arg14[%get3A_1024, %get3A_1025] {strides = array<i32>} : memref<328x128xf32, #tpu.memory_space<vmem>>, vector<16xf32>,
            %max3A_1027 = arith.maximumf %get3A_1026, %get3A_1023 : vector<16xf32>
            %swap3A_1028 = arith.index_cast %squeeze3A_976 : i32 to index
            %swap3A_1029 = arith.constant 64 : index
            %swap3A_1030 = tpu.vector_load %arg14[%swap3A_1028, %swap3A_1029] {strides = array<i32>} : memref<328x128xf32, #tpu.memory_space<vmem>>, vector<16xf32>,
            tpu.vector_store %arg14[%swap3A_1028, %swap3A_1029], %max3A_1027 {strides = array<i32>} : memref<328x128xf32, #tpu.memory_space<vmem>>, vector<16xf32>,
            %get3A_1031 = arith.index_cast %add3A_980 : i32 to index
            %get3A_1032 = arith.constant 80 : index
            %get3A_1033 = tpu.vector_load %arg13[%get3A_1031, %get3A_1032] {strides = array<i32>} : memref<32x128xf32, #tpu.memory_space<vmem>>, vector<16xf32>,
            %get3A_1034 = arith.index_cast %squeeze3A_976 : i32 to index
            %get3A_1035 = arith.constant 80 : index
            %get3A_1036 = tpu.vector_load %arg14[%get3A_1034, %get3A_1035] {strides = array<i32>} : memref<328x128xf32, #tpu.memory_space<vmem>>, vector<16xf32>,
            %max3A_1037 = arith.maximumf %get3A_1036, %get3A_1033 : vector<16xf32>
            %swap3A_1038 = arith.index_cast %squeeze3A_976 : i32 to index
            %swap3A_1039 = arith.constant 80 : index
            %swap3A_1040 = tpu.vector_load %arg14[%swap3A_1038, %swap3A_1039] {strides = array<i32>} : memref<328x128xf32, #tpu.memory_space<vmem>>, vector<16xf32>,
            tpu.vector_store %arg14[%swap3A_1038, %swap3A_1039], %max3A_1037 {strides = array<i32>} : memref<328x128xf32, #tpu.memory_space<vmem>>, vector<16xf32>,
            %get3A_1041 = arith.index_cast %add3A_980 : i32 to index
            %get3A_1042 = arith.constant 96 : index
            %get3A_1043 = tpu.vector_load %arg13[%get3A_1041, %get3A_1042] {strides = array<i32>} : memref<32x128xf32, #tpu.memory_space<vmem>>, vector<16xf32>,
            %get3A_1044 = arith.index_cast %squeeze3A_976 : i32 to index
            %get3A_1045 = arith.constant 96 : index
            %get3A_1046 = tpu.vector_load %arg14[%get3A_1044, %get3A_1045] {strides = array<i32>} : memref<328x128xf32, #tpu.memory_space<vmem>>, vector<16xf32>,
            %max3A_1047 = arith.maximumf %get3A_1046, %get3A_1043 : vector<16xf32>
            %swap3A_1048 = arith.index_cast %squeeze3A_976 : i32 to index
            %swap3A_1049 = arith.constant 96 : index
            %swap3A_1050 = tpu.vector_load %arg14[%swap3A_1048, %swap3A_1049] {strides = array<i32>} : memref<328x128xf32, #tpu.memory_space<vmem>>, vector<16xf32>,
            tpu.vector_store %arg14[%swap3A_1048, %swap3A_1049], %max3A_1047 {strides = array<i32>} : memref<328x128xf32, #tpu.memory_space<vmem>>, vector<16xf32>,
            %get3A_1051 = arith.index_cast %add3A_980 : i32 to index
            %get3A_1052 = arith.constant 112 : index
            %get3A_1053 = tpu.vector_load %arg13[%get3A_1051, %get3A_1052] {strides = array<i32>} : memref<32x128xf32, #tpu.memory_space<vmem>>, vector<16xf32>,
            %get3A_1054 = arith.index_cast %squeeze3A_976 : i32 to index
            %get3A_1055 = arith.constant 112 : index
            %get3A_1056 = tpu.vector_load %arg14[%get3A_1054, %get3A_1055] {strides = array<i32>} : memref<328x128xf32, #tpu.memory_space<vmem>>, vector<16xf32>,
            %max3A_1057 = arith.maximumf %get3A_1056, %get3A_1053 : vector<16xf32>
            %swap3A_1058 = arith.index_cast %squeeze3A_976 : i32 to index
            %swap3A_1059 = arith.constant 112 : index
            %swap3A_1060 = tpu.vector_load %arg14[%swap3A_1058, %swap3A_1059] {strides = array<i32>} : memref<328x128xf32, #tpu.memory_space<vmem>>, vector<16xf32>,
            tpu.vector_store %arg14[%swap3A_1058, %swap3A_1059], %max3A_1057 {strides = array<i32>} : memref<328x128xf32, #tpu.memory_space<vmem>>, vector<16xf32>,
            %shift_right_logical3A_1061 = arith.constant 4 : i32
            %shift_right_logical3A_1062 = arith.shrui %squeeze3A_976, %shift_right_logical3A_1061 : i32
            %and3A_1063 = arith.constant 15 : i32
            %and3A_1064 = arith.andi %squeeze3A_976, %and3A_1063 : i32
            %eq3A_1065 = vector.broadcast %and3A_1064 : i32 to vector<16xi32>
            %eq3A_1066 = arith.cmpi eq, %iota3A, %eq3A_1065 : vector<16xi32>
            %jit3A_1067 = arith.constant 1.000000e+00 : f32
            %jit3A_1068 = arith.constant 0.000000e+00 : f32
            %broadcast_in_dim3A_1069 = vector.broadcast %jit3A_1067 : f32 to vector<16xf32>
            %broadcast_in_dim3A_1070 = vector.broadcast %jit3A_1068 : f32 to vector<16xf32>
            %select_n3A_1071 = arith.select %eq3A_1066, %broadcast_in_dim3A_1069, %broadcast_in_dim3A_1070 : vector<16xi1>, vector<16xf32>
            %get3A_1072 = arith.index_cast %shift_right_logical3A_1062 : i32 to index
            %get3A_1073 = arith.constant 0 : index
            %get3A_1074 = tpu.vector_load %arg15[%get3A_1072, %get3A_1073] {strides = array<i32>} : memref<24x16xf32, #tpu.memory_space<vmem>>, vector<16xf32>,
            %add3A_1075 = arith.addf %get3A_1074, %select_n3A_1071 : vector<16xf32>
            %swap3A_1076 = arith.index_cast %shift_right_logical3A_1062 : i32 to index
            %swap3A_1077 = arith.constant 0 : index
            %swap3A_1078 = tpu.vector_load %arg15[%swap3A_1076, %swap3A_1077] {strides = array<i32>} : memref<24x16xf32, #tpu.memory_space<vmem>>, vector<16xf32>,
            tpu.vector_store %arg15[%swap3A_1076, %swap3A_1077], %add3A_1075 {strides = array<i32>} : memref<24x16xf32, #tpu.memory_space<vmem>>, vector<16xf32>,
            %slice3A_1079 = vector.extract_strided_slice %get3A_148 {offsets = [9], sizes = [1], strides = [1]} : vector<16xi32> to vector<1xi32>
            %squeeze3A_1080 = vector.extract %slice3A_1079[0] : i32 from vector<1xi32>
            %mul3A_1081 = arith.constant 16 : i32
            %mul3A_1082 = arith.muli %while3A_141, %mul3A_1081 : i32
            %add3A_1083 = arith.constant 9 : i32
            %add3A_1084 = arith.addi %mul3A_1082, %add3A_1083 : i32
            %get3A_1085 = arith.index_cast %add3A_1084 : i32 to index
            %get3A_1086 = arith.constant 0 : index
            %get3A_1087 = tpu.vector_load %arg13[%get3A_1085, %get3A_1086] {strides = array<i32>} : memref<32x128xf32, #tpu.memory_space<vmem>>, vector<16xf32>,
            %get3A_1088 = arith.index_cast %squeeze3A_1080 : i32 to index
            %get3A_1089 = arith.constant 0 : index
            %get3A_1090 = tpu.vector_load %arg14[%get3A_1088, %get3A_1089] {strides = array<i32>} : memref<328x128xf32, #tpu.memory_space<vmem>>, vector<16xf32>,
            %max3A_1091 = arith.maximumf %get3A_1090, %get3A_1087 : vector<16xf32>
            %swap3A_1092 = arith.index_cast %squeeze3A_1080 : i32 to index
            %swap3A_1093 = arith.constant 0 : index
            %swap3A_1094 = tpu.vector_load %arg14[%swap3A_1092, %swap3A_1093] {strides = array<i32>} : memref<328x128xf32, #tpu.memory_space<vmem>>, vector<16xf32>,
            tpu.vector_store %arg14[%swap3A_1092, %swap3A_1093], %max3A_1091 {strides = array<i32>} : memref<328x128xf32, #tpu.memory_space<vmem>>, vector<16xf32>,
            %get3A_1095 = arith.index_cast %add3A_1084 : i32 to index
            %get3A_1096 = arith.constant 16 : index
            %get3A_1097 = tpu.vector_load %arg13[%get3A_1095, %get3A_1096] {strides = array<i32>} : memref<32x128xf32, #tpu.memory_space<vmem>>, vector<16xf32>,
            %get3A_1098 = arith.index_cast %squeeze3A_1080 : i32 to index
            %get3A_1099 = arith.constant 16 : index
            %get3A_1100 = tpu.vector_load %arg14[%get3A_1098, %get3A_1099] {strides = array<i32>} : memref<328x128xf32, #tpu.memory_space<vmem>>, vector<16xf32>,
            %max3A_1101 = arith.maximumf %get3A_1100, %get3A_1097 : vector<16xf32>
            %swap3A_1102 = arith.index_cast %squeeze3A_1080 : i32 to index
            %swap3A_1103 = arith.constant 16 : index
            %swap3A_1104 = tpu.vector_load %arg14[%swap3A_1102, %swap3A_1103] {strides = array<i32>} : memref<328x128xf32, #tpu.memory_space<vmem>>, vector<16xf32>,
            tpu.vector_store %arg14[%swap3A_1102, %swap3A_1103], %max3A_1101 {strides = array<i32>} : memref<328x128xf32, #tpu.memory_space<vmem>>, vector<16xf32>,
            %get3A_1105 = arith.index_cast %add3A_1084 : i32 to index
            %get3A_1106 = arith.constant 32 : index
            %get3A_1107 = tpu.vector_load %arg13[%get3A_1105, %get3A_1106] {strides = array<i32>} : memref<32x128xf32, #tpu.memory_space<vmem>>, vector<16xf32>,
            %get3A_1108 = arith.index_cast %squeeze3A_1080 : i32 to index
            %get3A_1109 = arith.constant 32 : index
            %get3A_1110 = tpu.vector_load %arg14[%get3A_1108, %get3A_1109] {strides = array<i32>} : memref<328x128xf32, #tpu.memory_space<vmem>>, vector<16xf32>,
            %max3A_1111 = arith.maximumf %get3A_1110, %get3A_1107 : vector<16xf32>
            %swap3A_1112 = arith.index_cast %squeeze3A_1080 : i32 to index
            %swap3A_1113 = arith.constant 32 : index
            %swap3A_1114 = tpu.vector_load %arg14[%swap3A_1112, %swap3A_1113] {strides = array<i32>} : memref<328x128xf32, #tpu.memory_space<vmem>>, vector<16xf32>,
            tpu.vector_store %arg14[%swap3A_1112, %swap3A_1113], %max3A_1111 {strides = array<i32>} : memref<328x128xf32, #tpu.memory_space<vmem>>, vector<16xf32>,
            %get3A_1115 = arith.index_cast %add3A_1084 : i32 to index
            %get3A_1116 = arith.constant 48 : index
            %get3A_1117 = tpu.vector_load %arg13[%get3A_1115, %get3A_1116] {strides = array<i32>} : memref<32x128xf32, #tpu.memory_space<vmem>>, vector<16xf32>,
            %get3A_1118 = arith.index_cast %squeeze3A_1080 : i32 to index
            %get3A_1119 = arith.constant 48 : index
            %get3A_1120 = tpu.vector_load %arg14[%get3A_1118, %get3A_1119] {strides = array<i32>} : memref<328x128xf32, #tpu.memory_space<vmem>>, vector<16xf32>,
            %max3A_1121 = arith.maximumf %get3A_1120, %get3A_1117 : vector<16xf32>
            %swap3A_1122 = arith.index_cast %squeeze3A_1080 : i32 to index
            %swap3A_1123 = arith.constant 48 : index
            %swap3A_1124 = tpu.vector_load %arg14[%swap3A_1122, %swap3A_1123] {strides = array<i32>} : memref<328x128xf32, #tpu.memory_space<vmem>>, vector<16xf32>,
            tpu.vector_store %arg14[%swap3A_1122, %swap3A_1123], %max3A_1121 {strides = array<i32>} : memref<328x128xf32, #tpu.memory_space<vmem>>, vector<16xf32>,
            %get3A_1125 = arith.index_cast %add3A_1084 : i32 to index
            %get3A_1126 = arith.constant 64 : index
            %get3A_1127 = tpu.vector_load %arg13[%get3A_1125, %get3A_1126] {strides = array<i32>} : memref<32x128xf32, #tpu.memory_space<vmem>>, vector<16xf32>,
            %get3A_1128 = arith.index_cast %squeeze3A_1080 : i32 to index
            %get3A_1129 = arith.constant 64 : index
            %get3A_1130 = tpu.vector_load %arg14[%get3A_1128, %get3A_1129] {strides = array<i32>} : memref<328x128xf32, #tpu.memory_space<vmem>>, vector<16xf32>,
            %max3A_1131 = arith.maximumf %get3A_1130, %get3A_1127 : vector<16xf32>
            %swap3A_1132 = arith.index_cast %squeeze3A_1080 : i32 to index
            %swap3A_1133 = arith.constant 64 : index
            %swap3A_1134 = tpu.vector_load %arg14[%swap3A_1132, %swap3A_1133] {strides = array<i32>} : memref<328x128xf32, #tpu.memory_space<vmem>>, vector<16xf32>,
            tpu.vector_store %arg14[%swap3A_1132, %swap3A_1133], %max3A_1131 {strides = array<i32>} : memref<328x128xf32, #tpu.memory_space<vmem>>, vector<16xf32>,
            %get3A_1135 = arith.index_cast %add3A_1084 : i32 to index
            %get3A_1136 = arith.constant 80 : index
            %get3A_1137 = tpu.vector_load %arg13[%get3A_1135, %get3A_1136] {strides = array<i32>} : memref<32x128xf32, #tpu.memory_space<vmem>>, vector<16xf32>,
            %get3A_1138 = arith.index_cast %squeeze3A_1080 : i32 to index
            %get3A_1139 = arith.constant 80 : index
            %get3A_1140 = tpu.vector_load %arg14[%get3A_1138, %get3A_1139] {strides = array<i32>} : memref<328x128xf32, #tpu.memory_space<vmem>>, vector<16xf32>,
            %max3A_1141 = arith.maximumf %get3A_1140, %get3A_1137 : vector<16xf32>
            %swap3A_1142 = arith.index_cast %squeeze3A_1080 : i32 to index
            %swap3A_1143 = arith.constant 80 : index
            %swap3A_1144 = tpu.vector_load %arg14[%swap3A_1142, %swap3A_1143] {strides = array<i32>} : memref<328x128xf32, #tpu.memory_space<vmem>>, vector<16xf32>,
            tpu.vector_store %arg14[%swap3A_1142, %swap3A_1143], %max3A_1141 {strides = array<i32>} : memref<328x128xf32, #tpu.memory_space<vmem>>, vector<16xf32>,
            %get3A_1145 = arith.index_cast %add3A_1084 : i32 to index
            %get3A_1146 = arith.constant 96 : index
            %get3A_1147 = tpu.vector_load %arg13[%get3A_1145, %get3A_1146] {strides = array<i32>} : memref<32x128xf32, #tpu.memory_space<vmem>>, vector<16xf32>,
            %get3A_1148 = arith.index_cast %squeeze3A_1080 : i32 to index
            %get3A_1149 = arith.constant 96 : index
            %get3A_1150 = tpu.vector_load %arg14[%get3A_1148, %get3A_1149] {strides = array<i32>} : memref<328x128xf32, #tpu.memory_space<vmem>>, vector<16xf32>,
            %max3A_1151 = arith.maximumf %get3A_1150, %get3A_1147 : vector<16xf32>
            %swap3A_1152 = arith.index_cast %squeeze3A_1080 : i32 to index
            %swap3A_1153 = arith.constant 96 : index
            %swap3A_1154 = tpu.vector_load %arg14[%swap3A_1152, %swap3A_1153] {strides = array<i32>} : memref<328x128xf32, #tpu.memory_space<vmem>>, vector<16xf32>,
            tpu.vector_store %arg14[%swap3A_1152, %swap3A_1153], %max3A_1151 {strides = array<i32>} : memref<328x128xf32, #tpu.memory_space<vmem>>, vector<16xf32>,
            %get3A_1155 = arith.index_cast %add3A_1084 : i32 to index
            %get3A_1156 = arith.constant 112 : index
            %get3A_1157 = tpu.vector_load %arg13[%get3A_1155, %get3A_1156] {strides = array<i32>} : memref<32x128xf32, #tpu.memory_space<vmem>>, vector<16xf32>,
            %get3A_1158 = arith.index_cast %squeeze3A_1080 : i32 to index
            %get3A_1159 = arith.constant 112 : index
            %get3A_1160 = tpu.vector_load %arg14[%get3A_1158, %get3A_1159] {strides = array<i32>} : memref<328x128xf32, #tpu.memory_space<vmem>>, vector<16xf32>,
            %max3A_1161 = arith.maximumf %get3A_1160, %get3A_1157 : vector<16xf32>
            %swap3A_1162 = arith.index_cast %squeeze3A_1080 : i32 to index
            %swap3A_1163 = arith.constant 112 : index
            %swap3A_1164 = tpu.vector_load %arg14[%swap3A_1162, %swap3A_1163] {strides = array<i32>} : memref<328x128xf32, #tpu.memory_space<vmem>>, vector<16xf32>,
            tpu.vector_store %arg14[%swap3A_1162, %swap3A_1163], %max3A_1161 {strides = array<i32>} : memref<328x128xf32, #tpu.memory_space<vmem>>, vector<16xf32>,
            %shift_right_logical3A_1165 = arith.constant 4 : i32
            %shift_right_logical3A_1166 = arith.shrui %squeeze3A_1080, %shift_right_logical3A_1165 : i32
            %and3A_1167 = arith.constant 15 : i32
            %and3A_1168 = arith.andi %squeeze3A_1080, %and3A_1167 : i32
            %eq3A_1169 = vector.broadcast %and3A_1168 : i32 to vector<16xi32>
            %eq3A_1170 = arith.cmpi eq, %iota3A, %eq3A_1169 : vector<16xi32>
            %jit3A_1171 = arith.constant 1.000000e+00 : f32
            %jit3A_1172 = arith.constant 0.000000e+00 : f32
            %broadcast_in_dim3A_1173 = vector.broadcast %jit3A_1171 : f32 to vector<16xf32>
            %broadcast_in_dim3A_1174 = vector.broadcast %jit3A_1172 : f32 to vector<16xf32>
            %select_n3A_1175 = arith.select %eq3A_1170, %broadcast_in_dim3A_1173, %broadcast_in_dim3A_1174 : vector<16xi1>, vector<16xf32>
            %get3A_1176 = arith.index_cast %shift_right_logical3A_1166 : i32 to index
            %get3A_1177 = arith.constant 0 : index
            %get3A_1178 = tpu.vector_load %arg15[%get3A_1176, %get3A_1177] {strides = array<i32>} : memref<24x16xf32, #tpu.memory_space<vmem>>, vector<16xf32>,
            %add3A_1179 = arith.addf %get3A_1178, %select_n3A_1175 : vector<16xf32>
            %swap3A_1180 = arith.index_cast %shift_right_logical3A_1166 : i32 to index
            %swap3A_1181 = arith.constant 0 : index
            %swap3A_1182 = tpu.vector_load %arg15[%swap3A_1180, %swap3A_1181] {strides = array<i32>} : memref<24x16xf32, #tpu.memory_space<vmem>>, vector<16xf32>,
            tpu.vector_store %arg15[%swap3A_1180, %swap3A_1181], %add3A_1179 {strides = array<i32>} : memref<24x16xf32, #tpu.memory_space<vmem>>, vector<16xf32>,
            %slice3A_1183 = vector.extract_strided_slice %get3A_148 {offsets = [10], sizes = [1], strides = [1]} : vector<16xi32> to vector<1xi32>
            %squeeze3A_1184 = vector.extract %slice3A_1183[0] : i32 from vector<1xi32>
            %mul3A_1185 = arith.constant 16 : i32
            %mul3A_1186 = arith.muli %while3A_141, %mul3A_1185 : i32
            %add3A_1187 = arith.constant 10 : i32
            %add3A_1188 = arith.addi %mul3A_1186, %add3A_1187 : i32
            %get3A_1189 = arith.index_cast %add3A_1188 : i32 to index
            %get3A_1190 = arith.constant 0 : index
            %get3A_1191 = tpu.vector_load %arg13[%get3A_1189, %get3A_1190] {strides = array<i32>} : memref<32x128xf32, #tpu.memory_space<vmem>>, vector<16xf32>,
            %get3A_1192 = arith.index_cast %squeeze3A_1184 : i32 to index
            %get3A_1193 = arith.constant 0 : index
            %get3A_1194 = tpu.vector_load %arg14[%get3A_1192, %get3A_1193] {strides = array<i32>} : memref<328x128xf32, #tpu.memory_space<vmem>>, vector<16xf32>,
            %max3A_1195 = arith.maximumf %get3A_1194, %get3A_1191 : vector<16xf32>
            %swap3A_1196 = arith.index_cast %squeeze3A_1184 : i32 to index
            %swap3A_1197 = arith.constant 0 : index
            %swap3A_1198 = tpu.vector_load %arg14[%swap3A_1196, %swap3A_1197] {strides = array<i32>} : memref<328x128xf32, #tpu.memory_space<vmem>>, vector<16xf32>,
            tpu.vector_store %arg14[%swap3A_1196, %swap3A_1197], %max3A_1195 {strides = array<i32>} : memref<328x128xf32, #tpu.memory_space<vmem>>, vector<16xf32>,
            %get3A_1199 = arith.index_cast %add3A_1188 : i32 to index
            %get3A_1200 = arith.constant 16 : index
            %get3A_1201 = tpu.vector_load %arg13[%get3A_1199, %get3A_1200] {strides = array<i32>} : memref<32x128xf32, #tpu.memory_space<vmem>>, vector<16xf32>,
            %get3A_1202 = arith.index_cast %squeeze3A_1184 : i32 to index
            %get3A_1203 = arith.constant 16 : index
            %get3A_1204 = tpu.vector_load %arg14[%get3A_1202, %get3A_1203] {strides = array<i32>} : memref<328x128xf32, #tpu.memory_space<vmem>>, vector<16xf32>,
            %max3A_1205 = arith.maximumf %get3A_1204, %get3A_1201 : vector<16xf32>
            %swap3A_1206 = arith.index_cast %squeeze3A_1184 : i32 to index
            %swap3A_1207 = arith.constant 16 : index
            %swap3A_1208 = tpu.vector_load %arg14[%swap3A_1206, %swap3A_1207] {strides = array<i32>} : memref<328x128xf32, #tpu.memory_space<vmem>>, vector<16xf32>,
            tpu.vector_store %arg14[%swap3A_1206, %swap3A_1207], %max3A_1205 {strides = array<i32>} : memref<328x128xf32, #tpu.memory_space<vmem>>, vector<16xf32>,
            %get3A_1209 = arith.index_cast %add3A_1188 : i32 to index
            %get3A_1210 = arith.constant 32 : index
            %get3A_1211 = tpu.vector_load %arg13[%get3A_1209, %get3A_1210] {strides = array<i32>} : memref<32x128xf32, #tpu.memory_space<vmem>>, vector<16xf32>,
            %get3A_1212 = arith.index_cast %squeeze3A_1184 : i32 to index
            %get3A_1213 = arith.constant 32 : index
            %get3A_1214 = tpu.vector_load %arg14[%get3A_1212, %get3A_1213] {strides = array<i32>} : memref<328x128xf32, #tpu.memory_space<vmem>>, vector<16xf32>,
            %max3A_1215 = arith.maximumf %get3A_1214, %get3A_1211 : vector<16xf32>
            %swap3A_1216 = arith.index_cast %squeeze3A_1184 : i32 to index
            %swap3A_1217 = arith.constant 32 : index
            %swap3A_1218 = tpu.vector_load %arg14[%swap3A_1216, %swap3A_1217] {strides = array<i32>} : memref<328x128xf32, #tpu.memory_space<vmem>>, vector<16xf32>,
            tpu.vector_store %arg14[%swap3A_1216, %swap3A_1217], %max3A_1215 {strides = array<i32>} : memref<328x128xf32, #tpu.memory_space<vmem>>, vector<16xf32>,
            %get3A_1219 = arith.index_cast %add3A_1188 : i32 to index
            %get3A_1220 = arith.constant 48 : index
            %get3A_1221 = tpu.vector_load %arg13[%get3A_1219, %get3A_1220] {strides = array<i32>} : memref<32x128xf32, #tpu.memory_space<vmem>>, vector<16xf32>,
            %get3A_1222 = arith.index_cast %squeeze3A_1184 : i32 to index
            %get3A_1223 = arith.constant 48 : index
            %get3A_1224 = tpu.vector_load %arg14[%get3A_1222, %get3A_1223] {strides = array<i32>} : memref<328x128xf32, #tpu.memory_space<vmem>>, vector<16xf32>,
            %max3A_1225 = arith.maximumf %get3A_1224, %get3A_1221 : vector<16xf32>
            %swap3A_1226 = arith.index_cast %squeeze3A_1184 : i32 to index
            %swap3A_1227 = arith.constant 48 : index
            %swap3A_1228 = tpu.vector_load %arg14[%swap3A_1226, %swap3A_1227] {strides = array<i32>} : memref<328x128xf32, #tpu.memory_space<vmem>>, vector<16xf32>,
            tpu.vector_store %arg14[%swap3A_1226, %swap3A_1227], %max3A_1225 {strides = array<i32>} : memref<328x128xf32, #tpu.memory_space<vmem>>, vector<16xf32>,
            %get3A_1229 = arith.index_cast %add3A_1188 : i32 to index
            %get3A_1230 = arith.constant 64 : index
            %get3A_1231 = tpu.vector_load %arg13[%get3A_1229, %get3A_1230] {strides = array<i32>} : memref<32x128xf32, #tpu.memory_space<vmem>>, vector<16xf32>,
            %get3A_1232 = arith.index_cast %squeeze3A_1184 : i32 to index
            %get3A_1233 = arith.constant 64 : index
            %get3A_1234 = tpu.vector_load %arg14[%get3A_1232, %get3A_1233] {strides = array<i32>} : memref<328x128xf32, #tpu.memory_space<vmem>>, vector<16xf32>,
            %max3A_1235 = arith.maximumf %get3A_1234, %get3A_1231 : vector<16xf32>
            %swap3A_1236 = arith.index_cast %squeeze3A_1184 : i32 to index
            %swap3A_1237 = arith.constant 64 : index
            %swap3A_1238 = tpu.vector_load %arg14[%swap3A_1236, %swap3A_1237] {strides = array<i32>} : memref<328x128xf32, #tpu.memory_space<vmem>>, vector<16xf32>,
            tpu.vector_store %arg14[%swap3A_1236, %swap3A_1237], %max3A_1235 {strides = array<i32>} : memref<328x128xf32, #tpu.memory_space<vmem>>, vector<16xf32>,
            %get3A_1239 = arith.index_cast %add3A_1188 : i32 to index
            %get3A_1240 = arith.constant 80 : index
            %get3A_1241 = tpu.vector_load %arg13[%get3A_1239, %get3A_1240] {strides = array<i32>} : memref<32x128xf32, #tpu.memory_space<vmem>>, vector<16xf32>,
            %get3A_1242 = arith.index_cast %squeeze3A_1184 : i32 to index
            %get3A_1243 = arith.constant 80 : index
            %get3A_1244 = tpu.vector_load %arg14[%get3A_1242, %get3A_1243] {strides = array<i32>} : memref<328x128xf32, #tpu.memory_space<vmem>>, vector<16xf32>,
            %max3A_1245 = arith.maximumf %get3A_1244, %get3A_1241 : vector<16xf32>
            %swap3A_1246 = arith.index_cast %squeeze3A_1184 : i32 to index
            %swap3A_1247 = arith.constant 80 : index
            %swap3A_1248 = tpu.vector_load %arg14[%swap3A_1246, %swap3A_1247] {strides = array<i32>} : memref<328x128xf32, #tpu.memory_space<vmem>>, vector<16xf32>,
            tpu.vector_store %arg14[%swap3A_1246, %swap3A_1247], %max3A_1245 {strides = array<i32>} : memref<328x128xf32, #tpu.memory_space<vmem>>, vector<16xf32>,
            %get3A_1249 = arith.index_cast %add3A_1188 : i32 to index
            %get3A_1250 = arith.constant 96 : index
            %get3A_1251 = tpu.vector_load %arg13[%get3A_1249, %get3A_1250] {strides = array<i32>} : memref<32x128xf32, #tpu.memory_space<vmem>>, vector<16xf32>,
            %get3A_1252 = arith.index_cast %squeeze3A_1184 : i32 to index
            %get3A_1253 = arith.constant 96 : index
            %get3A_1254 = tpu.vector_load %arg14[%get3A_1252, %get3A_1253] {strides = array<i32>} : memref<328x128xf32, #tpu.memory_space<vmem>>, vector<16xf32>,
            %max3A_1255 = arith.maximumf %get3A_1254, %get3A_1251 : vector<16xf32>
            %swap3A_1256 = arith.index_cast %squeeze3A_1184 : i32 to index
            %swap3A_1257 = arith.constant 96 : index
            %swap3A_1258 = tpu.vector_load %arg14[%swap3A_1256, %swap3A_1257] {strides = array<i32>} : memref<328x128xf32, #tpu.memory_space<vmem>>, vector<16xf32>,
            tpu.vector_store %arg14[%swap3A_1256, %swap3A_1257], %max3A_1255 {strides = array<i32>} : memref<328x128xf32, #tpu.memory_space<vmem>>, vector<16xf32>,
            %get3A_1259 = arith.index_cast %add3A_1188 : i32 to index
            %get3A_1260 = arith.constant 112 : index
            %get3A_1261 = tpu.vector_load %arg13[%get3A_1259, %get3A_1260] {strides = array<i32>} : memref<32x128xf32, #tpu.memory_space<vmem>>, vector<16xf32>,
            %get3A_1262 = arith.index_cast %squeeze3A_1184 : i32 to index
            %get3A_1263 = arith.constant 112 : index
            %get3A_1264 = tpu.vector_load %arg14[%get3A_1262, %get3A_1263] {strides = array<i32>} : memref<328x128xf32, #tpu.memory_space<vmem>>, vector<16xf32>,
            %max3A_1265 = arith.maximumf %get3A_1264, %get3A_1261 : vector<16xf32>
            %swap3A_1266 = arith.index_cast %squeeze3A_1184 : i32 to index
            %swap3A_1267 = arith.constant 112 : index
            %swap3A_1268 = tpu.vector_load %arg14[%swap3A_1266, %swap3A_1267] {strides = array<i32>} : memref<328x128xf32, #tpu.memory_space<vmem>>, vector<16xf32>,
            tpu.vector_store %arg14[%swap3A_1266, %swap3A_1267], %max3A_1265 {strides = array<i32>} : memref<328x128xf32, #tpu.memory_space<vmem>>, vector<16xf32>,
            %shift_right_logical3A_1269 = arith.constant 4 : i32
            %shift_right_logical3A_1270 = arith.shrui %squeeze3A_1184, %shift_right_logical3A_1269 : i32
            %and3A_1271 = arith.constant 15 : i32
            %and3A_1272 = arith.andi %squeeze3A_1184, %and3A_1271 : i32
            %eq3A_1273 = vector.broadcast %and3A_1272 : i32 to vector<16xi32>
            %eq3A_1274 = arith.cmpi eq, %iota3A, %eq3A_1273 : vector<16xi32>
            %jit3A_1275 = arith.constant 1.000000e+00 : f32
            %jit3A_1276 = arith.constant 0.000000e+00 : f32
            %broadcast_in_dim3A_1277 = vector.broadcast %jit3A_1275 : f32 to vector<16xf32>
            %broadcast_in_dim3A_1278 = vector.broadcast %jit3A_1276 : f32 to vector<16xf32>
            %select_n3A_1279 = arith.select %eq3A_1274, %broadcast_in_dim3A_1277, %broadcast_in_dim3A_1278 : vector<16xi1>, vector<16xf32>
            %get3A_1280 = arith.index_cast %shift_right_logical3A_1270 : i32 to index
            %get3A_1281 = arith.constant 0 : index
            %get3A_1282 = tpu.vector_load %arg15[%get3A_1280, %get3A_1281] {strides = array<i32>} : memref<24x16xf32, #tpu.memory_space<vmem>>, vector<16xf32>,
            %add3A_1283 = arith.addf %get3A_1282, %select_n3A_1279 : vector<16xf32>
            %swap3A_1284 = arith.index_cast %shift_right_logical3A_1270 : i32 to index
            %swap3A_1285 = arith.constant 0 : index
            %swap3A_1286 = tpu.vector_load %arg15[%swap3A_1284, %swap3A_1285] {strides = array<i32>} : memref<24x16xf32, #tpu.memory_space<vmem>>, vector<16xf32>,
            tpu.vector_store %arg15[%swap3A_1284, %swap3A_1285], %add3A_1283 {strides = array<i32>} : memref<24x16xf32, #tpu.memory_space<vmem>>, vector<16xf32>,
            %slice3A_1287 = vector.extract_strided_slice %get3A_148 {offsets = [11], sizes = [1], strides = [1]} : vector<16xi32> to vector<1xi32>
            %squeeze3A_1288 = vector.extract %slice3A_1287[0] : i32 from vector<1xi32>
            %mul3A_1289 = arith.constant 16 : i32
            %mul3A_1290 = arith.muli %while3A_141, %mul3A_1289 : i32
            %add3A_1291 = arith.constant 11 : i32
            %add3A_1292 = arith.addi %mul3A_1290, %add3A_1291 : i32
            %get3A_1293 = arith.index_cast %add3A_1292 : i32 to index
            %get3A_1294 = arith.constant 0 : index
            %get3A_1295 = tpu.vector_load %arg13[%get3A_1293, %get3A_1294] {strides = array<i32>} : memref<32x128xf32, #tpu.memory_space<vmem>>, vector<16xf32>,
            %get3A_1296 = arith.index_cast %squeeze3A_1288 : i32 to index
            %get3A_1297 = arith.constant 0 : index
            %get3A_1298 = tpu.vector_load %arg14[%get3A_1296, %get3A_1297] {strides = array<i32>} : memref<328x128xf32, #tpu.memory_space<vmem>>, vector<16xf32>,
            %max3A_1299 = arith.maximumf %get3A_1298, %get3A_1295 : vector<16xf32>
            %swap3A_1300 = arith.index_cast %squeeze3A_1288 : i32 to index
            %swap3A_1301 = arith.constant 0 : index
            %swap3A_1302 = tpu.vector_load %arg14[%swap3A_1300, %swap3A_1301] {strides = array<i32>} : memref<328x128xf32, #tpu.memory_space<vmem>>, vector<16xf32>,
            tpu.vector_store %arg14[%swap3A_1300, %swap3A_1301], %max3A_1299 {strides = array<i32>} : memref<328x128xf32, #tpu.memory_space<vmem>>, vector<16xf32>,
            %get3A_1303 = arith.index_cast %add3A_1292 : i32 to index
            %get3A_1304 = arith.constant 16 : index
            %get3A_1305 = tpu.vector_load %arg13[%get3A_1303, %get3A_1304] {strides = array<i32>} : memref<32x128xf32, #tpu.memory_space<vmem>>, vector<16xf32>,
            %get3A_1306 = arith.index_cast %squeeze3A_1288 : i32 to index
            %get3A_1307 = arith.constant 16 : index
            %get3A_1308 = tpu.vector_load %arg14[%get3A_1306, %get3A_1307] {strides = array<i32>} : memref<328x128xf32, #tpu.memory_space<vmem>>, vector<16xf32>,
            %max3A_1309 = arith.maximumf %get3A_1308, %get3A_1305 : vector<16xf32>
            %swap3A_1310 = arith.index_cast %squeeze3A_1288 : i32 to index
            %swap3A_1311 = arith.constant 16 : index
            %swap3A_1312 = tpu.vector_load %arg14[%swap3A_1310, %swap3A_1311] {strides = array<i32>} : memref<328x128xf32, #tpu.memory_space<vmem>>, vector<16xf32>,
            tpu.vector_store %arg14[%swap3A_1310, %swap3A_1311], %max3A_1309 {strides = array<i32>} : memref<328x128xf32, #tpu.memory_space<vmem>>, vector<16xf32>,
            %get3A_1313 = arith.index_cast %add3A_1292 : i32 to index
            %get3A_1314 = arith.constant 32 : index
            %get3A_1315 = tpu.vector_load %arg13[%get3A_1313, %get3A_1314] {strides = array<i32>} : memref<32x128xf32, #tpu.memory_space<vmem>>, vector<16xf32>,
            %get3A_1316 = arith.index_cast %squeeze3A_1288 : i32 to index
            %get3A_1317 = arith.constant 32 : index
            %get3A_1318 = tpu.vector_load %arg14[%get3A_1316, %get3A_1317] {strides = array<i32>} : memref<328x128xf32, #tpu.memory_space<vmem>>, vector<16xf32>,
            %max3A_1319 = arith.maximumf %get3A_1318, %get3A_1315 : vector<16xf32>
            %swap3A_1320 = arith.index_cast %squeeze3A_1288 : i32 to index
            %swap3A_1321 = arith.constant 32 : index
            %swap3A_1322 = tpu.vector_load %arg14[%swap3A_1320, %swap3A_1321] {strides = array<i32>} : memref<328x128xf32, #tpu.memory_space<vmem>>, vector<16xf32>,
            tpu.vector_store %arg14[%swap3A_1320, %swap3A_1321], %max3A_1319 {strides = array<i32>} : memref<328x128xf32, #tpu.memory_space<vmem>>, vector<16xf32>,
            %get3A_1323 = arith.index_cast %add3A_1292 : i32 to index
            %get3A_1324 = arith.constant 48 : index
            %get3A_1325 = tpu.vector_load %arg13[%get3A_1323, %get3A_1324] {strides = array<i32>} : memref<32x128xf32, #tpu.memory_space<vmem>>, vector<16xf32>,
            %get3A_1326 = arith.index_cast %squeeze3A_1288 : i32 to index
            %get3A_1327 = arith.constant 48 : index
            %get3A_1328 = tpu.vector_load %arg14[%get3A_1326, %get3A_1327] {strides = array<i32>} : memref<328x128xf32, #tpu.memory_space<vmem>>, vector<16xf32>,
            %max3A_1329 = arith.maximumf %get3A_1328, %get3A_1325 : vector<16xf32>
            %swap3A_1330 = arith.index_cast %squeeze3A_1288 : i32 to index
            %swap3A_1331 = arith.constant 48 : index
            %swap3A_1332 = tpu.vector_load %arg14[%swap3A_1330, %swap3A_1331] {strides = array<i32>} : memref<328x128xf32, #tpu.memory_space<vmem>>, vector<16xf32>,
            tpu.vector_store %arg14[%swap3A_1330, %swap3A_1331], %max3A_1329 {strides = array<i32>} : memref<328x128xf32, #tpu.memory_space<vmem>>, vector<16xf32>,
            %get3A_1333 = arith.index_cast %add3A_1292 : i32 to index
            %get3A_1334 = arith.constant 64 : index
            %get3A_1335 = tpu.vector_load %arg13[%get3A_1333, %get3A_1334] {strides = array<i32>} : memref<32x128xf32, #tpu.memory_space<vmem>>, vector<16xf32>,
            %get3A_1336 = arith.index_cast %squeeze3A_1288 : i32 to index
            %get3A_1337 = arith.constant 64 : index
            %get3A_1338 = tpu.vector_load %arg14[%get3A_1336, %get3A_1337] {strides = array<i32>} : memref<328x128xf32, #tpu.memory_space<vmem>>, vector<16xf32>,
            %max3A_1339 = arith.maximumf %get3A_1338, %get3A_1335 : vector<16xf32>
            %swap3A_1340 = arith.index_cast %squeeze3A_1288 : i32 to index
            %swap3A_1341 = arith.constant 64 : index
            %swap3A_1342 = tpu.vector_load %arg14[%swap3A_1340, %swap3A_1341] {strides = array<i32>} : memref<328x128xf32, #tpu.memory_space<vmem>>, vector<16xf32>,
            tpu.vector_store %arg14[%swap3A_1340, %swap3A_1341], %max3A_1339 {strides = array<i32>} : memref<328x128xf32, #tpu.memory_space<vmem>>, vector<16xf32>,
            %get3A_1343 = arith.index_cast %add3A_1292 : i32 to index
            %get3A_1344 = arith.constant 80 : index
            %get3A_1345 = tpu.vector_load %arg13[%get3A_1343, %get3A_1344] {strides = array<i32>} : memref<32x128xf32, #tpu.memory_space<vmem>>, vector<16xf32>,
            %get3A_1346 = arith.index_cast %squeeze3A_1288 : i32 to index
            %get3A_1347 = arith.constant 80 : index
            %get3A_1348 = tpu.vector_load %arg14[%get3A_1346, %get3A_1347] {strides = array<i32>} : memref<328x128xf32, #tpu.memory_space<vmem>>, vector<16xf32>,
            %max3A_1349 = arith.maximumf %get3A_1348, %get3A_1345 : vector<16xf32>
            %swap3A_1350 = arith.index_cast %squeeze3A_1288 : i32 to index
            %swap3A_1351 = arith.constant 80 : index
            %swap3A_1352 = tpu.vector_load %arg14[%swap3A_1350, %swap3A_1351] {strides = array<i32>} : memref<328x128xf32, #tpu.memory_space<vmem>>, vector<16xf32>,
            tpu.vector_store %arg14[%swap3A_1350, %swap3A_1351], %max3A_1349 {strides = array<i32>} : memref<328x128xf32, #tpu.memory_space<vmem>>, vector<16xf32>,
            %get3A_1353 = arith.index_cast %add3A_1292 : i32 to index
            %get3A_1354 = arith.constant 96 : index
            %get3A_1355 = tpu.vector_load %arg13[%get3A_1353, %get3A_1354] {strides = array<i32>} : memref<32x128xf32, #tpu.memory_space<vmem>>, vector<16xf32>,
            %get3A_1356 = arith.index_cast %squeeze3A_1288 : i32 to index
            %get3A_1357 = arith.constant 96 : index
            %get3A_1358 = tpu.vector_load %arg14[%get3A_1356, %get3A_1357] {strides = array<i32>} : memref<328x128xf32, #tpu.memory_space<vmem>>, vector<16xf32>,
            %max3A_1359 = arith.maximumf %get3A_1358, %get3A_1355 : vector<16xf32>
            %swap3A_1360 = arith.index_cast %squeeze3A_1288 : i32 to index
            %swap3A_1361 = arith.constant 96 : index
            %swap3A_1362 = tpu.vector_load %arg14[%swap3A_1360, %swap3A_1361] {strides = array<i32>} : memref<328x128xf32, #tpu.memory_space<vmem>>, vector<16xf32>,
            tpu.vector_store %arg14[%swap3A_1360, %swap3A_1361], %max3A_1359 {strides = array<i32>} : memref<328x128xf32, #tpu.memory_space<vmem>>, vector<16xf32>,
            %get3A_1363 = arith.index_cast %add3A_1292 : i32 to index
            %get3A_1364 = arith.constant 112 : index
            %get3A_1365 = tpu.vector_load %arg13[%get3A_1363, %get3A_1364] {strides = array<i32>} : memref<32x128xf32, #tpu.memory_space<vmem>>, vector<16xf32>,
            %get3A_1366 = arith.index_cast %squeeze3A_1288 : i32 to index
            %get3A_1367 = arith.constant 112 : index
            %get3A_1368 = tpu.vector_load %arg14[%get3A_1366, %get3A_1367] {strides = array<i32>} : memref<328x128xf32, #tpu.memory_space<vmem>>, vector<16xf32>,
            %max3A_1369 = arith.maximumf %get3A_1368, %get3A_1365 : vector<16xf32>
            %swap3A_1370 = arith.index_cast %squeeze3A_1288 : i32 to index
            %swap3A_1371 = arith.constant 112 : index
            %swap3A_1372 = tpu.vector_load %arg14[%swap3A_1370, %swap3A_1371] {strides = array<i32>} : memref<328x128xf32, #tpu.memory_space<vmem>>, vector<16xf32>,
            tpu.vector_store %arg14[%swap3A_1370, %swap3A_1371], %max3A_1369 {strides = array<i32>} : memref<328x128xf32, #tpu.memory_space<vmem>>, vector<16xf32>,
            %shift_right_logical3A_1373 = arith.constant 4 : i32
            %shift_right_logical3A_1374 = arith.shrui %squeeze3A_1288, %shift_right_logical3A_1373 : i32
            %and3A_1375 = arith.constant 15 : i32
            %and3A_1376 = arith.andi %squeeze3A_1288, %and3A_1375 : i32
            %eq3A_1377 = vector.broadcast %and3A_1376 : i32 to vector<16xi32>
            %eq3A_1378 = arith.cmpi eq, %iota3A, %eq3A_1377 : vector<16xi32>
            %jit3A_1379 = arith.constant 1.000000e+00 : f32
            %jit3A_1380 = arith.constant 0.000000e+00 : f32
            %broadcast_in_dim3A_1381 = vector.broadcast %jit3A_1379 : f32 to vector<16xf32>
            %broadcast_in_dim3A_1382 = vector.broadcast %jit3A_1380 : f32 to vector<16xf32>
            %select_n3A_1383 = arith.select %eq3A_1378, %broadcast_in_dim3A_1381, %broadcast_in_dim3A_1382 : vector<16xi1>, vector<16xf32>
            %get3A_1384 = arith.index_cast %shift_right_logical3A_1374 : i32 to index
            %get3A_1385 = arith.constant 0 : index
            %get3A_1386 = tpu.vector_load %arg15[%get3A_1384, %get3A_1385] {strides = array<i32>} : memref<24x16xf32, #tpu.memory_space<vmem>>, vector<16xf32>,
            %add3A_1387 = arith.addf %get3A_1386, %select_n3A_1383 : vector<16xf32>
            %swap3A_1388 = arith.index_cast %shift_right_logical3A_1374 : i32 to index
            %swap3A_1389 = arith.constant 0 : index
            %swap3A_1390 = tpu.vector_load %arg15[%swap3A_1388, %swap3A_1389] {strides = array<i32>} : memref<24x16xf32, #tpu.memory_space<vmem>>, vector<16xf32>,
            tpu.vector_store %arg15[%swap3A_1388, %swap3A_1389], %add3A_1387 {strides = array<i32>} : memref<24x16xf32, #tpu.memory_space<vmem>>, vector<16xf32>,
            %slice3A_1391 = vector.extract_strided_slice %get3A_148 {offsets = [12], sizes = [1], strides = [1]} : vector<16xi32> to vector<1xi32>
            %squeeze3A_1392 = vector.extract %slice3A_1391[0] : i32 from vector<1xi32>
            %mul3A_1393 = arith.constant 16 : i32
            %mul3A_1394 = arith.muli %while3A_141, %mul3A_1393 : i32
            %add3A_1395 = arith.constant 12 : i32
            %add3A_1396 = arith.addi %mul3A_1394, %add3A_1395 : i32
            %get3A_1397 = arith.index_cast %add3A_1396 : i32 to index
            %get3A_1398 = arith.constant 0 : index
            %get3A_1399 = tpu.vector_load %arg13[%get3A_1397, %get3A_1398] {strides = array<i32>} : memref<32x128xf32, #tpu.memory_space<vmem>>, vector<16xf32>,
            %get3A_1400 = arith.index_cast %squeeze3A_1392 : i32 to index
            %get3A_1401 = arith.constant 0 : index
            %get3A_1402 = tpu.vector_load %arg14[%get3A_1400, %get3A_1401] {strides = array<i32>} : memref<328x128xf32, #tpu.memory_space<vmem>>, vector<16xf32>,
            %max3A_1403 = arith.maximumf %get3A_1402, %get3A_1399 : vector<16xf32>
            %swap3A_1404 = arith.index_cast %squeeze3A_1392 : i32 to index
            %swap3A_1405 = arith.constant 0 : index
            %swap3A_1406 = tpu.vector_load %arg14[%swap3A_1404, %swap3A_1405] {strides = array<i32>} : memref<328x128xf32, #tpu.memory_space<vmem>>, vector<16xf32>,
            tpu.vector_store %arg14[%swap3A_1404, %swap3A_1405], %max3A_1403 {strides = array<i32>} : memref<328x128xf32, #tpu.memory_space<vmem>>, vector<16xf32>,
            %get3A_1407 = arith.index_cast %add3A_1396 : i32 to index
            %get3A_1408 = arith.constant 16 : index
            %get3A_1409 = tpu.vector_load %arg13[%get3A_1407, %get3A_1408] {strides = array<i32>} : memref<32x128xf32, #tpu.memory_space<vmem>>, vector<16xf32>,
            %get3A_1410 = arith.index_cast %squeeze3A_1392 : i32 to index
            %get3A_1411 = arith.constant 16 : index
            %get3A_1412 = tpu.vector_load %arg14[%get3A_1410, %get3A_1411] {strides = array<i32>} : memref<328x128xf32, #tpu.memory_space<vmem>>, vector<16xf32>,
            %max3A_1413 = arith.maximumf %get3A_1412, %get3A_1409 : vector<16xf32>
            %swap3A_1414 = arith.index_cast %squeeze3A_1392 : i32 to index
            %swap3A_1415 = arith.constant 16 : index
            %swap3A_1416 = tpu.vector_load %arg14[%swap3A_1414, %swap3A_1415] {strides = array<i32>} : memref<328x128xf32, #tpu.memory_space<vmem>>, vector<16xf32>,
            tpu.vector_store %arg14[%swap3A_1414, %swap3A_1415], %max3A_1413 {strides = array<i32>} : memref<328x128xf32, #tpu.memory_space<vmem>>, vector<16xf32>,
            %get3A_1417 = arith.index_cast %add3A_1396 : i32 to index
            %get3A_1418 = arith.constant 32 : index
            %get3A_1419 = tpu.vector_load %arg13[%get3A_1417, %get3A_1418] {strides = array<i32>} : memref<32x128xf32, #tpu.memory_space<vmem>>, vector<16xf32>,
            %get3A_1420 = arith.index_cast %squeeze3A_1392 : i32 to index
            %get3A_1421 = arith.constant 32 : index
            %get3A_1422 = tpu.vector_load %arg14[%get3A_1420, %get3A_1421] {strides = array<i32>} : memref<328x128xf32, #tpu.memory_space<vmem>>, vector<16xf32>,
            %max3A_1423 = arith.maximumf %get3A_1422, %get3A_1419 : vector<16xf32>
            %swap3A_1424 = arith.index_cast %squeeze3A_1392 : i32 to index
            %swap3A_1425 = arith.constant 32 : index
            %swap3A_1426 = tpu.vector_load %arg14[%swap3A_1424, %swap3A_1425] {strides = array<i32>} : memref<328x128xf32, #tpu.memory_space<vmem>>, vector<16xf32>,
            tpu.vector_store %arg14[%swap3A_1424, %swap3A_1425], %max3A_1423 {strides = array<i32>} : memref<328x128xf32, #tpu.memory_space<vmem>>, vector<16xf32>,
            %get3A_1427 = arith.index_cast %add3A_1396 : i32 to index
            %get3A_1428 = arith.constant 48 : index
            %get3A_1429 = tpu.vector_load %arg13[%get3A_1427, %get3A_1428] {strides = array<i32>} : memref<32x128xf32, #tpu.memory_space<vmem>>, vector<16xf32>,
            %get3A_1430 = arith.index_cast %squeeze3A_1392 : i32 to index
            %get3A_1431 = arith.constant 48 : index
            %get3A_1432 = tpu.vector_load %arg14[%get3A_1430, %get3A_1431] {strides = array<i32>} : memref<328x128xf32, #tpu.memory_space<vmem>>, vector<16xf32>,
            %max3A_1433 = arith.maximumf %get3A_1432, %get3A_1429 : vector<16xf32>
            %swap3A_1434 = arith.index_cast %squeeze3A_1392 : i32 to index
            %swap3A_1435 = arith.constant 48 : index
            %swap3A_1436 = tpu.vector_load %arg14[%swap3A_1434, %swap3A_1435] {strides = array<i32>} : memref<328x128xf32, #tpu.memory_space<vmem>>, vector<16xf32>,
            tpu.vector_store %arg14[%swap3A_1434, %swap3A_1435], %max3A_1433 {strides = array<i32>} : memref<328x128xf32, #tpu.memory_space<vmem>>, vector<16xf32>,
            %get3A_1437 = arith.index_cast %add3A_1396 : i32 to index
            %get3A_1438 = arith.constant 64 : index
            %get3A_1439 = tpu.vector_load %arg13[%get3A_1437, %get3A_1438] {strides = array<i32>} : memref<32x128xf32, #tpu.memory_space<vmem>>, vector<16xf32>,
            %get3A_1440 = arith.index_cast %squeeze3A_1392 : i32 to index
            %get3A_1441 = arith.constant 64 : index
            %get3A_1442 = tpu.vector_load %arg14[%get3A_1440, %get3A_1441] {strides = array<i32>} : memref<328x128xf32, #tpu.memory_space<vmem>>, vector<16xf32>,
            %max3A_1443 = arith.maximumf %get3A_1442, %get3A_1439 : vector<16xf32>
            %swap3A_1444 = arith.index_cast %squeeze3A_1392 : i32 to index
            %swap3A_1445 = arith.constant 64 : index
            %swap3A_1446 = tpu.vector_load %arg14[%swap3A_1444, %swap3A_1445] {strides = array<i32>} : memref<328x128xf32, #tpu.memory_space<vmem>>, vector<16xf32>,
            tpu.vector_store %arg14[%swap3A_1444, %swap3A_1445], %max3A_1443 {strides = array<i32>} : memref<328x128xf32, #tpu.memory_space<vmem>>, vector<16xf32>,
            %get3A_1447 = arith.index_cast %add3A_1396 : i32 to index
            %get3A_1448 = arith.constant 80 : index
            %get3A_1449 = tpu.vector_load %arg13[%get3A_1447, %get3A_1448] {strides = array<i32>} : memref<32x128xf32, #tpu.memory_space<vmem>>, vector<16xf32>,
            %get3A_1450 = arith.index_cast %squeeze3A_1392 : i32 to index
            %get3A_1451 = arith.constant 80 : index
            %get3A_1452 = tpu.vector_load %arg14[%get3A_1450, %get3A_1451] {strides = array<i32>} : memref<328x128xf32, #tpu.memory_space<vmem>>, vector<16xf32>,
            %max3A_1453 = arith.maximumf %get3A_1452, %get3A_1449 : vector<16xf32>
            %swap3A_1454 = arith.index_cast %squeeze3A_1392 : i32 to index
            %swap3A_1455 = arith.constant 80 : index
            %swap3A_1456 = tpu.vector_load %arg14[%swap3A_1454, %swap3A_1455] {strides = array<i32>} : memref<328x128xf32, #tpu.memory_space<vmem>>, vector<16xf32>,
            tpu.vector_store %arg14[%swap3A_1454, %swap3A_1455], %max3A_1453 {strides = array<i32>} : memref<328x128xf32, #tpu.memory_space<vmem>>, vector<16xf32>,
            %get3A_1457 = arith.index_cast %add3A_1396 : i32 to index
            %get3A_1458 = arith.constant 96 : index
            %get3A_1459 = tpu.vector_load %arg13[%get3A_1457, %get3A_1458] {strides = array<i32>} : memref<32x128xf32, #tpu.memory_space<vmem>>, vector<16xf32>,
            %get3A_1460 = arith.index_cast %squeeze3A_1392 : i32 to index
            %get3A_1461 = arith.constant 96 : index
            %get3A_1462 = tpu.vector_load %arg14[%get3A_1460, %get3A_1461] {strides = array<i32>} : memref<328x128xf32, #tpu.memory_space<vmem>>, vector<16xf32>,
            %max3A_1463 = arith.maximumf %get3A_1462, %get3A_1459 : vector<16xf32>
            %swap3A_1464 = arith.index_cast %squeeze3A_1392 : i32 to index
            %swap3A_1465 = arith.constant 96 : index
            %swap3A_1466 = tpu.vector_load %arg14[%swap3A_1464, %swap3A_1465] {strides = array<i32>} : memref<328x128xf32, #tpu.memory_space<vmem>>, vector<16xf32>,
            tpu.vector_store %arg14[%swap3A_1464, %swap3A_1465], %max3A_1463 {strides = array<i32>} : memref<328x128xf32, #tpu.memory_space<vmem>>, vector<16xf32>,
            %get3A_1467 = arith.index_cast %add3A_1396 : i32 to index
            %get3A_1468 = arith.constant 112 : index
            %get3A_1469 = tpu.vector_load %arg13[%get3A_1467, %get3A_1468] {strides = array<i32>} : memref<32x128xf32, #tpu.memory_space<vmem>>, vector<16xf32>,
            %get3A_1470 = arith.index_cast %squeeze3A_1392 : i32 to index
            %get3A_1471 = arith.constant 112 : index
            %get3A_1472 = tpu.vector_load %arg14[%get3A_1470, %get3A_1471] {strides = array<i32>} : memref<328x128xf32, #tpu.memory_space<vmem>>, vector<16xf32>,
            %max3A_1473 = arith.maximumf %get3A_1472, %get3A_1469 : vector<16xf32>
            %swap3A_1474 = arith.index_cast %squeeze3A_1392 : i32 to index
            %swap3A_1475 = arith.constant 112 : index
            %swap3A_1476 = tpu.vector_load %arg14[%swap3A_1474, %swap3A_1475] {strides = array<i32>} : memref<328x128xf32, #tpu.memory_space<vmem>>, vector<16xf32>,
            tpu.vector_store %arg14[%swap3A_1474, %swap3A_1475], %max3A_1473 {strides = array<i32>} : memref<328x128xf32, #tpu.memory_space<vmem>>, vector<16xf32>,
            %shift_right_logical3A_1477 = arith.constant 4 : i32
            %shift_right_logical3A_1478 = arith.shrui %squeeze3A_1392, %shift_right_logical3A_1477 : i32
            %and3A_1479 = arith.constant 15 : i32
            %and3A_1480 = arith.andi %squeeze3A_1392, %and3A_1479 : i32
            %eq3A_1481 = vector.broadcast %and3A_1480 : i32 to vector<16xi32>
            %eq3A_1482 = arith.cmpi eq, %iota3A, %eq3A_1481 : vector<16xi32>
            %jit3A_1483 = arith.constant 1.000000e+00 : f32
            %jit3A_1484 = arith.constant 0.000000e+00 : f32
            %broadcast_in_dim3A_1485 = vector.broadcast %jit3A_1483 : f32 to vector<16xf32>
            %broadcast_in_dim3A_1486 = vector.broadcast %jit3A_1484 : f32 to vector<16xf32>
            %select_n3A_1487 = arith.select %eq3A_1482, %broadcast_in_dim3A_1485, %broadcast_in_dim3A_1486 : vector<16xi1>, vector<16xf32>
            %get3A_1488 = arith.index_cast %shift_right_logical3A_1478 : i32 to index
            %get3A_1489 = arith.constant 0 : index
            %get3A_1490 = tpu.vector_load %arg15[%get3A_1488, %get3A_1489] {strides = array<i32>} : memref<24x16xf32, #tpu.memory_space<vmem>>, vector<16xf32>,
            %add3A_1491 = arith.addf %get3A_1490, %select_n3A_1487 : vector<16xf32>
            %swap3A_1492 = arith.index_cast %shift_right_logical3A_1478 : i32 to index
            %swap3A_1493 = arith.constant 0 : index
            %swap3A_1494 = tpu.vector_load %arg15[%swap3A_1492, %swap3A_1493] {strides = array<i32>} : memref<24x16xf32, #tpu.memory_space<vmem>>, vector<16xf32>,
            tpu.vector_store %arg15[%swap3A_1492, %swap3A_1493], %add3A_1491 {strides = array<i32>} : memref<24x16xf32, #tpu.memory_space<vmem>>, vector<16xf32>,
            %slice3A_1495 = vector.extract_strided_slice %get3A_148 {offsets = [13], sizes = [1], strides = [1]} : vector<16xi32> to vector<1xi32>
            %squeeze3A_1496 = vector.extract %slice3A_1495[0] : i32 from vector<1xi32>
            %mul3A_1497 = arith.constant 16 : i32
            %mul3A_1498 = arith.muli %while3A_141, %mul3A_1497 : i32
            %add3A_1499 = arith.constant 13 : i32
            %add3A_1500 = arith.addi %mul3A_1498, %add3A_1499 : i32
            %get3A_1501 = arith.index_cast %add3A_1500 : i32 to index
            %get3A_1502 = arith.constant 0 : index
            %get3A_1503 = tpu.vector_load %arg13[%get3A_1501, %get3A_1502] {strides = array<i32>} : memref<32x128xf32, #tpu.memory_space<vmem>>, vector<16xf32>,
            %get3A_1504 = arith.index_cast %squeeze3A_1496 : i32 to index
            %get3A_1505 = arith.constant 0 : index
            %get3A_1506 = tpu.vector_load %arg14[%get3A_1504, %get3A_1505] {strides = array<i32>} : memref<328x128xf32, #tpu.memory_space<vmem>>, vector<16xf32>,
            %max3A_1507 = arith.maximumf %get3A_1506, %get3A_1503 : vector<16xf32>
            %swap3A_1508 = arith.index_cast %squeeze3A_1496 : i32 to index
            %swap3A_1509 = arith.constant 0 : index
            %swap3A_1510 = tpu.vector_load %arg14[%swap3A_1508, %swap3A_1509] {strides = array<i32>} : memref<328x128xf32, #tpu.memory_space<vmem>>, vector<16xf32>,
            tpu.vector_store %arg14[%swap3A_1508, %swap3A_1509], %max3A_1507 {strides = array<i32>} : memref<328x128xf32, #tpu.memory_space<vmem>>, vector<16xf32>,
            %get3A_1511 = arith.index_cast %add3A_1500 : i32 to index
            %get3A_1512 = arith.constant 16 : index
            %get3A_1513 = tpu.vector_load %arg13[%get3A_1511, %get3A_1512] {strides = array<i32>} : memref<32x128xf32, #tpu.memory_space<vmem>>, vector<16xf32>,
            %get3A_1514 = arith.index_cast %squeeze3A_1496 : i32 to index
            %get3A_1515 = arith.constant 16 : index
            %get3A_1516 = tpu.vector_load %arg14[%get3A_1514, %get3A_1515] {strides = array<i32>} : memref<328x128xf32, #tpu.memory_space<vmem>>, vector<16xf32>,
            %max3A_1517 = arith.maximumf %get3A_1516, %get3A_1513 : vector<16xf32>
            %swap3A_1518 = arith.index_cast %squeeze3A_1496 : i32 to index
            %swap3A_1519 = arith.constant 16 : index
            %swap3A_1520 = tpu.vector_load %arg14[%swap3A_1518, %swap3A_1519] {strides = array<i32>} : memref<328x128xf32, #tpu.memory_space<vmem>>, vector<16xf32>,
            tpu.vector_store %arg14[%swap3A_1518, %swap3A_1519], %max3A_1517 {strides = array<i32>} : memref<328x128xf32, #tpu.memory_space<vmem>>, vector<16xf32>,
            %get3A_1521 = arith.index_cast %add3A_1500 : i32 to index
            %get3A_1522 = arith.constant 32 : index
            %get3A_1523 = tpu.vector_load %arg13[%get3A_1521, %get3A_1522] {strides = array<i32>} : memref<32x128xf32, #tpu.memory_space<vmem>>, vector<16xf32>,
            %get3A_1524 = arith.index_cast %squeeze3A_1496 : i32 to index
            %get3A_1525 = arith.constant 32 : index
            %get3A_1526 = tpu.vector_load %arg14[%get3A_1524, %get3A_1525] {strides = array<i32>} : memref<328x128xf32, #tpu.memory_space<vmem>>, vector<16xf32>,
            %max3A_1527 = arith.maximumf %get3A_1526, %get3A_1523 : vector<16xf32>
            %swap3A_1528 = arith.index_cast %squeeze3A_1496 : i32 to index
            %swap3A_1529 = arith.constant 32 : index
            %swap3A_1530 = tpu.vector_load %arg14[%swap3A_1528, %swap3A_1529] {strides = array<i32>} : memref<328x128xf32, #tpu.memory_space<vmem>>, vector<16xf32>,
            tpu.vector_store %arg14[%swap3A_1528, %swap3A_1529], %max3A_1527 {strides = array<i32>} : memref<328x128xf32, #tpu.memory_space<vmem>>, vector<16xf32>,
            %get3A_1531 = arith.index_cast %add3A_1500 : i32 to index
            %get3A_1532 = arith.constant 48 : index
            %get3A_1533 = tpu.vector_load %arg13[%get3A_1531, %get3A_1532] {strides = array<i32>} : memref<32x128xf32, #tpu.memory_space<vmem>>, vector<16xf32>,
            %get3A_1534 = arith.index_cast %squeeze3A_1496 : i32 to index
            %get3A_1535 = arith.constant 48 : index
            %get3A_1536 = tpu.vector_load %arg14[%get3A_1534, %get3A_1535] {strides = array<i32>} : memref<328x128xf32, #tpu.memory_space<vmem>>, vector<16xf32>,
            %max3A_1537 = arith.maximumf %get3A_1536, %get3A_1533 : vector<16xf32>
            %swap3A_1538 = arith.index_cast %squeeze3A_1496 : i32 to index
            %swap3A_1539 = arith.constant 48 : index
            %swap3A_1540 = tpu.vector_load %arg14[%swap3A_1538, %swap3A_1539] {strides = array<i32>} : memref<328x128xf32, #tpu.memory_space<vmem>>, vector<16xf32>,
            tpu.vector_store %arg14[%swap3A_1538, %swap3A_1539], %max3A_1537 {strides = array<i32>} : memref<328x128xf32, #tpu.memory_space<vmem>>, vector<16xf32>,
            %get3A_1541 = arith.index_cast %add3A_1500 : i32 to index
            %get3A_1542 = arith.constant 64 : index
            %get3A_1543 = tpu.vector_load %arg13[%get3A_1541, %get3A_1542] {strides = array<i32>} : memref<32x128xf32, #tpu.memory_space<vmem>>, vector<16xf32>,
            %get3A_1544 = arith.index_cast %squeeze3A_1496 : i32 to index
            %get3A_1545 = arith.constant 64 : index
            %get3A_1546 = tpu.vector_load %arg14[%get3A_1544, %get3A_1545] {strides = array<i32>} : memref<328x128xf32, #tpu.memory_space<vmem>>, vector<16xf32>,
            %max3A_1547 = arith.maximumf %get3A_1546, %get3A_1543 : vector<16xf32>
            %swap3A_1548 = arith.index_cast %squeeze3A_1496 : i32 to index
            %swap3A_1549 = arith.constant 64 : index
            %swap3A_1550 = tpu.vector_load %arg14[%swap3A_1548, %swap3A_1549] {strides = array<i32>} : memref<328x128xf32, #tpu.memory_space<vmem>>, vector<16xf32>,
            tpu.vector_store %arg14[%swap3A_1548, %swap3A_1549], %max3A_1547 {strides = array<i32>} : memref<328x128xf32, #tpu.memory_space<vmem>>, vector<16xf32>,
            %get3A_1551 = arith.index_cast %add3A_1500 : i32 to index
            %get3A_1552 = arith.constant 80 : index
            %get3A_1553 = tpu.vector_load %arg13[%get3A_1551, %get3A_1552] {strides = array<i32>} : memref<32x128xf32, #tpu.memory_space<vmem>>, vector<16xf32>,
            %get3A_1554 = arith.index_cast %squeeze3A_1496 : i32 to index
            %get3A_1555 = arith.constant 80 : index
            %get3A_1556 = tpu.vector_load %arg14[%get3A_1554, %get3A_1555] {strides = array<i32>} : memref<328x128xf32, #tpu.memory_space<vmem>>, vector<16xf32>,
            %max3A_1557 = arith.maximumf %get3A_1556, %get3A_1553 : vector<16xf32>
            %swap3A_1558 = arith.index_cast %squeeze3A_1496 : i32 to index
            %swap3A_1559 = arith.constant 80 : index
            %swap3A_1560 = tpu.vector_load %arg14[%swap3A_1558, %swap3A_1559] {strides = array<i32>} : memref<328x128xf32, #tpu.memory_space<vmem>>, vector<16xf32>,
            tpu.vector_store %arg14[%swap3A_1558, %swap3A_1559], %max3A_1557 {strides = array<i32>} : memref<328x128xf32, #tpu.memory_space<vmem>>, vector<16xf32>,
            %get3A_1561 = arith.index_cast %add3A_1500 : i32 to index
            %get3A_1562 = arith.constant 96 : index
            %get3A_1563 = tpu.vector_load %arg13[%get3A_1561, %get3A_1562] {strides = array<i32>} : memref<32x128xf32, #tpu.memory_space<vmem>>, vector<16xf32>,
            %get3A_1564 = arith.index_cast %squeeze3A_1496 : i32 to index
            %get3A_1565 = arith.constant 96 : index
            %get3A_1566 = tpu.vector_load %arg14[%get3A_1564, %get3A_1565] {strides = array<i32>} : memref<328x128xf32, #tpu.memory_space<vmem>>, vector<16xf32>,
            %max3A_1567 = arith.maximumf %get3A_1566, %get3A_1563 : vector<16xf32>
            %swap3A_1568 = arith.index_cast %squeeze3A_1496 : i32 to index
            %swap3A_1569 = arith.constant 96 : index
            %swap3A_1570 = tpu.vector_load %arg14[%swap3A_1568, %swap3A_1569] {strides = array<i32>} : memref<328x128xf32, #tpu.memory_space<vmem>>, vector<16xf32>,
            tpu.vector_store %arg14[%swap3A_1568, %swap3A_1569], %max3A_1567 {strides = array<i32>} : memref<328x128xf32, #tpu.memory_space<vmem>>, vector<16xf32>,
            %get3A_1571 = arith.index_cast %add3A_1500 : i32 to index
            %get3A_1572 = arith.constant 112 : index
            %get3A_1573 = tpu.vector_load %arg13[%get3A_1571, %get3A_1572] {strides = array<i32>} : memref<32x128xf32, #tpu.memory_space<vmem>>, vector<16xf32>,
            %get3A_1574 = arith.index_cast %squeeze3A_1496 : i32 to index
            %get3A_1575 = arith.constant 112 : index
            %get3A_1576 = tpu.vector_load %arg14[%get3A_1574, %get3A_1575] {strides = array<i32>} : memref<328x128xf32, #tpu.memory_space<vmem>>, vector<16xf32>,
            %max3A_1577 = arith.maximumf %get3A_1576, %get3A_1573 : vector<16xf32>
            %swap3A_1578 = arith.index_cast %squeeze3A_1496 : i32 to index
            %swap3A_1579 = arith.constant 112 : index
            %swap3A_1580 = tpu.vector_load %arg14[%swap3A_1578, %swap3A_1579] {strides = array<i32>} : memref<328x128xf32, #tpu.memory_space<vmem>>, vector<16xf32>,
            tpu.vector_store %arg14[%swap3A_1578, %swap3A_1579], %max3A_1577 {strides = array<i32>} : memref<328x128xf32, #tpu.memory_space<vmem>>, vector<16xf32>,
            %shift_right_logical3A_1581 = arith.constant 4 : i32
            %shift_right_logical3A_1582 = arith.shrui %squeeze3A_1496, %shift_right_logical3A_1581 : i32
            %and3A_1583 = arith.constant 15 : i32
            %and3A_1584 = arith.andi %squeeze3A_1496, %and3A_1583 : i32
            %eq3A_1585 = vector.broadcast %and3A_1584 : i32 to vector<16xi32>
            %eq3A_1586 = arith.cmpi eq, %iota3A, %eq3A_1585 : vector<16xi32>
            %jit3A_1587 = arith.constant 1.000000e+00 : f32
            %jit3A_1588 = arith.constant 0.000000e+00 : f32
            %broadcast_in_dim3A_1589 = vector.broadcast %jit3A_1587 : f32 to vector<16xf32>
            %broadcast_in_dim3A_1590 = vector.broadcast %jit3A_1588 : f32 to vector<16xf32>
            %select_n3A_1591 = arith.select %eq3A_1586, %broadcast_in_dim3A_1589, %broadcast_in_dim3A_1590 : vector<16xi1>, vector<16xf32>
            %get3A_1592 = arith.index_cast %shift_right_logical3A_1582 : i32 to index
            %get3A_1593 = arith.constant 0 : index
            %get3A_1594 = tpu.vector_load %arg15[%get3A_1592, %get3A_1593] {strides = array<i32>} : memref<24x16xf32, #tpu.memory_space<vmem>>, vector<16xf32>,
            %add3A_1595 = arith.addf %get3A_1594, %select_n3A_1591 : vector<16xf32>
            %swap3A_1596 = arith.index_cast %shift_right_logical3A_1582 : i32 to index
            %swap3A_1597 = arith.constant 0 : index
            %swap3A_1598 = tpu.vector_load %arg15[%swap3A_1596, %swap3A_1597] {strides = array<i32>} : memref<24x16xf32, #tpu.memory_space<vmem>>, vector<16xf32>,
            tpu.vector_store %arg15[%swap3A_1596, %swap3A_1597], %add3A_1595 {strides = array<i32>} : memref<24x16xf32, #tpu.memory_space<vmem>>, vector<16xf32>,
            %slice3A_1599 = vector.extract_strided_slice %get3A_148 {offsets = [14], sizes = [1], strides = [1]} : vector<16xi32> to vector<1xi32>
            %squeeze3A_1600 = vector.extract %slice3A_1599[0] : i32 from vector<1xi32>
            %mul3A_1601 = arith.constant 16 : i32
            %mul3A_1602 = arith.muli %while3A_141, %mul3A_1601 : i32
            %add3A_1603 = arith.constant 14 : i32
            %add3A_1604 = arith.addi %mul3A_1602, %add3A_1603 : i32
            %get3A_1605 = arith.index_cast %add3A_1604 : i32 to index
            %get3A_1606 = arith.constant 0 : index
            %get3A_1607 = tpu.vector_load %arg13[%get3A_1605, %get3A_1606] {strides = array<i32>} : memref<32x128xf32, #tpu.memory_space<vmem>>, vector<16xf32>,
            %get3A_1608 = arith.index_cast %squeeze3A_1600 : i32 to index
            %get3A_1609 = arith.constant 0 : index
            %get3A_1610 = tpu.vector_load %arg14[%get3A_1608, %get3A_1609] {strides = array<i32>} : memref<328x128xf32, #tpu.memory_space<vmem>>, vector<16xf32>,
            %max3A_1611 = arith.maximumf %get3A_1610, %get3A_1607 : vector<16xf32>
            %swap3A_1612 = arith.index_cast %squeeze3A_1600 : i32 to index
            %swap3A_1613 = arith.constant 0 : index
            %swap3A_1614 = tpu.vector_load %arg14[%swap3A_1612, %swap3A_1613] {strides = array<i32>} : memref<328x128xf32, #tpu.memory_space<vmem>>, vector<16xf32>,
            tpu.vector_store %arg14[%swap3A_1612, %swap3A_1613], %max3A_1611 {strides = array<i32>} : memref<328x128xf32, #tpu.memory_space<vmem>>, vector<16xf32>,
            %get3A_1615 = arith.index_cast %add3A_1604 : i32 to index
            %get3A_1616 = arith.constant 16 : index
            %get3A_1617 = tpu.vector_load %arg13[%get3A_1615, %get3A_1616] {strides = array<i32>} : memref<32x128xf32, #tpu.memory_space<vmem>>, vector<16xf32>,
            %get3A_1618 = arith.index_cast %squeeze3A_1600 : i32 to index
            %get3A_1619 = arith.constant 16 : index
            %get3A_1620 = tpu.vector_load %arg14[%get3A_1618, %get3A_1619] {strides = array<i32>} : memref<328x128xf32, #tpu.memory_space<vmem>>, vector<16xf32>,
            %max3A_1621 = arith.maximumf %get3A_1620, %get3A_1617 : vector<16xf32>
            %swap3A_1622 = arith.index_cast %squeeze3A_1600 : i32 to index
            %swap3A_1623 = arith.constant 16 : index
            %swap3A_1624 = tpu.vector_load %arg14[%swap3A_1622, %swap3A_1623] {strides = array<i32>} : memref<328x128xf32, #tpu.memory_space<vmem>>, vector<16xf32>,
            tpu.vector_store %arg14[%swap3A_1622, %swap3A_1623], %max3A_1621 {strides = array<i32>} : memref<328x128xf32, #tpu.memory_space<vmem>>, vector<16xf32>,
            %get3A_1625 = arith.index_cast %add3A_1604 : i32 to index
            %get3A_1626 = arith.constant 32 : index
            %get3A_1627 = tpu.vector_load %arg13[%get3A_1625, %get3A_1626] {strides = array<i32>} : memref<32x128xf32, #tpu.memory_space<vmem>>, vector<16xf32>,
            %get3A_1628 = arith.index_cast %squeeze3A_1600 : i32 to index
            %get3A_1629 = arith.constant 32 : index
            %get3A_1630 = tpu.vector_load %arg14[%get3A_1628, %get3A_1629] {strides = array<i32>} : memref<328x128xf32, #tpu.memory_space<vmem>>, vector<16xf32>,
            %max3A_1631 = arith.maximumf %get3A_1630, %get3A_1627 : vector<16xf32>
            %swap3A_1632 = arith.index_cast %squeeze3A_1600 : i32 to index
            %swap3A_1633 = arith.constant 32 : index
            %swap3A_1634 = tpu.vector_load %arg14[%swap3A_1632, %swap3A_1633] {strides = array<i32>} : memref<328x128xf32, #tpu.memory_space<vmem>>, vector<16xf32>,
            tpu.vector_store %arg14[%swap3A_1632, %swap3A_1633], %max3A_1631 {strides = array<i32>} : memref<328x128xf32, #tpu.memory_space<vmem>>, vector<16xf32>,
            %get3A_1635 = arith.index_cast %add3A_1604 : i32 to index
            %get3A_1636 = arith.constant 48 : index
            %get3A_1637 = tpu.vector_load %arg13[%get3A_1635, %get3A_1636] {strides = array<i32>} : memref<32x128xf32, #tpu.memory_space<vmem>>, vector<16xf32>,
            %get3A_1638 = arith.index_cast %squeeze3A_1600 : i32 to index
            %get3A_1639 = arith.constant 48 : index
            %get3A_1640 = tpu.vector_load %arg14[%get3A_1638, %get3A_1639] {strides = array<i32>} : memref<328x128xf32, #tpu.memory_space<vmem>>, vector<16xf32>,
            %max3A_1641 = arith.maximumf %get3A_1640, %get3A_1637 : vector<16xf32>
            %swap3A_1642 = arith.index_cast %squeeze3A_1600 : i32 to index
            %swap3A_1643 = arith.constant 48 : index
            %swap3A_1644 = tpu.vector_load %arg14[%swap3A_1642, %swap3A_1643] {strides = array<i32>} : memref<328x128xf32, #tpu.memory_space<vmem>>, vector<16xf32>,
            tpu.vector_store %arg14[%swap3A_1642, %swap3A_1643], %max3A_1641 {strides = array<i32>} : memref<328x128xf32, #tpu.memory_space<vmem>>, vector<16xf32>,
            %get3A_1645 = arith.index_cast %add3A_1604 : i32 to index
            %get3A_1646 = arith.constant 64 : index
            %get3A_1647 = tpu.vector_load %arg13[%get3A_1645, %get3A_1646] {strides = array<i32>} : memref<32x128xf32, #tpu.memory_space<vmem>>, vector<16xf32>,
            %get3A_1648 = arith.index_cast %squeeze3A_1600 : i32 to index
            %get3A_1649 = arith.constant 64 : index
            %get3A_1650 = tpu.vector_load %arg14[%get3A_1648, %get3A_1649] {strides = array<i32>} : memref<328x128xf32, #tpu.memory_space<vmem>>, vector<16xf32>,
            %max3A_1651 = arith.maximumf %get3A_1650, %get3A_1647 : vector<16xf32>
            %swap3A_1652 = arith.index_cast %squeeze3A_1600 : i32 to index
            %swap3A_1653 = arith.constant 64 : index
            %swap3A_1654 = tpu.vector_load %arg14[%swap3A_1652, %swap3A_1653] {strides = array<i32>} : memref<328x128xf32, #tpu.memory_space<vmem>>, vector<16xf32>,
            tpu.vector_store %arg14[%swap3A_1652, %swap3A_1653], %max3A_1651 {strides = array<i32>} : memref<328x128xf32, #tpu.memory_space<vmem>>, vector<16xf32>,
            %get3A_1655 = arith.index_cast %add3A_1604 : i32 to index
            %get3A_1656 = arith.constant 80 : index
            %get3A_1657 = tpu.vector_load %arg13[%get3A_1655, %get3A_1656] {strides = array<i32>} : memref<32x128xf32, #tpu.memory_space<vmem>>, vector<16xf32>,
            %get3A_1658 = arith.index_cast %squeeze3A_1600 : i32 to index
            %get3A_1659 = arith.constant 80 : index
            %get3A_1660 = tpu.vector_load %arg14[%get3A_1658, %get3A_1659] {strides = array<i32>} : memref<328x128xf32, #tpu.memory_space<vmem>>, vector<16xf32>,
            %max3A_1661 = arith.maximumf %get3A_1660, %get3A_1657 : vector<16xf32>
            %swap3A_1662 = arith.index_cast %squeeze3A_1600 : i32 to index
            %swap3A_1663 = arith.constant 80 : index
            %swap3A_1664 = tpu.vector_load %arg14[%swap3A_1662, %swap3A_1663] {strides = array<i32>} : memref<328x128xf32, #tpu.memory_space<vmem>>, vector<16xf32>,
            tpu.vector_store %arg14[%swap3A_1662, %swap3A_1663], %max3A_1661 {strides = array<i32>} : memref<328x128xf32, #tpu.memory_space<vmem>>, vector<16xf32>,
            %get3A_1665 = arith.index_cast %add3A_1604 : i32 to index
            %get3A_1666 = arith.constant 96 : index
            %get3A_1667 = tpu.vector_load %arg13[%get3A_1665, %get3A_1666] {strides = array<i32>} : memref<32x128xf32, #tpu.memory_space<vmem>>, vector<16xf32>,
            %get3A_1668 = arith.index_cast %squeeze3A_1600 : i32 to index
            %get3A_1669 = arith.constant 96 : index
            %get3A_1670 = tpu.vector_load %arg14[%get3A_1668, %get3A_1669] {strides = array<i32>} : memref<328x128xf32, #tpu.memory_space<vmem>>, vector<16xf32>,
            %max3A_1671 = arith.maximumf %get3A_1670, %get3A_1667 : vector<16xf32>
            %swap3A_1672 = arith.index_cast %squeeze3A_1600 : i32 to index
            %swap3A_1673 = arith.constant 96 : index
            %swap3A_1674 = tpu.vector_load %arg14[%swap3A_1672, %swap3A_1673] {strides = array<i32>} : memref<328x128xf32, #tpu.memory_space<vmem>>, vector<16xf32>,
            tpu.vector_store %arg14[%swap3A_1672, %swap3A_1673], %max3A_1671 {strides = array<i32>} : memref<328x128xf32, #tpu.memory_space<vmem>>, vector<16xf32>,
            %get3A_1675 = arith.index_cast %add3A_1604 : i32 to index
            %get3A_1676 = arith.constant 112 : index
            %get3A_1677 = tpu.vector_load %arg13[%get3A_1675, %get3A_1676] {strides = array<i32>} : memref<32x128xf32, #tpu.memory_space<vmem>>, vector<16xf32>,
            %get3A_1678 = arith.index_cast %squeeze3A_1600 : i32 to index
            %get3A_1679 = arith.constant 112 : index
            %get3A_1680 = tpu.vector_load %arg14[%get3A_1678, %get3A_1679] {strides = array<i32>} : memref<328x128xf32, #tpu.memory_space<vmem>>, vector<16xf32>,
            %max3A_1681 = arith.maximumf %get3A_1680, %get3A_1677 : vector<16xf32>
            %swap3A_1682 = arith.index_cast %squeeze3A_1600 : i32 to index
            %swap3A_1683 = arith.constant 112 : index
            %swap3A_1684 = tpu.vector_load %arg14[%swap3A_1682, %swap3A_1683] {strides = array<i32>} : memref<328x128xf32, #tpu.memory_space<vmem>>, vector<16xf32>,
            tpu.vector_store %arg14[%swap3A_1682, %swap3A_1683], %max3A_1681 {strides = array<i32>} : memref<328x128xf32, #tpu.memory_space<vmem>>, vector<16xf32>,
            %shift_right_logical3A_1685 = arith.constant 4 : i32
            %shift_right_logical3A_1686 = arith.shrui %squeeze3A_1600, %shift_right_logical3A_1685 : i32
            %and3A_1687 = arith.constant 15 : i32
            %and3A_1688 = arith.andi %squeeze3A_1600, %and3A_1687 : i32
            %eq3A_1689 = vector.broadcast %and3A_1688 : i32 to vector<16xi32>
            %eq3A_1690 = arith.cmpi eq, %iota3A, %eq3A_1689 : vector<16xi32>
            %jit3A_1691 = arith.constant 1.000000e+00 : f32
            %jit3A_1692 = arith.constant 0.000000e+00 : f32
            %broadcast_in_dim3A_1693 = vector.broadcast %jit3A_1691 : f32 to vector<16xf32>
            %broadcast_in_dim3A_1694 = vector.broadcast %jit3A_1692 : f32 to vector<16xf32>
            %select_n3A_1695 = arith.select %eq3A_1690, %broadcast_in_dim3A_1693, %broadcast_in_dim3A_1694 : vector<16xi1>, vector<16xf32>
            %get3A_1696 = arith.index_cast %shift_right_logical3A_1686 : i32 to index
            %get3A_1697 = arith.constant 0 : index
            %get3A_1698 = tpu.vector_load %arg15[%get3A_1696, %get3A_1697] {strides = array<i32>} : memref<24x16xf32, #tpu.memory_space<vmem>>, vector<16xf32>,
            %add3A_1699 = arith.addf %get3A_1698, %select_n3A_1695 : vector<16xf32>
            %swap3A_1700 = arith.index_cast %shift_right_logical3A_1686 : i32 to index
            %swap3A_1701 = arith.constant 0 : index
            %swap3A_1702 = tpu.vector_load %arg15[%swap3A_1700, %swap3A_1701] {strides = array<i32>} : memref<24x16xf32, #tpu.memory_space<vmem>>, vector<16xf32>,
            tpu.vector_store %arg15[%swap3A_1700, %swap3A_1701], %add3A_1699 {strides = array<i32>} : memref<24x16xf32, #tpu.memory_space<vmem>>, vector<16xf32>,
            %slice3A_1703 = vector.extract_strided_slice %get3A_148 {offsets = [15], sizes = [1], strides = [1]} : vector<16xi32> to vector<1xi32>
            %squeeze3A_1704 = vector.extract %slice3A_1703[0] : i32 from vector<1xi32>
            %mul3A_1705 = arith.constant 16 : i32
            %mul3A_1706 = arith.muli %while3A_141, %mul3A_1705 : i32
            %add3A_1707 = arith.constant 15 : i32
            %add3A_1708 = arith.addi %mul3A_1706, %add3A_1707 : i32
            %get3A_1709 = arith.index_cast %add3A_1708 : i32 to index
            %get3A_1710 = arith.constant 0 : index
            %get3A_1711 = tpu.vector_load %arg13[%get3A_1709, %get3A_1710] {strides = array<i32>} : memref<32x128xf32, #tpu.memory_space<vmem>>, vector<16xf32>,
            %get3A_1712 = arith.index_cast %squeeze3A_1704 : i32 to index
            %get3A_1713 = arith.constant 0 : index
            %get3A_1714 = tpu.vector_load %arg14[%get3A_1712, %get3A_1713] {strides = array<i32>} : memref<328x128xf32, #tpu.memory_space<vmem>>, vector<16xf32>,
            %max3A_1715 = arith.maximumf %get3A_1714, %get3A_1711 : vector<16xf32>
            %swap3A_1716 = arith.index_cast %squeeze3A_1704 : i32 to index
            %swap3A_1717 = arith.constant 0 : index
            %swap3A_1718 = tpu.vector_load %arg14[%swap3A_1716, %swap3A_1717] {strides = array<i32>} : memref<328x128xf32, #tpu.memory_space<vmem>>, vector<16xf32>,
            tpu.vector_store %arg14[%swap3A_1716, %swap3A_1717], %max3A_1715 {strides = array<i32>} : memref<328x128xf32, #tpu.memory_space<vmem>>, vector<16xf32>,
            %get3A_1719 = arith.index_cast %add3A_1708 : i32 to index
            %get3A_1720 = arith.constant 16 : index
            %get3A_1721 = tpu.vector_load %arg13[%get3A_1719, %get3A_1720] {strides = array<i32>} : memref<32x128xf32, #tpu.memory_space<vmem>>, vector<16xf32>,
            %get3A_1722 = arith.index_cast %squeeze3A_1704 : i32 to index
            %get3A_1723 = arith.constant 16 : index
            %get3A_1724 = tpu.vector_load %arg14[%get3A_1722, %get3A_1723] {strides = array<i32>} : memref<328x128xf32, #tpu.memory_space<vmem>>, vector<16xf32>,
            %max3A_1725 = arith.maximumf %get3A_1724, %get3A_1721 : vector<16xf32>
            %swap3A_1726 = arith.index_cast %squeeze3A_1704 : i32 to index
            %swap3A_1727 = arith.constant 16 : index
            %swap3A_1728 = tpu.vector_load %arg14[%swap3A_1726, %swap3A_1727] {strides = array<i32>} : memref<328x128xf32, #tpu.memory_space<vmem>>, vector<16xf32>,
            tpu.vector_store %arg14[%swap3A_1726, %swap3A_1727], %max3A_1725 {strides = array<i32>} : memref<328x128xf32, #tpu.memory_space<vmem>>, vector<16xf32>,
            %get3A_1729 = arith.index_cast %add3A_1708 : i32 to index
            %get3A_1730 = arith.constant 32 : index
            %get3A_1731 = tpu.vector_load %arg13[%get3A_1729, %get3A_1730] {strides = array<i32>} : memref<32x128xf32, #tpu.memory_space<vmem>>, vector<16xf32>,
            %get3A_1732 = arith.index_cast %squeeze3A_1704 : i32 to index
            %get3A_1733 = arith.constant 32 : index
            %get3A_1734 = tpu.vector_load %arg14[%get3A_1732, %get3A_1733] {strides = array<i32>} : memref<328x128xf32, #tpu.memory_space<vmem>>, vector<16xf32>,
            %max3A_1735 = arith.maximumf %get3A_1734, %get3A_1731 : vector<16xf32>
            %swap3A_1736 = arith.index_cast %squeeze3A_1704 : i32 to index
            %swap3A_1737 = arith.constant 32 : index
            %swap3A_1738 = tpu.vector_load %arg14[%swap3A_1736, %swap3A_1737] {strides = array<i32>} : memref<328x128xf32, #tpu.memory_space<vmem>>, vector<16xf32>,
            tpu.vector_store %arg14[%swap3A_1736, %swap3A_1737], %max3A_1735 {strides = array<i32>} : memref<328x128xf32, #tpu.memory_space<vmem>>, vector<16xf32>,
            %get3A_1739 = arith.index_cast %add3A_1708 : i32 to index
            %get3A_1740 = arith.constant 48 : index
            %get3A_1741 = tpu.vector_load %arg13[%get3A_1739, %get3A_1740] {strides = array<i32>} : memref<32x128xf32, #tpu.memory_space<vmem>>, vector<16xf32>,
            %get3A_1742 = arith.index_cast %squeeze3A_1704 : i32 to index
            %get3A_1743 = arith.constant 48 : index
            %get3A_1744 = tpu.vector_load %arg14[%get3A_1742, %get3A_1743] {strides = array<i32>} : memref<328x128xf32, #tpu.memory_space<vmem>>, vector<16xf32>,
            %max3A_1745 = arith.maximumf %get3A_1744, %get3A_1741 : vector<16xf32>
            %swap3A_1746 = arith.index_cast %squeeze3A_1704 : i32 to index
            %swap3A_1747 = arith.constant 48 : index
            %swap3A_1748 = tpu.vector_load %arg14[%swap3A_1746, %swap3A_1747] {strides = array<i32>} : memref<328x128xf32, #tpu.memory_space<vmem>>, vector<16xf32>,
            tpu.vector_store %arg14[%swap3A_1746, %swap3A_1747], %max3A_1745 {strides = array<i32>} : memref<328x128xf32, #tpu.memory_space<vmem>>, vector<16xf32>,
            %get3A_1749 = arith.index_cast %add3A_1708 : i32 to index
            %get3A_1750 = arith.constant 64 : index
            %get3A_1751 = tpu.vector_load %arg13[%get3A_1749, %get3A_1750] {strides = array<i32>} : memref<32x128xf32, #tpu.memory_space<vmem>>, vector<16xf32>,
            %get3A_1752 = arith.index_cast %squeeze3A_1704 : i32 to index
            %get3A_1753 = arith.constant 64 : index
            %get3A_1754 = tpu.vector_load %arg14[%get3A_1752, %get3A_1753] {strides = array<i32>} : memref<328x128xf32, #tpu.memory_space<vmem>>, vector<16xf32>,
            %max3A_1755 = arith.maximumf %get3A_1754, %get3A_1751 : vector<16xf32>
            %swap3A_1756 = arith.index_cast %squeeze3A_1704 : i32 to index
            %swap3A_1757 = arith.constant 64 : index
            %swap3A_1758 = tpu.vector_load %arg14[%swap3A_1756, %swap3A_1757] {strides = array<i32>} : memref<328x128xf32, #tpu.memory_space<vmem>>, vector<16xf32>,
            tpu.vector_store %arg14[%swap3A_1756, %swap3A_1757], %max3A_1755 {strides = array<i32>} : memref<328x128xf32, #tpu.memory_space<vmem>>, vector<16xf32>,
            %get3A_1759 = arith.index_cast %add3A_1708 : i32 to index
            %get3A_1760 = arith.constant 80 : index
            %get3A_1761 = tpu.vector_load %arg13[%get3A_1759, %get3A_1760] {strides = array<i32>} : memref<32x128xf32, #tpu.memory_space<vmem>>, vector<16xf32>,
            %get3A_1762 = arith.index_cast %squeeze3A_1704 : i32 to index
            %get3A_1763 = arith.constant 80 : index
            %get3A_1764 = tpu.vector_load %arg14[%get3A_1762, %get3A_1763] {strides = array<i32>} : memref<328x128xf32, #tpu.memory_space<vmem>>, vector<16xf32>,
            %max3A_1765 = arith.maximumf %get3A_1764, %get3A_1761 : vector<16xf32>
            %swap3A_1766 = arith.index_cast %squeeze3A_1704 : i32 to index
            %swap3A_1767 = arith.constant 80 : index
            %swap3A_1768 = tpu.vector_load %arg14[%swap3A_1766, %swap3A_1767] {strides = array<i32>} : memref<328x128xf32, #tpu.memory_space<vmem>>, vector<16xf32>,
            tpu.vector_store %arg14[%swap3A_1766, %swap3A_1767], %max3A_1765 {strides = array<i32>} : memref<328x128xf32, #tpu.memory_space<vmem>>, vector<16xf32>,
            %get3A_1769 = arith.index_cast %add3A_1708 : i32 to index
            %get3A_1770 = arith.constant 96 : index
            %get3A_1771 = tpu.vector_load %arg13[%get3A_1769, %get3A_1770] {strides = array<i32>} : memref<32x128xf32, #tpu.memory_space<vmem>>, vector<16xf32>,
            %get3A_1772 = arith.index_cast %squeeze3A_1704 : i32 to index
            %get3A_1773 = arith.constant 96 : index
            %get3A_1774 = tpu.vector_load %arg14[%get3A_1772, %get3A_1773] {strides = array<i32>} : memref<328x128xf32, #tpu.memory_space<vmem>>, vector<16xf32>,
            %max3A_1775 = arith.maximumf %get3A_1774, %get3A_1771 : vector<16xf32>
            %swap3A_1776 = arith.index_cast %squeeze3A_1704 : i32 to index
            %swap3A_1777 = arith.constant 96 : index
            %swap3A_1778 = tpu.vector_load %arg14[%swap3A_1776, %swap3A_1777] {strides = array<i32>} : memref<328x128xf32, #tpu.memory_space<vmem>>, vector<16xf32>,
            tpu.vector_store %arg14[%swap3A_1776, %swap3A_1777], %max3A_1775 {strides = array<i32>} : memref<328x128xf32, #tpu.memory_space<vmem>>, vector<16xf32>,
            %get3A_1779 = arith.index_cast %add3A_1708 : i32 to index
            %get3A_1780 = arith.constant 112 : index
            %get3A_1781 = tpu.vector_load %arg13[%get3A_1779, %get3A_1780] {strides = array<i32>} : memref<32x128xf32, #tpu.memory_space<vmem>>, vector<16xf32>,
            %get3A_1782 = arith.index_cast %squeeze3A_1704 : i32 to index
            %get3A_1783 = arith.constant 112 : index
            %get3A_1784 = tpu.vector_load %arg14[%get3A_1782, %get3A_1783] {strides = array<i32>} : memref<328x128xf32, #tpu.memory_space<vmem>>, vector<16xf32>,
            %max3A_1785 = arith.maximumf %get3A_1784, %get3A_1781 : vector<16xf32>
            %swap3A_1786 = arith.index_cast %squeeze3A_1704 : i32 to index
            %swap3A_1787 = arith.constant 112 : index
            %swap3A_1788 = tpu.vector_load %arg14[%swap3A_1786, %swap3A_1787] {strides = array<i32>} : memref<328x128xf32, #tpu.memory_space<vmem>>, vector<16xf32>,
            tpu.vector_store %arg14[%swap3A_1786, %swap3A_1787], %max3A_1785 {strides = array<i32>} : memref<328x128xf32, #tpu.memory_space<vmem>>, vector<16xf32>,
            %shift_right_logical3A_1789 = arith.constant 4 : i32
            %shift_right_logical3A_1790 = arith.shrui %squeeze3A_1704, %shift_right_logical3A_1789 : i32
            %and3A_1791 = arith.constant 15 : i32
            %and3A_1792 = arith.andi %squeeze3A_1704, %and3A_1791 : i32
            %eq3A_1793 = vector.broadcast %and3A_1792 : i32 to vector<16xi32>
            %eq3A_1794 = arith.cmpi eq, %iota3A, %eq3A_1793 : vector<16xi32>
            %jit3A_1795 = arith.constant 1.000000e+00 : f32
            %jit3A_1796 = arith.constant 0.000000e+00 : f32
            %broadcast_in_dim3A_1797 = vector.broadcast %jit3A_1795 : f32 to vector<16xf32>
            %broadcast_in_dim3A_1798 = vector.broadcast %jit3A_1796 : f32 to vector<16xf32>
            %select_n3A_1799 = arith.select %eq3A_1794, %broadcast_in_dim3A_1797, %broadcast_in_dim3A_1798 : vector<16xi1>, vector<16xf32>
            %get3A_1800 = arith.index_cast %shift_right_logical3A_1790 : i32 to index
            %get3A_1801 = arith.constant 0 : index
            %get3A_1802 = tpu.vector_load %arg15[%get3A_1800, %get3A_1801] {strides = array<i32>} : memref<24x16xf32, #tpu.memory_space<vmem>>, vector<16xf32>,
            %add3A_1803 = arith.addf %get3A_1802, %select_n3A_1799 : vector<16xf32>
            %swap3A_1804 = arith.index_cast %shift_right_logical3A_1790 : i32 to index
            %swap3A_1805 = arith.constant 0 : index
            %swap3A_1806 = tpu.vector_load %arg15[%swap3A_1804, %swap3A_1805] {strides = array<i32>} : memref<24x16xf32, #tpu.memory_space<vmem>>, vector<16xf32>,
            tpu.vector_store %arg15[%swap3A_1804, %swap3A_1805], %add3A_1803 {strides = array<i32>} : memref<24x16xf32, #tpu.memory_space<vmem>>, vector<16xf32>,
            %while3A_1807 = arith.constant 0 : i32
            scf.yield %while3A_1807 : i32
          }
        } else {
        }
        %scan3A_97 = arith.constant 0 : i32
        scf.yield %scan3A_97 : i32
      }
      %scan3A_90 = arith.constant 9 : i32
      %scan3A_91 = arith.constant 0 : i32
      scf.yield %scan3A_91 : i32
    }
    %scan3A_57 = arith.constant 200 : i32
    "tpu.region"() ({
      %run_scoped3A = tpu.sem_alloc : memref<!tpu.dma_semaphore, #tpu.memory_space<semaphore_mem>>
      %dma_start3A = arith.constant 0 : i32
      %dma_start3A_60 = arith.constant 0 : i32
      %dma_start3A_61 = tpu.memref_slice %arg14[%dma_start3A, %dma_start3A_60] : memref<328x128xf32, #tpu.memory_space<vmem>> -> memref<320x128xf32, #tpu.memory_space<vmem>>
      %dma_start3A_62 = arith.constant 0 : i32
      %dma_start3A_63 = tpu.memref_slice %arg5[%mul3A_2, %dma_start3A_62] : memref<10240x128xf32, #tpu.memory_space<hbm>> -> memref<320x128xf32, #tpu.memory_space<hbm>>
      %dma_start3A_64 = arith.constant 0 : i32
      %dma_start3A_65 = tpu.memref_slice %arg5[%mul3A_2, %dma_start3A_64] : memref<10240x128xf32, #tpu.memory_space<hbm>> -> memref<320x128xf32, #tpu.memory_space<hbm>>
      %dma_start3A_66 = arith.constant 0 : i32
      %dma_start3A_67 = arith.constant 0 : i32
      %dma_start3A_68 = tpu.memref_slice %arg14[%dma_start3A_66, %dma_start3A_67] : memref<328x128xf32, #tpu.memory_space<vmem>> -> memref<320x128xf32, #tpu.memory_space<vmem>>
      tpu.enqueue_dma source(%dma_start3A_68 : memref<320x128xf32, #tpu.memory_space<vmem>>) target(%dma_start3A_65 : memref<320x128xf32, #tpu.memory_space<hbm>>) target_semaphore(%run_scoped3A : memref<!tpu.dma_semaphore, #tpu.memory_space<semaphore_mem>>)
      %dma_wait3A = arith.constant 0 : i32
      %dma_wait3A_69 = arith.constant 0 : i32
      %dma_wait3A_70 = tpu.memref_slice %arg14[%dma_wait3A, %dma_wait3A_69] : memref<328x128xf32, #tpu.memory_space<vmem>> -> memref<320x128xf32, #tpu.memory_space<vmem>>
      %dma_wait3A_71 = arith.constant 0 : i32
      %dma_wait3A_72 = tpu.memref_slice %arg5[%mul3A_2, %dma_wait3A_71] : memref<10240x128xf32, #tpu.memory_space<hbm>> -> memref<320x128xf32, #tpu.memory_space<hbm>>
      %dma_wait3A_73 = arith.constant 0 : i32
      %dma_wait3A_74 = tpu.memref_slice %arg5[%mul3A_2, %dma_wait3A_73] : memref<10240x128xf32, #tpu.memory_space<hbm>> -> memref<320x128xf32, #tpu.memory_space<hbm>>
      %dma_wait3A_75 = arith.constant 0 : i32
      %dma_wait3A_76 = arith.constant 0 : i32
      %dma_wait3A_77 = tpu.memref_slice %arg14[%dma_wait3A_75, %dma_wait3A_76] : memref<328x128xf32, #tpu.memory_space<vmem>> -> memref<320x128xf32, #tpu.memory_space<vmem>>
      tpu.wait_dma2 semaphore(%run_scoped3A : memref<!tpu.dma_semaphore, #tpu.memory_space<semaphore_mem>>) src(%dma_wait3A_77 : memref<320x128xf32, #tpu.memory_space<vmem>>) dst(%dma_wait3A_74 : memref<320x128xf32, #tpu.memory_space<hbm>>)
      tpu.yield
    }) : () -> ()
    "tpu.region"() ({
      %run_scoped3A = tpu.sem_alloc : memref<!tpu.dma_semaphore, #tpu.memory_space<semaphore_mem>>
      %dma_start3A = arith.constant 0 : i32
      %dma_start3A_60 = tpu.memref_slice %arg6[%mul3A_2, %dma_start3A] : memref<10240x128xf32, #tpu.memory_space<hbm>> -> memref<320x128xf32, #tpu.memory_space<hbm>>
      %dma_start3A_61 = arith.constant 0 : i32
      %dma_start3A_62 = tpu.memref_slice %arg16[%mul3A_4, %dma_start3A_61] : memref<5248x128xf32, #tpu.memory_space<vmem_shared>> -> memref<320x128xf32, #tpu.memory_space<vmem_shared>>
      tpu.enqueue_dma source(%dma_start3A_62 : memref<320x128xf32, #tpu.memory_space<vmem_shared>>) target(%dma_start3A_60 : memref<320x128xf32, #tpu.memory_space<hbm>>) target_semaphore(%run_scoped3A : memref<!tpu.dma_semaphore, #tpu.memory_space<semaphore_mem>>)
      %dma_wait3A = arith.constant 0 : i32
      %dma_wait3A_63 = tpu.memref_slice %arg6[%mul3A_2, %dma_wait3A] : memref<10240x128xf32, #tpu.memory_space<hbm>> -> memref<320x128xf32, #tpu.memory_space<hbm>>
      %dma_wait3A_64 = arith.constant 0 : i32
      %dma_wait3A_65 = tpu.memref_slice %arg16[%mul3A_4, %dma_wait3A_64] : memref<5248x128xf32, #tpu.memory_space<vmem_shared>> -> memref<320x128xf32, #tpu.memory_space<vmem_shared>>
      tpu.wait_dma2 semaphore(%run_scoped3A : memref<!tpu.dma_semaphore, #tpu.memory_space<semaphore_mem>>) src(%dma_wait3A_65 : memref<320x128xf32, #tpu.memory_space<vmem_shared>>) dst(%dma_wait3A_63 : memref<320x128xf32, #tpu.memory_space<hbm>>)
      tpu.yield
    }) : () -> ()
    %mul3A_58 = arith.constant 24 : i32
    %mul3A_59 = arith.muli %add3A, %mul3A_58 : i32
    "tpu.region"() ({
      %run_scoped3A = tpu.sem_alloc : memref<!tpu.dma_semaphore, #tpu.memory_space<semaphore_mem>>
      %dma_start3A = arith.constant 0 : i32
      %dma_start3A_60 = arith.constant 0 : i32
      %dma_start3A_61 = tpu.memref_slice %arg15[%dma_start3A, %dma_start3A_60] : memref<24x16xf32, #tpu.memory_space<vmem>> -> memref<24x16xf32, #tpu.memory_space<vmem>>
      %dma_start3A_62 = arith.constant 0 : i32
      %dma_start3A_63 = tpu.memref_slice %arg7[%mul3A_59, %dma_start3A_62] : memref<768x16xf32, #tpu.memory_space<hbm>> -> memref<24x16xf32, #tpu.memory_space<hbm>>
      %dma_start3A_64 = arith.constant 0 : i32
      %dma_start3A_65 = tpu.memref_slice %arg7[%mul3A_59, %dma_start3A_64] : memref<768x16xf32, #tpu.memory_space<hbm>> -> memref<24x16xf32, #tpu.memory_space<hbm>>
      %dma_start3A_66 = arith.constant 0 : i32
      %dma_start3A_67 = arith.constant 0 : i32
      %dma_start3A_68 = tpu.memref_slice %arg15[%dma_start3A_66, %dma_start3A_67] : memref<24x16xf32, #tpu.memory_space<vmem>> -> memref<24x16xf32, #tpu.memory_space<vmem>>
      tpu.enqueue_dma source(%dma_start3A_68 : memref<24x16xf32, #tpu.memory_space<vmem>>) target(%dma_start3A_65 : memref<24x16xf32, #tpu.memory_space<hbm>>) target_semaphore(%run_scoped3A : memref<!tpu.dma_semaphore, #tpu.memory_space<semaphore_mem>>)
      %dma_wait3A = arith.constant 0 : i32
      %dma_wait3A_69 = arith.constant 0 : i32
      %dma_wait3A_70 = tpu.memref_slice %arg15[%dma_wait3A, %dma_wait3A_69] : memref<24x16xf32, #tpu.memory_space<vmem>> -> memref<24x16xf32, #tpu.memory_space<vmem>>
      %dma_wait3A_71 = arith.constant 0 : i32
      %dma_wait3A_72 = tpu.memref_slice %arg7[%mul3A_59, %dma_wait3A_71] : memref<768x16xf32, #tpu.memory_space<hbm>> -> memref<24x16xf32, #tpu.memory_space<hbm>>
      %dma_wait3A_73 = arith.constant 0 : i32
      %dma_wait3A_74 = tpu.memref_slice %arg7[%mul3A_59, %dma_wait3A_73] : memref<768x16xf32, #tpu.memory_space<hbm>> -> memref<24x16xf32, #tpu.memory_space<hbm>>
      %dma_wait3A_75 = arith.constant 0 : i32
      %dma_wait3A_76 = arith.constant 0 : i32
      %dma_wait3A_77 = tpu.memref_slice %arg15[%dma_wait3A_75, %dma_wait3A_76] : memref<24x16xf32, #tpu.memory_space<vmem>> -> memref<24x16xf32, #tpu.memory_space<vmem>>
      tpu.wait_dma2 semaphore(%run_scoped3A : memref<!tpu.dma_semaphore, #tpu.memory_space<semaphore_mem>>) src(%dma_wait3A_77 : memref<24x16xf32, #tpu.memory_space<vmem>>) dst(%dma_wait3A_74 : memref<24x16xf32, #tpu.memory_space<hbm>>)
      tpu.yield
    }) : () -> ()
    return
  }
}

module attributes {stable_mosaic.version = 14 : i64} {
  func.func @body(%arg0: i32, %arg1: memref<256x128xf32, #tpu.memory_space<vmem>>, %arg2: memref<256x128xf32, #tpu.memory_space<vmem>>, %arg3: memref<256x1xf32, #tpu.memory_space<vmem>>, %arg4: memref<256x128xf32, #tpu.memory_space<vmem>>, %arg5: memref<128x64xf32, #tpu.memory_space<vmem>>, %arg6: memref<128x64xf32, #tpu.memory_space<vmem>>, %arg7: memref<128x64xf32, #tpu.memory_space<vmem>>, %arg8: memref<8x64xf32, #tpu.memory_space<vmem>>, %arg9: memref<256x64xf32, #tpu.memory_space<vmem>>) attributes {dimension_semantics = [#tpu.dimension_semantics<arbitrary>], iteration_bounds = array<i64: 40>, scalar_prefetch = 0 : i64, scratch_operands = 0 : i64, tpu.core_type = #tpu.core_type<tc>, window_params = [{transform_indices = @transform_0, window_bounds = array<i64: 256, 128>}, {transform_indices = @transform_1, window_bounds = array<i64: 256, 128>}, {transform_indices = @transform_2, window_bounds = array<i64: 256, 1>}, {transform_indices = @transform_3, window_bounds = array<i64: 256, 128>}, {pipeline_mode = #tpu.pipeline_mode<synchronous>, transform_indices = @transform_4, window_bounds = array<i64: 128, 64>}, {pipeline_mode = #tpu.pipeline_mode<synchronous>, transform_indices = @transform_5, window_bounds = array<i64: 128, 64>}, {pipeline_mode = #tpu.pipeline_mode<synchronous>, transform_indices = @transform_6, window_bounds = array<i64: 128, 64>}, {pipeline_mode = #tpu.pipeline_mode<synchronous>, transform_indices = @transform_7, window_bounds = array<i64: 8, 64>}, {transform_indices = @transform_8, window_bounds = array<i64: 256, 64>}]} {
    %get3A = arith.constant 0 : index
    %get3A_0 = arith.constant 0 : index
    %get3A_1 = vector.load %arg1[%get3A, %get3A_0] : memref<256x128xf32, #tpu.memory_space<vmem>>, vector<256x128xf32>
    %is_finite3A = tpu.weird %get3A_1 : vector<256x128xf32> -> vector<256x128xi1>
    %is_finite3A_2 = arith.constant dense<true> : vector<256x128xi1>
    %is_finite3A_3 = arith.xori %is_finite3A, %is_finite3A_2 : vector<256x128xi1>
    %jit3A = arith.constant 0.000000e+00 : f32
    %broadcast_in_dim3A = vector.broadcast %jit3A : f32 to vector<256x128xf32>
    %select_n3A = arith.select %is_finite3A_3, %get3A_1, %broadcast_in_dim3A : vector<256x128xi1>, vector<256x128xf32>
    %get3A_4 = arith.constant 0 : index
    %get3A_5 = arith.constant 0 : index
    %get3A_6 = vector.load %arg2[%get3A_4, %get3A_5] : memref<256x128xf32, #tpu.memory_space<vmem>>, vector<256x128xf32>
    %get3A_7 = arith.constant 0 : index
    %get3A_8 = arith.constant 0 : index
    %get3A_9 = vector.load %arg3[%get3A_7, %get3A_8] : memref<256x1xf32, #tpu.memory_space<vmem>>, vector<256x1xf32>
    %max3A = arith.constant 1.000000e+00 : f32
    %max3A_10 = vector.broadcast %max3A : f32 to vector<256x1xf32>
    %max3A_11 = arith.maximumf %get3A_9, %max3A_10 : vector<256x1xf32>
    %div3A = vector.broadcast %max3A_11 : vector<256x1xf32> to vector<256x128xf32>
    %div3A_12 = arith.divf %get3A_6, %div3A : vector<256x128xf32>
    %get3A_13 = arith.constant 0 : index
    %get3A_14 = arith.constant 0 : index
    %get3A_15 = vector.load %arg5[%get3A_13, %get3A_14] : memref<128x64xf32, #tpu.memory_space<vmem>>, vector<128x64xf32>
    %dot_general3A = arith.constant dense<0.000000e+00> : vector<256x64xf32>
    %dot_general3A_16 = tpu.matmul %select_n3A, %get3A_15, %dot_general3A {dimension_numbers = #tpu.dot_dimension_numbers<[1], [0], [0], [1], [0, 0, 1, 1], [], []>, transpose_lhs_hint = false} : vector<256x128xf32>, vector<128x64xf32>, vector<256x64xf32> -> vector<256x64xf32>
    %get3A_17 = arith.constant 0 : index
    %get3A_18 = arith.constant 0 : index
    %get3A_19 = vector.load %arg6[%get3A_17, %get3A_18] : memref<128x64xf32, #tpu.memory_space<vmem>>, vector<128x64xf32>
    %dot_general3A_20 = arith.constant dense<0.000000e+00> : vector<256x64xf32>
    %dot_general3A_21 = tpu.matmul %div3A_12, %get3A_19, %dot_general3A_20 {dimension_numbers = #tpu.dot_dimension_numbers<[1], [0], [0], [1], [0, 0, 1, 1], [], []>, transpose_lhs_hint = false} : vector<256x128xf32>, vector<128x64xf32>, vector<256x64xf32> -> vector<256x64xf32>
    %add3A = arith.addf %dot_general3A_16, %dot_general3A_21 : vector<256x64xf32>
    %get3A_22 = arith.constant 0 : index
    %get3A_23 = arith.constant 0 : index
    %get3A_24 = vector.load %arg4[%get3A_22, %get3A_23] : memref<256x128xf32, #tpu.memory_space<vmem>>, vector<256x128xf32>
    %get3A_25 = arith.constant 0 : index
    %get3A_26 = arith.constant 0 : index
    %get3A_27 = vector.load %arg7[%get3A_25, %get3A_26] : memref<128x64xf32, #tpu.memory_space<vmem>>, vector<128x64xf32>
    %dot_general3A_28 = arith.constant dense<0.000000e+00> : vector<256x64xf32>
    %dot_general3A_29 = tpu.matmul %get3A_24, %get3A_27, %dot_general3A_28 {dimension_numbers = #tpu.dot_dimension_numbers<[1], [0], [0], [1], [0, 0, 1, 1], [], []>, transpose_lhs_hint = false} : vector<256x128xf32>, vector<128x64xf32>, vector<256x64xf32> -> vector<256x64xf32>
    %add3A_30 = arith.addf %add3A, %dot_general3A_29 : vector<256x64xf32>
    %get3A_31 = arith.constant 0 : index
    %get3A_32 = arith.constant 0 : index
    %get3A_33 = vector.load %arg8[%get3A_31, %get3A_32] : memref<8x64xf32, #tpu.memory_space<vmem>>, vector<1x64xf32>
    %get3A_34 = vector.shape_cast %get3A_33 : vector<1x64xf32> to vector<64xf32>
    %broadcast_in_dim3A_35 = vector.shape_cast %get3A_34 : vector<64xf32> to vector<1x64xf32>
    %add3A_36 = vector.broadcast %broadcast_in_dim3A_35 : vector<1x64xf32> to vector<256x64xf32>
    %add3A_37 = arith.addf %add3A_30, %add3A_36 : vector<256x64xf32>
    %reduce_max3A = arith.constant dense<0xFF800000> : vector<256xf32>
    %reduce_max3A_38 = vector.multi_reduction <maximumf>, %add3A_37, %reduce_max3A [1] : vector<256x64xf32> to vector<256xf32>
    %broadcast_in_dim3A_39 = vector.shape_cast %reduce_max3A_38 : vector<256xf32> to vector<256x1xf32>
    %sub3A = vector.broadcast %broadcast_in_dim3A_39 : vector<256x1xf32> to vector<256x64xf32>
    %sub3A_40 = arith.subf %add3A_37, %sub3A : vector<256x64xf32>
    %exp3A = math.exp %sub3A_40 : vector<256x64xf32>
    %reduce_sum3A = arith.constant dense<0.000000e+00> : vector<256xf32>
    %reduce_sum3A_41 = vector.multi_reduction <add>, %exp3A, %reduce_sum3A [1] : vector<256x64xf32> to vector<256xf32>
    %broadcast_in_dim3A_42 = vector.shape_cast %reduce_sum3A_41 : vector<256xf32> to vector<256x1xf32>
    %log3A = math.log %broadcast_in_dim3A_42 : vector<256x1xf32>
    %sub3A_43 = vector.broadcast %log3A : vector<256x1xf32> to vector<256x64xf32>
    %sub3A_44 = arith.subf %sub3A_40, %sub3A_43 : vector<256x64xf32>
    %swap3A = arith.constant 0 : index
    %swap3A_45 = arith.constant 0 : index
    %swap3A_46 = vector.load %arg9[%swap3A, %swap3A_45] : memref<256x64xf32, #tpu.memory_space<vmem>>, vector<256x64xf32>
    tpu.vector_store %arg9[%swap3A, %swap3A_45], %sub3A_44 {strides = array<i32>} : memref<256x64xf32, #tpu.memory_space<vmem>>, vector<256x64xf32>,
    return
  }
  func.func @transform_0(%arg0: i32) -> (i32, i32) {
    %c0_i32 = arith.constant 0 : i32
    %c0_i32_0 = arith.constant 0 : i32
    return %arg0, %c0_i32 : i32, i32
  }
  func.func @transform_1(%arg0: i32) -> (i32, i32) {
    %c0_i32 = arith.constant 0 : i32
    %c0_i32_0 = arith.constant 0 : i32
    return %arg0, %c0_i32 : i32, i32
  }
  func.func @transform_2(%arg0: i32) -> (i32, i32) {
    %c0_i32 = arith.constant 0 : i32
    %c0_i32_0 = arith.constant 0 : i32
    return %arg0, %c0_i32 : i32, i32
  }
  func.func @transform_3(%arg0: i32) -> (i32, i32) {
    %c0_i32 = arith.constant 0 : i32
    %c0_i32_0 = arith.constant 0 : i32
    return %arg0, %c0_i32 : i32, i32
  }
  func.func @transform_4(%arg0: i32) -> (i32, i32) {
    %c0_i32 = arith.constant 0 : i32
    %c0_i32_0 = arith.constant 0 : i32
    %c0_i32_1 = arith.constant 0 : i32
    return %c0_i32, %c0_i32_0 : i32, i32
  }
  func.func @transform_5(%arg0: i32) -> (i32, i32) {
    %c0_i32 = arith.constant 0 : i32
    %c0_i32_0 = arith.constant 0 : i32
    %c0_i32_1 = arith.constant 0 : i32
    return %c0_i32, %c0_i32_0 : i32, i32
  }
  func.func @transform_6(%arg0: i32) -> (i32, i32) {
    %c0_i32 = arith.constant 0 : i32
    %c0_i32_0 = arith.constant 0 : i32
    %c0_i32_1 = arith.constant 0 : i32
    return %c0_i32, %c0_i32_0 : i32, i32
  }
  func.func @transform_7(%arg0: i32) -> (i32, i32) {
    %c0_i32 = arith.constant 0 : i32
    %c0_i32_0 = arith.constant 0 : i32
    %c0_i32_1 = arith.constant 0 : i32
    return %c0_i32, %c0_i32_0 : i32, i32
  }
  func.func @transform_8(%arg0: i32) -> (i32, i32) {
    %c0_i32 = arith.constant 0 : i32
    %c0_i32_0 = arith.constant 0 : i32
    return %arg0, %c0_i32 : i32, i32
  }
}

</mosaic_0001>

<sc_bundles>
// kernel: kernel.4.cloned.1.call-start
scs
__scs_entry_jumppad:
0x0: {  	(pc) =	sbr.rel $0x88, $3  }
0x1: {  	(tag) =	ssettag $0x0;
	lr =	simm.s32 $0x1  }
0x2: {  	[smem:$0x3F99] =	sst lr;
	_ =	strace $0xD0000000  }
0x3: {  	_ = 	snop  }
0x4: {  	_ = 	snop  }
0x5: {  	_ = 	snop  }
0x6: {  	_ = 	snop  }
0x7: {  	_ = 	snop  }
__scs_overlays_trampoline_lowered:
0x8: {  	[smem:$0x3FA8] =	sst s0  }
0x9: {  	[smem:$0x3FA9] =	sst s1  }
0xa: {  	[smem:$0x3FAA] =	sst s2  }
0xb: {  	[smem:$0x3FAB] =	sst s3  }
0xc: {  	[smem:$0x3FAC] =	sst s4  }
0xd: {  	[smem:$0x3FAD] =	sst s5  }
0xe: {  	[smem:$0x3FAE] =	sst s6  }
0xf: {  	[smem:$0x3FAF] =	sst s7  }
0x10: {  	[smem:$0x3FB0] =	sst s8  }
0x11: {  	[smem:$0x3FB1] =	sst s9;
	s0 =	simm.s32 @!p0 $0x0  }
0x12: {  	s1 =	sld [smem:$0x3F97];
	s0 =	simm.s32 @p0 $0x1  }
0x13: {  	[smem:$0x3FB2] =	sst s0;
	s0 =	simm.s32 @!p1 $0x0  }
0x14: {  	s2 =	sld [smem:$0x3F96];
	s0 =	simm.s32 @p1 $0x1  }
0x15: {  	[smem:$0x3FB3] =	sst s0;
	s0 =	simm.s32 @!p2 $0x0  }
0x16: {  	s3 =	sld [smem:$0x3FDB];
	s0 =	simm.s32 @p2 $0x1  }
0x17: {  	s4 =	simm.s32 $0x1BF5;
	[smem:$0x3FB5] =	sst s0  }
0x18: {  	s0 =	sld [smem:$0x3F98];
	_ =	swait.ge [sflag:s4], $0x0  }
0x19: {  	s7 =	sld [smem:$0x3F99]  }
0x1a: {  	s8 =	sadd.s32 $0xFFFFE003, lr  }
0x1b: {  	s9 =	sadd.s32 $0xFFFFFEF7, lr;
	s5 =	simm.s32 $0xFFFFFFFF;
	p2 =	slt.u32 s8, $0xFFFFF086  }
0x1c: {  	p1 =	slt.u32 s9, $0xF7A;
	s5 =	simm.s32 @!p2 $0x0  }
0x1d: {  	s5 =	simm.s32 @p1 $0x1;
	p0 =	seq.s32 s7, s2  }
0x1e: {  	s7 =	smul.u32 @!p0 $0xF7A, s2;
	p2 =	seq.s32 @!p0 s5, $0x0  }
0x1f: {  	s9 =	smul.u32 $0xF7A, s1;
	s8 =	simm.s32 @!p0 $0x1BF5;
	p2 =	por !p2, p0  }
0x20: {  	[sflag:s8] =	ssyncset.s32 @!p0 $0xFFFFF086;
	s6 =	sadd.s32 @!p0 s3, s7;
	s7 =	simm.s32 @!p0 $0x108  }
0x21: {  	s3 =	sadd.s32 s3, s9;
	s6 =	sadd.s32 @!p0 $0x88, s6;
	s7 =	simm.s32 @p2 $0x1082  }
0x22: {  	[simem:s7], [sflag:s8] =	dma.local @!p0 [hbm:s6], $0xF7A  }
0x23: {  	s9 =	sor.u32 $0xD0000000, s2;
	s6 =	simm.s32 $0x108;
	_ =	swait.ge @!p0 [sflag:s8], $0x0  }
0x24: {  	s3 =	sadd.s32 $0x88, s3;
	s6 =	simm.s32 @!p1 $0x1082;
	[sflag:s4] =	ssyncset.s32 $0xFFFFF086  }
0x25: {  	[simem:s6], [sflag:s4] =	dma.local [hbm:s3], $0xF7A  }
0x26: {  	[smem:$0x3F99] =	sst s1;
	(tag) =	ssettag s2;
	_ =	strace s9  }
0x27: {  	s1 =	sld [smem:$0x3FA9]  }
0x28: {  	s2 =	sld [smem:$0x3FAA]  }
0x29: {  	s4 =	sld [smem:$0x3FAC]  }
0x2a: {  	p0 =	seq.s32 s5, $0x0;
	s5 =	sld [smem:$0x3FAD]  }
0x2b: {  	s6 =	sld [smem:$0x3FAE]  }
0x2c: {  	s7 =	sld [smem:$0x3FAF]  }
0x2d: {  	s3 =	simm.s32 $0x108;
	s8 =	sld [smem:$0x3FB0]  }
0x2e: {  	s3 =	simm.s32 @!p0 $0x1082;
	s9 =	sld [smem:$0x3FB1]  }
0x2f: {  	lr =	sadd.s32 s0, s3;
	s0 =	sld [smem:$0x3FA8]  }
0x30: {  	s3 =	sld [smem:$0x3FAB]  }
0x31: {  	[smem:$0x3FB4] =	sst s10  }
0x32: {  	s10 =	sld [smem:$0x3FB2];
	_ =	sdelay $0x3  }
0x33: {  	p0 =	seq.s32 s10, $0x1;
	s10 =	sld [smem:$0x3FB4];
	_ =	sdelay $0x3  }
0x34: {  	[smem:$0x3FB4] =	sst s10  }
0x35: {  	s10 =	sld [smem:$0x3FB3];
	_ =	sdelay $0x3  }
0x36: {  	p1 =	seq.s32 s10, $0x1;
	s10 =	sld [smem:$0x3FB4];
	_ =	sdelay $0x3  }
0x37: {  	[smem:$0x3FB4] =	sst s10  }
0x38: {  	s10 =	sld [smem:$0x3FB5]  }
0x39: {  	_ = 	snop;
	(pc) =	sbr.ind lr, $3  }
0x3a: {  	_ = 	snop  }
0x3b: {  	_ = 	snop  }
0x3c: {  	p2 =	seq.s32 s10, $0x1;
	s10 =	sld [smem:$0x3FB4]  }
0x3d: {  	_ =	shalt  }
0x3e: {  	_ =	shalt  }
0x3f: {  	_ =	shalt  }
0x40: {  	_ =	shalt  }
0x41: {  	_ =	shalt  }
0x42: {  	_ =	shalt  }
0x43: {  	_ =	shalt  }
0x44: {  	_ =	shalt  }
0x45: {  	_ =	shalt  }
0x46: {  	_ =	shalt  }
0x47: {  	_ =	shalt  }
0x48: {  	_ =	shalt  }
0x49: {  	_ =	shalt  }
0x4a: {  	_ =	shalt  }
0x4b: {  	_ =	shalt  }
0x4c: {  	_ =	shalt  }
0x4d: {  	_ =	shalt  }
0x4e: {  	_ =	shalt  }
0x4f: {  	_ =	shalt  }
0x50: {  	_ =	shalt  }
0x51: {  	_ =	shalt  }
0x52: {  	_ =	shalt  }
0x53: {  	_ =	shalt  }
0x54: {  	_ =	shalt  }
0x55: {  	_ =	shalt  }
0x56: {  	_ =	shalt  }
0x57: {  	_ =	shalt  }
0x58: {  	_ =	shalt  }
0x59: {  	_ =	shalt  }
0x5a: {  	_ =	shalt  }
0x5b: {  	_ =	shalt  }
0x5c: {  	_ =	shalt  }
0x5d: {  	_ =	shalt  }
0x5e: {  	_ =	shalt  }
0x5f: {  	_ =	shalt  }
0x60: {  	_ =	shalt  }
0x61: {  	_ =	shalt  }
0x62: {  	_ =	shalt  }
0x63: {  	_ =	shalt  }
0x64: {  	_ =	shalt  }
0x65: {  	_ =	shalt  }
0x66: {  	_ =	shalt  }
0x67: {  	_ =	shalt  }
0x68: {  	_ =	shalt  }
0x69: {  	_ =	shalt  }
0x6a: {  	_ =	shalt  }
0x6b: {  	_ =	shalt  }
0x6c: {  	_ =	shalt  }
0x6d: {  	_ =	shalt  }
0x6e: {  	_ =	shalt  }
0x6f: {  	_ =	shalt  }
0x70: {  	_ =	shalt  }
0x71: {  	_ =	shalt  }
0x72: {  	_ =	shalt  }
0x73: {  	_ =	shalt  }
0x74: {  	_ =	shalt  }
0x75: {  	_ =	shalt  }
0x76: {  	_ =	shalt  }
0x77: {  	_ =	shalt  }
0x78: {  	_ =	shalt  }
0x79: {  	_ =	shalt  }
0x7a: {  	_ =	shalt  }
0x7b: {  	_ =	shalt  }
0x7c: {  	_ =	shalt  }
0x7d: {  	_ =	shalt  }
0x7e: {  	_ =	shalt  }
0x7f: {  	_ =	shalt  }
0x80: {  	_ =	shalt  }
0x81: {  	_ =	shalt  }
0x82: {  	_ =	shalt  }
0x83: {  	_ =	shalt  }
0x84: {  	_ =	shalt  }
0x85: {  	_ =	shalt  }
0x86: {  	_ =	shalt  }
0x87: {  	_ =	shalt  }
.Lfunc_end0:
.L_simem_size_0:
called_computation_lowered:
.L_overlay_start_0:
0x88: {  	s2 =	sld [smem:$0x3FD9]  }
0x89: {  	s3 =	sld [smem:$0x3FFE];
	_ =	sdelay $0x1  }
0x8a: {  	s1 =	srdreg.scid  }
0x8b: {  	s0 =	sand.u32 $0x1, s1  }
0x8c: {  	s17 =	sshll.u32 s0, $0xA;
	s2 =	sadd.s32 s3, s2  }
0x8d: {  	s2 =	sadd.s32 s2, s17  }
0x8e: {  	[smem:$0x3FC0] =	sst s2  }
0x8f: {  	_ = 	snop  }
0x90: {  	s2 =	sld [smem:$0x3FD0];
	(tm) =	ssettm $0x1  }
0x91: {  	s18 =	sld [smem:$0x3FFB];
	_ =	sdelay $0x3  }
0x92: {  	_ =	strace s18  }
0x93: {  	s3 =	sld [smem:$0x3FFC];
	_ =	sdelay $0x3  }
0x94: {  	_ =	strace s3  }
0x95: {  	s3 =	sld [smem:$0x3FFD];
	_ =	sdelay $0x3  }
0x96: {  	_ =	strace s3  }
0x97: {  	_ =	strace $0x8FFFFFFF  }
0x98: {  	s19 =	sld [smem:$0x3FDB];
	_ =	sdelay $0x1  }
0x99: {  	s4 =	simm.s32 $_scs_section_size  }
0x9a: {  	s5 =	simm.s32 $_size__tile_overlayer_lowered;
	s6 =	simm.s32 $_tile_overlayer_lowered  }
0x9b: {  	s22 =	simm.s32 $0x1BFF;
	s21 =	sshll.u32 s6, $0x1;
	s3 =	sadd.s32 s4, s19  }
0x9c: {  	s7 =	simm.s32 $0x0;
	s20 =	sshll.u32 s5, $0x1;
	s5 =	sadd.s32 s21, s3  }
0x9d: {  	[timem:s7], [sflag:s22] =	dma.local [hbm:s5], s20  }
0x9e: {  	_ =	swait.ge [sflag:s22], s20  }
0x9f: {  	s4 =	ssub.s32 $0x0, s20;
	[sflag:s22] =	ssyncset.done $0x0  }
0xa0: {  	[sflag:s22] =	ssyncadd.s32 s4;
	_ =	sdelay $0x1  }
0xa1: {  	s23 =	simm.s32 $0x1B8B  }
0xa2: {  	_ =	swait.ge [sflag:s23], $0x1  }
0xa3: {  	[sflag:s23] =	ssyncset.done $0x0  }
0xa4: {  	s25 =	simm.s32 $0x1B8E;
	s24 =	sld [smem:$0x3FFE];
	[sflag:s23] =	ssyncadd.s32 $0xFFFFFFFF  }
0xa5: {  	s26 =	simm.s32 $execute0_lowered;
	[smem:$0x3FD2] =	sst s25  }
0xa6: {  	s5 =	sshll.u32 s26, $0x1;
	_ =	strace $0x80000046;
	[dreg:$0x1] =	wrdreg $0xFFFFFFFF  }
0xa7: {  	s28 =	simm.s32 $_size_execute0_lowered;
	s3 =	sadd.s32 s3, s5;
	[dreg:$0x0] =	wrdreg $0x0  }
0xa8: {  	s5 =	sshll.u32 s28, $0x1;
	[dreg:$0x2] =	wrdreg s3  }
0xa9: {  	[dreg:$0x3] =	wrdreg s5  }
0xaa: {  	[dreg:$0x4] =	wrdreg $0xC0  }
0xab: {  	_ =	task [dreg:s7], $0x5FFFF  }
0xac: {  	[dreg:$0x1] =	wrdreg $0xFFFFFFFF  }
0xad: {  	[dreg:$0x0] =	wrdreg $0x60  }
0xae: {  	[dreg:$0x2] =	wrdreg s24  }
0xaf: {  	[dreg:$0x3] =	wrdreg s2  }
0xb0: {  	[dreg:$0x4] =	wrdreg $0xD0800  }
0xb1: {  	[dreg:$0x5] =	wrdreg $0x9  }
0xb2: {  	_ =	task.clear_ibuf [dreg:s7], $0x6FFFF;
	_ =	strace $0x90000046  }
0xb3: {  	s29 =	simm.s32 $0x9;
	_ =	strace $0x80000048  }
0xb4: {  	_ =	swait.ge [sflag:s29], $0x1  }
0xb5: {  	[sflag:s29] =	ssyncadd.s32 $0xFFFFFFFF  }
0xb6: {  	_ =	strace $0x90000048  }
0xb7: {  	_ =	sfence  }
0xb8: {  	s30 =	sld [smem:$0x0];
	_ =	sdelay $0x2  }
0xb9: {  	s31 =	sshll.u32 s1, $0xD;
	s1 =	sshrl.u32 s1, $0x2  }
0xba: {  	s3 =	sand.u32 $0x4000, s31;
	s1 =	sadd.s32 s1, s30  }
0xbb: {  	s0 =	sor.u32 s3, s0;
	s1 =	sshll.u32 s1, $0x11  }
0xbc: {  	s0 =	sor.u32 s1, s0  }
0xbd: {  	s0 =	sadd.s32 $0x8F2B, s0  }
0xbe: {  	[sflag:s0] =	ssyncadd.remote.s32 $0x1  }
0xbf: {  	_ =	sfence.sel $0xFFFF  }
0xc0: {  	[dreg:$0x0] =	wrdreg $0xFFFFFFFF;
	(pc) =	sbr.abs _section_cstart, $3  }
0xc1: {  	[dreg:$0x1] =	wrdreg $0xFFFFFFFF  }
0xc2: {  	_ =	task.clear_ibuf [dreg:s7], $0x2FFFF;
	_ =	strace $0x9FFFFFFF  }
0xc3: {  	(tm) =	ssettm $0x7FFFFFFF  }
tec
execute0_lowered:
.L_overlay_start_1:
0x0: {  	(tag) =	ssettag $0x1  }
0x1: {  	s0 =	rddreg [dreg:$0x0]  }
0x2: {  	s1 =	srdreg.scid;
	s2 =	rddreg [dreg:$0x1]  }
0x3: {  	s10 =	stileid.u32;
	s3 =	rddreg [dreg:$0x2];
	s5 =	simm.s32 $0x0  }
0x4: {  	s29 =	simm.s32 $0x0;
	s30 =	simm.s32 $0x0;
	s1 =	sand.u32 $0x1, s1  }
0x5: {  	s4 =	sshll.u32 s10, $0x1;
	[smem:$0x7FF] =	sst s5;
	s9 =	smul.u32 $0x29000, s10  }
0x6: {  	s5 =	sadd.s32 $0xB000, s0;
	s24 =	smul.u32 $0x148, s10;
	s4 =	sor.u32 s1, s4  }
0x7: {  	s6 =	sadd.s32 $0x1200, s0;
	_ =	strace $0x80000047;
	s7 =	smul.u32 $0x1400, s4  }
0x8: {  	s1 =	ssub.s32 $0x2, s1;
	s8 =	smul.u32 $0x180, s4;
	s22 =	sshrl.u32 s9, $0x2  }
0x9: {  	s23 =	sshrl.u32 s1, $0x1;
	s4 =	smul.u32 $0x140, s4;
	v2 =	vmov s24;
	s24 =	simm.s32 $0x680  }
0xa: {  	s1 =	ssub.s32 s1, s23;
	s23 =	simm.s32 $0x1;
	s19 =	sadd.s32 s7, s0  }
0xb: {  	s0 =	sadd.s32 s8, s0;
	s7 =	sadd.s32 s22, s3;
	s20 =	sadd.s32 $0x140, s4  }
0xc: {  	s21 =	smax.u32 s1, $0x1;
	s22 =	simm.s32 $0x1080;
	s25 =	sadd.s32 $0x1000, s7  }
0xd: {  	s26 =	sadd.s32 $0x2000, s7;
	s28 =	sadd.s32 $0x3000, s7;
	s31 =	sadd.s32 $0x4000, s7  }
.Ltmp0:
0xe: {  	s12 =	sadd.s32 $0x5000, s7;
	s13 =	sadd.s32 $0x6000, s7;
	(pc) =	sbr.rel .LBB2_1-.Ltmp0, $4  }
0xf: {  	s14 =	sadd.s32 $0x7000, s7;
	s15 =	sadd.s32 $0x8000, s7;
	[dreg:$0x4] =	wrdreg s25  }
0x10: {  	v3 =	vimm.f32 $-Inf;
	s16 =	sadd.s32 $0x9000, s7;
	s17 =	sadd.s32 $0xA000, s7;
	[dreg:$0x5] =	wrdreg s26  }
0x11: {  	v4 =	vimm.f32 $0.0e+00;
	v5 =	vimm.s32 $0x140;
	v6 =	vimm.s32 $0x0;
	s18 =	sadd.s32 $0x36000, s19;
	s19 =	sadd.s32 $0x5E000, s19;
	[dreg:$0x6] =	wrdreg s28  }
0x12: {  	v7 =	vlaneseq.u32;
	v0 =	vmov s4;
	v1 =	vmov s20;
	s20 =	sadd.s32 $0x33000, s0;
	[dreg:$0x7] =	wrdreg s31;
	s25 =	simm.s32 $0xE80  }
.LBB2_13:
0x13: {  	s4 =	simm.s32 $0x0;
	s0 =	simm.s32 $0x2080  }
0x14: {  	[hbm4b:s18+s4] =	stream.linear.scatter [tilespmem:s0], [sflag:$0x1], $0xA000, $0x38;
	[tilespmem:$0x17480] =	vst v63  }
0x15: {  	s28 =	stileid.u32;
	_ =	swait.ge [sflag:s23], $0xA000  }
0x16: {  	s0 =	sshll.u32 s28, $0x6;
	[sflag:s23] =	ssyncset.done $0x0  }
0x17: {  	s1 =	sshrl.u32 s7, $0x3;
	s0 =	sor.u32 $0x1C01, s0;
	[sflag:s23] =	ssyncadd.s32 $0xFFFF6000  }
0x18: {  	[hbm:s19], [sflag:s0] =	dma.local [spmem:s1], $0x1400  }
0x19: {  	s29 =	sadd.s32 $0x1, s29;
	_ =	swait.ge [sflag:s23], $0x1400  }
0x1a: {  	p0 =	sne.s32 s29, s21;
	[sflag:s23] =	ssyncset.done $0x0  }
.Ltmp1:
0x1b: {  	s31 =	simm.s32 $0xC480;
	[sflag:s23] =	ssyncadd.s32 $0xFFFFEC00;
	(pc) =	sbr.rel @!p0 .LBB2_14-.Ltmp1, $4  }
0x1c: {  	[hbm4b:s20+s4] =	stream.linear.scatter [tilespmem:s31], [sflag:$0x1], $0xC00, $0x38;
	[tilespmem:$0x17480] =	vst v63  }
0x1d: {  	_ =	swait.ge [sflag:s23], $0xC00  }
0x1e: {  	[sflag:s23] =	ssyncset.done $0x0  }
0x1f: {  	[sflag:s23] =	ssyncadd.s32 $0xFFFFF400  }
.LBB2_1:
0x20: {  	s0 =	simm.s32 $0x0;
	s1 =	simm.s32 $0x200  }
.LBB2_2:
0x21: {  	p0 =	sne.s32 s1, $0x28E00;
	[tilespmem:s0+$0x20F0] =	vst v3  }
0x22: {  	[tilespmem:s0+$0x2080] =	vst v3  }
0x23: {  	[tilespmem:s0+$0x2090] =	vst v3  }
.Ltmp2:
0x24: {  	[tilespmem:s0+$0x20A0] =	vst v3;
	(pc) =	sbr.rel @p0 .LBB2_2-.Ltmp2, $4  }
0x25: {  	[tilespmem:s0+$0x20B0] =	vst v3  }
0x26: {  	[tilespmem:s0+$0x20C0] =	vst v3  }
0x27: {  	[tilespmem:s0+$0x20D0] =	vst v3  }
0x28: {  	[tilespmem:s0+$0x20E0] =	vst v3;
	s0 =	sshra.s32 s1, $0x2;
	s1 =	sadd.s32 $0x200, s1  }
0x29: {  	[tilespmem:s0+$0x20F0] =	vst v3  }
0x2a: {  	[tilespmem:s0+$0x2080] =	vst v3  }
0x2b: {  	[tilespmem:s0+$0x2090] =	vst v3  }
0x2c: {  	[tilespmem:s0+$0x20A0] =	vst v3  }
0x2d: {  	[tilespmem:s0+$0x20B0] =	vst v3  }
0x2e: {  	[tilespmem:s0+$0x20C0] =	vst v3  }
0x2f: {  	[tilespmem:s0+$0x20D0] =	vst v3  }
0x30: {  	[tilespmem:s0+$0x20E0] =	vst v3  }
0x31: {  	[tilespmem:$0xC480] =	vst v4  }
0x32: {  	[tilespmem:$0xC500] =	vst v4  }
0x33: {  	[tilespmem:$0xC580] =	vst v4  }
0x34: {  	[tilespmem:$0xC600] =	vst v4  }
0x35: {  	[tilespmem:$0xC680] =	vst v4  }
0x36: {  	[tilespmem:$0xC700] =	vst v4  }
0x37: {  	[tilespmem:$0xC780] =	vst v4  }
0x38: {  	[tilespmem:$0xC800] =	vst v4  }
0x39: {  	[tilespmem:$0xC880] =	vst v4  }
0x3a: {  	[tilespmem:$0xC900] =	vst v4  }
0x3b: {  	[tilespmem:$0xC980] =	vst v4  }
0x3c: {  	[tilespmem:$0xCA00] =	vst v4  }
0x3d: {  	[tilespmem:$0xCA80] =	vst v4  }
0x3e: {  	[tilespmem:$0xCB00] =	vst v4  }
0x3f: {  	[tilespmem:$0xCB80] =	vst v4  }
0x40: {  	[tilespmem:$0xCC00] =	vst v4  }
0x41: {  	[tilespmem:$0xCC80] =	vst v4  }
0x42: {  	[tilespmem:$0xCD00] =	vst v4  }
0x43: {  	[tilespmem:$0xCD80] =	vst v4  }
0x44: {  	[tilespmem:$0xCE00] =	vst v4  }
0x45: {  	[tilespmem:$0xCE80] =	vst v4  }
0x46: {  	[tilespmem:$0xCF00] =	vst v4  }
0x47: {  	[tilespmem:$0xCF80] =	vst v4  }
0x48: {  	s0 =	simm.s32 $0x0;
	s1 =	simm.s32 $0x200;
	[tilespmem:$0xD000] =	vst v4  }
.LBB2_4:
0x49: {  	p0 =	sne.s32 s1, $0x3E00;
	[tilespmem:s0+$0x10F0] =	vst v4  }
0x4a: {  	[tilespmem:s0+$0x1080] =	vst v4  }
0x4b: {  	[tilespmem:s0+$0x1090] =	vst v4  }
.Ltmp3:
0x4c: {  	[tilespmem:s0+$0x10A0] =	vst v4;
	(pc) =	sbr.rel @p0 .LBB2_4-.Ltmp3, $4  }
0x4d: {  	[tilespmem:s0+$0x10B0] =	vst v4  }
0x4e: {  	[tilespmem:s0+$0x10C0] =	vst v4  }
0x4f: {  	[tilespmem:s0+$0x10D0] =	vst v4  }
0x50: {  	[tilespmem:s0+$0x10E0] =	vst v4;
	s0 =	sshra.s32 s1, $0x2;
	s1 =	sadd.s32 $0x200, s1  }
0x51: {  	[tilespmem:s0+$0x10F0] =	vst v4  }
0x52: {  	[tilespmem:s0+$0x1080] =	vst v4  }
0x53: {  	[tilespmem:s0+$0x1090] =	vst v4  }
0x54: {  	[tilespmem:s0+$0x10A0] =	vst v4  }
0x55: {  	[tilespmem:s0+$0x10B0] =	vst v4  }
0x56: {  	[tilespmem:s0+$0x10C0] =	vst v4  }
0x57: {  	[tilespmem:s0+$0x10D0] =	vst v4  }
0x58: {  	[tilespmem:s0+$0x10E0] =	vst v4  }
0x59: {  	[spmem:s7] =	stream.linear.scatter [tilespmem:s22], [sflag:$0x1], $0x1000, $0x38;
	[tilespmem:$0x17480] =	vst v63  }
0x5a: {  	_ =	swait.ge [sflag:s23], $0x1000  }
0x5b: {  	[sflag:s23] =	ssyncset.done $0x0  }
0x5c: {  	s10 =	rddreg [dreg:$0x4];
	[sflag:s23] =	ssyncadd.s32 $0xFFFFF000  }
0x5d: {  	[spmem:s10] =	stream.linear.scatter [tilespmem:s22], [sflag:$0x1], $0x1000, $0x38;
	[tilespmem:$0x17480] =	vst v63  }
0x5e: {  	_ =	swait.ge [sflag:s23], $0x1000  }
0x5f: {  	[sflag:s23] =	ssyncset.done $0x0  }
0x60: {  	s11 =	rddreg [dreg:$0x5];
	[sflag:s23] =	ssyncadd.s32 $0xFFFFF000  }
0x61: {  	[spmem:s11] =	stream.linear.scatter [tilespmem:s22], [sflag:$0x1], $0x1000, $0x38;
	[tilespmem:$0x17480] =	vst v63  }
0x62: {  	_ =	swait.ge [sflag:s23], $0x1000  }
0x63: {  	[sflag:s23] =	ssyncset.done $0x0  }
0x64: {  	s26 =	rddreg [dreg:$0x6];
	[sflag:s23] =	ssyncadd.s32 $0xFFFFF000  }
0x65: {  	[spmem:s26] =	stream.linear.scatter [tilespmem:s22], [sflag:$0x1], $0x1000, $0x38;
	[tilespmem:$0x17480] =	vst v63  }
0x66: {  	_ =	swait.ge [sflag:s23], $0x1000  }
0x67: {  	[sflag:s23] =	ssyncset.done $0x0  }
0x68: {  	s28 =	rddreg [dreg:$0x7];
	[sflag:s23] =	ssyncadd.s32 $0xFFFFF000  }
0x69: {  	[spmem:s28] =	stream.linear.scatter [tilespmem:s22], [sflag:$0x1], $0x1000, $0x38;
	[tilespmem:$0x17480] =	vst v63  }
0x6a: {  	_ =	swait.ge [sflag:s23], $0x1000  }
0x6b: {  	[sflag:s23] =	ssyncset.done $0x0  }
0x6c: {  	[sflag:s23] =	ssyncadd.s32 $0xFFFFF000  }
0x6d: {  	[spmem:s12] =	stream.linear.scatter [tilespmem:s22], [sflag:$0x1], $0x1000, $0x38;
	[tilespmem:$0x17480] =	vst v63  }
0x6e: {  	_ =	swait.ge [sflag:s23], $0x1000  }
0x6f: {  	[sflag:s23] =	ssyncset.done $0x0  }
0x70: {  	[sflag:s23] =	ssyncadd.s32 $0xFFFFF000  }
0x71: {  	[spmem:s13] =	stream.linear.scatter [tilespmem:s22], [sflag:$0x1], $0x1000, $0x38;
	[tilespmem:$0x17480] =	vst v63  }
0x72: {  	_ =	swait.ge [sflag:s23], $0x1000  }
0x73: {  	[sflag:s23] =	ssyncset.done $0x0  }
0x74: {  	[sflag:s23] =	ssyncadd.s32 $0xFFFFF000  }
0x75: {  	[spmem:s14] =	stream.linear.scatter [tilespmem:s22], [sflag:$0x1], $0x1000, $0x38;
	[tilespmem:$0x17480] =	vst v63  }
0x76: {  	_ =	swait.ge [sflag:s23], $0x1000  }
0x77: {  	[sflag:s23] =	ssyncset.done $0x0  }
0x78: {  	[sflag:s23] =	ssyncadd.s32 $0xFFFFF000  }
0x79: {  	[spmem:s15] =	stream.linear.scatter [tilespmem:s22], [sflag:$0x1], $0x1000, $0x38;
	[tilespmem:$0x17480] =	vst v63  }
0x7a: {  	_ =	swait.ge [sflag:s23], $0x1000  }
0x7b: {  	[sflag:s23] =	ssyncset.done $0x0  }
0x7c: {  	[sflag:s23] =	ssyncadd.s32 $0xFFFFF000  }
0x7d: {  	[spmem:s16] =	stream.linear.scatter [tilespmem:s22], [sflag:$0x1], $0x1000, $0x38;
	[tilespmem:$0x17480] =	vst v63  }
0x7e: {  	_ =	swait.ge [sflag:s23], $0x1000  }
0x7f: {  	[sflag:s23] =	ssyncset.done $0x0  }
.Ltmp4:
0x80: {  	[sflag:s23] =	ssyncadd.s32 $0xFFFFF000;
	(pc) =	sbr.rel .LBB2_6-.Ltmp4, $4  }
0x81: {  	[spmem:s17] =	stream.linear.scatter [tilespmem:s22], [sflag:$0x1], $0x400, $0x38;
	[tilespmem:$0x17480] =	vst v63  }
0x82: {  	_ =	swait.ge [sflag:s23], $0x400  }
0x83: {  	[sflag:s23] =	ssyncset.done $0x0  }
0x84: {  	s31 =	simm.s32 $0x0;
	[sflag:s23] =	ssyncadd.s32 $0xFFFFFC00  }
.LBB2_12:
0x85: {  	s31 =	sadd.s32 $0x1, s31  }
0x86: {  	p0 =	sne.s32 s31, $0xC8  }
.Ltmp5:
0x87: {  	_ = 	snop;
	(pc) =	sbr.rel @!p0 .LBB2_13-.Ltmp5, $1  }
0x88: {  	_ =	sdelay $0x3  }
.LBB2_6:
0x89: {  	s0 =	smul.u32 $0xC8, s31;
	_ =	sdelay $0x1  }
0x8a: {  	s1 =	sadd.s32 s2, s0  }
0x8b: {  	[tilespmem:s30], [sflag:$0x1] =	stream.linear.gather [hbm4b:s1+s30], $0x640, $0x38;
	[tilespmem:$0x17480] =	vst v63  }
0x8c: {  	_ =	swait.ge [sflag:s23], $0x640  }
0x8d: {  	[sflag:s23] =	ssyncset.done $0x0  }
0x8e: {  	s0 =	sadd.s32 s6, s0;
	[sflag:s23] =	ssyncadd.s32 $0xFFFFF9C0  }
0x8f: {  	[tilespmem:s24], [sflag:$0x1] =	stream.linear.gather [hbm4b:s0+s30], $0x640, $0x38;
	[tilespmem:$0x17480] =	vst v63  }
0x90: {  	_ =	swait.ge [sflag:s23], $0x640  }
0x91: {  	[sflag:s23] =	ssyncset.done $0x0  }
0x92: {  	[sflag:s23] =	ssyncadd.s32 $0xFFFFF9C0  }
0x93: {  	[tilespmem:$0xD00] =	vst v5  }
0x94: {  	[tilespmem:$0xE80] =	vst v6  }
0x95: {  	[tilespmem:$0xD10] =	vst v5  }
0x96: {  	[tilespmem:$0xE90] =	vst v6  }
0x97: {  	[tilespmem:$0xD20] =	vst v5  }
0x98: {  	[tilespmem:$0xEA0] =	vst v6  }
0x99: {  	[tilespmem:$0xD30] =	vst v5  }
0x9a: {  	[tilespmem:$0xEB0] =	vst v6  }
0x9b: {  	[tilespmem:$0xD40] =	vst v5  }
0x9c: {  	[tilespmem:$0xEC0] =	vst v6  }
0x9d: {  	[tilespmem:$0xD50] =	vst v5  }
0x9e: {  	[tilespmem:$0xED0] =	vst v6  }
0x9f: {  	[tilespmem:$0xD60] =	vst v5  }
0xa0: {  	[tilespmem:$0xEE0] =	vst v6  }
0xa1: {  	[tilespmem:$0xD70] =	vst v5  }
0xa2: {  	[tilespmem:$0xEF0] =	vst v6  }
0xa3: {  	[tilespmem:$0xD80] =	vst v5  }
0xa4: {  	[tilespmem:$0xF00] =	vst v6  }
0xa5: {  	[tilespmem:$0xD90] =	vst v5  }
0xa6: {  	[tilespmem:$0xF10] =	vst v6  }
0xa7: {  	[tilespmem:$0xDA0] =	vst v5  }
0xa8: {  	[tilespmem:$0xF20] =	vst v6  }
0xa9: {  	[tilespmem:$0xDB0] =	vst v5  }
0xaa: {  	[tilespmem:$0xF30] =	vst v6  }
0xab: {  	[tilespmem:$0xDC0] =	vst v5  }
0xac: {  	[tilespmem:$0xF40] =	vst v6  }
0xad: {  	[tilespmem:$0xDD0] =	vst v5  }
0xae: {  	[tilespmem:$0xF50] =	vst v6  }
0xaf: {  	[tilespmem:$0xDE0] =	vst v5  }
0xb0: {  	[tilespmem:$0xF60] =	vst v6  }
0xb1: {  	[tilespmem:$0xDF0] =	vst v5  }
0xb2: {  	[tilespmem:$0xF70] =	vst v6  }
0xb3: {  	[tilespmem:$0xE00] =	vst v5  }
0xb4: {  	s26 =	simm.s32 $0x0;
	[tilespmem:$0xF80] =	vst v6  }
0xb5: {  	v8 =	vld [tilespmem:s26+$0x0];
	_ =	sdelay $0x4  }
0xb6: {  	vm0 =	vge.s32 v8, v0;
	vm1 =	vlt.s32 v8, v1  }
0xb7: {  	vm0 =	vmand vm0, vm1  }
0xb8: {  	v9 =	vmpcnt.ones.xlane vm0;
	_ =	sdelay $0x1  }
0xb9: {  	(v2sf) =	vpush v9, $0x0;
	v9 =	vsel vm0, $0x1, v6  }
0xba: {  	(xrf0) =	vadd.scan.msk.s32 $0xffff, v9;
	_ =	sdelay $0x2  }
0xbb: {  	v9 =	vmov s30  }
0xbc: {  	v9 =	vadd.s32 $0xFFFFFFFF, v9  }
0xbd: {  	v9 =	vbroadcast v9, $0x0  }
0xbe: {  	v10, _, _ =	vpop (xrf0)  }
0xbf: {  	v9 =	vadd.s32 v10, v9  }
0xc0: {  	v10 =	vld [tilespmem:s26+$0x680];
	_ =	sdelay $0x2  }
0xc1: {  	s4 =	simm.s32 $0xD00;
	v8 =	vsub.s32 v8, v0  }
0xc2: {  	[tilespmem:v9+s4+$0x0] =	vst.idx.msk vm0, v8  }
0xc3: {  	s1 =	simm.s32 $0x10;
	[tilespmem:v9+s25+$0x0] =	vst.idx.msk vm0, v10  }
0xc4: {  	v8 =	vld [tilespmem:s1+$0x0]  }
0xc5: {  	s28 =	spop (v2sf)  }
0xc6: {  	s0 =	sadd.s32 $0x0, s28  }
0xc7: {  	s8 =	simm.s32 $0x80;
	p1 =	slt.s32 s0, $0x100  }
.LBB2_7:
0xc8: {  	p0 =	sne.s32 s8, $0x18C0  }
0xc9: {  	vm0 =	vge.s32 v8, v0;
	vm1 =	vlt.s32 v8, v1;
	s0 =	simm.s32 @!p1 $0x100;
	s26 =	smov.u32 s8;
	s8 =	sadd.s32 $0x40, s8  }
0xca: {  	vm0 =	vmand vm0, vm1;
	v9 =	vmov s0  }
0xcb: {  	v10 =	vsel vm0, $0x1, v6;
	v9 =	vadd.s32 $0xFFFFFFFF, v9;
	v11 =	vmpcnt.ones.xlane vm0  }
0xcc: {  	(xrf0) =	vadd.scan.msk.s32 $0xffff, v10  }
0xcd: {  	(v2sf) =	vpush v11, $0x0;
	_ =	sdelay $0x3  }
0xce: {  	v9 =	vbroadcast v9, $0x0  }
0xcf: {  	v10, _, _ =	vpop (xrf0)  }
0xd0: {  	v9 =	vadd.s32 v10, v9  }
0xd1: {  	v10 =	vld [tilespmem:s1+$0x680];
	_ =	sdelay $0x2  }
0xd2: {  	v8 =	vsub.s32 v8, v0  }
0xd3: {  	[tilespmem:v9+s4+$0x0] =	vst.idx.msk vm0, v8  }
0xd4: {  	s1 =	sshra.s32 s26, $0x2;
	[tilespmem:v9+s25+$0x0] =	vst.idx.msk vm0, v10  }
.Ltmp6:
0xd5: {  	v8 =	vld [tilespmem:s1+$0x0];
	(pc) =	sbr.rel @p0 .LBB2_7-.Ltmp6, $4  }
0xd6: {  	_ = 	snop  }
0xd7: {  	s26 =	spop (v2sf)  }
0xd8: {  	s0 =	sadd.s32 s0, s26  }
0xd9: {  	p1 =	slt.s32 s0, $0x100  }
0xda: {  	vm0 =	vge.s32 v8, v0;
	vm1 =	vlt.s32 v8, v1  }
0xdb: {  	vm0 =	vmand vm0, vm1  }
0xdc: {  	v9 =	vmpcnt.ones.xlane vm0;
	_ =	sdelay $0x1  }
0xdd: {  	(v2sf) =	vpush v9, $0x0;
	_ =	sdelay $0x3  }
0xde: {  	v61 =	vsel vm0, $0x1, v6  }
0xdf: {  	(xrf0) =	vadd.scan.msk.s32 $0xffff, v61;
	_ =	sdelay $0x1  }
0xe0: {  	s0 =	simm.s32 @!p1 $0x100  }
0xe1: {  	v62 =	vmov s0  }
0xe2: {  	v9 =	vadd.s32 $0xFFFFFFFF, v62  }
0xe3: {  	v9 =	vbroadcast v9, $0x0  }
0xe4: {  	v10, _, _ =	vpop (xrf0)  }
0xe5: {  	v9 =	vadd.s32 v10, v9  }
0xe6: {  	v63 =	vld [tilespmem:s1+$0x680]  }
.Ltmp7:
0xe7: {  	_ = 	snop;
	(pc) =	sbr.rel .LBB2_9-.Ltmp7, $4  }
0xe8: {  	s26 =	spop (v2sf)  }
0xe9: {  	v8 =	vsub.s32 v8, v0;
	s8 =	simm.s32 $0xD00;
	s26 =	sadd.s32 s0, s26  }
0xea: {  	[tilespmem:v9+s8+$0x0] =	vst.idx.msk vm0, v8;
	p0 =	slt.s32 s26, $0x100  }
0xeb: {  	s28 =	simm.s32 $0x0;
	[tilespmem:v9+s25+$0x0] =	vst.idx.msk vm0, v63;
	s26 =	simm.s32 @!p0 $0x100  }
.LBB2_11:
0xec: {  	s28 =	sadd.s32 $0x1, s28  }
0xed: {  	p0 =	sne.s32 s28, $0x9  }
.Ltmp8:
0xee: {  	_ = 	snop;
	(pc) =	sbr.rel @!p0 .LBB2_12-.Ltmp8, $2  }
0xef: {  	_ =	sdelay $0x2  }
0xf0: {  	s8 =	sadd.s32 $0x20, s8  }
.LBB2_9:
0xf1: {  	s0 =	sshll.u32 s28, $0x5  }
0xf2: {  	p0 =	sle.s32 s26, s0  }
0xf3: {  	s1 =	sadd.s32 @!p0 $0xE80, s0;
	s4 =	simm.s32 @!p0 $0x20;
	s9 =	simm.s32 @!p0 $0x1080  }
0xf4: {  	[tilespmem:s9], [sflag:$0x1] =	stream.indirect.gather @!p0 [hbm4b:s5+s4], $0x80, s1, s4, $0xb8;
	[tilespmem:$0x17480] =	vst v63  }
0xf5: {  	s1 =	simm.s32 @!p0 $0x1  }
0xf6: {  	_ =	swait.ge @!p0 [sflag:s1], $0x1000  }
0xf7: {  	[sflag:s1] =	ssyncset.done @!p0 $0x0  }
0xf8: {  	[sflag:s1] =	ssyncadd.s32 @!p0 $0xFFFFF000  }
0xf9: {  	v8 =	vld @!p0 [tilespmem:s0+$0xD00];
	_ =	sdelay $0x4  }
0xfa: {  	v8 =	vadd.s32 @!p0 v2, v8  }
0xfb: {  	[tilespmem:$0x1000] =	vst @!p0 v8  }
0xfc: {  	v8 =	vld @!p0 [tilespmem:s0+$0xD10];
	_ =	sdelay $0x1  }
0xfd: {  	s0 =	ssub.s32 @!p0 s26, s0  }
0xfe: {  	p1 =	slt.s32 @!p0 s0, $0x20  }
0xff: {  	p1 =	por !p1, p0  }
0x100: {  	p2 =	slt.s32 @!p0 s0, $0xFFFFFFF2;
	s0 =	simm.s32 @p1 $0x20;
	v8 =	vadd.s32 @!p0 v2, v8  }
0x101: {  	s10 =	simm.s32 @!p0 $0x1000;
	s0 =	sadd.s32 @!p0 $0xF, s0;
	[tilespmem:$0x1010] =	vst @!p0 v8  }
0x102: {  	[spmem:s3] =	stream.indirect.scatter.add.f32 @!p0 [tilespmem:s9], [sflag:$0x1], $0x80, s10, s4, $0xb8;
	[tilespmem:$0x17480] =	vst v63  }
0x103: {  	s4 =	sand.u32 @!p0 $0xF, s0  }
0x104: {  	p1 =	sne.s32 @!p0 s4, $0x0  }
0x105: {  	s4 =	sshra.s32 @!p0 s0, $0x1F;
	p1 =	por @!p0 !p2, !p1  }
0x106: {  	_ =	swait.ge @!p0 [sflag:s1], $0x1000;
	s4 =	sshrl.u32 @!p0 s4, $0x1C;
	p1 =	por @!p0 !p1, !p1  }
0x107: {  	[sflag:s1] =	ssyncset.done @!p0 $0x0;
	s0 =	sadd.s32 @!p0 s4, s0;
	p1 =	por !p1, p0  }
0x108: {  	[sflag:s1] =	ssyncadd.s32 @!p0 $0xFFFFF000;
	s0 =	sshra.s32 @!p0 s0, $0x4;
	s1 =	simm.s32 @p1 $0x0  }
0x109: {  	s0 =	ssub.s32 @!p0 s0, s1  }
0x10a: {  	p1 =	slt.s32 @!p0 s0, $0x1  }
0x10b: {  	p1 =	por p0, p1  }
.Ltmp9:
0x10c: {  	_ = 	snop;
	(pc) =	sbr.rel @p1 .LBB2_11-.Ltmp9, $2  }
0x10d: {  	_ =	sdelay $0x2  }
0x10e: {  	s4 =	simm.s32 @!p0 $0x1480;
	s1 =	smov.u32 s8  }
.LBB2_10:
0x10f: {  	v8 =	vld [tilespmem:s1+$0x0];
	_ =	sdelay $0x4  }
0x110: {  	(v2sf) =	vpush v8, $0x0;
	_ =	sdelay $0xe  }
0x111: {  	s9 =	spop (v2sf)  }
0x112: {  	s10 =	sshll.u32 s9, $0x9  }
0x113: {  	v9 =	vld [tilespmem:s4+$0xFFFFFC00];
	s10 =	sshra.s32 s10, $0x2  }
0x114: {  	v10 =	vld [tilespmem:s10+$0x2080];
	_ =	sdelay $0x4  }
0x115: {  	v9 =	vmax.f32 v10, v9  }
0x116: {  	v25 =	vld [tilespmem:s10+$0x2090];
	[tilespmem:s10+$0x2080] =	vst v9  }
0x117: {  	v9 =	vld [tilespmem:s4+$0xFFFFFC10];
	_ =	sdelay $0x4  }
0x118: {  	v9 =	vmax.f32 v25, v9  }
0x119: {  	v26 =	vld [tilespmem:s10+$0x20A0];
	[tilespmem:s10+$0x2090] =	vst v9  }
0x11a: {  	v9 =	vld [tilespmem:s4+$0xFFFFFC20];
	_ =	sdelay $0x4  }
0x11b: {  	v9 =	vmax.f32 v26, v9  }
0x11c: {  	v27 =	vld [tilespmem:s10+$0x20B0];
	[tilespmem:s10+$0x20A0] =	vst v9  }
0x11d: {  	v9 =	vld [tilespmem:s4+$0xFFFFFC30];
	_ =	sdelay $0x4  }
0x11e: {  	v9 =	vmax.f32 v27, v9  }
0x11f: {  	v28 =	vld [tilespmem:s10+$0x20C0];
	[tilespmem:s10+$0x20B0] =	vst v9  }
0x120: {  	v9 =	vld [tilespmem:s4+$0xFFFFFC40];
	_ =	sdelay $0x4  }
0x121: {  	v9 =	vmax.f32 v28, v9  }
0x122: {  	v29 =	vld [tilespmem:s10+$0x20D0];
	[tilespmem:s10+$0x20C0] =	vst v9  }
0x123: {  	v9 =	vld [tilespmem:s4+$0xFFFFFC50];
	_ =	sdelay $0x4  }
0x124: {  	v9 =	vmax.f32 v29, v9  }
0x125: {  	v30 =	vld [tilespmem:s10+$0x20E0];
	[tilespmem:s10+$0x20D0] =	vst v9  }
0x126: {  	v9 =	vld [tilespmem:s4+$0xFFFFFC60];
	_ =	sdelay $0x4  }
0x127: {  	(v2sf) =	vpush v8, $0x1;
	v9 =	vmax.f32 v30, v9  }
0x128: {  	v31 =	vld [tilespmem:s10+$0x20F0];
	[tilespmem:s10+$0x20E0] =	vst v9  }
0x129: {  	v9 =	vld [tilespmem:s4+$0xFFFFFC70];
	_ =	sdelay $0x4  }
0x12a: {  	s11 =	sshll.u32 s9, $0x3;
	v9 =	vmax.f32 v31, v9  }
0x12b: {  	s11 =	sand.u32 $0xFFFFFF80, s11;
	[tilespmem:s10+$0x20F0] =	vst v9  }
0x12c: {  	v9 =	vld [tilespmem:s11+$0xC480]  }
0x12d: {  	s9 =	sand.u32 $0xF, s9  }
0x12e: {  	v32 =	vmov s9  }
0x12f: {  	vm0 =	veq.s32 v32, v7  }
0x130: {  	v10 =	vsel vm0, $0x3F800000, v4  }
0x131: {  	v9 =	vadd.f32 v9, v10  }
0x132: {  	s9 =	spop (v2sf)  }
0x133: {  	[tilespmem:s11+$0xC480] =	vst v9;
	s11 =	sshll.u32 s9, $0x9  }
0x134: {  	v9 =	vld [tilespmem:s4+$0xFFFFFC80];
	s10 =	sshra.s32 s11, $0x2  }
0x135: {  	v33 =	vld [tilespmem:s10+$0x2080];
	_ =	sdelay $0x4  }
0x136: {  	v9 =	vmax.f32 v33, v9  }
0x137: {  	v34 =	vld [tilespmem:s10+$0x2090];
	[tilespmem:s10+$0x2080] =	vst v9  }
0x138: {  	v9 =	vld [tilespmem:s4+$0xFFFFFC90];
	_ =	sdelay $0x4  }
0x139: {  	v9 =	vmax.f32 v34, v9  }
0x13a: {  	v35 =	vld [tilespmem:s10+$0x20A0];
	[tilespmem:s10+$0x2090] =	vst v9  }
0x13b: {  	v9 =	vld [tilespmem:s4+$0xFFFFFCA0];
	_ =	sdelay $0x4  }
0x13c: {  	v9 =	vmax.f32 v35, v9  }
0x13d: {  	v36 =	vld [tilespmem:s10+$0x20B0];
	[tilespmem:s10+$0x20A0] =	vst v9  }
0x13e: {  	v9 =	vld [tilespmem:s4+$0xFFFFFCB0];
	_ =	sdelay $0x4  }
0x13f: {  	v9 =	vmax.f32 v36, v9  }
0x140: {  	v37 =	vld [tilespmem:s10+$0x20C0];
	[tilespmem:s10+$0x20B0] =	vst v9  }
0x141: {  	v9 =	vld [tilespmem:s4+$0xFFFFFCC0];
	_ =	sdelay $0x4  }
0x142: {  	v9 =	vmax.f32 v37, v9  }
0x143: {  	v38 =	vld [tilespmem:s10+$0x20D0];
	[tilespmem:s10+$0x20C0] =	vst v9  }
0x144: {  	v9 =	vld [tilespmem:s4+$0xFFFFFCD0];
	_ =	sdelay $0x4  }
0x145: {  	v9 =	vmax.f32 v38, v9  }
0x146: {  	v39 =	vld [tilespmem:s10+$0x20E0];
	[tilespmem:s10+$0x20D0] =	vst v9  }
0x147: {  	v9 =	vld [tilespmem:s4+$0xFFFFFCE0];
	_ =	sdelay $0x4  }
0x148: {  	(v2sf) =	vpush v8, $0x2;
	v9 =	vmax.f32 v39, v9  }
0x149: {  	v40 =	vld [tilespmem:s10+$0x20F0];
	[tilespmem:s10+$0x20E0] =	vst v9  }
0x14a: {  	v9 =	vld [tilespmem:s4+$0xFFFFFCF0];
	_ =	sdelay $0x4  }
0x14b: {  	s11 =	sshll.u32 s9, $0x3;
	v9 =	vmax.f32 v40, v9  }
0x14c: {  	s11 =	sand.u32 $0xFFFFFF80, s11;
	[tilespmem:s10+$0x20F0] =	vst v9  }
0x14d: {  	v9 =	vld [tilespmem:s11+$0xC480]  }
0x14e: {  	s9 =	sand.u32 $0xF, s9  }
0x14f: {  	v41 =	vmov s9  }
0x150: {  	vm13 =	veq.s32 v41, v7  }
0x151: {  	v10 =	vsel vm13, $0x3F800000, v4  }
0x152: {  	v9 =	vadd.f32 v9, v10  }
0x153: {  	s9 =	spop (v2sf)  }
0x154: {  	[tilespmem:s11+$0xC480] =	vst v9;
	s11 =	sshll.u32 s9, $0x9  }
0x155: {  	v9 =	vld [tilespmem:s4+$0xFFFFFD00];
	s10 =	sshra.s32 s11, $0x2  }
0x156: {  	v42 =	vld [tilespmem:s10+$0x2080];
	_ =	sdelay $0x4  }
0x157: {  	v9 =	vmax.f32 v42, v9  }
0x158: {  	v43 =	vld [tilespmem:s10+$0x2090];
	[tilespmem:s10+$0x2080] =	vst v9  }
0x159: {  	v9 =	vld [tilespmem:s4+$0xFFFFFD10];
	_ =	sdelay $0x4  }
0x15a: {  	v9 =	vmax.f32 v43, v9  }
0x15b: {  	v44 =	vld [tilespmem:s10+$0x20A0];
	[tilespmem:s10+$0x2090] =	vst v9  }
0x15c: {  	v9 =	vld [tilespmem:s4+$0xFFFFFD20];
	_ =	sdelay $0x4  }
0x15d: {  	v9 =	vmax.f32 v44, v9  }
0x15e: {  	v45 =	vld [tilespmem:s10+$0x20B0];
	[tilespmem:s10+$0x20A0] =	vst v9  }
0x15f: {  	v9 =	vld [tilespmem:s4+$0xFFFFFD30];
	_ =	sdelay $0x4  }
0x160: {  	v9 =	vmax.f32 v45, v9  }
0x161: {  	v46 =	vld [tilespmem:s10+$0x20C0];
	[tilespmem:s10+$0x20B0] =	vst v9  }
0x162: {  	v9 =	vld [tilespmem:s4+$0xFFFFFD40];
	_ =	sdelay $0x4  }
0x163: {  	v9 =	vmax.f32 v46, v9  }
0x164: {  	v47 =	vld [tilespmem:s10+$0x20D0];
	[tilespmem:s10+$0x20C0] =	vst v9  }
0x165: {  	v9 =	vld [tilespmem:s4+$0xFFFFFD50];
	_ =	sdelay $0x4  }
0x166: {  	v9 =	vmax.f32 v47, v9  }
0x167: {  	v48 =	vld [tilespmem:s10+$0x20E0];
	[tilespmem:s10+$0x20D0] =	vst v9  }
0x168: {  	v9 =	vld [tilespmem:s4+$0xFFFFFD60];
	_ =	sdelay $0x4  }
0x169: {  	(v2sf) =	vpush v8, $0x3;
	v9 =	vmax.f32 v48, v9  }
0x16a: {  	v49 =	vld [tilespmem:s10+$0x20F0];
	[tilespmem:s10+$0x20E0] =	vst v9  }
0x16b: {  	v9 =	vld [tilespmem:s4+$0xFFFFFD70];
	_ =	sdelay $0x4  }
0x16c: {  	s11 =	sshll.u32 s9, $0x3;
	v9 =	vmax.f32 v49, v9  }
0x16d: {  	s11 =	sand.u32 $0xFFFFFF80, s11;
	[tilespmem:s10+$0x20F0] =	vst v9  }
0x16e: {  	v9 =	vld [tilespmem:s11+$0xC480]  }
0x16f: {  	s9 =	sand.u32 $0xF, s9  }
0x170: {  	v50 =	vmov s9  }
0x171: {  	vm14 =	veq.s32 v50, v7  }
0x172: {  	v10 =	vsel vm14, $0x3F800000, v4  }
0x173: {  	v9 =	vadd.f32 v9, v10  }
0x174: {  	s9 =	spop (v2sf)  }
0x175: {  	[tilespmem:s11+$0xC480] =	vst v9;
	s11 =	sshll.u32 s9, $0x9  }
0x176: {  	v9 =	vld [tilespmem:s4+$0xFFFFFD80];
	s10 =	sshra.s32 s11, $0x2  }
0x177: {  	v51 =	vld [tilespmem:s10+$0x2080];
	_ =	sdelay $0x4  }
0x178: {  	v9 =	vmax.f32 v51, v9  }
0x179: {  	v52 =	vld [tilespmem:s10+$0x2090];
	[tilespmem:s10+$0x2080] =	vst v9  }
0x17a: {  	v9 =	vld [tilespmem:s4+$0xFFFFFD90];
	_ =	sdelay $0x4  }
0x17b: {  	v9 =	vmax.f32 v52, v9  }
0x17c: {  	v53 =	vld [tilespmem:s10+$0x20A0];
	[tilespmem:s10+$0x2090] =	vst v9  }
0x17d: {  	v9 =	vld [tilespmem:s4+$0xFFFFFDA0];
	_ =	sdelay $0x4  }
0x17e: {  	v9 =	vmax.f32 v53, v9  }
0x17f: {  	v54 =	vld [tilespmem:s10+$0x20B0];
	[tilespmem:s10+$0x20A0] =	vst v9  }
0x180: {  	v9 =	vld [tilespmem:s4+$0xFFFFFDB0];
	_ =	sdelay $0x4  }
0x181: {  	v9 =	vmax.f32 v54, v9  }
0x182: {  	v55 =	vld [tilespmem:s10+$0x20C0];
	[tilespmem:s10+$0x20B0] =	vst v9  }
0x183: {  	v9 =	vld [tilespmem:s4+$0xFFFFFDC0];
	_ =	sdelay $0x4  }
0x184: {  	v9 =	vmax.f32 v55, v9  }
0x185: {  	v56 =	vld [tilespmem:s10+$0x20D0];
	[tilespmem:s10+$0x20C0] =	vst v9  }
0x186: {  	v9 =	vld [tilespmem:s4+$0xFFFFFDD0];
	_ =	sdelay $0x4  }
0x187: {  	v9 =	vmax.f32 v56, v9  }
0x188: {  	v57 =	vld [tilespmem:s10+$0x20E0];
	[tilespmem:s10+$0x20D0] =	vst v9  }
0x189: {  	v9 =	vld [tilespmem:s4+$0xFFFFFDE0];
	_ =	sdelay $0x4  }
0x18a: {  	(v2sf) =	vpush v8, $0x4;
	v9 =	vmax.f32 v57, v9  }
0x18b: {  	v58 =	vld [tilespmem:s10+$0x20F0];
	[tilespmem:s10+$0x20E0] =	vst v9  }
0x18c: {  	v9 =	vld [tilespmem:s4+$0xFFFFFDF0];
	_ =	sdelay $0x4  }
0x18d: {  	s11 =	sshll.u32 s9, $0x3;
	v9 =	vmax.f32 v58, v9  }
0x18e: {  	s11 =	sand.u32 $0xFFFFFF80, s11;
	[tilespmem:s10+$0x20F0] =	vst v9  }
0x18f: {  	v9 =	vld [tilespmem:s11+$0xC480]  }
0x190: {  	s9 =	sand.u32 $0xF, s9  }
0x191: {  	v59 =	vmov s9  }
0x192: {  	vm15 =	veq.s32 v59, v7  }
0x193: {  	v10 =	vsel vm15, $0x3F800000, v4  }
0x194: {  	v9 =	vadd.f32 v9, v10  }
0x195: {  	s9 =	spop (v2sf)  }
0x196: {  	[tilespmem:s11+$0xC480] =	vst v9;
	s11 =	sshll.u32 s9, $0x9  }
0x197: {  	v9 =	vld [tilespmem:s4+$0xFFFFFE00];
	s10 =	sshra.s32 s11, $0x2  }
0x198: {  	v60 =	vld [tilespmem:s10+$0x2080];
	_ =	sdelay $0x4  }
0x199: {  	v9 =	vmax.f32 v60, v9  }
0x19a: {  	v61 =	vld [tilespmem:s10+$0x2090];
	[tilespmem:s10+$0x2080] =	vst v9  }
0x19b: {  	v9 =	vld [tilespmem:s4+$0xFFFFFE10];
	_ =	sdelay $0x4  }
0x19c: {  	v9 =	vmax.f32 v61, v9  }
0x19d: {  	v62 =	vld [tilespmem:s10+$0x20A0];
	[tilespmem:s10+$0x2090] =	vst v9  }
0x19e: {  	v9 =	vld [tilespmem:s4+$0xFFFFFE20];
	_ =	sdelay $0x4  }
0x19f: {  	v9 =	vmax.f32 v62, v9  }
0x1a0: {  	v63 =	vld [tilespmem:s10+$0x20B0];
	[tilespmem:s10+$0x20A0] =	vst v9  }
0x1a1: {  	v9 =	vld [tilespmem:s4+$0xFFFFFE30];
	_ =	sdelay $0x4  }
0x1a2: {  	v9 =	vmax.f32 v63, v9  }
0x1a3: {  	v12 =	vld [tilespmem:s10+$0x20C0];
	[tilespmem:s10+$0x20B0] =	vst v9  }
0x1a4: {  	v9 =	vld [tilespmem:s4+$0xFFFFFE40];
	_ =	sdelay $0x4  }
0x1a5: {  	v9 =	vmax.f32 v12, v9  }
0x1a6: {  	v13 =	vld [tilespmem:s10+$0x20D0];
	[tilespmem:s10+$0x20C0] =	vst v9  }
0x1a7: {  	v9 =	vld [tilespmem:s4+$0xFFFFFE50];
	_ =	sdelay $0x4  }
0x1a8: {  	v9 =	vmax.f32 v13, v9  }
0x1a9: {  	v14 =	vld [tilespmem:s10+$0x20E0];
	[tilespmem:s10+$0x20D0] =	vst v9  }
0x1aa: {  	v9 =	vld [tilespmem:s4+$0xFFFFFE60];
	_ =	sdelay $0x4  }
0x1ab: {  	(v2sf) =	vpush v8, $0x5;
	v9 =	vmax.f32 v14, v9  }
0x1ac: {  	v15 =	vld [tilespmem:s10+$0x20F0];
	[tilespmem:s10+$0x20E0] =	vst v9  }
0x1ad: {  	v9 =	vld [tilespmem:s4+$0xFFFFFE70];
	_ =	sdelay $0x4  }
0x1ae: {  	s11 =	sshll.u32 s9, $0x3;
	v9 =	vmax.f32 v15, v9  }
0x1af: {  	s11 =	sand.u32 $0xFFFFFF80, s11;
	[tilespmem:s10+$0x20F0] =	vst v9  }
0x1b0: {  	v9 =	vld [tilespmem:s11+$0xC480]  }
0x1b1: {  	s9 =	sand.u32 $0xF, s9  }
0x1b2: {  	v16 =	vmov s9  }
0x1b3: {  	vm4 =	veq.s32 v16, v7  }
0x1b4: {  	v10 =	vsel vm4, $0x3F800000, v4  }
0x1b5: {  	v9 =	vadd.f32 v9, v10  }
0x1b6: {  	s9 =	spop (v2sf)  }
0x1b7: {  	[tilespmem:s11+$0xC480] =	vst v9;
	s11 =	sshll.u32 s9, $0x9  }
0x1b8: {  	v9 =	vld [tilespmem:s4+$0xFFFFFE80];
	s10 =	sshra.s32 s11, $0x2  }
0x1b9: {  	v17 =	vld [tilespmem:s10+$0x2080];
	_ =	sdelay $0x4  }
0x1ba: {  	v9 =	vmax.f32 v17, v9  }
0x1bb: {  	v18 =	vld [tilespmem:s10+$0x2090];
	[tilespmem:s10+$0x2080] =	vst v9  }
0x1bc: {  	v9 =	vld [tilespmem:s4+$0xFFFFFE90];
	_ =	sdelay $0x4  }
0x1bd: {  	v9 =	vmax.f32 v18, v9  }
0x1be: {  	v19 =	vld [tilespmem:s10+$0x20A0];
	[tilespmem:s10+$0x2090] =	vst v9  }
0x1bf: {  	v9 =	vld [tilespmem:s4+$0xFFFFFEA0];
	_ =	sdelay $0x4  }
0x1c0: {  	v9 =	vmax.f32 v19, v9  }
0x1c1: {  	v20 =	vld [tilespmem:s10+$0x20B0];
	[tilespmem:s10+$0x20A0] =	vst v9  }
0x1c2: {  	v9 =	vld [tilespmem:s4+$0xFFFFFEB0];
	_ =	sdelay $0x4  }
0x1c3: {  	v9 =	vmax.f32 v20, v9  }
0x1c4: {  	v21 =	vld [tilespmem:s10+$0x20C0];
	[tilespmem:s10+$0x20B0] =	vst v9  }
0x1c5: {  	v9 =	vld [tilespmem:s4+$0xFFFFFEC0];
	_ =	sdelay $0x4  }
0x1c6: {  	v9 =	vmax.f32 v21, v9  }
0x1c7: {  	v22 =	vld [tilespmem:s10+$0x20D0];
	[tilespmem:s10+$0x20C0] =	vst v9  }
0x1c8: {  	v9 =	vld [tilespmem:s4+$0xFFFFFED0];
	_ =	sdelay $0x4  }
0x1c9: {  	v9 =	vmax.f32 v22, v9  }
0x1ca: {  	v23 =	vld [tilespmem:s10+$0x20E0];
	[tilespmem:s10+$0x20D0] =	vst v9  }
0x1cb: {  	v9 =	vld [tilespmem:s4+$0xFFFFFEE0];
	_ =	sdelay $0x4  }
0x1cc: {  	(v2sf) =	vpush v8, $0x6;
	v9 =	vmax.f32 v23, v9  }
0x1cd: {  	v24 =	vld [tilespmem:s10+$0x20F0];
	[tilespmem:s10+$0x20E0] =	vst v9  }
0x1ce: {  	v9 =	vld [tilespmem:s4+$0xFFFFFEF0];
	_ =	sdelay $0x4  }
0x1cf: {  	s11 =	sshll.u32 s9, $0x3;
	v9 =	vmax.f32 v24, v9  }
0x1d0: {  	s11 =	sand.u32 $0xFFFFFF80, s11;
	[tilespmem:s10+$0x20F0] =	vst v9  }
0x1d1: {  	v9 =	vld [tilespmem:s11+$0xC480]  }
0x1d2: {  	s9 =	sand.u32 $0xF, s9  }
0x1d3: {  	v25 =	vmov s9  }
0x1d4: {  	vm5 =	veq.s32 v25, v7  }
0x1d5: {  	v10 =	vsel vm5, $0x3F800000, v4  }
0x1d6: {  	v9 =	vadd.f32 v9, v10  }
0x1d7: {  	s9 =	spop (v2sf)  }
0x1d8: {  	[tilespmem:s11+$0xC480] =	vst v9;
	s11 =	sshll.u32 s9, $0x9  }
0x1d9: {  	v9 =	vld [tilespmem:s4+$0xFFFFFF00];
	s10 =	sshra.s32 s11, $0x2  }
0x1da: {  	v26 =	vld [tilespmem:s10+$0x2080];
	_ =	sdelay $0x4  }
0x1db: {  	v9 =	vmax.f32 v26, v9  }
0x1dc: {  	v27 =	vld [tilespmem:s10+$0x2090];
	[tilespmem:s10+$0x2080] =	vst v9  }
0x1dd: {  	v9 =	vld [tilespmem:s4+$0xFFFFFF10];
	_ =	sdelay $0x4  }
0x1de: {  	v9 =	vmax.f32 v27, v9  }
0x1df: {  	v28 =	vld [tilespmem:s10+$0x20A0];
	[tilespmem:s10+$0x2090] =	vst v9  }
0x1e0: {  	v9 =	vld [tilespmem:s4+$0xFFFFFF20];
	_ =	sdelay $0x4  }
0x1e1: {  	v9 =	vmax.f32 v28, v9  }
0x1e2: {  	v29 =	vld [tilespmem:s10+$0x20B0];
	[tilespmem:s10+$0x20A0] =	vst v9  }
0x1e3: {  	v9 =	vld [tilespmem:s4+$0xFFFFFF30];
	_ =	sdelay $0x4  }
0x1e4: {  	v9 =	vmax.f32 v29, v9  }
0x1e5: {  	v30 =	vld [tilespmem:s10+$0x20C0];
	[tilespmem:s10+$0x20B0] =	vst v9  }
0x1e6: {  	v9 =	vld [tilespmem:s4+$0xFFFFFF40];
	_ =	sdelay $0x4  }
0x1e7: {  	v9 =	vmax.f32 v30, v9  }
0x1e8: {  	v31 =	vld [tilespmem:s10+$0x20D0];
	[tilespmem:s10+$0x20C0] =	vst v9  }
0x1e9: {  	v9 =	vld [tilespmem:s4+$0xFFFFFF50];
	_ =	sdelay $0x4  }
0x1ea: {  	v9 =	vmax.f32 v31, v9  }
0x1eb: {  	v32 =	vld [tilespmem:s10+$0x20E0];
	[tilespmem:s10+$0x20D0] =	vst v9  }
0x1ec: {  	v9 =	vld [tilespmem:s4+$0xFFFFFF60];
	_ =	sdelay $0x4  }
0x1ed: {  	(v2sf) =	vpush v8, $0x7;
	v9 =	vmax.f32 v32, v9  }
0x1ee: {  	v33 =	vld [tilespmem:s10+$0x20F0];
	[tilespmem:s10+$0x20E0] =	vst v9  }
0x1ef: {  	v9 =	vld [tilespmem:s4+$0xFFFFFF70];
	_ =	sdelay $0x4  }
0x1f0: {  	s11 =	sshll.u32 s9, $0x3;
	v9 =	vmax.f32 v33, v9  }
0x1f1: {  	s11 =	sand.u32 $0xFFFFFF80, s11;
	[tilespmem:s10+$0x20F0] =	vst v9  }
0x1f2: {  	v9 =	vld [tilespmem:s11+$0xC480]  }
0x1f3: {  	s9 =	sand.u32 $0xF, s9  }
0x1f4: {  	v34 =	vmov s9  }
0x1f5: {  	vm6 =	veq.s32 v34, v7  }
0x1f6: {  	v10 =	vsel vm6, $0x3F800000, v4  }
0x1f7: {  	v9 =	vadd.f32 v9, v10  }
0x1f8: {  	s9 =	spop (v2sf)  }
0x1f9: {  	[tilespmem:s11+$0xC480] =	vst v9;
	s11 =	sshll.u32 s9, $0x9  }
0x1fa: {  	v9 =	vld [tilespmem:s4+$0xFFFFFF80];
	s10 =	sshra.s32 s11, $0x2  }
0x1fb: {  	v35 =	vld [tilespmem:s10+$0x2080];
	_ =	sdelay $0x4  }
0x1fc: {  	v9 =	vmax.f32 v35, v9  }
0x1fd: {  	v36 =	vld [tilespmem:s10+$0x2090];
	[tilespmem:s10+$0x2080] =	vst v9  }
0x1fe: {  	v9 =	vld [tilespmem:s4+$0xFFFFFF90];
	_ =	sdelay $0x4  }
0x1ff: {  	v9 =	vmax.f32 v36, v9  }
0x200: {  	v37 =	vld [tilespmem:s10+$0x20A0];
	[tilespmem:s10+$0x2090] =	vst v9  }
0x201: {  	v9 =	vld [tilespmem:s4+$0xFFFFFFA0];
	_ =	sdelay $0x4  }
0x202: {  	v9 =	vmax.f32 v37, v9  }
0x203: {  	v38 =	vld [tilespmem:s10+$0x20B0];
	[tilespmem:s10+$0x20A0] =	vst v9  }
0x204: {  	v9 =	vld [tilespmem:s4+$0xFFFFFFB0];
	_ =	sdelay $0x4  }
0x205: {  	v9 =	vmax.f32 v38, v9  }
0x206: {  	v39 =	vld [tilespmem:s10+$0x20C0];
	[tilespmem:s10+$0x20B0] =	vst v9  }
0x207: {  	v9 =	vld [tilespmem:s4+$0xFFFFFFC0];
	_ =	sdelay $0x4  }
0x208: {  	v9 =	vmax.f32 v39, v9  }
0x209: {  	v40 =	vld [tilespmem:s10+$0x20D0];
	[tilespmem:s10+$0x20C0] =	vst v9  }
0x20a: {  	v9 =	vld [tilespmem:s4+$0xFFFFFFD0];
	_ =	sdelay $0x4  }
0x20b: {  	v9 =	vmax.f32 v40, v9  }
0x20c: {  	v41 =	vld [tilespmem:s10+$0x20E0];
	[tilespmem:s10+$0x20D0] =	vst v9  }
0x20d: {  	v9 =	vld [tilespmem:s4+$0xFFFFFFE0];
	_ =	sdelay $0x4  }
0x20e: {  	(v2sf) =	vpush v8, $0x8;
	v9 =	vmax.f32 v41, v9  }
0x20f: {  	v42 =	vld [tilespmem:s10+$0x20F0];
	[tilespmem:s10+$0x20E0] =	vst v9  }
0x210: {  	v9 =	vld [tilespmem:s4+$0xFFFFFFF0];
	_ =	sdelay $0x4  }
0x211: {  	s11 =	sshll.u32 s9, $0x3;
	v9 =	vmax.f32 v42, v9  }
0x212: {  	s11 =	sand.u32 $0xFFFFFF80, s11;
	[tilespmem:s10+$0x20F0] =	vst v9  }
0x213: {  	v9 =	vld [tilespmem:s11+$0xC480]  }
0x214: {  	s9 =	sand.u32 $0xF, s9  }
0x215: {  	v43 =	vmov s9  }
0x216: {  	vm7 =	veq.s32 v43, v7  }
0x217: {  	v10 =	vsel vm7, $0x3F800000, v4  }
0x218: {  	v9 =	vadd.f32 v9, v10  }
0x219: {  	s9 =	spop (v2sf)  }
0x21a: {  	[tilespmem:s11+$0xC480] =	vst v9;
	s11 =	sshll.u32 s9, $0x9  }
0x21b: {  	v9 =	vld [tilespmem:s4+$0x0];
	s10 =	sshra.s32 s11, $0x2  }
0x21c: {  	v44 =	vld [tilespmem:s10+$0x2080];
	_ =	sdelay $0x4  }
0x21d: {  	v9 =	vmax.f32 v44, v9  }
0x21e: {  	v45 =	vld [tilespmem:s10+$0x2090];
	[tilespmem:s10+$0x2080] =	vst v9  }
0x21f: {  	v9 =	vld [tilespmem:s4+$0x10];
	_ =	sdelay $0x4  }
0x220: {  	v9 =	vmax.f32 v45, v9  }
0x221: {  	v46 =	vld [tilespmem:s10+$0x20A0];
	[tilespmem:s10+$0x2090] =	vst v9  }
0x222: {  	v9 =	vld [tilespmem:s4+$0x20];
	_ =	sdelay $0x4  }
0x223: {  	v9 =	vmax.f32 v46, v9  }
0x224: {  	v47 =	vld [tilespmem:s10+$0x20B0];
	[tilespmem:s10+$0x20A0] =	vst v9  }
0x225: {  	v9 =	vld [tilespmem:s4+$0x30];
	_ =	sdelay $0x4  }
0x226: {  	v9 =	vmax.f32 v47, v9  }
0x227: {  	v48 =	vld [tilespmem:s10+$0x20C0];
	[tilespmem:s10+$0x20B0] =	vst v9  }
0x228: {  	v9 =	vld [tilespmem:s4+$0x40];
	_ =	sdelay $0x4  }
0x229: {  	v9 =	vmax.f32 v48, v9  }
0x22a: {  	v49 =	vld [tilespmem:s10+$0x20D0];
	[tilespmem:s10+$0x20C0] =	vst v9  }
0x22b: {  	v9 =	vld [tilespmem:s4+$0x50];
	_ =	sdelay $0x4  }
0x22c: {  	v9 =	vmax.f32 v49, v9  }
0x22d: {  	v50 =	vld [tilespmem:s10+$0x20E0];
	[tilespmem:s10+$0x20D0] =	vst v9  }
0x22e: {  	v9 =	vld [tilespmem:s4+$0x60];
	_ =	sdelay $0x4  }
0x22f: {  	(v2sf) =	vpush v8, $0x9;
	v9 =	vmax.f32 v50, v9  }
0x230: {  	v51 =	vld [tilespmem:s10+$0x20F0];
	[tilespmem:s10+$0x20E0] =	vst v9  }
0x231: {  	v9 =	vld [tilespmem:s4+$0x70];
	_ =	sdelay $0x4  }
0x232: {  	s11 =	sshll.u32 s9, $0x3;
	v9 =	vmax.f32 v51, v9  }
0x233: {  	s11 =	sand.u32 $0xFFFFFF80, s11;
	[tilespmem:s10+$0x20F0] =	vst v9  }
0x234: {  	v9 =	vld [tilespmem:s11+$0xC480]  }
0x235: {  	s9 =	sand.u32 $0xF, s9  }
0x236: {  	v52 =	vmov s9  }
0x237: {  	vm8 =	veq.s32 v52, v7  }
0x238: {  	v10 =	vsel vm8, $0x3F800000, v4  }
0x239: {  	v9 =	vadd.f32 v9, v10  }
0x23a: {  	s9 =	spop (v2sf)  }
0x23b: {  	[tilespmem:s11+$0xC480] =	vst v9;
	s11 =	sshll.u32 s9, $0x9  }
0x23c: {  	v9 =	vld [tilespmem:s4+$0x80];
	s10 =	sshra.s32 s11, $0x2  }
0x23d: {  	v53 =	vld [tilespmem:s10+$0x2080];
	_ =	sdelay $0x4  }
0x23e: {  	v9 =	vmax.f32 v53, v9  }
0x23f: {  	v54 =	vld [tilespmem:s10+$0x2090];
	[tilespmem:s10+$0x2080] =	vst v9  }
0x240: {  	v9 =	vld [tilespmem:s4+$0x90];
	_ =	sdelay $0x4  }
0x241: {  	v9 =	vmax.f32 v54, v9  }
0x242: {  	v55 =	vld [tilespmem:s10+$0x20A0];
	[tilespmem:s10+$0x2090] =	vst v9  }
0x243: {  	v9 =	vld [tilespmem:s4+$0xA0];
	_ =	sdelay $0x4  }
0x244: {  	v9 =	vmax.f32 v55, v9  }
0x245: {  	v56 =	vld [tilespmem:s10+$0x20B0];
	[tilespmem:s10+$0x20A0] =	vst v9  }
0x246: {  	v9 =	vld [tilespmem:s4+$0xB0];
	_ =	sdelay $0x4  }
0x247: {  	v9 =	vmax.f32 v56, v9  }
0x248: {  	v57 =	vld [tilespmem:s10+$0x20C0];
	[tilespmem:s10+$0x20B0] =	vst v9  }
0x249: {  	v9 =	vld [tilespmem:s4+$0xC0];
	_ =	sdelay $0x4  }
0x24a: {  	v9 =	vmax.f32 v57, v9  }
0x24b: {  	v58 =	vld [tilespmem:s10+$0x20D0];
	[tilespmem:s10+$0x20C0] =	vst v9  }
0x24c: {  	v9 =	vld [tilespmem:s4+$0xD0];
	_ =	sdelay $0x4  }
0x24d: {  	v9 =	vmax.f32 v58, v9  }
0x24e: {  	v59 =	vld [tilespmem:s10+$0x20E0];
	[tilespmem:s10+$0x20D0] =	vst v9  }
0x24f: {  	v9 =	vld [tilespmem:s4+$0xE0];
	_ =	sdelay $0x4  }
0x250: {  	(v2sf) =	vpush v8, $0xA;
	v9 =	vmax.f32 v59, v9  }
0x251: {  	v60 =	vld [tilespmem:s10+$0x20F0];
	[tilespmem:s10+$0x20E0] =	vst v9  }
0x252: {  	v9 =	vld [tilespmem:s4+$0xF0];
	_ =	sdelay $0x4  }
0x253: {  	s11 =	sshll.u32 s9, $0x3;
	v9 =	vmax.f32 v60, v9  }
0x254: {  	s11 =	sand.u32 $0xFFFFFF80, s11;
	[tilespmem:s10+$0x20F0] =	vst v9  }
0x255: {  	v9 =	vld [tilespmem:s11+$0xC480]  }
0x256: {  	s9 =	sand.u32 $0xF, s9  }
0x257: {  	v61 =	vmov s9  }
0x258: {  	vm9 =	veq.s32 v61, v7  }
0x259: {  	v10 =	vsel vm9, $0x3F800000, v4  }
0x25a: {  	v9 =	vadd.f32 v9, v10  }
0x25b: {  	s9 =	spop (v2sf)  }
0x25c: {  	[tilespmem:s11+$0xC480] =	vst v9;
	s11 =	sshll.u32 s9, $0x9  }
0x25d: {  	v9 =	vld [tilespmem:s4+$0x100];
	s10 =	sshra.s32 s11, $0x2  }
0x25e: {  	v62 =	vld [tilespmem:s10+$0x2080];
	_ =	sdelay $0x4  }
0x25f: {  	v9 =	vmax.f32 v62, v9  }
0x260: {  	v63 =	vld [tilespmem:s10+$0x2090];
	[tilespmem:s10+$0x2080] =	vst v9  }
0x261: {  	v9 =	vld [tilespmem:s4+$0x110];
	_ =	sdelay $0x4  }
0x262: {  	v9 =	vmax.f32 v63, v9  }
0x263: {  	v12 =	vld [tilespmem:s10+$0x20A0];
	[tilespmem:s10+$0x2090] =	vst v9  }
0x264: {  	v9 =	vld [tilespmem:s4+$0x120];
	_ =	sdelay $0x4  }
0x265: {  	v9 =	vmax.f32 v12, v9  }
0x266: {  	v13 =	vld [tilespmem:s10+$0x20B0];
	[tilespmem:s10+$0x20A0] =	vst v9  }
0x267: {  	v9 =	vld [tilespmem:s4+$0x130];
	_ =	sdelay $0x4  }
0x268: {  	v9 =	vmax.f32 v13, v9  }
0x269: {  	v14 =	vld [tilespmem:s10+$0x20C0];
	[tilespmem:s10+$0x20B0] =	vst v9  }
0x26a: {  	v9 =	vld [tilespmem:s4+$0x140];
	_ =	sdelay $0x4  }
0x26b: {  	v9 =	vmax.f32 v14, v9  }
0x26c: {  	v15 =	vld [tilespmem:s10+$0x20D0];
	[tilespmem:s10+$0x20C0] =	vst v9  }
0x26d: {  	v9 =	vld [tilespmem:s4+$0x150];
	_ =	sdelay $0x4  }
0x26e: {  	v9 =	vmax.f32 v15, v9  }
0x26f: {  	v16 =	vld [tilespmem:s10+$0x20E0];
	[tilespmem:s10+$0x20D0] =	vst v9  }
0x270: {  	v9 =	vld [tilespmem:s4+$0x160];
	_ =	sdelay $0x4  }
0x271: {  	(v2sf) =	vpush v8, $0xB;
	v9 =	vmax.f32 v16, v9  }
0x272: {  	v17 =	vld [tilespmem:s10+$0x20F0];
	[tilespmem:s10+$0x20E0] =	vst v9  }
0x273: {  	v9 =	vld [tilespmem:s4+$0x170];
	_ =	sdelay $0x4  }
0x274: {  	s11 =	sshll.u32 s9, $0x3;
	v9 =	vmax.f32 v17, v9  }
0x275: {  	s11 =	sand.u32 $0xFFFFFF80, s11;
	[tilespmem:s10+$0x20F0] =	vst v9  }
0x276: {  	v9 =	vld [tilespmem:s11+$0xC480]  }
0x277: {  	s9 =	sand.u32 $0xF, s9  }
0x278: {  	v18 =	vmov s9  }
0x279: {  	vm10 =	veq.s32 v18, v7  }
0x27a: {  	v10 =	vsel vm10, $0x3F800000, v4  }
0x27b: {  	v9 =	vadd.f32 v9, v10  }
0x27c: {  	s9 =	spop (v2sf)  }
0x27d: {  	[tilespmem:s11+$0xC480] =	vst v9;
	s11 =	sshll.u32 s9, $0x9  }
0x27e: {  	v9 =	vld [tilespmem:s4+$0x180];
	s10 =	sshra.s32 s11, $0x2  }
0x27f: {  	v19 =	vld [tilespmem:s10+$0x2080];
	_ =	sdelay $0x4  }
0x280: {  	v9 =	vmax.f32 v19, v9  }
0x281: {  	v20 =	vld [tilespmem:s10+$0x2090];
	[tilespmem:s10+$0x2080] =	vst v9  }
0x282: {  	v9 =	vld [tilespmem:s4+$0x190];
	_ =	sdelay $0x4  }
0x283: {  	v9 =	vmax.f32 v20, v9  }
0x284: {  	v21 =	vld [tilespmem:s10+$0x20A0];
	[tilespmem:s10+$0x2090] =	vst v9  }
0x285: {  	v9 =	vld [tilespmem:s4+$0x1A0];
	_ =	sdelay $0x4  }
0x286: {  	v9 =	vmax.f32 v21, v9  }
0x287: {  	v22 =	vld [tilespmem:s10+$0x20B0];
	[tilespmem:s10+$0x20A0] =	vst v9  }
0x288: {  	v9 =	vld [tilespmem:s4+$0x1B0];
	_ =	sdelay $0x4  }
0x289: {  	v9 =	vmax.f32 v22, v9  }
0x28a: {  	v23 =	vld [tilespmem:s10+$0x20C0];
	[tilespmem:s10+$0x20B0] =	vst v9  }
0x28b: {  	v9 =	vld [tilespmem:s4+$0x1C0];
	_ =	sdelay $0x4  }
0x28c: {  	v9 =	vmax.f32 v23, v9  }
0x28d: {  	v24 =	vld [tilespmem:s10+$0x20D0];
	[tilespmem:s10+$0x20C0] =	vst v9  }
0x28e: {  	v9 =	vld [tilespmem:s4+$0x1D0];
	_ =	sdelay $0x4  }
0x28f: {  	v9 =	vmax.f32 v24, v9  }
0x290: {  	v25 =	vld [tilespmem:s10+$0x20E0];
	[tilespmem:s10+$0x20D0] =	vst v9  }
0x291: {  	v9 =	vld [tilespmem:s4+$0x1E0];
	_ =	sdelay $0x4  }
0x292: {  	(v2sf) =	vpush v8, $0xC;
	v9 =	vmax.f32 v25, v9  }
0x293: {  	v26 =	vld [tilespmem:s10+$0x20F0];
	[tilespmem:s10+$0x20E0] =	vst v9  }
0x294: {  	v9 =	vld [tilespmem:s4+$0x1F0];
	_ =	sdelay $0x4  }
0x295: {  	s11 =	sshll.u32 s9, $0x3;
	v9 =	vmax.f32 v26, v9  }
0x296: {  	s11 =	sand.u32 $0xFFFFFF80, s11;
	[tilespmem:s10+$0x20F0] =	vst v9  }
0x297: {  	v9 =	vld [tilespmem:s11+$0xC480]  }
0x298: {  	s9 =	sand.u32 $0xF, s9  }
0x299: {  	v27 =	vmov s9  }
0x29a: {  	vm11 =	veq.s32 v27, v7  }
0x29b: {  	v10 =	vsel vm11, $0x3F800000, v4  }
0x29c: {  	v9 =	vadd.f32 v9, v10  }
0x29d: {  	s9 =	spop (v2sf)  }
0x29e: {  	[tilespmem:s11+$0xC480] =	vst v9;
	s11 =	sshll.u32 s9, $0x9  }
0x29f: {  	v9 =	vld [tilespmem:s4+$0x200];
	s10 =	sshra.s32 s11, $0x2  }
0x2a0: {  	v28 =	vld [tilespmem:s10+$0x2080];
	_ =	sdelay $0x4  }
0x2a1: {  	v9 =	vmax.f32 v28, v9  }
0x2a2: {  	v29 =	vld [tilespmem:s10+$0x2090];
	[tilespmem:s10+$0x2080] =	vst v9  }
0x2a3: {  	v9 =	vld [tilespmem:s4+$0x210];
	_ =	sdelay $0x4  }
0x2a4: {  	v9 =	vmax.f32 v29, v9  }
0x2a5: {  	v30 =	vld [tilespmem:s10+$0x20A0];
	[tilespmem:s10+$0x2090] =	vst v9  }
0x2a6: {  	v9 =	vld [tilespmem:s4+$0x220];
	_ =	sdelay $0x4  }
0x2a7: {  	v9 =	vmax.f32 v30, v9  }
0x2a8: {  	v31 =	vld [tilespmem:s10+$0x20B0];
	[tilespmem:s10+$0x20A0] =	vst v9  }
0x2a9: {  	v9 =	vld [tilespmem:s4+$0x230];
	_ =	sdelay $0x4  }
0x2aa: {  	v9 =	vmax.f32 v31, v9  }
0x2ab: {  	v32 =	vld [tilespmem:s10+$0x20C0];
	[tilespmem:s10+$0x20B0] =	vst v9  }
0x2ac: {  	v9 =	vld [tilespmem:s4+$0x240];
	_ =	sdelay $0x4  }
0x2ad: {  	v9 =	vmax.f32 v32, v9  }
0x2ae: {  	v33 =	vld [tilespmem:s10+$0x20D0];
	[tilespmem:s10+$0x20C0] =	vst v9  }
0x2af: {  	v9 =	vld [tilespmem:s4+$0x250];
	_ =	sdelay $0x4  }
0x2b0: {  	v9 =	vmax.f32 v33, v9  }
0x2b1: {  	v34 =	vld [tilespmem:s10+$0x20E0];
	[tilespmem:s10+$0x20D0] =	vst v9  }
0x2b2: {  	v9 =	vld [tilespmem:s4+$0x260];
	_ =	sdelay $0x4  }
0x2b3: {  	(v2sf) =	vpush v8, $0xD;
	v9 =	vmax.f32 v34, v9  }
0x2b4: {  	v35 =	vld [tilespmem:s10+$0x20F0];
	[tilespmem:s10+$0x20E0] =	vst v9  }
0x2b5: {  	v9 =	vld [tilespmem:s4+$0x270];
	_ =	sdelay $0x4  }
0x2b6: {  	s11 =	sshll.u32 s9, $0x3;
	v9 =	vmax.f32 v35, v9  }
0x2b7: {  	s11 =	sand.u32 $0xFFFFFF80, s11;
	[tilespmem:s10+$0x20F0] =	vst v9  }
0x2b8: {  	v9 =	vld [tilespmem:s11+$0xC480]  }
0x2b9: {  	s9 =	sand.u32 $0xF, s9  }
0x2ba: {  	v36 =	vmov s9  }
0x2bb: {  	vm12 =	veq.s32 v36, v7  }
0x2bc: {  	v10 =	vsel vm12, $0x3F800000, v4  }
0x2bd: {  	v9 =	vadd.f32 v9, v10  }
0x2be: {  	s9 =	spop (v2sf)  }
0x2bf: {  	[tilespmem:s11+$0xC480] =	vst v9;
	s11 =	sshll.u32 s9, $0x9  }
0x2c0: {  	v9 =	vld [tilespmem:s4+$0x280];
	s10 =	sshra.s32 s11, $0x2  }
0x2c1: {  	v37 =	vld [tilespmem:s10+$0x2080];
	_ =	sdelay $0x4  }
0x2c2: {  	v9 =	vmax.f32 v37, v9  }
0x2c3: {  	v38 =	vld [tilespmem:s10+$0x2090];
	[tilespmem:s10+$0x2080] =	vst v9  }
0x2c4: {  	v9 =	vld [tilespmem:s4+$0x290];
	_ =	sdelay $0x4  }
0x2c5: {  	v9 =	vmax.f32 v38, v9  }
0x2c6: {  	v39 =	vld [tilespmem:s10+$0x20A0];
	[tilespmem:s10+$0x2090] =	vst v9  }
0x2c7: {  	v9 =	vld [tilespmem:s4+$0x2A0];
	_ =	sdelay $0x4  }
0x2c8: {  	v9 =	vmax.f32 v39, v9  }
0x2c9: {  	v40 =	vld [tilespmem:s10+$0x20B0];
	[tilespmem:s10+$0x20A0] =	vst v9  }
0x2ca: {  	v9 =	vld [tilespmem:s4+$0x2B0];
	_ =	sdelay $0x4  }
0x2cb: {  	v9 =	vmax.f32 v40, v9  }
0x2cc: {  	v41 =	vld [tilespmem:s10+$0x20C0];
	[tilespmem:s10+$0x20B0] =	vst v9  }
0x2cd: {  	v9 =	vld [tilespmem:s4+$0x2C0];
	_ =	sdelay $0x4  }
0x2ce: {  	v9 =	vmax.f32 v41, v9  }
0x2cf: {  	v42 =	vld [tilespmem:s10+$0x20D0];
	[tilespmem:s10+$0x20C0] =	vst v9  }
0x2d0: {  	v9 =	vld [tilespmem:s4+$0x2D0];
	_ =	sdelay $0x4  }
0x2d1: {  	v9 =	vmax.f32 v42, v9  }
0x2d2: {  	v43 =	vld [tilespmem:s10+$0x20E0];
	[tilespmem:s10+$0x20D0] =	vst v9  }
0x2d3: {  	v9 =	vld [tilespmem:s4+$0x2E0];
	_ =	sdelay $0x4  }
0x2d4: {  	(v2sf) =	vpush v8, $0xE;
	v9 =	vmax.f32 v43, v9  }
0x2d5: {  	v44 =	vld [tilespmem:s10+$0x20F0];
	[tilespmem:s10+$0x20E0] =	vst v9  }
0x2d6: {  	v9 =	vld [tilespmem:s4+$0x2F0];
	_ =	sdelay $0x4  }
0x2d7: {  	s11 =	sshll.u32 s9, $0x3;
	v9 =	vmax.f32 v44, v9  }
0x2d8: {  	s11 =	sand.u32 $0xFFFFFF80, s11;
	[tilespmem:s10+$0x20F0] =	vst v9  }
0x2d9: {  	v9 =	vld [tilespmem:s11+$0xC480]  }
0x2da: {  	s9 =	sand.u32 $0xF, s9  }
0x2db: {  	v45 =	vmov s9  }
0x2dc: {  	vm13 =	veq.s32 v45, v7  }
0x2dd: {  	v10 =	vsel vm13, $0x3F800000, v4  }
0x2de: {  	v9 =	vadd.f32 v9, v10  }
0x2df: {  	s9 =	spop (v2sf)  }
0x2e0: {  	[tilespmem:s11+$0xC480] =	vst v9;
	s11 =	sshll.u32 s9, $0x9  }
0x2e1: {  	v9 =	vld [tilespmem:s4+$0x300];
	s10 =	sshra.s32 s11, $0x2  }
0x2e2: {  	v46 =	vld [tilespmem:s10+$0x2080];
	_ =	sdelay $0x4  }
0x2e3: {  	v9 =	vmax.f32 v46, v9  }
0x2e4: {  	v47 =	vld [tilespmem:s10+$0x2090];
	[tilespmem:s10+$0x2080] =	vst v9  }
0x2e5: {  	v9 =	vld [tilespmem:s4+$0x310];
	_ =	sdelay $0x4  }
0x2e6: {  	v9 =	vmax.f32 v47, v9  }
0x2e7: {  	v48 =	vld [tilespmem:s10+$0x20A0];
	[tilespmem:s10+$0x2090] =	vst v9  }
0x2e8: {  	v9 =	vld [tilespmem:s4+$0x320];
	_ =	sdelay $0x4  }
0x2e9: {  	v9 =	vmax.f32 v48, v9  }
0x2ea: {  	v49 =	vld [tilespmem:s10+$0x20B0];
	[tilespmem:s10+$0x20A0] =	vst v9  }
0x2eb: {  	v9 =	vld [tilespmem:s4+$0x330];
	_ =	sdelay $0x4  }
0x2ec: {  	v9 =	vmax.f32 v49, v9  }
0x2ed: {  	v50 =	vld [tilespmem:s10+$0x20C0];
	[tilespmem:s10+$0x20B0] =	vst v9  }
0x2ee: {  	v9 =	vld [tilespmem:s4+$0x340];
	_ =	sdelay $0x4  }
0x2ef: {  	v9 =	vmax.f32 v50, v9  }
0x2f0: {  	v51 =	vld [tilespmem:s10+$0x20D0];
	[tilespmem:s10+$0x20C0] =	vst v9  }
0x2f1: {  	v9 =	vld [tilespmem:s4+$0x350];
	_ =	sdelay $0x4  }
0x2f2: {  	v9 =	vmax.f32 v51, v9  }
0x2f3: {  	v52 =	vld [tilespmem:s10+$0x20E0];
	[tilespmem:s10+$0x20D0] =	vst v9  }
0x2f4: {  	v9 =	vld [tilespmem:s4+$0x360];
	_ =	sdelay $0x4  }
0x2f5: {  	(v2sf) =	vpush v8, $0xF;
	v9 =	vmax.f32 v52, v9  }
0x2f6: {  	v53 =	vld [tilespmem:s10+$0x20F0];
	[tilespmem:s10+$0x20E0] =	vst v9  }
0x2f7: {  	v8 =	vld [tilespmem:s4+$0x370];
	_ =	sdelay $0x4  }
0x2f8: {  	s11 =	sshll.u32 s9, $0x3;
	v8 =	vmax.f32 v53, v8  }
0x2f9: {  	s11 =	sand.u32 $0xFFFFFF80, s11;
	[tilespmem:s10+$0x20F0] =	vst v8  }
0x2fa: {  	v8 =	vld [tilespmem:s11+$0xC480]  }
0x2fb: {  	s9 =	sand.u32 $0xF, s9  }
0x2fc: {  	v54 =	vmov s9  }
0x2fd: {  	vm14 =	veq.s32 v54, v7  }
0x2fe: {  	v9 =	vsel vm14, $0x3F800000, v4  }
0x2ff: {  	v8 =	vadd.f32 v8, v9  }
0x300: {  	s9 =	spop (v2sf)  }
0x301: {  	[tilespmem:s11+$0xC480] =	vst v8;
	s11 =	sshll.u32 s9, $0x9  }
0x302: {  	v8 =	vld [tilespmem:s4+$0x380];
	s10 =	sshra.s32 s11, $0x2  }
0x303: {  	v55 =	vld [tilespmem:s10+$0x2080];
	_ =	sdelay $0x4  }
0x304: {  	v8 =	vmax.f32 v55, v8  }
0x305: {  	v56 =	vld [tilespmem:s10+$0x2090];
	[tilespmem:s10+$0x2080] =	vst v8  }
0x306: {  	v8 =	vld [tilespmem:s4+$0x390];
	_ =	sdelay $0x4  }
0x307: {  	v8 =	vmax.f32 v56, v8  }
0x308: {  	v57 =	vld [tilespmem:s10+$0x20A0];
	[tilespmem:s10+$0x2090] =	vst v8  }
0x309: {  	v8 =	vld [tilespmem:s4+$0x3A0];
	_ =	sdelay $0x4  }
0x30a: {  	v8 =	vmax.f32 v57, v8  }
0x30b: {  	v58 =	vld [tilespmem:s10+$0x20B0];
	[tilespmem:s10+$0x20A0] =	vst v8  }
0x30c: {  	v8 =	vld [tilespmem:s4+$0x3B0];
	_ =	sdelay $0x4  }
0x30d: {  	v8 =	vmax.f32 v58, v8  }
0x30e: {  	v59 =	vld [tilespmem:s10+$0x20C0];
	[tilespmem:s10+$0x20B0] =	vst v8  }
0x30f: {  	v8 =	vld [tilespmem:s4+$0x3C0];
	_ =	sdelay $0x4  }
0x310: {  	v8 =	vmax.f32 v59, v8  }
0x311: {  	v60 =	vld [tilespmem:s10+$0x20D0];
	[tilespmem:s10+$0x20C0] =	vst v8  }
0x312: {  	v8 =	vld [tilespmem:s4+$0x3D0];
	_ =	sdelay $0x4  }
0x313: {  	v8 =	vmax.f32 v60, v8  }
0x314: {  	v61 =	vld [tilespmem:s10+$0x20E0];
	[tilespmem:s10+$0x20D0] =	vst v8  }
0x315: {  	v8 =	vld [tilespmem:s4+$0x3E0];
	_ =	sdelay $0x4  }
0x316: {  	v8 =	vmax.f32 v61, v8  }
0x317: {  	v62 =	vld [tilespmem:s10+$0x20F0];
	[tilespmem:s10+$0x20E0] =	vst v8  }
0x318: {  	v8 =	vld [tilespmem:s4+$0x3F0];
	_ =	sdelay $0x4  }
0x319: {  	s11 =	sshll.u32 s9, $0x3;
	v8 =	vmax.f32 v62, v8  }
0x31a: {  	s11 =	sand.u32 $0xFFFFFF80, s11;
	[tilespmem:s10+$0x20F0] =	vst v8  }
0x31b: {  	v8 =	vld [tilespmem:s11+$0xC480]  }
0x31c: {  	s9 =	sand.u32 $0xF, s9  }
0x31d: {  	p0 =	sne.s32 s0, $0x1;
	v63 =	vmov s9  }
.Ltmp10:
0x31e: {  	vm15 =	veq.s32 v63, v7;
	(pc) =	sbr.rel @p0 .LBB2_10-.Ltmp10, $3  }
0x31f: {  	v9 =	vsel vm15, $0x3F800000, v4  }
0x320: {  	v8 =	vadd.f32 v8, v9;
	_ =	sdelay $0x1  }
0x321: {  	s1 =	sadd.s32 $0x10, s1;
	s0 =	sadd.s32 $0xFFFFFFFF, s0;
	s4 =	sadd.s32 $0x800, s4;
	[tilespmem:s11+$0xC480] =	vst v8  }
.Ltmp11:
0x322: {  	_ = 	snop;
	(pc) =	sbr.rel .LBB2_11-.Ltmp11, $1  }
0x323: {  	_ =	sdelay $0x3  }
.LBB2_14:
0x324: {  	_ =	sfence.sel $0x180000  }
0x325: {  	[bflag:$0x0] =	sbarrier.arrive $0xFFFF  }
0x326: {  	_ =	strace $0x90000047  }
0x327: {  	s0 =	stileid.u32;
	[bflag:$0x2] =	sbarrier.arrive $0xFFFF  }
0x328: {  	p0 =	sne.s32 s0, $0x0;
	s0 =	rddreg [dreg:$0x3]  }
0x329: {  	s0 =	sadd.s32 @!p0 $0x100000, s0  }
0x32a: {  	[sflag:s0] =	ssyncadd.tile.s32 @!p0 $0x1;
	_ =	shalt  }
.Lfunc_end2:
_tile_overlayer_lowered:
.L_overlay_start_2:
0x32b: {  	(tag) =	ssettag $0x2  }
0x32c: {  	s0 =	rddreg [dreg:$0x0];
	s2 =	stileid.u32  }
0x32d: {  	s1 =	rddreg [dreg:$0x1];
	p0 =	sne.s32 s2, $0x0  }
0x32e: {  	s3 =	rddreg [dreg:$0x2];
	[bflag:$0x3] =	sbarrier.arrive $0xFFFF;
	s2 =	simm.s32 @!p0 $0x1C01  }
0x32f: {  	[timem:s3], [sflag:s2] =	dma.local @!p0 [hbm:s0], s1  }
0x330: {  	s0 =	simm.s32 @!p0 $0x1  }
0x331: {  	_ =	swait.ge @!p0 [sflag:s0], s1  }
0x332: {  	s1 =	ssub.s32 @!p0 $0x0, s1;
	[sflag:s0] =	ssyncset.done @!p0 $0x0  }
0x333: {  	[sflag:s0] =	ssyncadd.s32 @!p0 s1  }
0x334: {  	[bflag:$0x3] =	sbarrier.arrive $0xFFFF  }
0x335: {  	_ =	shalt  }

</sc_bundles>
